<compile_context>
chip_gen: v7x
topology: tpu7x:2x2x1
jax: 0.10.2.dev20260603
libtpu: 0.0.44.dev20260713+nightly
codegen_flags: <defaults>
</compile_context>

<pallas_src>
import functools

import jax
import jax.numpy as jnp
from jax import lax
from jax.experimental import pallas as pl
from jax.experimental.pallas import tpu as pltpu
from jax.experimental.pallas import tpu_sc as plsc

N = 10000
E = 160000
D = 256
NZPAD = 64
RANGE = 320
ACC = 336
CH = 1280
NCH = E // CH
PB = 1536
RANK_BASE = 1


def _sc_body(xz_hbm, row_hbm, col_hbm, s_out, c_out,
             rbufA, cbufA, rbufB, cbufB, pend_loc, pend_col,
             acc, stgA, stgB, cnt, cntf, semA, semB, semG):
    c = lax.axis_index("c")
    s = lax.axis_index("s")
    w = c * 16 + s
    lo = w * RANGE
    iota = lax.iota(jnp.int32, 16)
    zero16 = jnp.zeros((16,), jnp.int32)

    def _fire_grp(g, stg):
        pltpu.async_copy(xz_hbm.at[pend_col.at[pl.ds(g * 16, 16)]], stg, semG)

    def _wait_grp(g, stg):
        pltpu.make_async_copy(
            xz_hbm.at[pend_col.at[pl.ds(g * 16, 16)]], stg, semG).wait()

    def _acc_grp(g, stg):
        loc16 = plsc.load_gather(pend_loc, [g * 16 + iota])
        rank16, last16 = plsc.scan_count(loc16)
        c16 = plsc.load_gather(cnt, [loc16])
        plsc.store_scatter(cnt, [loc16], c16 + rank16, mask=last16)

        @functools.partial(plsc.parallel_loop, 0, 16, unroll=2)
        def lb(l):
            lrow = plsc.load_gather(pend_loc,
                                    [jnp.full((16,), g * 16 + l, jnp.int32)])
            lsplat = jnp.full((16,), l, jnp.int32)
            dbase = lrow * D
            for k in range(D // 16):
                v = plsc.load_gather(stg, [lsplat, 16 * k + iota])
                plsc.addupdate_scatter(acc, [dbase + (16 * k + iota)], v)

    def _consume(ng):
        _fire_grp(0, stgA)

        def pair(b, _):
            _fire_grp(2 * b + 1, stgB)
            _wait_grp(2 * b, stgA)
            _acc_grp(2 * b, stgA)
            _fire_grp(2 * b + 2, stgA)
            _wait_grp(2 * b + 1, stgB)
            _acc_grp(2 * b + 1, stgB)
            return 0
        lax.fori_loop(0, ng >> 1, pair, 0)
        _wait_grp(ng & ~1, stgA)

        @pl.when((ng & 1) == 1)
        def _():
            _acc_grp(ng & ~1, stgA)

    def _pad_pend(np_v):
        np_pad = (np_v + 15) & ~15
        idx16 = np_v + iota
        m = idx16 < np_pad
        plsc.store_scatter(pend_loc, [idx16], RANGE + iota, mask=m)
        plsc.store_scatter(pend_col, [idx16], N + iota, mask=m)
        return np_pad

    def _fire(ci, rbuf, cbuf, sem):
        off = ci * CH
        pltpu.async_copy(row_hbm.at[pl.ds(off, CH)], rbuf, sem)
        pltpu.async_copy(col_hbm.at[pl.ds(off, CH)], cbuf, sem)

    def _await(ci, rbuf, cbuf, sem):
        off = ci * CH
        pltpu.make_async_copy(row_hbm.at[pl.ds(off, CH)], rbuf, sem).wait()
        pltpu.make_async_copy(col_hbm.at[pl.ds(off, CH)], cbuf, sem).wait()

    def _scan_chunk(rbuf, cbuf, np_v):
        def vb(v, np_v):
            ts, cols, css, pcs, valids = [], [], [], [], []
            for u in range(4):
                vidx = (v * 4 + u) * 16 + iota
                row16 = plsc.load_gather(rbuf, [vidx])
                col16 = plsc.load_gather(cbuf, [vidx])
                t16 = row16 - lo
                valid = (t16 >= 0) & (t16 < RANGE)
                ts.append(t16)
                cols.append(col16)
                valids.append(valid)
                css.append(plsc.cumsum(jnp.where(valid, 1, 0)))
                pcs.append(plsc.all_reduce_population_count(valid))
            base = np_v
            for u in range(4):
                pos16 = base + css[u] - 1
                plsc.store_scatter(pend_loc, [pos16], ts[u], mask=valids[u])
                plsc.store_scatter(pend_col, [pos16], cols[u], mask=valids[u])
                base = base + pcs[u]
            return base
        return lax.fori_loop(0, CH // 64, vb, np_v)

    def _process_chunk(rbuf, cbuf, np_v):
        np_v = _scan_chunk(rbuf, cbuf, np_v)
        ng = jnp.max(np_v) >> 4
        _consume(ng)
        ridx = (ng << 4) + iota
        loc16 = plsc.load_gather(pend_loc, [ridx])
        col16 = plsc.load_gather(pend_col, [ridx])
        rem_v = np_v & 15
        m = iota < rem_v
        plsc.store_scatter(pend_loc, [iota], jnp.where(m, loc16, RANGE + iota))
        plsc.store_scatter(pend_col, [iota], jnp.where(m, col16, N + iota))
        return rem_v

    for r in range(ACC // 16):
        cnt[pl.ds(16 * r, 16)] = zero16
    for r in range(PB // 16):
        pend_loc[pl.ds(16 * r, 16)] = RANGE + iota
        pend_col[pl.ds(16 * r, 16)] = N + iota
    zerof = jnp.zeros((16,), jnp.float32)

    def _za(i, _):
        plsc.store_scatter(acc, [i * 16 + iota], zerof)
        return 0
    lax.fori_loop(0, ACC * D // 16, _za, 0)

    np_v = zero16

    _fire(0, rbufA, cbufA, semA)

    def chunk_pair(j, np_v):
        _fire(2 * j + 1, rbufB, cbufB, semB)
        _await(2 * j, rbufA, cbufA, semA)
        np_v = _process_chunk(rbufA, cbufA, np_v)
        _fire(2 * j + 2, rbufA, cbufA, semA)
        _await(2 * j + 1, rbufB, cbufB, semB)
        np_v = _process_chunk(rbufB, cbufB, np_v)
        return np_v
    np_v = lax.fori_loop(0, (NCH - 1) // 2, chunk_pair, np_v)
    _await(NCH - 1, rbufA, cbufA, semA)
    np_v = _process_chunk(rbufA, cbufA, np_v)

    np_v = _pad_pend(np_v)
    _consume(jnp.max(np_v) >> 4)

    for k in range(RANGE // 16):
        cntf[pl.ds(16 * k, 16)] = cnt[pl.ds(16 * k, 16)].astype(jnp.float32)
    pltpu.sync_copy(acc.at[pl.ds(0, RANGE * D)], s_out.at[pl.ds(lo * D, RANGE * D)])
    pltpu.sync_copy(cntf, c_out.at[pl.ds(lo, RANGE)])


def _sc_segment_sum(xz, row, col):
    mesh = plsc.VectorSubcoreMesh(core_axis_name="c", subcore_axis_name="s")
    kern = functools.partial(
        pl.kernel,
        mesh=mesh,
        compiler_params=pltpu.CompilerParams(needs_layout_passes=False),
        out_type=[
            jax.ShapeDtypeStruct((32 * RANGE * D,), jnp.float32),
            jax.ShapeDtypeStruct((32 * RANGE,), jnp.float32),
        ],
        scratch_types=[
            pltpu.VMEM((CH,), jnp.int32),
            pltpu.VMEM((CH,), jnp.int32),
            pltpu.VMEM((CH,), jnp.int32),
            pltpu.VMEM((CH,), jnp.int32),
            pltpu.VMEM((PB,), jnp.int32),
            pltpu.VMEM((PB,), jnp.int32),
            pltpu.VMEM((ACC * D,), jnp.float32),
            pltpu.VMEM((16, D), jnp.float32),
            pltpu.VMEM((16, D), jnp.float32),
            pltpu.VMEM((ACC,), jnp.int32),
            pltpu.VMEM((RANGE,), jnp.float32),
            pltpu.SemaphoreType.DMA,
            pltpu.SemaphoreType.DMA,
            pltpu.SemaphoreType.DMA,
        ],
    )(_sc_body)
    return kern(xz, row, col)


def _tc_body(x_ref, s_ref, cnt_ref, wlin_ref, blin_ref, wmsg_ref, bmsg_ref,
             wupd_ref, bupd_ref, o_ref):
    xb = x_ref[...]
    hs = jnp.dot(xb, wlin_ref[...], preferred_element_type=jnp.float32) + blin_ref[...]
    cnt = cnt_ref[...]
    m = s_ref[...] / jnp.maximum(cnt, 1.0)
    hm = jnp.dot(m, wmsg_ref[...], preferred_element_type=jnp.float32) + bmsg_ref[...]
    ha = jnp.where(cnt > 0.0, hm, 0.0)
    h = (jnp.dot(hs, wupd_ref[0:D], preferred_element_type=jnp.float32)
         + jnp.dot(ha, wupd_ref[D:2 * D], preferred_element_type=jnp.float32)
         + bupd_ref[...])
    o_ref[...] = jnp.maximum(h, 0.0)


def _tc_dense(x, s2, cnt2, W_lin, b_lin, W_msg, b_msg, W_upd, b_upd):
    B = 1000
    return pl.pallas_call(
        _tc_body,
        grid=(N // B,),
        in_specs=[
            pl.BlockSpec((B, D), lambda b: (b, 0)),
            pl.BlockSpec((B, D), lambda b: (b, 0)),
            pl.BlockSpec((B, 1), lambda b: (b, 0)),
            pl.BlockSpec((D, D), lambda b: (0, 0)),
            pl.BlockSpec((1, D), lambda b: (0, 0)),
            pl.BlockSpec((D, D), lambda b: (0, 0)),
            pl.BlockSpec((1, D), lambda b: (0, 0)),
            pl.BlockSpec((2 * D, D), lambda b: (0, 0)),
            pl.BlockSpec((1, D), lambda b: (0, 0)),
        ],
        out_specs=pl.BlockSpec((B, D), lambda b: (b, 0)),
        out_shape=jax.ShapeDtypeStruct((N, D), jnp.float32),
    )(x, s2, cnt2, W_lin, b_lin, W_msg, b_msg, W_upd, b_upd)


def kernel(x, edge_index, W_lin, b_lin, W_msg, b_msg, W_upd, b_upd):
    row = edge_index[0].astype(jnp.int32)
    col = edge_index[1].astype(jnp.int32)
    xz = jnp.concatenate([x, jnp.zeros((NZPAD, D), jnp.float32)], axis=0)
    s2, c2 = _sc_segment_sum(xz, row, col)
    s2 = s2.reshape(32 * RANGE, D)[:N]
    cnt2 = c2[:N].reshape(N, 1)
    return _tc_dense(x, s2, cnt2, W_lin, b_lin.reshape(1, D), W_msg,
                     b_msg.reshape(1, D), W_upd, b_upd.reshape(1, D))

# --- scband reference (transcript-rebuilt; emitter-appended) ---
"""Pipeline reference for scband-gnnlayer-22351009809180 (READ-ONLY COPY).

The authoritative reference and input builder live on the scoring server;
editing this copy changes nothing except your own understanding.
"""

import jax, jax.numpy as jnp
import numpy as np

N_NODES = 10000
N_EDGES = 160000
IN_DIM = 256
OUT_DIM = 256

def setup_inputs(seed: int = 0) -> dict:
    key = jax.random.key(seed)
    k_x, k_ei, k1, k2, k3, k4, k5, k6 = jax.random.split(key, 8)
    x = jax.random.normal(k_x, (N_NODES, IN_DIM), dtype=jnp.float32)
    edge_index = jax.random.randint(k_ei, (2, N_EDGES), 0, N_NODES, dtype=jnp.int64)
    W_lin = jax.random.normal(k1, (IN_DIM, OUT_DIM), dtype=jnp.float32) * 0.02
    b_lin = jax.random.normal(k2, (OUT_DIM,), dtype=jnp.float32) * 0.02
    W_msg = jax.random.normal(k3, (IN_DIM, OUT_DIM), dtype=jnp.float32) * 0.02
    b_msg = jax.random.normal(k4, (OUT_DIM,), dtype=jnp.float32) * 0.02
    W_upd = jax.random.normal(k5, (2 * OUT_DIM, OUT_DIM), dtype=jnp.float32) * 0.02
    b_upd = jax.random.normal(k6, (OUT_DIM,), dtype=jnp.float32) * 0.02
    return {"x": x, "edge_index": edge_index, "W_lin": W_lin, "b_lin": b_lin, "W_msg": W_msg, "b_msg": b_msg, "W_upd": W_upd, "b_upd": b_upd}

def reference(x, edge_index, W_lin, b_lin, W_msg, b_msg, W_upd, b_upd):
    n = x.shape[0]
    h_self = x @ W_lin + b_lin
    row = edge_index[0]
    col = edge_index[1]
    messages = x[col] @ W_msg + b_msg
    sums = jax.ops.segment_sum(messages, row, num_segments=n)
    counts = jax.ops.segment_sum(jnp.ones((row.shape[0],), dtype=x.dtype), row, num_segments=n)
    denom = jnp.maximum(counts, 1.0)[:, None]
    h_agg = jnp.where(counts[:, None] > 0, sums / denom, jnp.zeros_like(sums))
    h = jnp.concatenate([h_self, h_agg], axis=1)
    h = h @ W_upd + b_upd
    return jax.nn.relu(h)

if __name__ == "__main__":
    import jax
    _d = setup_inputs()
    print(jax.jit(kernel)(*tuple(_d.values())))

</pallas_src>

<mosaic_0001>
#map = affine_map<(d0, d1) -> (0, 0)>
#map1 = affine_map<(d0, d1) -> (0)>
module attributes {stable_mosaic.version = 14 : i64} {
  func.func @_sc_body(%arg0: i32, %arg1: i32, %arg2: memref<10064x256xf32, #tpu.memory_space<hbm>>, %arg3: memref<160000xi32, #tpu.memory_space<hbm>>, %arg4: memref<160000xi32, #tpu.memory_space<hbm>>, %arg5: memref<2621440xf32, #tpu.memory_space<hbm>>, %arg6: memref<10240xf32, #tpu.memory_space<hbm>>, %arg7: memref<1280xi32, #tpu.memory_space<vmem>>, %arg8: memref<1280xi32, #tpu.memory_space<vmem>>, %arg9: memref<1280xi32, #tpu.memory_space<vmem>>, %arg10: memref<1280xi32, #tpu.memory_space<vmem>>, %arg11: memref<1536xi32, #tpu.memory_space<vmem>>, %arg12: memref<1536xi32, #tpu.memory_space<vmem>>, %arg13: memref<86016xf32, #tpu.memory_space<vmem>>, %arg14: memref<16x256xf32, #tpu.memory_space<vmem>>, %arg15: memref<16x256xf32, #tpu.memory_space<vmem>>, %arg16: memref<336xi32, #tpu.memory_space<vmem>>, %arg17: memref<320xf32, #tpu.memory_space<vmem>>, %arg18: memref<!tpu.dma_semaphore, #tpu.memory_space<semaphore_mem>>, %arg19: memref<!tpu.dma_semaphore, #tpu.memory_space<semaphore_mem>>, %arg20: memref<!tpu.dma_semaphore, #tpu.memory_space<semaphore_mem>>) attributes {dimension_semantics = [#tpu.dimension_semantics<core_parallel>, #tpu.dimension_semantics<subcore_parallel>], iteration_bounds = array<i64: 2, 16>, scalar_prefetch = 0 : i64, scratch_operands = 14 : i64, tpu.core_type = #tpu.core_type<sc_vector_subcore>, window_params = [{transform_indices = #map}, {transform_indices = #map1}, {transform_indices = #map1}, {transform_indices = #map1}, {transform_indices = #map1}]} {
    %mul3A = arith.constant 16 : i32
    %mul3A_0 = arith.muli %arg0, %mul3A : i32
    %add3A = arith.addi %mul3A_0, %arg1 : i32
    %mul3A_1 = arith.constant 320 : i32
    %mul3A_2 = arith.muli %add3A, %mul3A_1 : i32
    %iota3A = tpu.iota {dimensions = array<i32: 0>} : vector<16xi32>
    %broadcast_in_dim3A = arith.constant 0 : i32
    %broadcast_in_dim3A_3 = vector.broadcast %broadcast_in_dim3A : i32 to vector<16xi32>
    %swap3A = arith.constant 0 : index
    %swap3A_4 = tpu.vector_load %arg16[%swap3A] {strides = array<i32>} : memref<336xi32, #tpu.memory_space<vmem>>, vector<16xi32>,
    tpu.vector_store %arg16[%swap3A], %broadcast_in_dim3A_3 {strides = array<i32>} : memref<336xi32, #tpu.memory_space<vmem>>, vector<16xi32>,
    %swap3A_5 = arith.constant 16 : index
    %swap3A_6 = tpu.vector_load %arg16[%swap3A_5] {strides = array<i32>} : memref<336xi32, #tpu.memory_space<vmem>>, vector<16xi32>,
    tpu.vector_store %arg16[%swap3A_5], %broadcast_in_dim3A_3 {strides = array<i32>} : memref<336xi32, #tpu.memory_space<vmem>>, vector<16xi32>,
    %swap3A_7 = arith.constant 32 : index
    %swap3A_8 = tpu.vector_load %arg16[%swap3A_7] {strides = array<i32>} : memref<336xi32, #tpu.memory_space<vmem>>, vector<16xi32>,
    tpu.vector_store %arg16[%swap3A_7], %broadcast_in_dim3A_3 {strides = array<i32>} : memref<336xi32, #tpu.memory_space<vmem>>, vector<16xi32>,
    %swap3A_9 = arith.constant 48 : index
    %swap3A_10 = tpu.vector_load %arg16[%swap3A_9] {strides = array<i32>} : memref<336xi32, #tpu.memory_space<vmem>>, vector<16xi32>,
    tpu.vector_store %arg16[%swap3A_9], %broadcast_in_dim3A_3 {strides = array<i32>} : memref<336xi32, #tpu.memory_space<vmem>>, vector<16xi32>,
    %swap3A_11 = arith.constant 64 : index
    %swap3A_12 = tpu.vector_load %arg16[%swap3A_11] {strides = array<i32>} : memref<336xi32, #tpu.memory_space<vmem>>, vector<16xi32>,
    tpu.vector_store %arg16[%swap3A_11], %broadcast_in_dim3A_3 {strides = array<i32>} : memref<336xi32, #tpu.memory_space<vmem>>, vector<16xi32>,
    %swap3A_13 = arith.constant 80 : index
    %swap3A_14 = tpu.vector_load %arg16[%swap3A_13] {strides = array<i32>} : memref<336xi32, #tpu.memory_space<vmem>>, vector<16xi32>,
    tpu.vector_store %arg16[%swap3A_13], %broadcast_in_dim3A_3 {strides = array<i32>} : memref<336xi32, #tpu.memory_space<vmem>>, vector<16xi32>,
    %swap3A_15 = arith.constant 96 : index
    %swap3A_16 = tpu.vector_load %arg16[%swap3A_15] {strides = array<i32>} : memref<336xi32, #tpu.memory_space<vmem>>, vector<16xi32>,
    tpu.vector_store %arg16[%swap3A_15], %broadcast_in_dim3A_3 {strides = array<i32>} : memref<336xi32, #tpu.memory_space<vmem>>, vector<16xi32>,
    %swap3A_17 = arith.constant 112 : index
    %swap3A_18 = tpu.vector_load %arg16[%swap3A_17] {strides = array<i32>} : memref<336xi32, #tpu.memory_space<vmem>>, vector<16xi32>,
    tpu.vector_store %arg16[%swap3A_17], %broadcast_in_dim3A_3 {strides = array<i32>} : memref<336xi32, #tpu.memory_space<vmem>>, vector<16xi32>,
    %swap3A_19 = arith.constant 128 : index
    %swap3A_20 = tpu.vector_load %arg16[%swap3A_19] {strides = array<i32>} : memref<336xi32, #tpu.memory_space<vmem>>, vector<16xi32>,
    tpu.vector_store %arg16[%swap3A_19], %broadcast_in_dim3A_3 {strides = array<i32>} : memref<336xi32, #tpu.memory_space<vmem>>, vector<16xi32>,
    %swap3A_21 = arith.constant 144 : index
    %swap3A_22 = tpu.vector_load %arg16[%swap3A_21] {strides = array<i32>} : memref<336xi32, #tpu.memory_space<vmem>>, vector<16xi32>,
    tpu.vector_store %arg16[%swap3A_21], %broadcast_in_dim3A_3 {strides = array<i32>} : memref<336xi32, #tpu.memory_space<vmem>>, vector<16xi32>,
    %swap3A_23 = arith.constant 160 : index
    %swap3A_24 = tpu.vector_load %arg16[%swap3A_23] {strides = array<i32>} : memref<336xi32, #tpu.memory_space<vmem>>, vector<16xi32>,
    tpu.vector_store %arg16[%swap3A_23], %broadcast_in_dim3A_3 {strides = array<i32>} : memref<336xi32, #tpu.memory_space<vmem>>, vector<16xi32>,
    %swap3A_25 = arith.constant 176 : index
    %swap3A_26 = tpu.vector_load %arg16[%swap3A_25] {strides = array<i32>} : memref<336xi32, #tpu.memory_space<vmem>>, vector<16xi32>,
    tpu.vector_store %arg16[%swap3A_25], %broadcast_in_dim3A_3 {strides = array<i32>} : memref<336xi32, #tpu.memory_space<vmem>>, vector<16xi32>,
    %swap3A_27 = arith.constant 192 : index
    %swap3A_28 = tpu.vector_load %arg16[%swap3A_27] {strides = array<i32>} : memref<336xi32, #tpu.memory_space<vmem>>, vector<16xi32>,
    tpu.vector_store %arg16[%swap3A_27], %broadcast_in_dim3A_3 {strides = array<i32>} : memref<336xi32, #tpu.memory_space<vmem>>, vector<16xi32>,
    %swap3A_29 = arith.constant 208 : index
    %swap3A_30 = tpu.vector_load %arg16[%swap3A_29] {strides = array<i32>} : memref<336xi32, #tpu.memory_space<vmem>>, vector<16xi32>,
    tpu.vector_store %arg16[%swap3A_29], %broadcast_in_dim3A_3 {strides = array<i32>} : memref<336xi32, #tpu.memory_space<vmem>>, vector<16xi32>,
    %swap3A_31 = arith.constant 224 : index
    %swap3A_32 = tpu.vector_load %arg16[%swap3A_31] {strides = array<i32>} : memref<336xi32, #tpu.memory_space<vmem>>, vector<16xi32>,
    tpu.vector_store %arg16[%swap3A_31], %broadcast_in_dim3A_3 {strides = array<i32>} : memref<336xi32, #tpu.memory_space<vmem>>, vector<16xi32>,
    %swap3A_33 = arith.constant 240 : index
    %swap3A_34 = tpu.vector_load %arg16[%swap3A_33] {strides = array<i32>} : memref<336xi32, #tpu.memory_space<vmem>>, vector<16xi32>,
    tpu.vector_store %arg16[%swap3A_33], %broadcast_in_dim3A_3 {strides = array<i32>} : memref<336xi32, #tpu.memory_space<vmem>>, vector<16xi32>,
    %swap3A_35 = arith.constant 256 : index
    %swap3A_36 = tpu.vector_load %arg16[%swap3A_35] {strides = array<i32>} : memref<336xi32, #tpu.memory_space<vmem>>, vector<16xi32>,
    tpu.vector_store %arg16[%swap3A_35], %broadcast_in_dim3A_3 {strides = array<i32>} : memref<336xi32, #tpu.memory_space<vmem>>, vector<16xi32>,
    %swap3A_37 = arith.constant 272 : index
    %swap3A_38 = tpu.vector_load %arg16[%swap3A_37] {strides = array<i32>} : memref<336xi32, #tpu.memory_space<vmem>>, vector<16xi32>,
    tpu.vector_store %arg16[%swap3A_37], %broadcast_in_dim3A_3 {strides = array<i32>} : memref<336xi32, #tpu.memory_space<vmem>>, vector<16xi32>,
    %swap3A_39 = arith.constant 288 : index
    %swap3A_40 = tpu.vector_load %arg16[%swap3A_39] {strides = array<i32>} : memref<336xi32, #tpu.memory_space<vmem>>, vector<16xi32>,
    tpu.vector_store %arg16[%swap3A_39], %broadcast_in_dim3A_3 {strides = array<i32>} : memref<336xi32, #tpu.memory_space<vmem>>, vector<16xi32>,
    %swap3A_41 = arith.constant 304 : index
    %swap3A_42 = tpu.vector_load %arg16[%swap3A_41] {strides = array<i32>} : memref<336xi32, #tpu.memory_space<vmem>>, vector<16xi32>,
    tpu.vector_store %arg16[%swap3A_41], %broadcast_in_dim3A_3 {strides = array<i32>} : memref<336xi32, #tpu.memory_space<vmem>>, vector<16xi32>,
    %swap3A_43 = arith.constant 320 : index
    %swap3A_44 = tpu.vector_load %arg16[%swap3A_43] {strides = array<i32>} : memref<336xi32, #tpu.memory_space<vmem>>, vector<16xi32>,
    tpu.vector_store %arg16[%swap3A_43], %broadcast_in_dim3A_3 {strides = array<i32>} : memref<336xi32, #tpu.memory_space<vmem>>, vector<16xi32>,
    %add3A_45 = arith.constant 320 : i32
    %add3A_46 = vector.broadcast %add3A_45 : i32 to vector<16xi32>
    %add3A_47 = arith.addi %add3A_46, %iota3A : vector<16xi32>
    %swap3A_48 = arith.constant 0 : index
    %swap3A_49 = tpu.vector_load %arg11[%swap3A_48] {strides = array<i32>} : memref<1536xi32, #tpu.memory_space<vmem>>, vector<16xi32>,
    tpu.vector_store %arg11[%swap3A_48], %add3A_47 {strides = array<i32>} : memref<1536xi32, #tpu.memory_space<vmem>>, vector<16xi32>,
    %add3A_50 = arith.constant 10000 : i32
    %add3A_51 = vector.broadcast %add3A_50 : i32 to vector<16xi32>
    %add3A_52 = arith.addi %add3A_51, %iota3A : vector<16xi32>
    %swap3A_53 = arith.constant 0 : index
    %swap3A_54 = tpu.vector_load %arg12[%swap3A_53] {strides = array<i32>} : memref<1536xi32, #tpu.memory_space<vmem>>, vector<16xi32>,
    tpu.vector_store %arg12[%swap3A_53], %add3A_52 {strides = array<i32>} : memref<1536xi32, #tpu.memory_space<vmem>>, vector<16xi32>,
    %add3A_55 = arith.constant 320 : i32
    %add3A_56 = vector.broadcast %add3A_55 : i32 to vector<16xi32>
    %add3A_57 = arith.addi %add3A_56, %iota3A : vector<16xi32>
    %swap3A_58 = arith.constant 16 : index
    %swap3A_59 = tpu.vector_load %arg11[%swap3A_58] {strides = array<i32>} : memref<1536xi32, #tpu.memory_space<vmem>>, vector<16xi32>,
    tpu.vector_store %arg11[%swap3A_58], %add3A_57 {strides = array<i32>} : memref<1536xi32, #tpu.memory_space<vmem>>, vector<16xi32>,
    %add3A_60 = arith.constant 10000 : i32
    %add3A_61 = vector.broadcast %add3A_60 : i32 to vector<16xi32>
    %add3A_62 = arith.addi %add3A_61, %iota3A : vector<16xi32>
    %swap3A_63 = arith.constant 16 : index
    %swap3A_64 = tpu.vector_load %arg12[%swap3A_63] {strides = array<i32>} : memref<1536xi32, #tpu.memory_space<vmem>>, vector<16xi32>,
    tpu.vector_store %arg12[%swap3A_63], %add3A_62 {strides = array<i32>} : memref<1536xi32, #tpu.memory_space<vmem>>, vector<16xi32>,
    %add3A_65 = arith.constant 320 : i32
    %add3A_66 = vector.broadcast %add3A_65 : i32 to vector<16xi32>
    %add3A_67 = arith.addi %add3A_66, %iota3A : vector<16xi32>
    %swap3A_68 = arith.constant 32 : index
    %swap3A_69 = tpu.vector_load %arg11[%swap3A_68] {strides = array<i32>} : memref<1536xi32, #tpu.memory_space<vmem>>, vector<16xi32>,
    tpu.vector_store %arg11[%swap3A_68], %add3A_67 {strides = array<i32>} : memref<1536xi32, #tpu.memory_space<vmem>>, vector<16xi32>,
    %add3A_70 = arith.constant 10000 : i32
    %add3A_71 = vector.broadcast %add3A_70 : i32 to vector<16xi32>
    %add3A_72 = arith.addi %add3A_71, %iota3A : vector<16xi32>
    %swap3A_73 = arith.constant 32 : index
    %swap3A_74 = tpu.vector_load %arg12[%swap3A_73] {strides = array<i32>} : memref<1536xi32, #tpu.memory_space<vmem>>, vector<16xi32>,
    tpu.vector_store %arg12[%swap3A_73], %add3A_72 {strides = array<i32>} : memref<1536xi32, #tpu.memory_space<vmem>>, vector<16xi32>,
    %add3A_75 = arith.constant 320 : i32
    %add3A_76 = vector.broadcast %add3A_75 : i32 to vector<16xi32>
    %add3A_77 = arith.addi %add3A_76, %iota3A : vector<16xi32>
    %swap3A_78 = arith.constant 48 : index
    %swap3A_79 = tpu.vector_load %arg11[%swap3A_78] {strides = array<i32>} : memref<1536xi32, #tpu.memory_space<vmem>>, vector<16xi32>,
    tpu.vector_store %arg11[%swap3A_78], %add3A_77 {strides = array<i32>} : memref<1536xi32, #tpu.memory_space<vmem>>, vector<16xi32>,
    %add3A_80 = arith.constant 10000 : i32
    %add3A_81 = vector.broadcast %add3A_80 : i32 to vector<16xi32>
    %add3A_82 = arith.addi %add3A_81, %iota3A : vector<16xi32>
    %swap3A_83 = arith.constant 48 : index
    %swap3A_84 = tpu.vector_load %arg12[%swap3A_83] {strides = array<i32>} : memref<1536xi32, #tpu.memory_space<vmem>>, vector<16xi32>,
    tpu.vector_store %arg12[%swap3A_83], %add3A_82 {strides = array<i32>} : memref<1536xi32, #tpu.memory_space<vmem>>, vector<16xi32>,
    %add3A_85 = arith.constant 320 : i32
    %add3A_86 = vector.broadcast %add3A_85 : i32 to vector<16xi32>
    %add3A_87 = arith.addi %add3A_86, %iota3A : vector<16xi32>
    %swap3A_88 = arith.constant 64 : index
    %swap3A_89 = tpu.vector_load %arg11[%swap3A_88] {strides = array<i32>} : memref<1536xi32, #tpu.memory_space<vmem>>, vector<16xi32>,
    tpu.vector_store %arg11[%swap3A_88], %add3A_87 {strides = array<i32>} : memref<1536xi32, #tpu.memory_space<vmem>>, vector<16xi32>,
    %add3A_90 = arith.constant 10000 : i32
    %add3A_91 = vector.broadcast %add3A_90 : i32 to vector<16xi32>
    %add3A_92 = arith.addi %add3A_91, %iota3A : vector<16xi32>
    %swap3A_93 = arith.constant 64 : index
    %swap3A_94 = tpu.vector_load %arg12[%swap3A_93] {strides = array<i32>} : memref<1536xi32, #tpu.memory_space<vmem>>, vector<16xi32>,
    tpu.vector_store %arg12[%swap3A_93], %add3A_92 {strides = array<i32>} : memref<1536xi32, #tpu.memory_space<vmem>>, vector<16xi32>,
    %add3A_95 = arith.constant 320 : i32
    %add3A_96 = vector.broadcast %add3A_95 : i32 to vector<16xi32>
    %add3A_97 = arith.addi %add3A_96, %iota3A : vector<16xi32>
    %swap3A_98 = arith.constant 80 : index
    %swap3A_99 = tpu.vector_load %arg11[%swap3A_98] {strides = array<i32>} : memref<1536xi32, #tpu.memory_space<vmem>>, vector<16xi32>,
    tpu.vector_store %arg11[%swap3A_98], %add3A_97 {strides = array<i32>} : memref<1536xi32, #tpu.memory_space<vmem>>, vector<16xi32>,
    %add3A_100 = arith.constant 10000 : i32
    %add3A_101 = vector.broadcast %add3A_100 : i32 to vector<16xi32>
    %add3A_102 = arith.addi %add3A_101, %iota3A : vector<16xi32>
    %swap3A_103 = arith.constant 80 : index
    %swap3A_104 = tpu.vector_load %arg12[%swap3A_103] {strides = array<i32>} : memref<1536xi32, #tpu.memory_space<vmem>>, vector<16xi32>,
    tpu.vector_store %arg12[%swap3A_103], %add3A_102 {strides = array<i32>} : memref<1536xi32, #tpu.memory_space<vmem>>, vector<16xi32>,
    %add3A_105 = arith.constant 320 : i32
    %add3A_106 = vector.broadcast %add3A_105 : i32 to vector<16xi32>
    %add3A_107 = arith.addi %add3A_106, %iota3A : vector<16xi32>
    %swap3A_108 = arith.constant 96 : index
    %swap3A_109 = tpu.vector_load %arg11[%swap3A_108] {strides = array<i32>} : memref<1536xi32, #tpu.memory_space<vmem>>, vector<16xi32>,
    tpu.vector_store %arg11[%swap3A_108], %add3A_107 {strides = array<i32>} : memref<1536xi32, #tpu.memory_space<vmem>>, vector<16xi32>,
    %add3A_110 = arith.constant 10000 : i32
    %add3A_111 = vector.broadcast %add3A_110 : i32 to vector<16xi32>
    %add3A_112 = arith.addi %add3A_111, %iota3A : vector<16xi32>
    %swap3A_113 = arith.constant 96 : index
    %swap3A_114 = tpu.vector_load %arg12[%swap3A_113] {strides = array<i32>} : memref<1536xi32, #tpu.memory_space<vmem>>, vector<16xi32>,
    tpu.vector_store %arg12[%swap3A_113], %add3A_112 {strides = array<i32>} : memref<1536xi32, #tpu.memory_space<vmem>>, vector<16xi32>,
    %add3A_115 = arith.constant 320 : i32
    %add3A_116 = vector.broadcast %add3A_115 : i32 to vector<16xi32>
    %add3A_117 = arith.addi %add3A_116, %iota3A : vector<16xi32>
    %swap3A_118 = arith.constant 112 : index
    %swap3A_119 = tpu.vector_load %arg11[%swap3A_118] {strides = array<i32>} : memref<1536xi32, #tpu.memory_space<vmem>>, vector<16xi32>,
    tpu.vector_store %arg11[%swap3A_118], %add3A_117 {strides = array<i32>} : memref<1536xi32, #tpu.memory_space<vmem>>, vector<16xi32>,
    %add3A_120 = arith.constant 10000 : i32
    %add3A_121 = vector.broadcast %add3A_120 : i32 to vector<16xi32>
    %add3A_122 = arith.addi %add3A_121, %iota3A : vector<16xi32>
    %swap3A_123 = arith.constant 112 : index
    %swap3A_124 = tpu.vector_load %arg12[%swap3A_123] {strides = array<i32>} : memref<1536xi32, #tpu.memory_space<vmem>>, vector<16xi32>,
    tpu.vector_store %arg12[%swap3A_123], %add3A_122 {strides = array<i32>} : memref<1536xi32, #tpu.memory_space<vmem>>, vector<16xi32>,
    %add3A_125 = arith.constant 320 : i32
    %add3A_126 = vector.broadcast %add3A_125 : i32 to vector<16xi32>
    %add3A_127 = arith.addi %add3A_126, %iota3A : vector<16xi32>
    %swap3A_128 = arith.constant 128 : index
    %swap3A_129 = tpu.vector_load %arg11[%swap3A_128] {strides = array<i32>} : memref<1536xi32, #tpu.memory_space<vmem>>, vector<16xi32>,
    tpu.vector_store %arg11[%swap3A_128], %add3A_127 {strides = array<i32>} : memref<1536xi32, #tpu.memory_space<vmem>>, vector<16xi32>,
    %add3A_130 = arith.constant 10000 : i32
    %add3A_131 = vector.broadcast %add3A_130 : i32 to vector<16xi32>
    %add3A_132 = arith.addi %add3A_131, %iota3A : vector<16xi32>
    %swap3A_133 = arith.constant 128 : index
    %swap3A_134 = tpu.vector_load %arg12[%swap3A_133] {strides = array<i32>} : memref<1536xi32, #tpu.memory_space<vmem>>, vector<16xi32>,
    tpu.vector_store %arg12[%swap3A_133], %add3A_132 {strides = array<i32>} : memref<1536xi32, #tpu.memory_space<vmem>>, vector<16xi32>,
    %add3A_135 = arith.constant 320 : i32
    %add3A_136 = vector.broadcast %add3A_135 : i32 to vector<16xi32>
    %add3A_137 = arith.addi %add3A_136, %iota3A : vector<16xi32>
    %swap3A_138 = arith.constant 144 : index
    %swap3A_139 = tpu.vector_load %arg11[%swap3A_138] {strides = array<i32>} : memref<1536xi32, #tpu.memory_space<vmem>>, vector<16xi32>,
    tpu.vector_store %arg11[%swap3A_138], %add3A_137 {strides = array<i32>} : memref<1536xi32, #tpu.memory_space<vmem>>, vector<16xi32>,
    %add3A_140 = arith.constant 10000 : i32
    %add3A_141 = vector.broadcast %add3A_140 : i32 to vector<16xi32>
    %add3A_142 = arith.addi %add3A_141, %iota3A : vector<16xi32>
    %swap3A_143 = arith.constant 144 : index
    %swap3A_144 = tpu.vector_load %arg12[%swap3A_143] {strides = array<i32>} : memref<1536xi32, #tpu.memory_space<vmem>>, vector<16xi32>,
    tpu.vector_store %arg12[%swap3A_143], %add3A_142 {strides = array<i32>} : memref<1536xi32, #tpu.memory_space<vmem>>, vector<16xi32>,
    %add3A_145 = arith.constant 320 : i32
    %add3A_146 = vector.broadcast %add3A_145 : i32 to vector<16xi32>
    %add3A_147 = arith.addi %add3A_146, %iota3A : vector<16xi32>
    %swap3A_148 = arith.constant 160 : index
    %swap3A_149 = tpu.vector_load %arg11[%swap3A_148] {strides = array<i32>} : memref<1536xi32, #tpu.memory_space<vmem>>, vector<16xi32>,
    tpu.vector_store %arg11[%swap3A_148], %add3A_147 {strides = array<i32>} : memref<1536xi32, #tpu.memory_space<vmem>>, vector<16xi32>,
    %add3A_150 = arith.constant 10000 : i32
    %add3A_151 = vector.broadcast %add3A_150 : i32 to vector<16xi32>
    %add3A_152 = arith.addi %add3A_151, %iota3A : vector<16xi32>
    %swap3A_153 = arith.constant 160 : index
    %swap3A_154 = tpu.vector_load %arg12[%swap3A_153] {strides = array<i32>} : memref<1536xi32, #tpu.memory_space<vmem>>, vector<16xi32>,
    tpu.vector_store %arg12[%swap3A_153], %add3A_152 {strides = array<i32>} : memref<1536xi32, #tpu.memory_space<vmem>>, vector<16xi32>,
    %add3A_155 = arith.constant 320 : i32
    %add3A_156 = vector.broadcast %add3A_155 : i32 to vector<16xi32>
    %add3A_157 = arith.addi %add3A_156, %iota3A : vector<16xi32>
    %swap3A_158 = arith.constant 176 : index
    %swap3A_159 = tpu.vector_load %arg11[%swap3A_158] {strides = array<i32>} : memref<1536xi32, #tpu.memory_space<vmem>>, vector<16xi32>,
    tpu.vector_store %arg11[%swap3A_158], %add3A_157 {strides = array<i32>} : memref<1536xi32, #tpu.memory_space<vmem>>, vector<16xi32>,
    %add3A_160 = arith.constant 10000 : i32
    %add3A_161 = vector.broadcast %add3A_160 : i32 to vector<16xi32>
    %add3A_162 = arith.addi %add3A_161, %iota3A : vector<16xi32>
    %swap3A_163 = arith.constant 176 : index
    %swap3A_164 = tpu.vector_load %arg12[%swap3A_163] {strides = array<i32>} : memref<1536xi32, #tpu.memory_space<vmem>>, vector<16xi32>,
    tpu.vector_store %arg12[%swap3A_163], %add3A_162 {strides = array<i32>} : memref<1536xi32, #tpu.memory_space<vmem>>, vector<16xi32>,
    %add3A_165 = arith.constant 320 : i32
    %add3A_166 = vector.broadcast %add3A_165 : i32 to vector<16xi32>
    %add3A_167 = arith.addi %add3A_166, %iota3A : vector<16xi32>
    %swap3A_168 = arith.constant 192 : index
    %swap3A_169 = tpu.vector_load %arg11[%swap3A_168] {strides = array<i32>} : memref<1536xi32, #tpu.memory_space<vmem>>, vector<16xi32>,
    tpu.vector_store %arg11[%swap3A_168], %add3A_167 {strides = array<i32>} : memref<1536xi32, #tpu.memory_space<vmem>>, vector<16xi32>,
    %add3A_170 = arith.constant 10000 : i32
    %add3A_171 = vector.broadcast %add3A_170 : i32 to vector<16xi32>
    %add3A_172 = arith.addi %add3A_171, %iota3A : vector<16xi32>
    %swap3A_173 = arith.constant 192 : index
    %swap3A_174 = tpu.vector_load %arg12[%swap3A_173] {strides = array<i32>} : memref<1536xi32, #tpu.memory_space<vmem>>, vector<16xi32>,
    tpu.vector_store %arg12[%swap3A_173], %add3A_172 {strides = array<i32>} : memref<1536xi32, #tpu.memory_space<vmem>>, vector<16xi32>,
    %add3A_175 = arith.constant 320 : i32
    %add3A_176 = vector.broadcast %add3A_175 : i32 to vector<16xi32>
    %add3A_177 = arith.addi %add3A_176, %iota3A : vector<16xi32>
    %swap3A_178 = arith.constant 208 : index
    %swap3A_179 = tpu.vector_load %arg11[%swap3A_178] {strides = array<i32>} : memref<1536xi32, #tpu.memory_space<vmem>>, vector<16xi32>,
    tpu.vector_store %arg11[%swap3A_178], %add3A_177 {strides = array<i32>} : memref<1536xi32, #tpu.memory_space<vmem>>, vector<16xi32>,
    %add3A_180 = arith.constant 10000 : i32
    %add3A_181 = vector.broadcast %add3A_180 : i32 to vector<16xi32>
    %add3A_182 = arith.addi %add3A_181, %iota3A : vector<16xi32>
    %swap3A_183 = arith.constant 208 : index
    %swap3A_184 = tpu.vector_load %arg12[%swap3A_183] {strides = array<i32>} : memref<1536xi32, #tpu.memory_space<vmem>>, vector<16xi32>,
    tpu.vector_store %arg12[%swap3A_183], %add3A_182 {strides = array<i32>} : memref<1536xi32, #tpu.memory_space<vmem>>, vector<16xi32>,
    %add3A_185 = arith.constant 320 : i32
    %add3A_186 = vector.broadcast %add3A_185 : i32 to vector<16xi32>
    %add3A_187 = arith.addi %add3A_186, %iota3A : vector<16xi32>
    %swap3A_188 = arith.constant 224 : index
    %swap3A_189 = tpu.vector_load %arg11[%swap3A_188] {strides = array<i32>} : memref<1536xi32, #tpu.memory_space<vmem>>, vector<16xi32>,
    tpu.vector_store %arg11[%swap3A_188], %add3A_187 {strides = array<i32>} : memref<1536xi32, #tpu.memory_space<vmem>>, vector<16xi32>,
    %add3A_190 = arith.constant 10000 : i32
    %add3A_191 = vector.broadcast %add3A_190 : i32 to vector<16xi32>
    %add3A_192 = arith.addi %add3A_191, %iota3A : vector<16xi32>
    %swap3A_193 = arith.constant 224 : index
    %swap3A_194 = tpu.vector_load %arg12[%swap3A_193] {strides = array<i32>} : memref<1536xi32, #tpu.memory_space<vmem>>, vector<16xi32>,
    tpu.vector_store %arg12[%swap3A_193], %add3A_192 {strides = array<i32>} : memref<1536xi32, #tpu.memory_space<vmem>>, vector<16xi32>,
    %add3A_195 = arith.constant 320 : i32
    %add3A_196 = vector.broadcast %add3A_195 : i32 to vector<16xi32>
    %add3A_197 = arith.addi %add3A_196, %iota3A : vector<16xi32>
    %swap3A_198 = arith.constant 240 : index
    %swap3A_199 = tpu.vector_load %arg11[%swap3A_198] {strides = array<i32>} : memref<1536xi32, #tpu.memory_space<vmem>>, vector<16xi32>,
    tpu.vector_store %arg11[%swap3A_198], %add3A_197 {strides = array<i32>} : memref<1536xi32, #tpu.memory_space<vmem>>, vector<16xi32>,
    %add3A_200 = arith.constant 10000 : i32
    %add3A_201 = vector.broadcast %add3A_200 : i32 to vector<16xi32>
    %add3A_202 = arith.addi %add3A_201, %iota3A : vector<16xi32>
    %swap3A_203 = arith.constant 240 : index
    %swap3A_204 = tpu.vector_load %arg12[%swap3A_203] {strides = array<i32>} : memref<1536xi32, #tpu.memory_space<vmem>>, vector<16xi32>,
    tpu.vector_store %arg12[%swap3A_203], %add3A_202 {strides = array<i32>} : memref<1536xi32, #tpu.memory_space<vmem>>, vector<16xi32>,
    %add3A_205 = arith.constant 320 : i32
    %add3A_206 = vector.broadcast %add3A_205 : i32 to vector<16xi32>
    %add3A_207 = arith.addi %add3A_206, %iota3A : vector<16xi32>
    %swap3A_208 = arith.constant 256 : index
    %swap3A_209 = tpu.vector_load %arg11[%swap3A_208] {strides = array<i32>} : memref<1536xi32, #tpu.memory_space<vmem>>, vector<16xi32>,
    tpu.vector_store %arg11[%swap3A_208], %add3A_207 {strides = array<i32>} : memref<1536xi32, #tpu.memory_space<vmem>>, vector<16xi32>,
    %add3A_210 = arith.constant 10000 : i32
    %add3A_211 = vector.broadcast %add3A_210 : i32 to vector<16xi32>
    %add3A_212 = arith.addi %add3A_211, %iota3A : vector<16xi32>
    %swap3A_213 = arith.constant 256 : index
    %swap3A_214 = tpu.vector_load %arg12[%swap3A_213] {strides = array<i32>} : memref<1536xi32, #tpu.memory_space<vmem>>, vector<16xi32>,
    tpu.vector_store %arg12[%swap3A_213], %add3A_212 {strides = array<i32>} : memref<1536xi32, #tpu.memory_space<vmem>>, vector<16xi32>,
    %add3A_215 = arith.constant 320 : i32
    %add3A_216 = vector.broadcast %add3A_215 : i32 to vector<16xi32>
    %add3A_217 = arith.addi %add3A_216, %iota3A : vector<16xi32>
    %swap3A_218 = arith.constant 272 : index
    %swap3A_219 = tpu.vector_load %arg11[%swap3A_218] {strides = array<i32>} : memref<1536xi32, #tpu.memory_space<vmem>>, vector<16xi32>,
    tpu.vector_store %arg11[%swap3A_218], %add3A_217 {strides = array<i32>} : memref<1536xi32, #tpu.memory_space<vmem>>, vector<16xi32>,
    %add3A_220 = arith.constant 10000 : i32
    %add3A_221 = vector.broadcast %add3A_220 : i32 to vector<16xi32>
    %add3A_222 = arith.addi %add3A_221, %iota3A : vector<16xi32>
    %swap3A_223 = arith.constant 272 : index
    %swap3A_224 = tpu.vector_load %arg12[%swap3A_223] {strides = array<i32>} : memref<1536xi32, #tpu.memory_space<vmem>>, vector<16xi32>,
    tpu.vector_store %arg12[%swap3A_223], %add3A_222 {strides = array<i32>} : memref<1536xi32, #tpu.memory_space<vmem>>, vector<16xi32>,
    %add3A_225 = arith.constant 320 : i32
    %add3A_226 = vector.broadcast %add3A_225 : i32 to vector<16xi32>
    %add3A_227 = arith.addi %add3A_226, %iota3A : vector<16xi32>
    %swap3A_228 = arith.constant 288 : index
    %swap3A_229 = tpu.vector_load %arg11[%swap3A_228] {strides = array<i32>} : memref<1536xi32, #tpu.memory_space<vmem>>, vector<16xi32>,
    tpu.vector_store %arg11[%swap3A_228], %add3A_227 {strides = array<i32>} : memref<1536xi32, #tpu.memory_space<vmem>>, vector<16xi32>,
    %add3A_230 = arith.constant 10000 : i32
    %add3A_231 = vector.broadcast %add3A_230 : i32 to vector<16xi32>
    %add3A_232 = arith.addi %add3A_231, %iota3A : vector<16xi32>
    %swap3A_233 = arith.constant 288 : index
    %swap3A_234 = tpu.vector_load %arg12[%swap3A_233] {strides = array<i32>} : memref<1536xi32, #tpu.memory_space<vmem>>, vector<16xi32>,
    tpu.vector_store %arg12[%swap3A_233], %add3A_232 {strides = array<i32>} : memref<1536xi32, #tpu.memory_space<vmem>>, vector<16xi32>,
    %add3A_235 = arith.constant 320 : i32
    %add3A_236 = vector.broadcast %add3A_235 : i32 to vector<16xi32>
    %add3A_237 = arith.addi %add3A_236, %iota3A : vector<16xi32>
    %swap3A_238 = arith.constant 304 : index
    %swap3A_239 = tpu.vector_load %arg11[%swap3A_238] {strides = array<i32>} : memref<1536xi32, #tpu.memory_space<vmem>>, vector<16xi32>,
    tpu.vector_store %arg11[%swap3A_238], %add3A_237 {strides = array<i32>} : memref<1536xi32, #tpu.memory_space<vmem>>, vector<16xi32>,
    %add3A_240 = arith.constant 10000 : i32
    %add3A_241 = vector.broadcast %add3A_240 : i32 to vector<16xi32>
    %add3A_242 = arith.addi %add3A_241, %iota3A : vector<16xi32>
    %swap3A_243 = arith.constant 304 : index
    %swap3A_244 = tpu.vector_load %arg12[%swap3A_243] {strides = array<i32>} : memref<1536xi32, #tpu.memory_space<vmem>>, vector<16xi32>,
    tpu.vector_store %arg12[%swap3A_243], %add3A_242 {strides = array<i32>} : memref<1536xi32, #tpu.memory_space<vmem>>, vector<16xi32>,
    %add3A_245 = arith.constant 320 : i32
    %add3A_246 = vector.broadcast %add3A_245 : i32 to vector<16xi32>
    %add3A_247 = arith.addi %add3A_246, %iota3A : vector<16xi32>
    %swap3A_248 = arith.constant 320 : index
    %swap3A_249 = tpu.vector_load %arg11[%swap3A_248] {strides = array<i32>} : memref<1536xi32, #tpu.memory_space<vmem>>, vector<16xi32>,
    tpu.vector_store %arg11[%swap3A_248], %add3A_247 {strides = array<i32>} : memref<1536xi32, #tpu.memory_space<vmem>>, vector<16xi32>,
    %add3A_250 = arith.constant 10000 : i32
    %add3A_251 = vector.broadcast %add3A_250 : i32 to vector<16xi32>
    %add3A_252 = arith.addi %add3A_251, %iota3A : vector<16xi32>
    %swap3A_253 = arith.constant 320 : index
    %swap3A_254 = tpu.vector_load %arg12[%swap3A_253] {strides = array<i32>} : memref<1536xi32, #tpu.memory_space<vmem>>, vector<16xi32>,
    tpu.vector_store %arg12[%swap3A_253], %add3A_252 {strides = array<i32>} : memref<1536xi32, #tpu.memory_space<vmem>>, vector<16xi32>,
    %add3A_255 = arith.constant 320 : i32
    %add3A_256 = vector.broadcast %add3A_255 : i32 to vector<16xi32>
    %add3A_257 = arith.addi %add3A_256, %iota3A : vector<16xi32>
    %swap3A_258 = arith.constant 336 : index
    %swap3A_259 = tpu.vector_load %arg11[%swap3A_258] {strides = array<i32>} : memref<1536xi32, #tpu.memory_space<vmem>>, vector<16xi32>,
    tpu.vector_store %arg11[%swap3A_258], %add3A_257 {strides = array<i32>} : memref<1536xi32, #tpu.memory_space<vmem>>, vector<16xi32>,
    %add3A_260 = arith.constant 10000 : i32
    %add3A_261 = vector.broadcast %add3A_260 : i32 to vector<16xi32>
    %add3A_262 = arith.addi %add3A_261, %iota3A : vector<16xi32>
    %swap3A_263 = arith.constant 336 : index
    %swap3A_264 = tpu.vector_load %arg12[%swap3A_263] {strides = array<i32>} : memref<1536xi32, #tpu.memory_space<vmem>>, vector<16xi32>,
    tpu.vector_store %arg12[%swap3A_263], %add3A_262 {strides = array<i32>} : memref<1536xi32, #tpu.memory_space<vmem>>, vector<16xi32>,
    %add3A_265 = arith.constant 320 : i32
    %add3A_266 = vector.broadcast %add3A_265 : i32 to vector<16xi32>
    %add3A_267 = arith.addi %add3A_266, %iota3A : vector<16xi32>
    %swap3A_268 = arith.constant 352 : index
    %swap3A_269 = tpu.vector_load %arg11[%swap3A_268] {strides = array<i32>} : memref<1536xi32, #tpu.memory_space<vmem>>, vector<16xi32>,
    tpu.vector_store %arg11[%swap3A_268], %add3A_267 {strides = array<i32>} : memref<1536xi32, #tpu.memory_space<vmem>>, vector<16xi32>,
    %add3A_270 = arith.constant 10000 : i32
    %add3A_271 = vector.broadcast %add3A_270 : i32 to vector<16xi32>
    %add3A_272 = arith.addi %add3A_271, %iota3A : vector<16xi32>
    %swap3A_273 = arith.constant 352 : index
    %swap3A_274 = tpu.vector_load %arg12[%swap3A_273] {strides = array<i32>} : memref<1536xi32, #tpu.memory_space<vmem>>, vector<16xi32>,
    tpu.vector_store %arg12[%swap3A_273], %add3A_272 {strides = array<i32>} : memref<1536xi32, #tpu.memory_space<vmem>>, vector<16xi32>,
    %add3A_275 = arith.constant 320 : i32
    %add3A_276 = vector.broadcast %add3A_275 : i32 to vector<16xi32>
    %add3A_277 = arith.addi %add3A_276, %iota3A : vector<16xi32>
    %swap3A_278 = arith.constant 368 : index
    %swap3A_279 = tpu.vector_load %arg11[%swap3A_278] {strides = array<i32>} : memref<1536xi32, #tpu.memory_space<vmem>>, vector<16xi32>,
    tpu.vector_store %arg11[%swap3A_278], %add3A_277 {strides = array<i32>} : memref<1536xi32, #tpu.memory_space<vmem>>, vector<16xi32>,
    %add3A_280 = arith.constant 10000 : i32
    %add3A_281 = vector.broadcast %add3A_280 : i32 to vector<16xi32>
    %add3A_282 = arith.addi %add3A_281, %iota3A : vector<16xi32>
    %swap3A_283 = arith.constant 368 : index
    %swap3A_284 = tpu.vector_load %arg12[%swap3A_283] {strides = array<i32>} : memref<1536xi32, #tpu.memory_space<vmem>>, vector<16xi32>,
    tpu.vector_store %arg12[%swap3A_283], %add3A_282 {strides = array<i32>} : memref<1536xi32, #tpu.memory_space<vmem>>, vector<16xi32>,
    %add3A_285 = arith.constant 320 : i32
    %add3A_286 = vector.broadcast %add3A_285 : i32 to vector<16xi32>
    %add3A_287 = arith.addi %add3A_286, %iota3A : vector<16xi32>
    %swap3A_288 = arith.constant 384 : index
    %swap3A_289 = tpu.vector_load %arg11[%swap3A_288] {strides = array<i32>} : memref<1536xi32, #tpu.memory_space<vmem>>, vector<16xi32>,
    tpu.vector_store %arg11[%swap3A_288], %add3A_287 {strides = array<i32>} : memref<1536xi32, #tpu.memory_space<vmem>>, vector<16xi32>,
    %add3A_290 = arith.constant 10000 : i32
    %add3A_291 = vector.broadcast %add3A_290 : i32 to vector<16xi32>
    %add3A_292 = arith.addi %add3A_291, %iota3A : vector<16xi32>
    %swap3A_293 = arith.constant 384 : index
    %swap3A_294 = tpu.vector_load %arg12[%swap3A_293] {strides = array<i32>} : memref<1536xi32, #tpu.memory_space<vmem>>, vector<16xi32>,
    tpu.vector_store %arg12[%swap3A_293], %add3A_292 {strides = array<i32>} : memref<1536xi32, #tpu.memory_space<vmem>>, vector<16xi32>,
    %add3A_295 = arith.constant 320 : i32
    %add3A_296 = vector.broadcast %add3A_295 : i32 to vector<16xi32>
    %add3A_297 = arith.addi %add3A_296, %iota3A : vector<16xi32>
    %swap3A_298 = arith.constant 400 : index
    %swap3A_299 = tpu.vector_load %arg11[%swap3A_298] {strides = array<i32>} : memref<1536xi32, #tpu.memory_space<vmem>>, vector<16xi32>,
    tpu.vector_store %arg11[%swap3A_298], %add3A_297 {strides = array<i32>} : memref<1536xi32, #tpu.memory_space<vmem>>, vector<16xi32>,
    %add3A_300 = arith.constant 10000 : i32
    %add3A_301 = vector.broadcast %add3A_300 : i32 to vector<16xi32>
    %add3A_302 = arith.addi %add3A_301, %iota3A : vector<16xi32>
    %swap3A_303 = arith.constant 400 : index
    %swap3A_304 = tpu.vector_load %arg12[%swap3A_303] {strides = array<i32>} : memref<1536xi32, #tpu.memory_space<vmem>>, vector<16xi32>,
    tpu.vector_store %arg12[%swap3A_303], %add3A_302 {strides = array<i32>} : memref<1536xi32, #tpu.memory_space<vmem>>, vector<16xi32>,
    %add3A_305 = arith.constant 320 : i32
    %add3A_306 = vector.broadcast %add3A_305 : i32 to vector<16xi32>
    %add3A_307 = arith.addi %add3A_306, %iota3A : vector<16xi32>
    %swap3A_308 = arith.constant 416 : index
    %swap3A_309 = tpu.vector_load %arg11[%swap3A_308] {strides = array<i32>} : memref<1536xi32, #tpu.memory_space<vmem>>, vector<16xi32>,
    tpu.vector_store %arg11[%swap3A_308], %add3A_307 {strides = array<i32>} : memref<1536xi32, #tpu.memory_space<vmem>>, vector<16xi32>,
    %add3A_310 = arith.constant 10000 : i32
    %add3A_311 = vector.broadcast %add3A_310 : i32 to vector<16xi32>
    %add3A_312 = arith.addi %add3A_311, %iota3A : vector<16xi32>
    %swap3A_313 = arith.constant 416 : index
    %swap3A_314 = tpu.vector_load %arg12[%swap3A_313] {strides = array<i32>} : memref<1536xi32, #tpu.memory_space<vmem>>, vector<16xi32>,
    tpu.vector_store %arg12[%swap3A_313], %add3A_312 {strides = array<i32>} : memref<1536xi32, #tpu.memory_space<vmem>>, vector<16xi32>,
    %add3A_315 = arith.constant 320 : i32
    %add3A_316 = vector.broadcast %add3A_315 : i32 to vector<16xi32>
    %add3A_317 = arith.addi %add3A_316, %iota3A : vector<16xi32>
    %swap3A_318 = arith.constant 432 : index
    %swap3A_319 = tpu.vector_load %arg11[%swap3A_318] {strides = array<i32>} : memref<1536xi32, #tpu.memory_space<vmem>>, vector<16xi32>,
    tpu.vector_store %arg11[%swap3A_318], %add3A_317 {strides = array<i32>} : memref<1536xi32, #tpu.memory_space<vmem>>, vector<16xi32>,
    %add3A_320 = arith.constant 10000 : i32
    %add3A_321 = vector.broadcast %add3A_320 : i32 to vector<16xi32>
    %add3A_322 = arith.addi %add3A_321, %iota3A : vector<16xi32>
    %swap3A_323 = arith.constant 432 : index
    %swap3A_324 = tpu.vector_load %arg12[%swap3A_323] {strides = array<i32>} : memref<1536xi32, #tpu.memory_space<vmem>>, vector<16xi32>,
    tpu.vector_store %arg12[%swap3A_323], %add3A_322 {strides = array<i32>} : memref<1536xi32, #tpu.memory_space<vmem>>, vector<16xi32>,
    %add3A_325 = arith.constant 320 : i32
    %add3A_326 = vector.broadcast %add3A_325 : i32 to vector<16xi32>
    %add3A_327 = arith.addi %add3A_326, %iota3A : vector<16xi32>
    %swap3A_328 = arith.constant 448 : index
    %swap3A_329 = tpu.vector_load %arg11[%swap3A_328] {strides = array<i32>} : memref<1536xi32, #tpu.memory_space<vmem>>, vector<16xi32>,
    tpu.vector_store %arg11[%swap3A_328], %add3A_327 {strides = array<i32>} : memref<1536xi32, #tpu.memory_space<vmem>>, vector<16xi32>,
    %add3A_330 = arith.constant 10000 : i32
    %add3A_331 = vector.broadcast %add3A_330 : i32 to vector<16xi32>
    %add3A_332 = arith.addi %add3A_331, %iota3A : vector<16xi32>
    %swap3A_333 = arith.constant 448 : index
    %swap3A_334 = tpu.vector_load %arg12[%swap3A_333] {strides = array<i32>} : memref<1536xi32, #tpu.memory_space<vmem>>, vector<16xi32>,
    tpu.vector_store %arg12[%swap3A_333], %add3A_332 {strides = array<i32>} : memref<1536xi32, #tpu.memory_space<vmem>>, vector<16xi32>,
    %add3A_335 = arith.constant 320 : i32
    %add3A_336 = vector.broadcast %add3A_335 : i32 to vector<16xi32>
    %add3A_337 = arith.addi %add3A_336, %iota3A : vector<16xi32>
    %swap3A_338 = arith.constant 464 : index
    %swap3A_339 = tpu.vector_load %arg11[%swap3A_338] {strides = array<i32>} : memref<1536xi32, #tpu.memory_space<vmem>>, vector<16xi32>,
    tpu.vector_store %arg11[%swap3A_338], %add3A_337 {strides = array<i32>} : memref<1536xi32, #tpu.memory_space<vmem>>, vector<16xi32>,
    %add3A_340 = arith.constant 10000 : i32
    %add3A_341 = vector.broadcast %add3A_340 : i32 to vector<16xi32>
    %add3A_342 = arith.addi %add3A_341, %iota3A : vector<16xi32>
    %swap3A_343 = arith.constant 464 : index
    %swap3A_344 = tpu.vector_load %arg12[%swap3A_343] {strides = array<i32>} : memref<1536xi32, #tpu.memory_space<vmem>>, vector<16xi32>,
    tpu.vector_store %arg12[%swap3A_343], %add3A_342 {strides = array<i32>} : memref<1536xi32, #tpu.memory_space<vmem>>, vector<16xi32>,
    %add3A_345 = arith.constant 320 : i32
    %add3A_346 = vector.broadcast %add3A_345 : i32 to vector<16xi32>
    %add3A_347 = arith.addi %add3A_346, %iota3A : vector<16xi32>
    %swap3A_348 = arith.constant 480 : index
    %swap3A_349 = tpu.vector_load %arg11[%swap3A_348] {strides = array<i32>} : memref<1536xi32, #tpu.memory_space<vmem>>, vector<16xi32>,
    tpu.vector_store %arg11[%swap3A_348], %add3A_347 {strides = array<i32>} : memref<1536xi32, #tpu.memory_space<vmem>>, vector<16xi32>,
    %add3A_350 = arith.constant 10000 : i32
    %add3A_351 = vector.broadcast %add3A_350 : i32 to vector<16xi32>
    %add3A_352 = arith.addi %add3A_351, %iota3A : vector<16xi32>
    %swap3A_353 = arith.constant 480 : index
    %swap3A_354 = tpu.vector_load %arg12[%swap3A_353] {strides = array<i32>} : memref<1536xi32, #tpu.memory_space<vmem>>, vector<16xi32>,
    tpu.vector_store %arg12[%swap3A_353], %add3A_352 {strides = array<i32>} : memref<1536xi32, #tpu.memory_space<vmem>>, vector<16xi32>,
    %add3A_355 = arith.constant 320 : i32
    %add3A_356 = vector.broadcast %add3A_355 : i32 to vector<16xi32>
    %add3A_357 = arith.addi %add3A_356, %iota3A : vector<16xi32>
    %swap3A_358 = arith.constant 496 : index
    %swap3A_359 = tpu.vector_load %arg11[%swap3A_358] {strides = array<i32>} : memref<1536xi32, #tpu.memory_space<vmem>>, vector<16xi32>,
    tpu.vector_store %arg11[%swap3A_358], %add3A_357 {strides = array<i32>} : memref<1536xi32, #tpu.memory_space<vmem>>, vector<16xi32>,
    %add3A_360 = arith.constant 10000 : i32
    %add3A_361 = vector.broadcast %add3A_360 : i32 to vector<16xi32>
    %add3A_362 = arith.addi %add3A_361, %iota3A : vector<16xi32>
    %swap3A_363 = arith.constant 496 : index
    %swap3A_364 = tpu.vector_load %arg12[%swap3A_363] {strides = array<i32>} : memref<1536xi32, #tpu.memory_space<vmem>>, vector<16xi32>,
    tpu.vector_store %arg12[%swap3A_363], %add3A_362 {strides = array<i32>} : memref<1536xi32, #tpu.memory_space<vmem>>, vector<16xi32>,
    %add3A_365 = arith.constant 320 : i32
    %add3A_366 = vector.broadcast %add3A_365 : i32 to vector<16xi32>
    %add3A_367 = arith.addi %add3A_366, %iota3A : vector<16xi32>
    %swap3A_368 = arith.constant 512 : index
    %swap3A_369 = tpu.vector_load %arg11[%swap3A_368] {strides = array<i32>} : memref<1536xi32, #tpu.memory_space<vmem>>, vector<16xi32>,
    tpu.vector_store %arg11[%swap3A_368], %add3A_367 {strides = array<i32>} : memref<1536xi32, #tpu.memory_space<vmem>>, vector<16xi32>,
    %add3A_370 = arith.constant 10000 : i32
    %add3A_371 = vector.broadcast %add3A_370 : i32 to vector<16xi32>
    %add3A_372 = arith.addi %add3A_371, %iota3A : vector<16xi32>
    %swap3A_373 = arith.constant 512 : index
    %swap3A_374 = tpu.vector_load %arg12[%swap3A_373] {strides = array<i32>} : memref<1536xi32, #tpu.memory_space<vmem>>, vector<16xi32>,
    tpu.vector_store %arg12[%swap3A_373], %add3A_372 {strides = array<i32>} : memref<1536xi32, #tpu.memory_space<vmem>>, vector<16xi32>,
    %add3A_375 = arith.constant 320 : i32
    %add3A_376 = vector.broadcast %add3A_375 : i32 to vector<16xi32>
    %add3A_377 = arith.addi %add3A_376, %iota3A : vector<16xi32>
    %swap3A_378 = arith.constant 528 : index
    %swap3A_379 = tpu.vector_load %arg11[%swap3A_378] {strides = array<i32>} : memref<1536xi32, #tpu.memory_space<vmem>>, vector<16xi32>,
    tpu.vector_store %arg11[%swap3A_378], %add3A_377 {strides = array<i32>} : memref<1536xi32, #tpu.memory_space<vmem>>, vector<16xi32>,
    %add3A_380 = arith.constant 10000 : i32
    %add3A_381 = vector.broadcast %add3A_380 : i32 to vector<16xi32>
    %add3A_382 = arith.addi %add3A_381, %iota3A : vector<16xi32>
    %swap3A_383 = arith.constant 528 : index
    %swap3A_384 = tpu.vector_load %arg12[%swap3A_383] {strides = array<i32>} : memref<1536xi32, #tpu.memory_space<vmem>>, vector<16xi32>,
    tpu.vector_store %arg12[%swap3A_383], %add3A_382 {strides = array<i32>} : memref<1536xi32, #tpu.memory_space<vmem>>, vector<16xi32>,
    %add3A_385 = arith.constant 320 : i32
    %add3A_386 = vector.broadcast %add3A_385 : i32 to vector<16xi32>
    %add3A_387 = arith.addi %add3A_386, %iota3A : vector<16xi32>
    %swap3A_388 = arith.constant 544 : index
    %swap3A_389 = tpu.vector_load %arg11[%swap3A_388] {strides = array<i32>} : memref<1536xi32, #tpu.memory_space<vmem>>, vector<16xi32>,
    tpu.vector_store %arg11[%swap3A_388], %add3A_387 {strides = array<i32>} : memref<1536xi32, #tpu.memory_space<vmem>>, vector<16xi32>,
    %add3A_390 = arith.constant 10000 : i32
    %add3A_391 = vector.broadcast %add3A_390 : i32 to vector<16xi32>
    %add3A_392 = arith.addi %add3A_391, %iota3A : vector<16xi32>
    %swap3A_393 = arith.constant 544 : index
    %swap3A_394 = tpu.vector_load %arg12[%swap3A_393] {strides = array<i32>} : memref<1536xi32, #tpu.memory_space<vmem>>, vector<16xi32>,
    tpu.vector_store %arg12[%swap3A_393], %add3A_392 {strides = array<i32>} : memref<1536xi32, #tpu.memory_space<vmem>>, vector<16xi32>,
    %add3A_395 = arith.constant 320 : i32
    %add3A_396 = vector.broadcast %add3A_395 : i32 to vector<16xi32>
    %add3A_397 = arith.addi %add3A_396, %iota3A : vector<16xi32>
    %swap3A_398 = arith.constant 560 : index
    %swap3A_399 = tpu.vector_load %arg11[%swap3A_398] {strides = array<i32>} : memref<1536xi32, #tpu.memory_space<vmem>>, vector<16xi32>,
    tpu.vector_store %arg11[%swap3A_398], %add3A_397 {strides = array<i32>} : memref<1536xi32, #tpu.memory_space<vmem>>, vector<16xi32>,
    %add3A_400 = arith.constant 10000 : i32
    %add3A_401 = vector.broadcast %add3A_400 : i32 to vector<16xi32>
    %add3A_402 = arith.addi %add3A_401, %iota3A : vector<16xi32>
    %swap3A_403 = arith.constant 560 : index
    %swap3A_404 = tpu.vector_load %arg12[%swap3A_403] {strides = array<i32>} : memref<1536xi32, #tpu.memory_space<vmem>>, vector<16xi32>,
    tpu.vector_store %arg12[%swap3A_403], %add3A_402 {strides = array<i32>} : memref<1536xi32, #tpu.memory_space<vmem>>, vector<16xi32>,
    %add3A_405 = arith.constant 320 : i32
    %add3A_406 = vector.broadcast %add3A_405 : i32 to vector<16xi32>
    %add3A_407 = arith.addi %add3A_406, %iota3A : vector<16xi32>
    %swap3A_408 = arith.constant 576 : index
    %swap3A_409 = tpu.vector_load %arg11[%swap3A_408] {strides = array<i32>} : memref<1536xi32, #tpu.memory_space<vmem>>, vector<16xi32>,
    tpu.vector_store %arg11[%swap3A_408], %add3A_407 {strides = array<i32>} : memref<1536xi32, #tpu.memory_space<vmem>>, vector<16xi32>,
    %add3A_410 = arith.constant 10000 : i32
    %add3A_411 = vector.broadcast %add3A_410 : i32 to vector<16xi32>
    %add3A_412 = arith.addi %add3A_411, %iota3A : vector<16xi32>
    %swap3A_413 = arith.constant 576 : index
    %swap3A_414 = tpu.vector_load %arg12[%swap3A_413] {strides = array<i32>} : memref<1536xi32, #tpu.memory_space<vmem>>, vector<16xi32>,
    tpu.vector_store %arg12[%swap3A_413], %add3A_412 {strides = array<i32>} : memref<1536xi32, #tpu.memory_space<vmem>>, vector<16xi32>,
    %add3A_415 = arith.constant 320 : i32
    %add3A_416 = vector.broadcast %add3A_415 : i32 to vector<16xi32>
    %add3A_417 = arith.addi %add3A_416, %iota3A : vector<16xi32>
    %swap3A_418 = arith.constant 592 : index
    %swap3A_419 = tpu.vector_load %arg11[%swap3A_418] {strides = array<i32>} : memref<1536xi32, #tpu.memory_space<vmem>>, vector<16xi32>,
    tpu.vector_store %arg11[%swap3A_418], %add3A_417 {strides = array<i32>} : memref<1536xi32, #tpu.memory_space<vmem>>, vector<16xi32>,
    %add3A_420 = arith.constant 10000 : i32
    %add3A_421 = vector.broadcast %add3A_420 : i32 to vector<16xi32>
    %add3A_422 = arith.addi %add3A_421, %iota3A : vector<16xi32>
    %swap3A_423 = arith.constant 592 : index
    %swap3A_424 = tpu.vector_load %arg12[%swap3A_423] {strides = array<i32>} : memref<1536xi32, #tpu.memory_space<vmem>>, vector<16xi32>,
    tpu.vector_store %arg12[%swap3A_423], %add3A_422 {strides = array<i32>} : memref<1536xi32, #tpu.memory_space<vmem>>, vector<16xi32>,
    %add3A_425 = arith.constant 320 : i32
    %add3A_426 = vector.broadcast %add3A_425 : i32 to vector<16xi32>
    %add3A_427 = arith.addi %add3A_426, %iota3A : vector<16xi32>
    %swap3A_428 = arith.constant 608 : index
    %swap3A_429 = tpu.vector_load %arg11[%swap3A_428] {strides = array<i32>} : memref<1536xi32, #tpu.memory_space<vmem>>, vector<16xi32>,
    tpu.vector_store %arg11[%swap3A_428], %add3A_427 {strides = array<i32>} : memref<1536xi32, #tpu.memory_space<vmem>>, vector<16xi32>,
    %add3A_430 = arith.constant 10000 : i32
    %add3A_431 = vector.broadcast %add3A_430 : i32 to vector<16xi32>
    %add3A_432 = arith.addi %add3A_431, %iota3A : vector<16xi32>
    %swap3A_433 = arith.constant 608 : index
    %swap3A_434 = tpu.vector_load %arg12[%swap3A_433] {strides = array<i32>} : memref<1536xi32, #tpu.memory_space<vmem>>, vector<16xi32>,
    tpu.vector_store %arg12[%swap3A_433], %add3A_432 {strides = array<i32>} : memref<1536xi32, #tpu.memory_space<vmem>>, vector<16xi32>,
    %add3A_435 = arith.constant 320 : i32
    %add3A_436 = vector.broadcast %add3A_435 : i32 to vector<16xi32>
    %add3A_437 = arith.addi %add3A_436, %iota3A : vector<16xi32>
    %swap3A_438 = arith.constant 624 : index
    %swap3A_439 = tpu.vector_load %arg11[%swap3A_438] {strides = array<i32>} : memref<1536xi32, #tpu.memory_space<vmem>>, vector<16xi32>,
    tpu.vector_store %arg11[%swap3A_438], %add3A_437 {strides = array<i32>} : memref<1536xi32, #tpu.memory_space<vmem>>, vector<16xi32>,
    %add3A_440 = arith.constant 10000 : i32
    %add3A_441 = vector.broadcast %add3A_440 : i32 to vector<16xi32>
    %add3A_442 = arith.addi %add3A_441, %iota3A : vector<16xi32>
    %swap3A_443 = arith.constant 624 : index
    %swap3A_444 = tpu.vector_load %arg12[%swap3A_443] {strides = array<i32>} : memref<1536xi32, #tpu.memory_space<vmem>>, vector<16xi32>,
    tpu.vector_store %arg12[%swap3A_443], %add3A_442 {strides = array<i32>} : memref<1536xi32, #tpu.memory_space<vmem>>, vector<16xi32>,
    %add3A_445 = arith.constant 320 : i32
    %add3A_446 = vector.broadcast %add3A_445 : i32 to vector<16xi32>
    %add3A_447 = arith.addi %add3A_446, %iota3A : vector<16xi32>
    %swap3A_448 = arith.constant 640 : index
    %swap3A_449 = tpu.vector_load %arg11[%swap3A_448] {strides = array<i32>} : memref<1536xi32, #tpu.memory_space<vmem>>, vector<16xi32>,
    tpu.vector_store %arg11[%swap3A_448], %add3A_447 {strides = array<i32>} : memref<1536xi32, #tpu.memory_space<vmem>>, vector<16xi32>,
    %add3A_450 = arith.constant 10000 : i32
    %add3A_451 = vector.broadcast %add3A_450 : i32 to vector<16xi32>
    %add3A_452 = arith.addi %add3A_451, %iota3A : vector<16xi32>
    %swap3A_453 = arith.constant 640 : index
    %swap3A_454 = tpu.vector_load %arg12[%swap3A_453] {strides = array<i32>} : memref<1536xi32, #tpu.memory_space<vmem>>, vector<16xi32>,
    tpu.vector_store %arg12[%swap3A_453], %add3A_452 {strides = array<i32>} : memref<1536xi32, #tpu.memory_space<vmem>>, vector<16xi32>,
    %add3A_455 = arith.constant 320 : i32
    %add3A_456 = vector.broadcast %add3A_455 : i32 to vector<16xi32>
    %add3A_457 = arith.addi %add3A_456, %iota3A : vector<16xi32>
    %swap3A_458 = arith.constant 656 : index
    %swap3A_459 = tpu.vector_load %arg11[%swap3A_458] {strides = array<i32>} : memref<1536xi32, #tpu.memory_space<vmem>>, vector<16xi32>,
    tpu.vector_store %arg11[%swap3A_458], %add3A_457 {strides = array<i32>} : memref<1536xi32, #tpu.memory_space<vmem>>, vector<16xi32>,
    %add3A_460 = arith.constant 10000 : i32
    %add3A_461 = vector.broadcast %add3A_460 : i32 to vector<16xi32>
    %add3A_462 = arith.addi %add3A_461, %iota3A : vector<16xi32>
    %swap3A_463 = arith.constant 656 : index
    %swap3A_464 = tpu.vector_load %arg12[%swap3A_463] {strides = array<i32>} : memref<1536xi32, #tpu.memory_space<vmem>>, vector<16xi32>,
    tpu.vector_store %arg12[%swap3A_463], %add3A_462 {strides = array<i32>} : memref<1536xi32, #tpu.memory_space<vmem>>, vector<16xi32>,
    %add3A_465 = arith.constant 320 : i32
    %add3A_466 = vector.broadcast %add3A_465 : i32 to vector<16xi32>
    %add3A_467 = arith.addi %add3A_466, %iota3A : vector<16xi32>
    %swap3A_468 = arith.constant 672 : index
    %swap3A_469 = tpu.vector_load %arg11[%swap3A_468] {strides = array<i32>} : memref<1536xi32, #tpu.memory_space<vmem>>, vector<16xi32>,
    tpu.vector_store %arg11[%swap3A_468], %add3A_467 {strides = array<i32>} : memref<1536xi32, #tpu.memory_space<vmem>>, vector<16xi32>,
    %add3A_470 = arith.constant 10000 : i32
    %add3A_471 = vector.broadcast %add3A_470 : i32 to vector<16xi32>
    %add3A_472 = arith.addi %add3A_471, %iota3A : vector<16xi32>
    %swap3A_473 = arith.constant 672 : index
    %swap3A_474 = tpu.vector_load %arg12[%swap3A_473] {strides = array<i32>} : memref<1536xi32, #tpu.memory_space<vmem>>, vector<16xi32>,
    tpu.vector_store %arg12[%swap3A_473], %add3A_472 {strides = array<i32>} : memref<1536xi32, #tpu.memory_space<vmem>>, vector<16xi32>,
    %add3A_475 = arith.constant 320 : i32
    %add3A_476 = vector.broadcast %add3A_475 : i32 to vector<16xi32>
    %add3A_477 = arith.addi %add3A_476, %iota3A : vector<16xi32>
    %swap3A_478 = arith.constant 688 : index
    %swap3A_479 = tpu.vector_load %arg11[%swap3A_478] {strides = array<i32>} : memref<1536xi32, #tpu.memory_space<vmem>>, vector<16xi32>,
    tpu.vector_store %arg11[%swap3A_478], %add3A_477 {strides = array<i32>} : memref<1536xi32, #tpu.memory_space<vmem>>, vector<16xi32>,
    %add3A_480 = arith.constant 10000 : i32
    %add3A_481 = vector.broadcast %add3A_480 : i32 to vector<16xi32>
    %add3A_482 = arith.addi %add3A_481, %iota3A : vector<16xi32>
    %swap3A_483 = arith.constant 688 : index
    %swap3A_484 = tpu.vector_load %arg12[%swap3A_483] {strides = array<i32>} : memref<1536xi32, #tpu.memory_space<vmem>>, vector<16xi32>,
    tpu.vector_store %arg12[%swap3A_483], %add3A_482 {strides = array<i32>} : memref<1536xi32, #tpu.memory_space<vmem>>, vector<16xi32>,
    %add3A_485 = arith.constant 320 : i32
    %add3A_486 = vector.broadcast %add3A_485 : i32 to vector<16xi32>
    %add3A_487 = arith.addi %add3A_486, %iota3A : vector<16xi32>
    %swap3A_488 = arith.constant 704 : index
    %swap3A_489 = tpu.vector_load %arg11[%swap3A_488] {strides = array<i32>} : memref<1536xi32, #tpu.memory_space<vmem>>, vector<16xi32>,
    tpu.vector_store %arg11[%swap3A_488], %add3A_487 {strides = array<i32>} : memref<1536xi32, #tpu.memory_space<vmem>>, vector<16xi32>,
    %add3A_490 = arith.constant 10000 : i32
    %add3A_491 = vector.broadcast %add3A_490 : i32 to vector<16xi32>
    %add3A_492 = arith.addi %add3A_491, %iota3A : vector<16xi32>
    %swap3A_493 = arith.constant 704 : index
    %swap3A_494 = tpu.vector_load %arg12[%swap3A_493] {strides = array<i32>} : memref<1536xi32, #tpu.memory_space<vmem>>, vector<16xi32>,
    tpu.vector_store %arg12[%swap3A_493], %add3A_492 {strides = array<i32>} : memref<1536xi32, #tpu.memory_space<vmem>>, vector<16xi32>,
    %add3A_495 = arith.constant 320 : i32
    %add3A_496 = vector.broadcast %add3A_495 : i32 to vector<16xi32>
    %add3A_497 = arith.addi %add3A_496, %iota3A : vector<16xi32>
    %swap3A_498 = arith.constant 720 : index
    %swap3A_499 = tpu.vector_load %arg11[%swap3A_498] {strides = array<i32>} : memref<1536xi32, #tpu.memory_space<vmem>>, vector<16xi32>,
    tpu.vector_store %arg11[%swap3A_498], %add3A_497 {strides = array<i32>} : memref<1536xi32, #tpu.memory_space<vmem>>, vector<16xi32>,
    %add3A_500 = arith.constant 10000 : i32
    %add3A_501 = vector.broadcast %add3A_500 : i32 to vector<16xi32>
    %add3A_502 = arith.addi %add3A_501, %iota3A : vector<16xi32>
    %swap3A_503 = arith.constant 720 : index
    %swap3A_504 = tpu.vector_load %arg12[%swap3A_503] {strides = array<i32>} : memref<1536xi32, #tpu.memory_space<vmem>>, vector<16xi32>,
    tpu.vector_store %arg12[%swap3A_503], %add3A_502 {strides = array<i32>} : memref<1536xi32, #tpu.memory_space<vmem>>, vector<16xi32>,
    %add3A_505 = arith.constant 320 : i32
    %add3A_506 = vector.broadcast %add3A_505 : i32 to vector<16xi32>
    %add3A_507 = arith.addi %add3A_506, %iota3A : vector<16xi32>
    %swap3A_508 = arith.constant 736 : index
    %swap3A_509 = tpu.vector_load %arg11[%swap3A_508] {strides = array<i32>} : memref<1536xi32, #tpu.memory_space<vmem>>, vector<16xi32>,
    tpu.vector_store %arg11[%swap3A_508], %add3A_507 {strides = array<i32>} : memref<1536xi32, #tpu.memory_space<vmem>>, vector<16xi32>,
    %add3A_510 = arith.constant 10000 : i32
    %add3A_511 = vector.broadcast %add3A_510 : i32 to vector<16xi32>
    %add3A_512 = arith.addi %add3A_511, %iota3A : vector<16xi32>
    %swap3A_513 = arith.constant 736 : index
    %swap3A_514 = tpu.vector_load %arg12[%swap3A_513] {strides = array<i32>} : memref<1536xi32, #tpu.memory_space<vmem>>, vector<16xi32>,
    tpu.vector_store %arg12[%swap3A_513], %add3A_512 {strides = array<i32>} : memref<1536xi32, #tpu.memory_space<vmem>>, vector<16xi32>,
    %add3A_515 = arith.constant 320 : i32
    %add3A_516 = vector.broadcast %add3A_515 : i32 to vector<16xi32>
    %add3A_517 = arith.addi %add3A_516, %iota3A : vector<16xi32>
    %swap3A_518 = arith.constant 752 : index
    %swap3A_519 = tpu.vector_load %arg11[%swap3A_518] {strides = array<i32>} : memref<1536xi32, #tpu.memory_space<vmem>>, vector<16xi32>,
    tpu.vector_store %arg11[%swap3A_518], %add3A_517 {strides = array<i32>} : memref<1536xi32, #tpu.memory_space<vmem>>, vector<16xi32>,
    %add3A_520 = arith.constant 10000 : i32
    %add3A_521 = vector.broadcast %add3A_520 : i32 to vector<16xi32>
    %add3A_522 = arith.addi %add3A_521, %iota3A : vector<16xi32>
    %swap3A_523 = arith.constant 752 : index
    %swap3A_524 = tpu.vector_load %arg12[%swap3A_523] {strides = array<i32>} : memref<1536xi32, #tpu.memory_space<vmem>>, vector<16xi32>,
    tpu.vector_store %arg12[%swap3A_523], %add3A_522 {strides = array<i32>} : memref<1536xi32, #tpu.memory_space<vmem>>, vector<16xi32>,
    %add3A_525 = arith.constant 320 : i32
    %add3A_526 = vector.broadcast %add3A_525 : i32 to vector<16xi32>
    %add3A_527 = arith.addi %add3A_526, %iota3A : vector<16xi32>
    %swap3A_528 = arith.constant 768 : index
    %swap3A_529 = tpu.vector_load %arg11[%swap3A_528] {strides = array<i32>} : memref<1536xi32, #tpu.memory_space<vmem>>, vector<16xi32>,
    tpu.vector_store %arg11[%swap3A_528], %add3A_527 {strides = array<i32>} : memref<1536xi32, #tpu.memory_space<vmem>>, vector<16xi32>,
    %add3A_530 = arith.constant 10000 : i32
    %add3A_531 = vector.broadcast %add3A_530 : i32 to vector<16xi32>
    %add3A_532 = arith.addi %add3A_531, %iota3A : vector<16xi32>
    %swap3A_533 = arith.constant 768 : index
    %swap3A_534 = tpu.vector_load %arg12[%swap3A_533] {strides = array<i32>} : memref<1536xi32, #tpu.memory_space<vmem>>, vector<16xi32>,
    tpu.vector_store %arg12[%swap3A_533], %add3A_532 {strides = array<i32>} : memref<1536xi32, #tpu.memory_space<vmem>>, vector<16xi32>,
    %add3A_535 = arith.constant 320 : i32
    %add3A_536 = vector.broadcast %add3A_535 : i32 to vector<16xi32>
    %add3A_537 = arith.addi %add3A_536, %iota3A : vector<16xi32>
    %swap3A_538 = arith.constant 784 : index
    %swap3A_539 = tpu.vector_load %arg11[%swap3A_538] {strides = array<i32>} : memref<1536xi32, #tpu.memory_space<vmem>>, vector<16xi32>,
    tpu.vector_store %arg11[%swap3A_538], %add3A_537 {strides = array<i32>} : memref<1536xi32, #tpu.memory_space<vmem>>, vector<16xi32>,
    %add3A_540 = arith.constant 10000 : i32
    %add3A_541 = vector.broadcast %add3A_540 : i32 to vector<16xi32>
    %add3A_542 = arith.addi %add3A_541, %iota3A : vector<16xi32>
    %swap3A_543 = arith.constant 784 : index
    %swap3A_544 = tpu.vector_load %arg12[%swap3A_543] {strides = array<i32>} : memref<1536xi32, #tpu.memory_space<vmem>>, vector<16xi32>,
    tpu.vector_store %arg12[%swap3A_543], %add3A_542 {strides = array<i32>} : memref<1536xi32, #tpu.memory_space<vmem>>, vector<16xi32>,
    %add3A_545 = arith.constant 320 : i32
    %add3A_546 = vector.broadcast %add3A_545 : i32 to vector<16xi32>
    %add3A_547 = arith.addi %add3A_546, %iota3A : vector<16xi32>
    %swap3A_548 = arith.constant 800 : index
    %swap3A_549 = tpu.vector_load %arg11[%swap3A_548] {strides = array<i32>} : memref<1536xi32, #tpu.memory_space<vmem>>, vector<16xi32>,
    tpu.vector_store %arg11[%swap3A_548], %add3A_547 {strides = array<i32>} : memref<1536xi32, #tpu.memory_space<vmem>>, vector<16xi32>,
    %add3A_550 = arith.constant 10000 : i32
    %add3A_551 = vector.broadcast %add3A_550 : i32 to vector<16xi32>
    %add3A_552 = arith.addi %add3A_551, %iota3A : vector<16xi32>
    %swap3A_553 = arith.constant 800 : index
    %swap3A_554 = tpu.vector_load %arg12[%swap3A_553] {strides = array<i32>} : memref<1536xi32, #tpu.memory_space<vmem>>, vector<16xi32>,
    tpu.vector_store %arg12[%swap3A_553], %add3A_552 {strides = array<i32>} : memref<1536xi32, #tpu.memory_space<vmem>>, vector<16xi32>,
    %add3A_555 = arith.constant 320 : i32
    %add3A_556 = vector.broadcast %add3A_555 : i32 to vector<16xi32>
    %add3A_557 = arith.addi %add3A_556, %iota3A : vector<16xi32>
    %swap3A_558 = arith.constant 816 : index
    %swap3A_559 = tpu.vector_load %arg11[%swap3A_558] {strides = array<i32>} : memref<1536xi32, #tpu.memory_space<vmem>>, vector<16xi32>,
    tpu.vector_store %arg11[%swap3A_558], %add3A_557 {strides = array<i32>} : memref<1536xi32, #tpu.memory_space<vmem>>, vector<16xi32>,
    %add3A_560 = arith.constant 10000 : i32
    %add3A_561 = vector.broadcast %add3A_560 : i32 to vector<16xi32>
    %add3A_562 = arith.addi %add3A_561, %iota3A : vector<16xi32>
    %swap3A_563 = arith.constant 816 : index
    %swap3A_564 = tpu.vector_load %arg12[%swap3A_563] {strides = array<i32>} : memref<1536xi32, #tpu.memory_space<vmem>>, vector<16xi32>,
    tpu.vector_store %arg12[%swap3A_563], %add3A_562 {strides = array<i32>} : memref<1536xi32, #tpu.memory_space<vmem>>, vector<16xi32>,
    %add3A_565 = arith.constant 320 : i32
    %add3A_566 = vector.broadcast %add3A_565 : i32 to vector<16xi32>
    %add3A_567 = arith.addi %add3A_566, %iota3A : vector<16xi32>
    %swap3A_568 = arith.constant 832 : index
    %swap3A_569 = tpu.vector_load %arg11[%swap3A_568] {strides = array<i32>} : memref<1536xi32, #tpu.memory_space<vmem>>, vector<16xi32>,
    tpu.vector_store %arg11[%swap3A_568], %add3A_567 {strides = array<i32>} : memref<1536xi32, #tpu.memory_space<vmem>>, vector<16xi32>,
    %add3A_570 = arith.constant 10000 : i32
    %add3A_571 = vector.broadcast %add3A_570 : i32 to vector<16xi32>
    %add3A_572 = arith.addi %add3A_571, %iota3A : vector<16xi32>
    %swap3A_573 = arith.constant 832 : index
    %swap3A_574 = tpu.vector_load %arg12[%swap3A_573] {strides = array<i32>} : memref<1536xi32, #tpu.memory_space<vmem>>, vector<16xi32>,
    tpu.vector_store %arg12[%swap3A_573], %add3A_572 {strides = array<i32>} : memref<1536xi32, #tpu.memory_space<vmem>>, vector<16xi32>,
    %add3A_575 = arith.constant 320 : i32
    %add3A_576 = vector.broadcast %add3A_575 : i32 to vector<16xi32>
    %add3A_577 = arith.addi %add3A_576, %iota3A : vector<16xi32>
    %swap3A_578 = arith.constant 848 : index
    %swap3A_579 = tpu.vector_load %arg11[%swap3A_578] {strides = array<i32>} : memref<1536xi32, #tpu.memory_space<vmem>>, vector<16xi32>,
    tpu.vector_store %arg11[%swap3A_578], %add3A_577 {strides = array<i32>} : memref<1536xi32, #tpu.memory_space<vmem>>, vector<16xi32>,
    %add3A_580 = arith.constant 10000 : i32
    %add3A_581 = vector.broadcast %add3A_580 : i32 to vector<16xi32>
    %add3A_582 = arith.addi %add3A_581, %iota3A : vector<16xi32>
    %swap3A_583 = arith.constant 848 : index
    %swap3A_584 = tpu.vector_load %arg12[%swap3A_583] {strides = array<i32>} : memref<1536xi32, #tpu.memory_space<vmem>>, vector<16xi32>,
    tpu.vector_store %arg12[%swap3A_583], %add3A_582 {strides = array<i32>} : memref<1536xi32, #tpu.memory_space<vmem>>, vector<16xi32>,
    %add3A_585 = arith.constant 320 : i32
    %add3A_586 = vector.broadcast %add3A_585 : i32 to vector<16xi32>
    %add3A_587 = arith.addi %add3A_586, %iota3A : vector<16xi32>
    %swap3A_588 = arith.constant 864 : index
    %swap3A_589 = tpu.vector_load %arg11[%swap3A_588] {strides = array<i32>} : memref<1536xi32, #tpu.memory_space<vmem>>, vector<16xi32>,
    tpu.vector_store %arg11[%swap3A_588], %add3A_587 {strides = array<i32>} : memref<1536xi32, #tpu.memory_space<vmem>>, vector<16xi32>,
    %add3A_590 = arith.constant 10000 : i32
    %add3A_591 = vector.broadcast %add3A_590 : i32 to vector<16xi32>
    %add3A_592 = arith.addi %add3A_591, %iota3A : vector<16xi32>
    %swap3A_593 = arith.constant 864 : index
    %swap3A_594 = tpu.vector_load %arg12[%swap3A_593] {strides = array<i32>} : memref<1536xi32, #tpu.memory_space<vmem>>, vector<16xi32>,
    tpu.vector_store %arg12[%swap3A_593], %add3A_592 {strides = array<i32>} : memref<1536xi32, #tpu.memory_space<vmem>>, vector<16xi32>,
    %add3A_595 = arith.constant 320 : i32
    %add3A_596 = vector.broadcast %add3A_595 : i32 to vector<16xi32>
    %add3A_597 = arith.addi %add3A_596, %iota3A : vector<16xi32>
    %swap3A_598 = arith.constant 880 : index
    %swap3A_599 = tpu.vector_load %arg11[%swap3A_598] {strides = array<i32>} : memref<1536xi32, #tpu.memory_space<vmem>>, vector<16xi32>,
    tpu.vector_store %arg11[%swap3A_598], %add3A_597 {strides = array<i32>} : memref<1536xi32, #tpu.memory_space<vmem>>, vector<16xi32>,
    %add3A_600 = arith.constant 10000 : i32
    %add3A_601 = vector.broadcast %add3A_600 : i32 to vector<16xi32>
    %add3A_602 = arith.addi %add3A_601, %iota3A : vector<16xi32>
    %swap3A_603 = arith.constant 880 : index
    %swap3A_604 = tpu.vector_load %arg12[%swap3A_603] {strides = array<i32>} : memref<1536xi32, #tpu.memory_space<vmem>>, vector<16xi32>,
    tpu.vector_store %arg12[%swap3A_603], %add3A_602 {strides = array<i32>} : memref<1536xi32, #tpu.memory_space<vmem>>, vector<16xi32>,
    %add3A_605 = arith.constant 320 : i32
    %add3A_606 = vector.broadcast %add3A_605 : i32 to vector<16xi32>
    %add3A_607 = arith.addi %add3A_606, %iota3A : vector<16xi32>
    %swap3A_608 = arith.constant 896 : index
    %swap3A_609 = tpu.vector_load %arg11[%swap3A_608] {strides = array<i32>} : memref<1536xi32, #tpu.memory_space<vmem>>, vector<16xi32>,
    tpu.vector_store %arg11[%swap3A_608], %add3A_607 {strides = array<i32>} : memref<1536xi32, #tpu.memory_space<vmem>>, vector<16xi32>,
    %add3A_610 = arith.constant 10000 : i32
    %add3A_611 = vector.broadcast %add3A_610 : i32 to vector<16xi32>
    %add3A_612 = arith.addi %add3A_611, %iota3A : vector<16xi32>
    %swap3A_613 = arith.constant 896 : index
    %swap3A_614 = tpu.vector_load %arg12[%swap3A_613] {strides = array<i32>} : memref<1536xi32, #tpu.memory_space<vmem>>, vector<16xi32>,
    tpu.vector_store %arg12[%swap3A_613], %add3A_612 {strides = array<i32>} : memref<1536xi32, #tpu.memory_space<vmem>>, vector<16xi32>,
    %add3A_615 = arith.constant 320 : i32
    %add3A_616 = vector.broadcast %add3A_615 : i32 to vector<16xi32>
    %add3A_617 = arith.addi %add3A_616, %iota3A : vector<16xi32>
    %swap3A_618 = arith.constant 912 : index
    %swap3A_619 = tpu.vector_load %arg11[%swap3A_618] {strides = array<i32>} : memref<1536xi32, #tpu.memory_space<vmem>>, vector<16xi32>,
    tpu.vector_store %arg11[%swap3A_618], %add3A_617 {strides = array<i32>} : memref<1536xi32, #tpu.memory_space<vmem>>, vector<16xi32>,
    %add3A_620 = arith.constant 10000 : i32
    %add3A_621 = vector.broadcast %add3A_620 : i32 to vector<16xi32>
    %add3A_622 = arith.addi %add3A_621, %iota3A : vector<16xi32>
    %swap3A_623 = arith.constant 912 : index
    %swap3A_624 = tpu.vector_load %arg12[%swap3A_623] {strides = array<i32>} : memref<1536xi32, #tpu.memory_space<vmem>>, vector<16xi32>,
    tpu.vector_store %arg12[%swap3A_623], %add3A_622 {strides = array<i32>} : memref<1536xi32, #tpu.memory_space<vmem>>, vector<16xi32>,
    %add3A_625 = arith.constant 320 : i32
    %add3A_626 = vector.broadcast %add3A_625 : i32 to vector<16xi32>
    %add3A_627 = arith.addi %add3A_626, %iota3A : vector<16xi32>
    %swap3A_628 = arith.constant 928 : index
    %swap3A_629 = tpu.vector_load %arg11[%swap3A_628] {strides = array<i32>} : memref<1536xi32, #tpu.memory_space<vmem>>, vector<16xi32>,
    tpu.vector_store %arg11[%swap3A_628], %add3A_627 {strides = array<i32>} : memref<1536xi32, #tpu.memory_space<vmem>>, vector<16xi32>,
    %add3A_630 = arith.constant 10000 : i32
    %add3A_631 = vector.broadcast %add3A_630 : i32 to vector<16xi32>
    %add3A_632 = arith.addi %add3A_631, %iota3A : vector<16xi32>
    %swap3A_633 = arith.constant 928 : index
    %swap3A_634 = tpu.vector_load %arg12[%swap3A_633] {strides = array<i32>} : memref<1536xi32, #tpu.memory_space<vmem>>, vector<16xi32>,
    tpu.vector_store %arg12[%swap3A_633], %add3A_632 {strides = array<i32>} : memref<1536xi32, #tpu.memory_space<vmem>>, vector<16xi32>,
    %add3A_635 = arith.constant 320 : i32
    %add3A_636 = vector.broadcast %add3A_635 : i32 to vector<16xi32>
    %add3A_637 = arith.addi %add3A_636, %iota3A : vector<16xi32>
    %swap3A_638 = arith.constant 944 : index
    %swap3A_639 = tpu.vector_load %arg11[%swap3A_638] {strides = array<i32>} : memref<1536xi32, #tpu.memory_space<vmem>>, vector<16xi32>,
    tpu.vector_store %arg11[%swap3A_638], %add3A_637 {strides = array<i32>} : memref<1536xi32, #tpu.memory_space<vmem>>, vector<16xi32>,
    %add3A_640 = arith.constant 10000 : i32
    %add3A_641 = vector.broadcast %add3A_640 : i32 to vector<16xi32>
    %add3A_642 = arith.addi %add3A_641, %iota3A : vector<16xi32>
    %swap3A_643 = arith.constant 944 : index
    %swap3A_644 = tpu.vector_load %arg12[%swap3A_643] {strides = array<i32>} : memref<1536xi32, #tpu.memory_space<vmem>>, vector<16xi32>,
    tpu.vector_store %arg12[%swap3A_643], %add3A_642 {strides = array<i32>} : memref<1536xi32, #tpu.memory_space<vmem>>, vector<16xi32>,
    %add3A_645 = arith.constant 320 : i32
    %add3A_646 = vector.broadcast %add3A_645 : i32 to vector<16xi32>
    %add3A_647 = arith.addi %add3A_646, %iota3A : vector<16xi32>
    %swap3A_648 = arith.constant 960 : index
    %swap3A_649 = tpu.vector_load %arg11[%swap3A_648] {strides = array<i32>} : memref<1536xi32, #tpu.memory_space<vmem>>, vector<16xi32>,
    tpu.vector_store %arg11[%swap3A_648], %add3A_647 {strides = array<i32>} : memref<1536xi32, #tpu.memory_space<vmem>>, vector<16xi32>,
    %add3A_650 = arith.constant 10000 : i32
    %add3A_651 = vector.broadcast %add3A_650 : i32 to vector<16xi32>
    %add3A_652 = arith.addi %add3A_651, %iota3A : vector<16xi32>
    %swap3A_653 = arith.constant 960 : index
    %swap3A_654 = tpu.vector_load %arg12[%swap3A_653] {strides = array<i32>} : memref<1536xi32, #tpu.memory_space<vmem>>, vector<16xi32>,
    tpu.vector_store %arg12[%swap3A_653], %add3A_652 {strides = array<i32>} : memref<1536xi32, #tpu.memory_space<vmem>>, vector<16xi32>,
    %add3A_655 = arith.constant 320 : i32
    %add3A_656 = vector.broadcast %add3A_655 : i32 to vector<16xi32>
    %add3A_657 = arith.addi %add3A_656, %iota3A : vector<16xi32>
    %swap3A_658 = arith.constant 976 : index
    %swap3A_659 = tpu.vector_load %arg11[%swap3A_658] {strides = array<i32>} : memref<1536xi32, #tpu.memory_space<vmem>>, vector<16xi32>,
    tpu.vector_store %arg11[%swap3A_658], %add3A_657 {strides = array<i32>} : memref<1536xi32, #tpu.memory_space<vmem>>, vector<16xi32>,
    %add3A_660 = arith.constant 10000 : i32
    %add3A_661 = vector.broadcast %add3A_660 : i32 to vector<16xi32>
    %add3A_662 = arith.addi %add3A_661, %iota3A : vector<16xi32>
    %swap3A_663 = arith.constant 976 : index
    %swap3A_664 = tpu.vector_load %arg12[%swap3A_663] {strides = array<i32>} : memref<1536xi32, #tpu.memory_space<vmem>>, vector<16xi32>,
    tpu.vector_store %arg12[%swap3A_663], %add3A_662 {strides = array<i32>} : memref<1536xi32, #tpu.memory_space<vmem>>, vector<16xi32>,
    %add3A_665 = arith.constant 320 : i32
    %add3A_666 = vector.broadcast %add3A_665 : i32 to vector<16xi32>
    %add3A_667 = arith.addi %add3A_666, %iota3A : vector<16xi32>
    %swap3A_668 = arith.constant 992 : index
    %swap3A_669 = tpu.vector_load %arg11[%swap3A_668] {strides = array<i32>} : memref<1536xi32, #tpu.memory_space<vmem>>, vector<16xi32>,
    tpu.vector_store %arg11[%swap3A_668], %add3A_667 {strides = array<i32>} : memref<1536xi32, #tpu.memory_space<vmem>>, vector<16xi32>,
    %add3A_670 = arith.constant 10000 : i32
    %add3A_671 = vector.broadcast %add3A_670 : i32 to vector<16xi32>
    %add3A_672 = arith.addi %add3A_671, %iota3A : vector<16xi32>
    %swap3A_673 = arith.constant 992 : index
    %swap3A_674 = tpu.vector_load %arg12[%swap3A_673] {strides = array<i32>} : memref<1536xi32, #tpu.memory_space<vmem>>, vector<16xi32>,
    tpu.vector_store %arg12[%swap3A_673], %add3A_672 {strides = array<i32>} : memref<1536xi32, #tpu.memory_space<vmem>>, vector<16xi32>,
    %add3A_675 = arith.constant 320 : i32
    %add3A_676 = vector.broadcast %add3A_675 : i32 to vector<16xi32>
    %add3A_677 = arith.addi %add3A_676, %iota3A : vector<16xi32>
    %swap3A_678 = arith.constant 1008 : index
    %swap3A_679 = tpu.vector_load %arg11[%swap3A_678] {strides = array<i32>} : memref<1536xi32, #tpu.memory_space<vmem>>, vector<16xi32>,
    tpu.vector_store %arg11[%swap3A_678], %add3A_677 {strides = array<i32>} : memref<1536xi32, #tpu.memory_space<vmem>>, vector<16xi32>,
    %add3A_680 = arith.constant 10000 : i32
    %add3A_681 = vector.broadcast %add3A_680 : i32 to vector<16xi32>
    %add3A_682 = arith.addi %add3A_681, %iota3A : vector<16xi32>
    %swap3A_683 = arith.constant 1008 : index
    %swap3A_684 = tpu.vector_load %arg12[%swap3A_683] {strides = array<i32>} : memref<1536xi32, #tpu.memory_space<vmem>>, vector<16xi32>,
    tpu.vector_store %arg12[%swap3A_683], %add3A_682 {strides = array<i32>} : memref<1536xi32, #tpu.memory_space<vmem>>, vector<16xi32>,
    %add3A_685 = arith.constant 320 : i32
    %add3A_686 = vector.broadcast %add3A_685 : i32 to vector<16xi32>
    %add3A_687 = arith.addi %add3A_686, %iota3A : vector<16xi32>
    %swap3A_688 = arith.constant 1024 : index
    %swap3A_689 = tpu.vector_load %arg11[%swap3A_688] {strides = array<i32>} : memref<1536xi32, #tpu.memory_space<vmem>>, vector<16xi32>,
    tpu.vector_store %arg11[%swap3A_688], %add3A_687 {strides = array<i32>} : memref<1536xi32, #tpu.memory_space<vmem>>, vector<16xi32>,
    %add3A_690 = arith.constant 10000 : i32
    %add3A_691 = vector.broadcast %add3A_690 : i32 to vector<16xi32>
    %add3A_692 = arith.addi %add3A_691, %iota3A : vector<16xi32>
    %swap3A_693 = arith.constant 1024 : index
    %swap3A_694 = tpu.vector_load %arg12[%swap3A_693] {strides = array<i32>} : memref<1536xi32, #tpu.memory_space<vmem>>, vector<16xi32>,
    tpu.vector_store %arg12[%swap3A_693], %add3A_692 {strides = array<i32>} : memref<1536xi32, #tpu.memory_space<vmem>>, vector<16xi32>,
    %add3A_695 = arith.constant 320 : i32
    %add3A_696 = vector.broadcast %add3A_695 : i32 to vector<16xi32>
    %add3A_697 = arith.addi %add3A_696, %iota3A : vector<16xi32>
    %swap3A_698 = arith.constant 1040 : index
    %swap3A_699 = tpu.vector_load %arg11[%swap3A_698] {strides = array<i32>} : memref<1536xi32, #tpu.memory_space<vmem>>, vector<16xi32>,
    tpu.vector_store %arg11[%swap3A_698], %add3A_697 {strides = array<i32>} : memref<1536xi32, #tpu.memory_space<vmem>>, vector<16xi32>,
    %add3A_700 = arith.constant 10000 : i32
    %add3A_701 = vector.broadcast %add3A_700 : i32 to vector<16xi32>
    %add3A_702 = arith.addi %add3A_701, %iota3A : vector<16xi32>
    %swap3A_703 = arith.constant 1040 : index
    %swap3A_704 = tpu.vector_load %arg12[%swap3A_703] {strides = array<i32>} : memref<1536xi32, #tpu.memory_space<vmem>>, vector<16xi32>,
    tpu.vector_store %arg12[%swap3A_703], %add3A_702 {strides = array<i32>} : memref<1536xi32, #tpu.memory_space<vmem>>, vector<16xi32>,
    %add3A_705 = arith.constant 320 : i32
    %add3A_706 = vector.broadcast %add3A_705 : i32 to vector<16xi32>
    %add3A_707 = arith.addi %add3A_706, %iota3A : vector<16xi32>
    %swap3A_708 = arith.constant 1056 : index
    %swap3A_709 = tpu.vector_load %arg11[%swap3A_708] {strides = array<i32>} : memref<1536xi32, #tpu.memory_space<vmem>>, vector<16xi32>,
    tpu.vector_store %arg11[%swap3A_708], %add3A_707 {strides = array<i32>} : memref<1536xi32, #tpu.memory_space<vmem>>, vector<16xi32>,
    %add3A_710 = arith.constant 10000 : i32
    %add3A_711 = vector.broadcast %add3A_710 : i32 to vector<16xi32>
    %add3A_712 = arith.addi %add3A_711, %iota3A : vector<16xi32>
    %swap3A_713 = arith.constant 1056 : index
    %swap3A_714 = tpu.vector_load %arg12[%swap3A_713] {strides = array<i32>} : memref<1536xi32, #tpu.memory_space<vmem>>, vector<16xi32>,
    tpu.vector_store %arg12[%swap3A_713], %add3A_712 {strides = array<i32>} : memref<1536xi32, #tpu.memory_space<vmem>>, vector<16xi32>,
    %add3A_715 = arith.constant 320 : i32
    %add3A_716 = vector.broadcast %add3A_715 : i32 to vector<16xi32>
    %add3A_717 = arith.addi %add3A_716, %iota3A : vector<16xi32>
    %swap3A_718 = arith.constant 1072 : index
    %swap3A_719 = tpu.vector_load %arg11[%swap3A_718] {strides = array<i32>} : memref<1536xi32, #tpu.memory_space<vmem>>, vector<16xi32>,
    tpu.vector_store %arg11[%swap3A_718], %add3A_717 {strides = array<i32>} : memref<1536xi32, #tpu.memory_space<vmem>>, vector<16xi32>,
    %add3A_720 = arith.constant 10000 : i32
    %add3A_721 = vector.broadcast %add3A_720 : i32 to vector<16xi32>
    %add3A_722 = arith.addi %add3A_721, %iota3A : vector<16xi32>
    %swap3A_723 = arith.constant 1072 : index
    %swap3A_724 = tpu.vector_load %arg12[%swap3A_723] {strides = array<i32>} : memref<1536xi32, #tpu.memory_space<vmem>>, vector<16xi32>,
    tpu.vector_store %arg12[%swap3A_723], %add3A_722 {strides = array<i32>} : memref<1536xi32, #tpu.memory_space<vmem>>, vector<16xi32>,
    %add3A_725 = arith.constant 320 : i32
    %add3A_726 = vector.broadcast %add3A_725 : i32 to vector<16xi32>
    %add3A_727 = arith.addi %add3A_726, %iota3A : vector<16xi32>
    %swap3A_728 = arith.constant 1088 : index
    %swap3A_729 = tpu.vector_load %arg11[%swap3A_728] {strides = array<i32>} : memref<1536xi32, #tpu.memory_space<vmem>>, vector<16xi32>,
    tpu.vector_store %arg11[%swap3A_728], %add3A_727 {strides = array<i32>} : memref<1536xi32, #tpu.memory_space<vmem>>, vector<16xi32>,
    %add3A_730 = arith.constant 10000 : i32
    %add3A_731 = vector.broadcast %add3A_730 : i32 to vector<16xi32>
    %add3A_732 = arith.addi %add3A_731, %iota3A : vector<16xi32>
    %swap3A_733 = arith.constant 1088 : index
    %swap3A_734 = tpu.vector_load %arg12[%swap3A_733] {strides = array<i32>} : memref<1536xi32, #tpu.memory_space<vmem>>, vector<16xi32>,
    tpu.vector_store %arg12[%swap3A_733], %add3A_732 {strides = array<i32>} : memref<1536xi32, #tpu.memory_space<vmem>>, vector<16xi32>,
    %add3A_735 = arith.constant 320 : i32
    %add3A_736 = vector.broadcast %add3A_735 : i32 to vector<16xi32>
    %add3A_737 = arith.addi %add3A_736, %iota3A : vector<16xi32>
    %swap3A_738 = arith.constant 1104 : index
    %swap3A_739 = tpu.vector_load %arg11[%swap3A_738] {strides = array<i32>} : memref<1536xi32, #tpu.memory_space<vmem>>, vector<16xi32>,
    tpu.vector_store %arg11[%swap3A_738], %add3A_737 {strides = array<i32>} : memref<1536xi32, #tpu.memory_space<vmem>>, vector<16xi32>,
    %add3A_740 = arith.constant 10000 : i32
    %add3A_741 = vector.broadcast %add3A_740 : i32 to vector<16xi32>
    %add3A_742 = arith.addi %add3A_741, %iota3A : vector<16xi32>
    %swap3A_743 = arith.constant 1104 : index
    %swap3A_744 = tpu.vector_load %arg12[%swap3A_743] {strides = array<i32>} : memref<1536xi32, #tpu.memory_space<vmem>>, vector<16xi32>,
    tpu.vector_store %arg12[%swap3A_743], %add3A_742 {strides = array<i32>} : memref<1536xi32, #tpu.memory_space<vmem>>, vector<16xi32>,
    %add3A_745 = arith.constant 320 : i32
    %add3A_746 = vector.broadcast %add3A_745 : i32 to vector<16xi32>
    %add3A_747 = arith.addi %add3A_746, %iota3A : vector<16xi32>
    %swap3A_748 = arith.constant 1120 : index
    %swap3A_749 = tpu.vector_load %arg11[%swap3A_748] {strides = array<i32>} : memref<1536xi32, #tpu.memory_space<vmem>>, vector<16xi32>,
    tpu.vector_store %arg11[%swap3A_748], %add3A_747 {strides = array<i32>} : memref<1536xi32, #tpu.memory_space<vmem>>, vector<16xi32>,
    %add3A_750 = arith.constant 10000 : i32
    %add3A_751 = vector.broadcast %add3A_750 : i32 to vector<16xi32>
    %add3A_752 = arith.addi %add3A_751, %iota3A : vector<16xi32>
    %swap3A_753 = arith.constant 1120 : index
    %swap3A_754 = tpu.vector_load %arg12[%swap3A_753] {strides = array<i32>} : memref<1536xi32, #tpu.memory_space<vmem>>, vector<16xi32>,
    tpu.vector_store %arg12[%swap3A_753], %add3A_752 {strides = array<i32>} : memref<1536xi32, #tpu.memory_space<vmem>>, vector<16xi32>,
    %add3A_755 = arith.constant 320 : i32
    %add3A_756 = vector.broadcast %add3A_755 : i32 to vector<16xi32>
    %add3A_757 = arith.addi %add3A_756, %iota3A : vector<16xi32>
    %swap3A_758 = arith.constant 1136 : index
    %swap3A_759 = tpu.vector_load %arg11[%swap3A_758] {strides = array<i32>} : memref<1536xi32, #tpu.memory_space<vmem>>, vector<16xi32>,
    tpu.vector_store %arg11[%swap3A_758], %add3A_757 {strides = array<i32>} : memref<1536xi32, #tpu.memory_space<vmem>>, vector<16xi32>,
    %add3A_760 = arith.constant 10000 : i32
    %add3A_761 = vector.broadcast %add3A_760 : i32 to vector<16xi32>
    %add3A_762 = arith.addi %add3A_761, %iota3A : vector<16xi32>
    %swap3A_763 = arith.constant 1136 : index
    %swap3A_764 = tpu.vector_load %arg12[%swap3A_763] {strides = array<i32>} : memref<1536xi32, #tpu.memory_space<vmem>>, vector<16xi32>,
    tpu.vector_store %arg12[%swap3A_763], %add3A_762 {strides = array<i32>} : memref<1536xi32, #tpu.memory_space<vmem>>, vector<16xi32>,
    %add3A_765 = arith.constant 320 : i32
    %add3A_766 = vector.broadcast %add3A_765 : i32 to vector<16xi32>
    %add3A_767 = arith.addi %add3A_766, %iota3A : vector<16xi32>
    %swap3A_768 = arith.constant 1152 : index
    %swap3A_769 = tpu.vector_load %arg11[%swap3A_768] {strides = array<i32>} : memref<1536xi32, #tpu.memory_space<vmem>>, vector<16xi32>,
    tpu.vector_store %arg11[%swap3A_768], %add3A_767 {strides = array<i32>} : memref<1536xi32, #tpu.memory_space<vmem>>, vector<16xi32>,
    %add3A_770 = arith.constant 10000 : i32
    %add3A_771 = vector.broadcast %add3A_770 : i32 to vector<16xi32>
    %add3A_772 = arith.addi %add3A_771, %iota3A : vector<16xi32>
    %swap3A_773 = arith.constant 1152 : index
    %swap3A_774 = tpu.vector_load %arg12[%swap3A_773] {strides = array<i32>} : memref<1536xi32, #tpu.memory_space<vmem>>, vector<16xi32>,
    tpu.vector_store %arg12[%swap3A_773], %add3A_772 {strides = array<i32>} : memref<1536xi32, #tpu.memory_space<vmem>>, vector<16xi32>,
    %add3A_775 = arith.constant 320 : i32
    %add3A_776 = vector.broadcast %add3A_775 : i32 to vector<16xi32>
    %add3A_777 = arith.addi %add3A_776, %iota3A : vector<16xi32>
    %swap3A_778 = arith.constant 1168 : index
    %swap3A_779 = tpu.vector_load %arg11[%swap3A_778] {strides = array<i32>} : memref<1536xi32, #tpu.memory_space<vmem>>, vector<16xi32>,
    tpu.vector_store %arg11[%swap3A_778], %add3A_777 {strides = array<i32>} : memref<1536xi32, #tpu.memory_space<vmem>>, vector<16xi32>,
    %add3A_780 = arith.constant 10000 : i32
    %add3A_781 = vector.broadcast %add3A_780 : i32 to vector<16xi32>
    %add3A_782 = arith.addi %add3A_781, %iota3A : vector<16xi32>
    %swap3A_783 = arith.constant 1168 : index
    %swap3A_784 = tpu.vector_load %arg12[%swap3A_783] {strides = array<i32>} : memref<1536xi32, #tpu.memory_space<vmem>>, vector<16xi32>,
    tpu.vector_store %arg12[%swap3A_783], %add3A_782 {strides = array<i32>} : memref<1536xi32, #tpu.memory_space<vmem>>, vector<16xi32>,
    %add3A_785 = arith.constant 320 : i32
    %add3A_786 = vector.broadcast %add3A_785 : i32 to vector<16xi32>
    %add3A_787 = arith.addi %add3A_786, %iota3A : vector<16xi32>
    %swap3A_788 = arith.constant 1184 : index
    %swap3A_789 = tpu.vector_load %arg11[%swap3A_788] {strides = array<i32>} : memref<1536xi32, #tpu.memory_space<vmem>>, vector<16xi32>,
    tpu.vector_store %arg11[%swap3A_788], %add3A_787 {strides = array<i32>} : memref<1536xi32, #tpu.memory_space<vmem>>, vector<16xi32>,
    %add3A_790 = arith.constant 10000 : i32
    %add3A_791 = vector.broadcast %add3A_790 : i32 to vector<16xi32>
    %add3A_792 = arith.addi %add3A_791, %iota3A : vector<16xi32>
    %swap3A_793 = arith.constant 1184 : index
    %swap3A_794 = tpu.vector_load %arg12[%swap3A_793] {strides = array<i32>} : memref<1536xi32, #tpu.memory_space<vmem>>, vector<16xi32>,
    tpu.vector_store %arg12[%swap3A_793], %add3A_792 {strides = array<i32>} : memref<1536xi32, #tpu.memory_space<vmem>>, vector<16xi32>,
    %add3A_795 = arith.constant 320 : i32
    %add3A_796 = vector.broadcast %add3A_795 : i32 to vector<16xi32>
    %add3A_797 = arith.addi %add3A_796, %iota3A : vector<16xi32>
    %swap3A_798 = arith.constant 1200 : index
    %swap3A_799 = tpu.vector_load %arg11[%swap3A_798] {strides = array<i32>} : memref<1536xi32, #tpu.memory_space<vmem>>, vector<16xi32>,
    tpu.vector_store %arg11[%swap3A_798], %add3A_797 {strides = array<i32>} : memref<1536xi32, #tpu.memory_space<vmem>>, vector<16xi32>,
    %add3A_800 = arith.constant 10000 : i32
    %add3A_801 = vector.broadcast %add3A_800 : i32 to vector<16xi32>
    %add3A_802 = arith.addi %add3A_801, %iota3A : vector<16xi32>
    %swap3A_803 = arith.constant 1200 : index
    %swap3A_804 = tpu.vector_load %arg12[%swap3A_803] {strides = array<i32>} : memref<1536xi32, #tpu.memory_space<vmem>>, vector<16xi32>,
    tpu.vector_store %arg12[%swap3A_803], %add3A_802 {strides = array<i32>} : memref<1536xi32, #tpu.memory_space<vmem>>, vector<16xi32>,
    %add3A_805 = arith.constant 320 : i32
    %add3A_806 = vector.broadcast %add3A_805 : i32 to vector<16xi32>
    %add3A_807 = arith.addi %add3A_806, %iota3A : vector<16xi32>
    %swap3A_808 = arith.constant 1216 : index
    %swap3A_809 = tpu.vector_load %arg11[%swap3A_808] {strides = array<i32>} : memref<1536xi32, #tpu.memory_space<vmem>>, vector<16xi32>,
    tpu.vector_store %arg11[%swap3A_808], %add3A_807 {strides = array<i32>} : memref<1536xi32, #tpu.memory_space<vmem>>, vector<16xi32>,
    %add3A_810 = arith.constant 10000 : i32
    %add3A_811 = vector.broadcast %add3A_810 : i32 to vector<16xi32>
    %add3A_812 = arith.addi %add3A_811, %iota3A : vector<16xi32>
    %swap3A_813 = arith.constant 1216 : index
    %swap3A_814 = tpu.vector_load %arg12[%swap3A_813] {strides = array<i32>} : memref<1536xi32, #tpu.memory_space<vmem>>, vector<16xi32>,
    tpu.vector_store %arg12[%swap3A_813], %add3A_812 {strides = array<i32>} : memref<1536xi32, #tpu.memory_space<vmem>>, vector<16xi32>,
    %add3A_815 = arith.constant 320 : i32
    %add3A_816 = vector.broadcast %add3A_815 : i32 to vector<16xi32>
    %add3A_817 = arith.addi %add3A_816, %iota3A : vector<16xi32>
    %swap3A_818 = arith.constant 1232 : index
    %swap3A_819 = tpu.vector_load %arg11[%swap3A_818] {strides = array<i32>} : memref<1536xi32, #tpu.memory_space<vmem>>, vector<16xi32>,
    tpu.vector_store %arg11[%swap3A_818], %add3A_817 {strides = array<i32>} : memref<1536xi32, #tpu.memory_space<vmem>>, vector<16xi32>,
    %add3A_820 = arith.constant 10000 : i32
    %add3A_821 = vector.broadcast %add3A_820 : i32 to vector<16xi32>
    %add3A_822 = arith.addi %add3A_821, %iota3A : vector<16xi32>
    %swap3A_823 = arith.constant 1232 : index
    %swap3A_824 = tpu.vector_load %arg12[%swap3A_823] {strides = array<i32>} : memref<1536xi32, #tpu.memory_space<vmem>>, vector<16xi32>,
    tpu.vector_store %arg12[%swap3A_823], %add3A_822 {strides = array<i32>} : memref<1536xi32, #tpu.memory_space<vmem>>, vector<16xi32>,
    %add3A_825 = arith.constant 320 : i32
    %add3A_826 = vector.broadcast %add3A_825 : i32 to vector<16xi32>
    %add3A_827 = arith.addi %add3A_826, %iota3A : vector<16xi32>
    %swap3A_828 = arith.constant 1248 : index
    %swap3A_829 = tpu.vector_load %arg11[%swap3A_828] {strides = array<i32>} : memref<1536xi32, #tpu.memory_space<vmem>>, vector<16xi32>,
    tpu.vector_store %arg11[%swap3A_828], %add3A_827 {strides = array<i32>} : memref<1536xi32, #tpu.memory_space<vmem>>, vector<16xi32>,
    %add3A_830 = arith.constant 10000 : i32
    %add3A_831 = vector.broadcast %add3A_830 : i32 to vector<16xi32>
    %add3A_832 = arith.addi %add3A_831, %iota3A : vector<16xi32>
    %swap3A_833 = arith.constant 1248 : index
    %swap3A_834 = tpu.vector_load %arg12[%swap3A_833] {strides = array<i32>} : memref<1536xi32, #tpu.memory_space<vmem>>, vector<16xi32>,
    tpu.vector_store %arg12[%swap3A_833], %add3A_832 {strides = array<i32>} : memref<1536xi32, #tpu.memory_space<vmem>>, vector<16xi32>,
    %add3A_835 = arith.constant 320 : i32
    %add3A_836 = vector.broadcast %add3A_835 : i32 to vector<16xi32>
    %add3A_837 = arith.addi %add3A_836, %iota3A : vector<16xi32>
    %swap3A_838 = arith.constant 1264 : index
    %swap3A_839 = tpu.vector_load %arg11[%swap3A_838] {strides = array<i32>} : memref<1536xi32, #tpu.memory_space<vmem>>, vector<16xi32>,
    tpu.vector_store %arg11[%swap3A_838], %add3A_837 {strides = array<i32>} : memref<1536xi32, #tpu.memory_space<vmem>>, vector<16xi32>,
    %add3A_840 = arith.constant 10000 : i32
    %add3A_841 = vector.broadcast %add3A_840 : i32 to vector<16xi32>
    %add3A_842 = arith.addi %add3A_841, %iota3A : vector<16xi32>
    %swap3A_843 = arith.constant 1264 : index
    %swap3A_844 = tpu.vector_load %arg12[%swap3A_843] {strides = array<i32>} : memref<1536xi32, #tpu.memory_space<vmem>>, vector<16xi32>,
    tpu.vector_store %arg12[%swap3A_843], %add3A_842 {strides = array<i32>} : memref<1536xi32, #tpu.memory_space<vmem>>, vector<16xi32>,
    %add3A_845 = arith.constant 320 : i32
    %add3A_846 = vector.broadcast %add3A_845 : i32 to vector<16xi32>
    %add3A_847 = arith.addi %add3A_846, %iota3A : vector<16xi32>
    %swap3A_848 = arith.constant 1280 : index
    %swap3A_849 = tpu.vector_load %arg11[%swap3A_848] {strides = array<i32>} : memref<1536xi32, #tpu.memory_space<vmem>>, vector<16xi32>,
    tpu.vector_store %arg11[%swap3A_848], %add3A_847 {strides = array<i32>} : memref<1536xi32, #tpu.memory_space<vmem>>, vector<16xi32>,
    %add3A_850 = arith.constant 10000 : i32
    %add3A_851 = vector.broadcast %add3A_850 : i32 to vector<16xi32>
    %add3A_852 = arith.addi %add3A_851, %iota3A : vector<16xi32>
    %swap3A_853 = arith.constant 1280 : index
    %swap3A_854 = tpu.vector_load %arg12[%swap3A_853] {strides = array<i32>} : memref<1536xi32, #tpu.memory_space<vmem>>, vector<16xi32>,
    tpu.vector_store %arg12[%swap3A_853], %add3A_852 {strides = array<i32>} : memref<1536xi32, #tpu.memory_space<vmem>>, vector<16xi32>,
    %add3A_855 = arith.constant 320 : i32
    %add3A_856 = vector.broadcast %add3A_855 : i32 to vector<16xi32>
    %add3A_857 = arith.addi %add3A_856, %iota3A : vector<16xi32>
    %swap3A_858 = arith.constant 1296 : index
    %swap3A_859 = tpu.vector_load %arg11[%swap3A_858] {strides = array<i32>} : memref<1536xi32, #tpu.memory_space<vmem>>, vector<16xi32>,
    tpu.vector_store %arg11[%swap3A_858], %add3A_857 {strides = array<i32>} : memref<1536xi32, #tpu.memory_space<vmem>>, vector<16xi32>,
    %add3A_860 = arith.constant 10000 : i32
    %add3A_861 = vector.broadcast %add3A_860 : i32 to vector<16xi32>
    %add3A_862 = arith.addi %add3A_861, %iota3A : vector<16xi32>
    %swap3A_863 = arith.constant 1296 : index
    %swap3A_864 = tpu.vector_load %arg12[%swap3A_863] {strides = array<i32>} : memref<1536xi32, #tpu.memory_space<vmem>>, vector<16xi32>,
    tpu.vector_store %arg12[%swap3A_863], %add3A_862 {strides = array<i32>} : memref<1536xi32, #tpu.memory_space<vmem>>, vector<16xi32>,
    %add3A_865 = arith.constant 320 : i32
    %add3A_866 = vector.broadcast %add3A_865 : i32 to vector<16xi32>
    %add3A_867 = arith.addi %add3A_866, %iota3A : vector<16xi32>
    %swap3A_868 = arith.constant 1312 : index
    %swap3A_869 = tpu.vector_load %arg11[%swap3A_868] {strides = array<i32>} : memref<1536xi32, #tpu.memory_space<vmem>>, vector<16xi32>,
    tpu.vector_store %arg11[%swap3A_868], %add3A_867 {strides = array<i32>} : memref<1536xi32, #tpu.memory_space<vmem>>, vector<16xi32>,
    %add3A_870 = arith.constant 10000 : i32
    %add3A_871 = vector.broadcast %add3A_870 : i32 to vector<16xi32>
    %add3A_872 = arith.addi %add3A_871, %iota3A : vector<16xi32>
    %swap3A_873 = arith.constant 1312 : index
    %swap3A_874 = tpu.vector_load %arg12[%swap3A_873] {strides = array<i32>} : memref<1536xi32, #tpu.memory_space<vmem>>, vector<16xi32>,
    tpu.vector_store %arg12[%swap3A_873], %add3A_872 {strides = array<i32>} : memref<1536xi32, #tpu.memory_space<vmem>>, vector<16xi32>,
    %add3A_875 = arith.constant 320 : i32
    %add3A_876 = vector.broadcast %add3A_875 : i32 to vector<16xi32>
    %add3A_877 = arith.addi %add3A_876, %iota3A : vector<16xi32>
    %swap3A_878 = arith.constant 1328 : index
    %swap3A_879 = tpu.vector_load %arg11[%swap3A_878] {strides = array<i32>} : memref<1536xi32, #tpu.memory_space<vmem>>, vector<16xi32>,
    tpu.vector_store %arg11[%swap3A_878], %add3A_877 {strides = array<i32>} : memref<1536xi32, #tpu.memory_space<vmem>>, vector<16xi32>,
    %add3A_880 = arith.constant 10000 : i32
    %add3A_881 = vector.broadcast %add3A_880 : i32 to vector<16xi32>
    %add3A_882 = arith.addi %add3A_881, %iota3A : vector<16xi32>
    %swap3A_883 = arith.constant 1328 : index
    %swap3A_884 = tpu.vector_load %arg12[%swap3A_883] {strides = array<i32>} : memref<1536xi32, #tpu.memory_space<vmem>>, vector<16xi32>,
    tpu.vector_store %arg12[%swap3A_883], %add3A_882 {strides = array<i32>} : memref<1536xi32, #tpu.memory_space<vmem>>, vector<16xi32>,
    %add3A_885 = arith.constant 320 : i32
    %add3A_886 = vector.broadcast %add3A_885 : i32 to vector<16xi32>
    %add3A_887 = arith.addi %add3A_886, %iota3A : vector<16xi32>
    %swap3A_888 = arith.constant 1344 : index
    %swap3A_889 = tpu.vector_load %arg11[%swap3A_888] {strides = array<i32>} : memref<1536xi32, #tpu.memory_space<vmem>>, vector<16xi32>,
    tpu.vector_store %arg11[%swap3A_888], %add3A_887 {strides = array<i32>} : memref<1536xi32, #tpu.memory_space<vmem>>, vector<16xi32>,
    %add3A_890 = arith.constant 10000 : i32
    %add3A_891 = vector.broadcast %add3A_890 : i32 to vector<16xi32>
    %add3A_892 = arith.addi %add3A_891, %iota3A : vector<16xi32>
    %swap3A_893 = arith.constant 1344 : index
    %swap3A_894 = tpu.vector_load %arg12[%swap3A_893] {strides = array<i32>} : memref<1536xi32, #tpu.memory_space<vmem>>, vector<16xi32>,
    tpu.vector_store %arg12[%swap3A_893], %add3A_892 {strides = array<i32>} : memref<1536xi32, #tpu.memory_space<vmem>>, vector<16xi32>,
    %add3A_895 = arith.constant 320 : i32
    %add3A_896 = vector.broadcast %add3A_895 : i32 to vector<16xi32>
    %add3A_897 = arith.addi %add3A_896, %iota3A : vector<16xi32>
    %swap3A_898 = arith.constant 1360 : index
    %swap3A_899 = tpu.vector_load %arg11[%swap3A_898] {strides = array<i32>} : memref<1536xi32, #tpu.memory_space<vmem>>, vector<16xi32>,
    tpu.vector_store %arg11[%swap3A_898], %add3A_897 {strides = array<i32>} : memref<1536xi32, #tpu.memory_space<vmem>>, vector<16xi32>,
    %add3A_900 = arith.constant 10000 : i32
    %add3A_901 = vector.broadcast %add3A_900 : i32 to vector<16xi32>
    %add3A_902 = arith.addi %add3A_901, %iota3A : vector<16xi32>
    %swap3A_903 = arith.constant 1360 : index
    %swap3A_904 = tpu.vector_load %arg12[%swap3A_903] {strides = array<i32>} : memref<1536xi32, #tpu.memory_space<vmem>>, vector<16xi32>,
    tpu.vector_store %arg12[%swap3A_903], %add3A_902 {strides = array<i32>} : memref<1536xi32, #tpu.memory_space<vmem>>, vector<16xi32>,
    %add3A_905 = arith.constant 320 : i32
    %add3A_906 = vector.broadcast %add3A_905 : i32 to vector<16xi32>
    %add3A_907 = arith.addi %add3A_906, %iota3A : vector<16xi32>
    %swap3A_908 = arith.constant 1376 : index
    %swap3A_909 = tpu.vector_load %arg11[%swap3A_908] {strides = array<i32>} : memref<1536xi32, #tpu.memory_space<vmem>>, vector<16xi32>,
    tpu.vector_store %arg11[%swap3A_908], %add3A_907 {strides = array<i32>} : memref<1536xi32, #tpu.memory_space<vmem>>, vector<16xi32>,
    %add3A_910 = arith.constant 10000 : i32
    %add3A_911 = vector.broadcast %add3A_910 : i32 to vector<16xi32>
    %add3A_912 = arith.addi %add3A_911, %iota3A : vector<16xi32>
    %swap3A_913 = arith.constant 1376 : index
    %swap3A_914 = tpu.vector_load %arg12[%swap3A_913] {strides = array<i32>} : memref<1536xi32, #tpu.memory_space<vmem>>, vector<16xi32>,
    tpu.vector_store %arg12[%swap3A_913], %add3A_912 {strides = array<i32>} : memref<1536xi32, #tpu.memory_space<vmem>>, vector<16xi32>,
    %add3A_915 = arith.constant 320 : i32
    %add3A_916 = vector.broadcast %add3A_915 : i32 to vector<16xi32>
    %add3A_917 = arith.addi %add3A_916, %iota3A : vector<16xi32>
    %swap3A_918 = arith.constant 1392 : index
    %swap3A_919 = tpu.vector_load %arg11[%swap3A_918] {strides = array<i32>} : memref<1536xi32, #tpu.memory_space<vmem>>, vector<16xi32>,
    tpu.vector_store %arg11[%swap3A_918], %add3A_917 {strides = array<i32>} : memref<1536xi32, #tpu.memory_space<vmem>>, vector<16xi32>,
    %add3A_920 = arith.constant 10000 : i32
    %add3A_921 = vector.broadcast %add3A_920 : i32 to vector<16xi32>
    %add3A_922 = arith.addi %add3A_921, %iota3A : vector<16xi32>
    %swap3A_923 = arith.constant 1392 : index
    %swap3A_924 = tpu.vector_load %arg12[%swap3A_923] {strides = array<i32>} : memref<1536xi32, #tpu.memory_space<vmem>>, vector<16xi32>,
    tpu.vector_store %arg12[%swap3A_923], %add3A_922 {strides = array<i32>} : memref<1536xi32, #tpu.memory_space<vmem>>, vector<16xi32>,
    %add3A_925 = arith.constant 320 : i32
    %add3A_926 = vector.broadcast %add3A_925 : i32 to vector<16xi32>
    %add3A_927 = arith.addi %add3A_926, %iota3A : vector<16xi32>
    %swap3A_928 = arith.constant 1408 : index
    %swap3A_929 = tpu.vector_load %arg11[%swap3A_928] {strides = array<i32>} : memref<1536xi32, #tpu.memory_space<vmem>>, vector<16xi32>,
    tpu.vector_store %arg11[%swap3A_928], %add3A_927 {strides = array<i32>} : memref<1536xi32, #tpu.memory_space<vmem>>, vector<16xi32>,
    %add3A_930 = arith.constant 10000 : i32
    %add3A_931 = vector.broadcast %add3A_930 : i32 to vector<16xi32>
    %add3A_932 = arith.addi %add3A_931, %iota3A : vector<16xi32>
    %swap3A_933 = arith.constant 1408 : index
    %swap3A_934 = tpu.vector_load %arg12[%swap3A_933] {strides = array<i32>} : memref<1536xi32, #tpu.memory_space<vmem>>, vector<16xi32>,
    tpu.vector_store %arg12[%swap3A_933], %add3A_932 {strides = array<i32>} : memref<1536xi32, #tpu.memory_space<vmem>>, vector<16xi32>,
    %add3A_935 = arith.constant 320 : i32
    %add3A_936 = vector.broadcast %add3A_935 : i32 to vector<16xi32>
    %add3A_937 = arith.addi %add3A_936, %iota3A : vector<16xi32>
    %swap3A_938 = arith.constant 1424 : index
    %swap3A_939 = tpu.vector_load %arg11[%swap3A_938] {strides = array<i32>} : memref<1536xi32, #tpu.memory_space<vmem>>, vector<16xi32>,
    tpu.vector_store %arg11[%swap3A_938], %add3A_937 {strides = array<i32>} : memref<1536xi32, #tpu.memory_space<vmem>>, vector<16xi32>,
    %add3A_940 = arith.constant 10000 : i32
    %add3A_941 = vector.broadcast %add3A_940 : i32 to vector<16xi32>
    %add3A_942 = arith.addi %add3A_941, %iota3A : vector<16xi32>
    %swap3A_943 = arith.constant 1424 : index
    %swap3A_944 = tpu.vector_load %arg12[%swap3A_943] {strides = array<i32>} : memref<1536xi32, #tpu.memory_space<vmem>>, vector<16xi32>,
    tpu.vector_store %arg12[%swap3A_943], %add3A_942 {strides = array<i32>} : memref<1536xi32, #tpu.memory_space<vmem>>, vector<16xi32>,
    %add3A_945 = arith.constant 320 : i32
    %add3A_946 = vector.broadcast %add3A_945 : i32 to vector<16xi32>
    %add3A_947 = arith.addi %add3A_946, %iota3A : vector<16xi32>
    %swap3A_948 = arith.constant 1440 : index
    %swap3A_949 = tpu.vector_load %arg11[%swap3A_948] {strides = array<i32>} : memref<1536xi32, #tpu.memory_space<vmem>>, vector<16xi32>,
    tpu.vector_store %arg11[%swap3A_948], %add3A_947 {strides = array<i32>} : memref<1536xi32, #tpu.memory_space<vmem>>, vector<16xi32>,
    %add3A_950 = arith.constant 10000 : i32
    %add3A_951 = vector.broadcast %add3A_950 : i32 to vector<16xi32>
    %add3A_952 = arith.addi %add3A_951, %iota3A : vector<16xi32>
    %swap3A_953 = arith.constant 1440 : index
    %swap3A_954 = tpu.vector_load %arg12[%swap3A_953] {strides = array<i32>} : memref<1536xi32, #tpu.memory_space<vmem>>, vector<16xi32>,
    tpu.vector_store %arg12[%swap3A_953], %add3A_952 {strides = array<i32>} : memref<1536xi32, #tpu.memory_space<vmem>>, vector<16xi32>,
    %add3A_955 = arith.constant 320 : i32
    %add3A_956 = vector.broadcast %add3A_955 : i32 to vector<16xi32>
    %add3A_957 = arith.addi %add3A_956, %iota3A : vector<16xi32>
    %swap3A_958 = arith.constant 1456 : index
    %swap3A_959 = tpu.vector_load %arg11[%swap3A_958] {strides = array<i32>} : memref<1536xi32, #tpu.memory_space<vmem>>, vector<16xi32>,
    tpu.vector_store %arg11[%swap3A_958], %add3A_957 {strides = array<i32>} : memref<1536xi32, #tpu.memory_space<vmem>>, vector<16xi32>,
    %add3A_960 = arith.constant 10000 : i32
    %add3A_961 = vector.broadcast %add3A_960 : i32 to vector<16xi32>
    %add3A_962 = arith.addi %add3A_961, %iota3A : vector<16xi32>
    %swap3A_963 = arith.constant 1456 : index
    %swap3A_964 = tpu.vector_load %arg12[%swap3A_963] {strides = array<i32>} : memref<1536xi32, #tpu.memory_space<vmem>>, vector<16xi32>,
    tpu.vector_store %arg12[%swap3A_963], %add3A_962 {strides = array<i32>} : memref<1536xi32, #tpu.memory_space<vmem>>, vector<16xi32>,
    %add3A_965 = arith.constant 320 : i32
    %add3A_966 = vector.broadcast %add3A_965 : i32 to vector<16xi32>
    %add3A_967 = arith.addi %add3A_966, %iota3A : vector<16xi32>
    %swap3A_968 = arith.constant 1472 : index
    %swap3A_969 = tpu.vector_load %arg11[%swap3A_968] {strides = array<i32>} : memref<1536xi32, #tpu.memory_space<vmem>>, vector<16xi32>,
    tpu.vector_store %arg11[%swap3A_968], %add3A_967 {strides = array<i32>} : memref<1536xi32, #tpu.memory_space<vmem>>, vector<16xi32>,
    %add3A_970 = arith.constant 10000 : i32
    %add3A_971 = vector.broadcast %add3A_970 : i32 to vector<16xi32>
    %add3A_972 = arith.addi %add3A_971, %iota3A : vector<16xi32>
    %swap3A_973 = arith.constant 1472 : index
    %swap3A_974 = tpu.vector_load %arg12[%swap3A_973] {strides = array<i32>} : memref<1536xi32, #tpu.memory_space<vmem>>, vector<16xi32>,
    tpu.vector_store %arg12[%swap3A_973], %add3A_972 {strides = array<i32>} : memref<1536xi32, #tpu.memory_space<vmem>>, vector<16xi32>,
    %add3A_975 = arith.constant 320 : i32
    %add3A_976 = vector.broadcast %add3A_975 : i32 to vector<16xi32>
    %add3A_977 = arith.addi %add3A_976, %iota3A : vector<16xi32>
    %swap3A_978 = arith.constant 1488 : index
    %swap3A_979 = tpu.vector_load %arg11[%swap3A_978] {strides = array<i32>} : memref<1536xi32, #tpu.memory_space<vmem>>, vector<16xi32>,
    tpu.vector_store %arg11[%swap3A_978], %add3A_977 {strides = array<i32>} : memref<1536xi32, #tpu.memory_space<vmem>>, vector<16xi32>,
    %add3A_980 = arith.constant 10000 : i32
    %add3A_981 = vector.broadcast %add3A_980 : i32 to vector<16xi32>
    %add3A_982 = arith.addi %add3A_981, %iota3A : vector<16xi32>
    %swap3A_983 = arith.constant 1488 : index
    %swap3A_984 = tpu.vector_load %arg12[%swap3A_983] {strides = array<i32>} : memref<1536xi32, #tpu.memory_space<vmem>>, vector<16xi32>,
    tpu.vector_store %arg12[%swap3A_983], %add3A_982 {strides = array<i32>} : memref<1536xi32, #tpu.memory_space<vmem>>, vector<16xi32>,
    %add3A_985 = arith.constant 320 : i32
    %add3A_986 = vector.broadcast %add3A_985 : i32 to vector<16xi32>
    %add3A_987 = arith.addi %add3A_986, %iota3A : vector<16xi32>
    %swap3A_988 = arith.constant 1504 : index
    %swap3A_989 = tpu.vector_load %arg11[%swap3A_988] {strides = array<i32>} : memref<1536xi32, #tpu.memory_space<vmem>>, vector<16xi32>,
    tpu.vector_store %arg11[%swap3A_988], %add3A_987 {strides = array<i32>} : memref<1536xi32, #tpu.memory_space<vmem>>, vector<16xi32>,
    %add3A_990 = arith.constant 10000 : i32
    %add3A_991 = vector.broadcast %add3A_990 : i32 to vector<16xi32>
    %add3A_992 = arith.addi %add3A_991, %iota3A : vector<16xi32>
    %swap3A_993 = arith.constant 1504 : index
    %swap3A_994 = tpu.vector_load %arg12[%swap3A_993] {strides = array<i32>} : memref<1536xi32, #tpu.memory_space<vmem>>, vector<16xi32>,
    tpu.vector_store %arg12[%swap3A_993], %add3A_992 {strides = array<i32>} : memref<1536xi32, #tpu.memory_space<vmem>>, vector<16xi32>,
    %add3A_995 = arith.constant 320 : i32
    %add3A_996 = vector.broadcast %add3A_995 : i32 to vector<16xi32>
    %add3A_997 = arith.addi %add3A_996, %iota3A : vector<16xi32>
    %swap3A_998 = arith.constant 1520 : index
    %swap3A_999 = tpu.vector_load %arg11[%swap3A_998] {strides = array<i32>} : memref<1536xi32, #tpu.memory_space<vmem>>, vector<16xi32>,
    tpu.vector_store %arg11[%swap3A_998], %add3A_997 {strides = array<i32>} : memref<1536xi32, #tpu.memory_space<vmem>>, vector<16xi32>,
    %add3A_1000 = arith.constant 10000 : i32
    %add3A_1001 = vector.broadcast %add3A_1000 : i32 to vector<16xi32>
    %add3A_1002 = arith.addi %add3A_1001, %iota3A : vector<16xi32>
    %swap3A_1003 = arith.constant 1520 : index
    %swap3A_1004 = tpu.vector_load %arg12[%swap3A_1003] {strides = array<i32>} : memref<1536xi32, #tpu.memory_space<vmem>>, vector<16xi32>,
    tpu.vector_store %arg12[%swap3A_1003], %add3A_1002 {strides = array<i32>} : memref<1536xi32, #tpu.memory_space<vmem>>, vector<16xi32>,
    %broadcast_in_dim3A_1005 = arith.constant 0.000000e+00 : f32
    %broadcast_in_dim3A_1006 = vector.broadcast %broadcast_in_dim3A_1005 : f32 to vector<16xf32>
    %scan3A = arith.constant 0 : i32
    %scan3A_1007 = arith.constant 0 : i32
    %scan3A_1008 = arith.constant 5376 : i32
    %scan3A_1009 = arith.addi %scan3A_1007, %scan3A_1008 : i32
    %scan3A_1010 = arith.constant 1 : i32
    %scan3A_1011 = scf.for %scan3A_1249 = %scan3A_1007 to %scan3A_1009 step %scan3A_1010 iter_args(%scan3A_1250 = %scan3A) -> (i32)  : i32 {
      %mul3A_1251 = arith.constant 16 : i32
      %mul3A_1252 = arith.muli %scan3A_1249, %mul3A_1251 : i32
      %add3A_1253 = vector.broadcast %mul3A_1252 : i32 to vector<16xi32>
      %add3A_1254 = arith.addi %add3A_1253, %iota3A : vector<16xi32>
      tpu.vector_store_idx %arg13[%add3A_1254], %broadcast_in_dim3A_1006 : memref<86016xf32, #tpu.memory_space<vmem>>[vector<16xi32>], vector<16xf32>,
      %scan3A_1255 = arith.constant 0 : i32
      scf.yield %scan3A_1255 : i32
    }
    %scan3A_1012 = arith.constant 5376 : i32
    %dma_start3A = arith.constant 0 : i32
    %dma_start3A_1013 = tpu.memref_slice %arg3[%dma_start3A] : memref<160000xi32, #tpu.memory_space<hbm>> -> memref<1280xi32, #tpu.memory_space<hbm>>
    %dma_start3A_1014 = arith.constant 0 : i32
    %dma_start3A_1015 = tpu.memref_slice %arg3[%dma_start3A_1014] : memref<160000xi32, #tpu.memory_space<hbm>> -> memref<1280xi32, #tpu.memory_space<hbm>>
    tpu.enqueue_dma source(%dma_start3A_1015 : memref<1280xi32, #tpu.memory_space<hbm>>) target(%arg7 : memref<1280xi32, #tpu.memory_space<vmem>>) target_semaphore(%arg18 : memref<!tpu.dma_semaphore, #tpu.memory_space<semaphore_mem>>)
    %dma_start3A_1016 = arith.constant 0 : i32
    %dma_start3A_1017 = tpu.memref_slice %arg4[%dma_start3A_1016] : memref<160000xi32, #tpu.memory_space<hbm>> -> memref<1280xi32, #tpu.memory_space<hbm>>
    %dma_start3A_1018 = arith.constant 0 : i32
    %dma_start3A_1019 = tpu.memref_slice %arg4[%dma_start3A_1018] : memref<160000xi32, #tpu.memory_space<hbm>> -> memref<1280xi32, #tpu.memory_space<hbm>>
    tpu.enqueue_dma source(%dma_start3A_1019 : memref<1280xi32, #tpu.memory_space<hbm>>) target(%arg8 : memref<1280xi32, #tpu.memory_space<vmem>>) target_semaphore(%arg18 : memref<!tpu.dma_semaphore, #tpu.memory_space<semaphore_mem>>)
    %scan3A_1020 = arith.constant 0 : i32
    %scan3A_1021 = arith.constant 62 : i32
    %scan3A_1022 = arith.addi %scan3A_1020, %scan3A_1021 : i32
    %scan3A_1023 = arith.constant 1 : i32
    %scan3A_1024 = scf.for %scan3A_1249 = %scan3A_1020 to %scan3A_1022 step %scan3A_1023 iter_args(%scan3A_1250 = %broadcast_in_dim3A_3) -> (vector<16xi32>)  : i32 {
      %mul3A_1251 = arith.constant 2 : i32
      %mul3A_1252 = arith.muli %mul3A_1251, %scan3A_1249 : i32
      %add3A_1253 = arith.constant 1 : i32
      %add3A_1254 = arith.addi %mul3A_1252, %add3A_1253 : i32
      %mul3A_1255 = arith.constant 1280 : i32
      %mul3A_1256 = arith.muli %add3A_1254, %mul3A_1255 : i32
      %dma_start3A_1257 = tpu.memref_slice %arg3[%mul3A_1256] : memref<160000xi32, #tpu.memory_space<hbm>> -> memref<1280xi32, #tpu.memory_space<hbm>>
      %dma_start3A_1258 = tpu.memref_slice %arg3[%mul3A_1256] : memref<160000xi32, #tpu.memory_space<hbm>> -> memref<1280xi32, #tpu.memory_space<hbm>>
      tpu.enqueue_dma source(%dma_start3A_1258 : memref<1280xi32, #tpu.memory_space<hbm>>) target(%arg9 : memref<1280xi32, #tpu.memory_space<vmem>>) target_semaphore(%arg19 : memref<!tpu.dma_semaphore, #tpu.memory_space<semaphore_mem>>)
      %dma_start3A_1259 = tpu.memref_slice %arg4[%mul3A_1256] : memref<160000xi32, #tpu.memory_space<hbm>> -> memref<1280xi32, #tpu.memory_space<hbm>>
      %dma_start3A_1260 = tpu.memref_slice %arg4[%mul3A_1256] : memref<160000xi32, #tpu.memory_space<hbm>> -> memref<1280xi32, #tpu.memory_space<hbm>>
      tpu.enqueue_dma source(%dma_start3A_1260 : memref<1280xi32, #tpu.memory_space<hbm>>) target(%arg10 : memref<1280xi32, #tpu.memory_space<vmem>>) target_semaphore(%arg19 : memref<!tpu.dma_semaphore, #tpu.memory_space<semaphore_mem>>)
      %mul3A_1261 = arith.constant 2 : i32
      %mul3A_1262 = arith.muli %mul3A_1261, %scan3A_1249 : i32
      %mul3A_1263 = arith.constant 1280 : i32
      %mul3A_1264 = arith.muli %mul3A_1262, %mul3A_1263 : i32
      %dma_wait3A_1265 = tpu.memref_slice %arg3[%mul3A_1264] : memref<160000xi32, #tpu.memory_space<hbm>> -> memref<1280xi32, #tpu.memory_space<hbm>>
      %dma_wait3A_1266 = tpu.memref_slice %arg3[%mul3A_1264] : memref<160000xi32, #tpu.memory_space<hbm>> -> memref<1280xi32, #tpu.memory_space<hbm>>
      tpu.wait_dma2 semaphore(%arg18 : memref<!tpu.dma_semaphore, #tpu.memory_space<semaphore_mem>>) src(%dma_wait3A_1266 : memref<1280xi32, #tpu.memory_space<hbm>>) dst(%arg7 : memref<1280xi32, #tpu.memory_space<vmem>>)
      %dma_wait3A_1267 = tpu.memref_slice %arg4[%mul3A_1264] : memref<160000xi32, #tpu.memory_space<hbm>> -> memref<1280xi32, #tpu.memory_space<hbm>>
      %dma_wait3A_1268 = tpu.memref_slice %arg4[%mul3A_1264] : memref<160000xi32, #tpu.memory_space<hbm>> -> memref<1280xi32, #tpu.memory_space<hbm>>
      tpu.wait_dma2 semaphore(%arg18 : memref<!tpu.dma_semaphore, #tpu.memory_space<semaphore_mem>>) src(%dma_wait3A_1268 : memref<1280xi32, #tpu.memory_space<hbm>>) dst(%arg8 : memref<1280xi32, #tpu.memory_space<vmem>>)
      %scan3A_1269 = arith.constant 0 : i32
      %scan3A_1270 = arith.constant 20 : i32
      %scan3A_1271 = arith.addi %scan3A_1269, %scan3A_1270 : i32
      %scan3A_1272 = arith.constant 1 : i32
      %scan3A_1273 = scf.for %scan3A_1425 = %scan3A_1269 to %scan3A_1271 step %scan3A_1272 iter_args(%scan3A_1426 = %scan3A_1250) -> (vector<16xi32>)  : i32 {
        %mul3A_1427 = arith.constant 4 : i32
        %mul3A_1428 = arith.muli %scan3A_1425, %mul3A_1427 : i32
        %add3A_1429 = arith.constant 0 : i32
        %add3A_1430 = arith.addi %mul3A_1428, %add3A_1429 : i32
        %mul3A_1431 = arith.constant 16 : i32
        %mul3A_1432 = arith.muli %add3A_1430, %mul3A_1431 : i32
        %add3A_1433 = vector.broadcast %mul3A_1432 : i32 to vector<16xi32>
        %add3A_1434 = arith.addi %add3A_1433, %iota3A : vector<16xi32>
        %gather3A_1435 = tpu.vector_load_idx %arg7[%add3A_1434] : memref<1280xi32, #tpu.memory_space<vmem>>[vector<16xi32>], vector<16xi32>,
        %gather3A_1436 = tpu.vector_load_idx %arg8[%add3A_1434] : memref<1280xi32, #tpu.memory_space<vmem>>[vector<16xi32>], vector<16xi32>,
        %sub3A = vector.broadcast %mul3A_2 : i32 to vector<16xi32>
        %sub3A_1437 = arith.subi %gather3A_1435, %sub3A : vector<16xi32>
        %ge3A = arith.constant 0 : i32
        %ge3A_1438 = vector.broadcast %ge3A : i32 to vector<16xi32>
        %ge3A_1439 = arith.cmpi sge, %sub3A_1437, %ge3A_1438 : vector<16xi32>
        %lt3A_1440 = arith.constant 320 : i32
        %lt3A_1441 = vector.broadcast %lt3A_1440 : i32 to vector<16xi32>
        %lt3A_1442 = arith.cmpi slt, %sub3A_1437, %lt3A_1441 : vector<16xi32>
        %and3A_1443 = arith.andi %ge3A_1439, %lt3A_1442 : vector<16xi1>
        %jit3A = arith.constant 1 : i32
        %jit3A_1444 = arith.constant 0 : i32
        %broadcast_in_dim3A_1445 = vector.broadcast %jit3A : i32 to vector<16xi32>
        %broadcast_in_dim3A_1446 = vector.broadcast %jit3A_1444 : i32 to vector<16xi32>
        %select_n3A_1447 = arith.select %and3A_1443, %broadcast_in_dim3A_1445, %broadcast_in_dim3A_1446 : vector<16xi1>, vector<16xi32>
        %broadcast_in_dim3A_1448 = arith.constant true
        %broadcast_in_dim3A_1449 = vector.broadcast %broadcast_in_dim3A_1448 : i1 to vector<16xi1>
        %masked_cumsum3A = tpu.scan <sum>, %select_n3A_1447 masked %broadcast_in_dim3A_1449 : vector<16xi32>, vector<16xi1> -> vector<16xi32>
        %all_reduce_population_count3A = tpu.all_reduce %and3A_1443 {dim = 0 : i64, kind = #tpu.reduction_kind<sum>} : vector<16xi1> -> vector<16xi32>
        %mul3A_1450 = arith.constant 4 : i32
        %mul3A_1451 = arith.muli %scan3A_1425, %mul3A_1450 : i32
        %add3A_1452 = arith.constant 1 : i32
        %add3A_1453 = arith.addi %mul3A_1451, %add3A_1452 : i32
        %mul3A_1454 = arith.constant 16 : i32
        %mul3A_1455 = arith.muli %add3A_1453, %mul3A_1454 : i32
        %add3A_1456 = vector.broadcast %mul3A_1455 : i32 to vector<16xi32>
        %add3A_1457 = arith.addi %add3A_1456, %iota3A : vector<16xi32>
        %gather3A_1458 = tpu.vector_load_idx %arg7[%add3A_1457] : memref<1280xi32, #tpu.memory_space<vmem>>[vector<16xi32>], vector<16xi32>,
        %gather3A_1459 = tpu.vector_load_idx %arg8[%add3A_1457] : memref<1280xi32, #tpu.memory_space<vmem>>[vector<16xi32>], vector<16xi32>,
        %sub3A_1460 = vector.broadcast %mul3A_2 : i32 to vector<16xi32>
        %sub3A_1461 = arith.subi %gather3A_1458, %sub3A_1460 : vector<16xi32>
        %ge3A_1462 = arith.constant 0 : i32
        %ge3A_1463 = vector.broadcast %ge3A_1462 : i32 to vector<16xi32>
        %ge3A_1464 = arith.cmpi sge, %sub3A_1461, %ge3A_1463 : vector<16xi32>
        %lt3A_1465 = arith.constant 320 : i32
        %lt3A_1466 = vector.broadcast %lt3A_1465 : i32 to vector<16xi32>
        %lt3A_1467 = arith.cmpi slt, %sub3A_1461, %lt3A_1466 : vector<16xi32>
        %and3A_1468 = arith.andi %ge3A_1464, %lt3A_1467 : vector<16xi1>
        %jit3A_1469 = arith.constant 1 : i32
        %jit3A_1470 = arith.constant 0 : i32
        %broadcast_in_dim3A_1471 = vector.broadcast %jit3A_1469 : i32 to vector<16xi32>
        %broadcast_in_dim3A_1472 = vector.broadcast %jit3A_1470 : i32 to vector<16xi32>
        %select_n3A_1473 = arith.select %and3A_1468, %broadcast_in_dim3A_1471, %broadcast_in_dim3A_1472 : vector<16xi1>, vector<16xi32>
        %broadcast_in_dim3A_1474 = arith.constant true
        %broadcast_in_dim3A_1475 = vector.broadcast %broadcast_in_dim3A_1474 : i1 to vector<16xi1>
        %masked_cumsum3A_1476 = tpu.scan <sum>, %select_n3A_1473 masked %broadcast_in_dim3A_1475 : vector<16xi32>, vector<16xi1> -> vector<16xi32>
        %all_reduce_population_count3A_1477 = tpu.all_reduce %and3A_1468 {dim = 0 : i64, kind = #tpu.reduction_kind<sum>} : vector<16xi1> -> vector<16xi32>
        %mul3A_1478 = arith.constant 4 : i32
        %mul3A_1479 = arith.muli %scan3A_1425, %mul3A_1478 : i32
        %add3A_1480 = arith.constant 2 : i32
        %add3A_1481 = arith.addi %mul3A_1479, %add3A_1480 : i32
        %mul3A_1482 = arith.constant 16 : i32
        %mul3A_1483 = arith.muli %add3A_1481, %mul3A_1482 : i32
        %add3A_1484 = vector.broadcast %mul3A_1483 : i32 to vector<16xi32>
        %add3A_1485 = arith.addi %add3A_1484, %iota3A : vector<16xi32>
        %gather3A_1486 = tpu.vector_load_idx %arg7[%add3A_1485] : memref<1280xi32, #tpu.memory_space<vmem>>[vector<16xi32>], vector<16xi32>,
        %gather3A_1487 = tpu.vector_load_idx %arg8[%add3A_1485] : memref<1280xi32, #tpu.memory_space<vmem>>[vector<16xi32>], vector<16xi32>,
        %sub3A_1488 = vector.broadcast %mul3A_2 : i32 to vector<16xi32>
        %sub3A_1489 = arith.subi %gather3A_1486, %sub3A_1488 : vector<16xi32>
        %ge3A_1490 = arith.constant 0 : i32
        %ge3A_1491 = vector.broadcast %ge3A_1490 : i32 to vector<16xi32>
        %ge3A_1492 = arith.cmpi sge, %sub3A_1489, %ge3A_1491 : vector<16xi32>
        %lt3A_1493 = arith.constant 320 : i32
        %lt3A_1494 = vector.broadcast %lt3A_1493 : i32 to vector<16xi32>
        %lt3A_1495 = arith.cmpi slt, %sub3A_1489, %lt3A_1494 : vector<16xi32>
        %and3A_1496 = arith.andi %ge3A_1492, %lt3A_1495 : vector<16xi1>
        %jit3A_1497 = arith.constant 1 : i32
        %jit3A_1498 = arith.constant 0 : i32
        %broadcast_in_dim3A_1499 = vector.broadcast %jit3A_1497 : i32 to vector<16xi32>
        %broadcast_in_dim3A_1500 = vector.broadcast %jit3A_1498 : i32 to vector<16xi32>
        %select_n3A_1501 = arith.select %and3A_1496, %broadcast_in_dim3A_1499, %broadcast_in_dim3A_1500 : vector<16xi1>, vector<16xi32>
        %broadcast_in_dim3A_1502 = arith.constant true
        %broadcast_in_dim3A_1503 = vector.broadcast %broadcast_in_dim3A_1502 : i1 to vector<16xi1>
        %masked_cumsum3A_1504 = tpu.scan <sum>, %select_n3A_1501 masked %broadcast_in_dim3A_1503 : vector<16xi32>, vector<16xi1> -> vector<16xi32>
        %all_reduce_population_count3A_1505 = tpu.all_reduce %and3A_1496 {dim = 0 : i64, kind = #tpu.reduction_kind<sum>} : vector<16xi1> -> vector<16xi32>
        %mul3A_1506 = arith.constant 4 : i32
        %mul3A_1507 = arith.muli %scan3A_1425, %mul3A_1506 : i32
        %add3A_1508 = arith.constant 3 : i32
        %add3A_1509 = arith.addi %mul3A_1507, %add3A_1508 : i32
        %mul3A_1510 = arith.constant 16 : i32
        %mul3A_1511 = arith.muli %add3A_1509, %mul3A_1510 : i32
        %add3A_1512 = vector.broadcast %mul3A_1511 : i32 to vector<16xi32>
        %add3A_1513 = arith.addi %add3A_1512, %iota3A : vector<16xi32>
        %gather3A_1514 = tpu.vector_load_idx %arg7[%add3A_1513] : memref<1280xi32, #tpu.memory_space<vmem>>[vector<16xi32>], vector<16xi32>,
        %gather3A_1515 = tpu.vector_load_idx %arg8[%add3A_1513] : memref<1280xi32, #tpu.memory_space<vmem>>[vector<16xi32>], vector<16xi32>,
        %sub3A_1516 = vector.broadcast %mul3A_2 : i32 to vector<16xi32>
        %sub3A_1517 = arith.subi %gather3A_1514, %sub3A_1516 : vector<16xi32>
        %ge3A_1518 = arith.constant 0 : i32
        %ge3A_1519 = vector.broadcast %ge3A_1518 : i32 to vector<16xi32>
        %ge3A_1520 = arith.cmpi sge, %sub3A_1517, %ge3A_1519 : vector<16xi32>
        %lt3A_1521 = arith.constant 320 : i32
        %lt3A_1522 = vector.broadcast %lt3A_1521 : i32 to vector<16xi32>
        %lt3A_1523 = arith.cmpi slt, %sub3A_1517, %lt3A_1522 : vector<16xi32>
        %and3A_1524 = arith.andi %ge3A_1520, %lt3A_1523 : vector<16xi1>
        %jit3A_1525 = arith.constant 1 : i32
        %jit3A_1526 = arith.constant 0 : i32
        %broadcast_in_dim3A_1527 = vector.broadcast %jit3A_1525 : i32 to vector<16xi32>
        %broadcast_in_dim3A_1528 = vector.broadcast %jit3A_1526 : i32 to vector<16xi32>
        %select_n3A_1529 = arith.select %and3A_1524, %broadcast_in_dim3A_1527, %broadcast_in_dim3A_1528 : vector<16xi1>, vector<16xi32>
        %broadcast_in_dim3A_1530 = arith.constant true
        %broadcast_in_dim3A_1531 = vector.broadcast %broadcast_in_dim3A_1530 : i1 to vector<16xi1>
        %masked_cumsum3A_1532 = tpu.scan <sum>, %select_n3A_1529 masked %broadcast_in_dim3A_1531 : vector<16xi32>, vector<16xi1> -> vector<16xi32>
        %all_reduce_population_count3A_1533 = tpu.all_reduce %and3A_1524 {dim = 0 : i64, kind = #tpu.reduction_kind<sum>} : vector<16xi1> -> vector<16xi32>
        %add3A_1534 = arith.addi %scan3A_1426, %masked_cumsum3A : vector<16xi32>
        %sub3A_1535 = arith.constant 1 : i32
        %sub3A_1536 = vector.broadcast %sub3A_1535 : i32 to vector<16xi32>
        %sub3A_1537 = arith.subi %add3A_1534, %sub3A_1536 : vector<16xi32>
        tpu.vector_store_idx %arg11[%sub3A_1537], %sub3A_1437 masked %and3A_1443 : memref<1536xi32, #tpu.memory_space<vmem>>[vector<16xi32>], vector<16xi32>, vector<16xi1>
        tpu.vector_store_idx %arg12[%sub3A_1537], %gather3A_1436 masked %and3A_1443 : memref<1536xi32, #tpu.memory_space<vmem>>[vector<16xi32>], vector<16xi32>, vector<16xi1>
        %add3A_1538 = arith.addi %scan3A_1426, %all_reduce_population_count3A : vector<16xi32>
        %add3A_1539 = arith.addi %add3A_1538, %masked_cumsum3A_1476 : vector<16xi32>
        %sub3A_1540 = arith.constant 1 : i32
        %sub3A_1541 = vector.broadcast %sub3A_1540 : i32 to vector<16xi32>
        %sub3A_1542 = arith.subi %add3A_1539, %sub3A_1541 : vector<16xi32>
        tpu.vector_store_idx %arg11[%sub3A_1542], %sub3A_1461 masked %and3A_1468 : memref<1536xi32, #tpu.memory_space<vmem>>[vector<16xi32>], vector<16xi32>, vector<16xi1>
        tpu.vector_store_idx %arg12[%sub3A_1542], %gather3A_1459 masked %and3A_1468 : memref<1536xi32, #tpu.memory_space<vmem>>[vector<16xi32>], vector<16xi32>, vector<16xi1>
        %add3A_1543 = arith.addi %add3A_1538, %all_reduce_population_count3A_1477 : vector<16xi32>
        %add3A_1544 = arith.addi %add3A_1543, %masked_cumsum3A_1504 : vector<16xi32>
        %sub3A_1545 = arith.constant 1 : i32
        %sub3A_1546 = vector.broadcast %sub3A_1545 : i32 to vector<16xi32>
        %sub3A_1547 = arith.subi %add3A_1544, %sub3A_1546 : vector<16xi32>
        tpu.vector_store_idx %arg11[%sub3A_1547], %sub3A_1489 masked %and3A_1496 : memref<1536xi32, #tpu.memory_space<vmem>>[vector<16xi32>], vector<16xi32>, vector<16xi1>
        tpu.vector_store_idx %arg12[%sub3A_1547], %gather3A_1487 masked %and3A_1496 : memref<1536xi32, #tpu.memory_space<vmem>>[vector<16xi32>], vector<16xi32>, vector<16xi1>
        %add3A_1548 = arith.addi %add3A_1543, %all_reduce_population_count3A_1505 : vector<16xi32>
        %add3A_1549 = arith.addi %add3A_1548, %masked_cumsum3A_1532 : vector<16xi32>
        %sub3A_1550 = arith.constant 1 : i32
        %sub3A_1551 = vector.broadcast %sub3A_1550 : i32 to vector<16xi32>
        %sub3A_1552 = arith.subi %add3A_1549, %sub3A_1551 : vector<16xi32>
        tpu.vector_store_idx %arg11[%sub3A_1552], %sub3A_1517 masked %and3A_1524 : memref<1536xi32, #tpu.memory_space<vmem>>[vector<16xi32>], vector<16xi32>, vector<16xi1>
        tpu.vector_store_idx %arg12[%sub3A_1552], %gather3A_1515 masked %and3A_1524 : memref<1536xi32, #tpu.memory_space<vmem>>[vector<16xi32>], vector<16xi32>, vector<16xi1>
        %add3A_1553 = arith.addi %add3A_1548, %all_reduce_population_count3A_1533 : vector<16xi32>
        scf.yield %add3A_1553 : vector<16xi32>
      }
      %scan3A_1274 = arith.constant 20 : i32
      %reduce_max3A_1275 = arith.constant true
      %reduce_max3A_1276 = vector.broadcast %reduce_max3A_1275 : i1 to vector<16xi1>
      %reduce_max3A_1277 = arith.constant -2147483648 : i32
      %reduce_max3A_1278 = vector.broadcast %reduce_max3A_1277 : i32 to vector<16xi32>
      %reduce_max3A_1279 = arith.xori %scan3A_1273, %reduce_max3A_1278 : vector<16xi32>
      %reduce_max3A_1280 = tpu.scan <max>, %reduce_max3A_1279 masked %reduce_max3A_1276 : vector<16xi32>, vector<16xi1> -> vector<16xi32>
      %reduce_max3A_1281 = arith.xori %reduce_max3A_1280, %reduce_max3A_1278 : vector<16xi32>
      %reduce_max3A_1282 = vector.extract %reduce_max3A_1281[15] : i32 from vector<16xi32>
      %shift_right_arithmetic3A_1283 = arith.constant 4 : i32
      %shift_right_arithmetic3A_1284 = arith.shrsi %reduce_max3A_1282, %shift_right_arithmetic3A_1283 : i32
      %dma_start3A_1285 = arith.constant 0 : i32
      %dma_start3A_1286 = tpu.memref_slice %arg12[%dma_start3A_1285] : memref<1536xi32, #tpu.memory_space<vmem>> -> memref<16xi32, #tpu.memory_space<vmem>>
      %dma_start3A_1287 = arith.constant 0 : i32
      %dma_start3A_1288 = arith.constant 0 : i32
      %dma_start3A_1289 = tpu.memref_slice %arg2[%dma_start3A_1287, %dma_start3A_1288] : memref<10064x256xf32, #tpu.memory_space<hbm>> -> memref<10064x256xf32, #tpu.memory_space<hbm>>
      tpu.enqueue_indirect_dma source(%dma_start3A_1289 : memref<10064x256xf32, #tpu.memory_space<hbm>>) target(%arg14 : memref<16x256xf32, #tpu.memory_space<vmem>>) offsets(%dma_start3A_1286 : memref<16xi32, #tpu.memory_space<vmem>>) semaphore(%arg20 : memref<!tpu.dma_semaphore, #tpu.memory_space<semaphore_mem>>)
      %shift_right_arithmetic3A_1290 = arith.constant 1 : i32
      %shift_right_arithmetic3A_1291 = arith.shrsi %shift_right_arithmetic3A_1284, %shift_right_arithmetic3A_1290 : i32
      %while3A_1292 = arith.constant 0 : i32
      %while3A_1293 = arith.constant 0 : i32
      %while3A_1294 = arith.subi %shift_right_arithmetic3A_1291, %while3A_1292 : i32
      %while3A_1295 = arith.addi %while3A_1292, %while3A_1294 : i32
      %while3A_1296 = arith.constant 1 : i32
      %while3A_1297 = arith.divsi %while3A_1294, %while3A_1296 : i32
      %while3A_1298 = arith.muli %while3A_1297, %while3A_1296 : i32
      %while3A_1299 = arith.addi %while3A_1292, %while3A_1298 : i32
      %while3A_1300 = arith.constant 1 : i32
      %while3A_1301 = scf.for %while3A_1425 = %while3A_1292 to %while3A_1299 step %while3A_1300 iter_args(%while3A_1426 = %while3A_1293) -> (i32)  : i32 {
        %mul3A_1427 = arith.constant 2 : i32
        %mul3A_1428 = arith.muli %mul3A_1427, %while3A_1425 : i32
        %add3A_1429 = arith.constant 1 : i32
        %add3A_1430 = arith.addi %mul3A_1428, %add3A_1429 : i32
        %mul3A_1431 = arith.constant 16 : i32
        %mul3A_1432 = arith.muli %add3A_1430, %mul3A_1431 : i32
        %dma_start3A_1433 = tpu.memref_slice %arg12[%mul3A_1432] : memref<1536xi32, #tpu.memory_space<vmem>> -> memref<16xi32, #tpu.memory_space<vmem>>
        %dma_start3A_1434 = arith.constant 0 : i32
        %dma_start3A_1435 = arith.constant 0 : i32
        %dma_start3A_1436 = tpu.memref_slice %arg2[%dma_start3A_1434, %dma_start3A_1435] : memref<10064x256xf32, #tpu.memory_space<hbm>> -> memref<10064x256xf32, #tpu.memory_space<hbm>>
        tpu.enqueue_indirect_dma source(%dma_start3A_1436 : memref<10064x256xf32, #tpu.memory_space<hbm>>) target(%arg15 : memref<16x256xf32, #tpu.memory_space<vmem>>) offsets(%dma_start3A_1433 : memref<16xi32, #tpu.memory_space<vmem>>) semaphore(%arg20 : memref<!tpu.dma_semaphore, #tpu.memory_space<semaphore_mem>>)
        %mul3A_1437 = arith.constant 2 : i32
        %mul3A_1438 = arith.muli %mul3A_1437, %while3A_1425 : i32
        %mul3A_1439 = arith.constant 16 : i32
        %mul3A_1440 = arith.muli %mul3A_1438, %mul3A_1439 : i32
        %dma_wait3A_1441 = tpu.memref_slice %arg12[%mul3A_1440] : memref<1536xi32, #tpu.memory_space<vmem>> -> memref<16xi32, #tpu.memory_space<vmem>>
        %dma_wait3A_1442 = arith.constant 0 : i32
        %dma_wait3A_1443 = arith.constant 0 : i32
        %dma_wait3A_1444 = tpu.memref_slice %arg2[%dma_wait3A_1442, %dma_wait3A_1443] : memref<10064x256xf32, #tpu.memory_space<hbm>> -> memref<10064x256xf32, #tpu.memory_space<hbm>>
        tpu.wait_indirect_dma semaphore(%arg20 : memref<!tpu.dma_semaphore, #tpu.memory_space<semaphore_mem>>) src(%dma_wait3A_1444 : memref<10064x256xf32, #tpu.memory_space<hbm>>) dst(%arg14 : memref<16x256xf32, #tpu.memory_space<vmem>>)
        %mul3A_1445 = arith.constant 2 : i32
        %mul3A_1446 = arith.muli %mul3A_1445, %while3A_1425 : i32
        %mul3A_1447 = arith.constant 16 : i32
        %mul3A_1448 = arith.muli %mul3A_1446, %mul3A_1447 : i32
        %add3A_1449 = vector.broadcast %mul3A_1448 : i32 to vector<16xi32>
        %add3A_1450 = arith.addi %add3A_1449, %iota3A : vector<16xi32>
        %gather3A_1451 = tpu.vector_load_idx %arg11[%add3A_1450] : memref<1536xi32, #tpu.memory_space<vmem>>[vector<16xi32>], vector<16xi32>,
        %broadcast_in_dim3A_1452 = arith.constant true
        %broadcast_in_dim3A_1453 = vector.broadcast %broadcast_in_dim3A_1452 : i1 to vector<16xi1>
        %unique3A, %unique3A_1454 = tpu.scan_count mask(%broadcast_in_dim3A_1453 : vector<16xi1>) value(%gather3A_1451 : vector<16xi32>) : vector<16xi1>, vector<16xi32>
        %gather3A_1455 = tpu.vector_load_idx %arg16[%gather3A_1451] : memref<336xi32, #tpu.memory_space<vmem>>[vector<16xi32>], vector<16xi32>,
        %add3A_1456 = arith.addi %gather3A_1455, %unique3A_1454 : vector<16xi32>
        tpu.vector_store_idx %arg16[%gather3A_1451], %add3A_1456 masked %unique3A : memref<336xi32, #tpu.memory_space<vmem>>[vector<16xi32>], vector<16xi32>, vector<16xi1>
        %mul3A_1457 = arith.constant 2 : i32
        %mul3A_1458 = arith.muli %mul3A_1457, %while3A_1425 : i32
        %add3A_1459 = arith.constant 2 : i32
        %add3A_1460 = arith.addi %mul3A_1458, %add3A_1459 : i32
        %mul3A_1461 = arith.constant 16 : i32
        %mul3A_1462 = arith.muli %add3A_1460, %mul3A_1461 : i32
        %dma_start3A_1463 = tpu.memref_slice %arg12[%mul3A_1462] : memref<1536xi32, #tpu.memory_space<vmem>> -> memref<16xi32, #tpu.memory_space<vmem>>
        %dma_start3A_1464 = arith.constant 0 : i32
        %dma_start3A_1465 = arith.constant 0 : i32
        %dma_start3A_1466 = tpu.memref_slice %arg2[%dma_start3A_1464, %dma_start3A_1465] : memref<10064x256xf32, #tpu.memory_space<hbm>> -> memref<10064x256xf32, #tpu.memory_space<hbm>>
        tpu.enqueue_indirect_dma source(%dma_start3A_1466 : memref<10064x256xf32, #tpu.memory_space<hbm>>) target(%arg14 : memref<16x256xf32, #tpu.memory_space<vmem>>) offsets(%dma_start3A_1463 : memref<16xi32, #tpu.memory_space<vmem>>) semaphore(%arg20 : memref<!tpu.dma_semaphore, #tpu.memory_space<semaphore_mem>>)
        %mul3A_1467 = arith.constant 2 : i32
        %mul3A_1468 = arith.muli %mul3A_1467, %while3A_1425 : i32
        %add3A_1469 = arith.constant 1 : i32
        %add3A_1470 = arith.addi %mul3A_1468, %add3A_1469 : i32
        %mul3A_1471 = arith.constant 16 : i32
        %mul3A_1472 = arith.muli %add3A_1470, %mul3A_1471 : i32
        %dma_wait3A_1473 = tpu.memref_slice %arg12[%mul3A_1472] : memref<1536xi32, #tpu.memory_space<vmem>> -> memref<16xi32, #tpu.memory_space<vmem>>
        %dma_wait3A_1474 = arith.constant 0 : i32
        %dma_wait3A_1475 = arith.constant 0 : i32
        %dma_wait3A_1476 = tpu.memref_slice %arg2[%dma_wait3A_1474, %dma_wait3A_1475] : memref<10064x256xf32, #tpu.memory_space<hbm>> -> memref<10064x256xf32, #tpu.memory_space<hbm>>
        tpu.wait_indirect_dma semaphore(%arg20 : memref<!tpu.dma_semaphore, #tpu.memory_space<semaphore_mem>>) src(%dma_wait3A_1476 : memref<10064x256xf32, #tpu.memory_space<hbm>>) dst(%arg15 : memref<16x256xf32, #tpu.memory_space<vmem>>)
        %mul3A_1477 = arith.constant 2 : i32
        %mul3A_1478 = arith.muli %mul3A_1477, %while3A_1425 : i32
        %add3A_1479 = arith.constant 1 : i32
        %add3A_1480 = arith.addi %mul3A_1478, %add3A_1479 : i32
        %mul3A_1481 = arith.constant 16 : i32
        %mul3A_1482 = arith.muli %add3A_1480, %mul3A_1481 : i32
        %add3A_1483 = vector.broadcast %mul3A_1482 : i32 to vector<16xi32>
        %add3A_1484 = arith.addi %add3A_1483, %iota3A : vector<16xi32>
        %gather3A_1485 = tpu.vector_load_idx %arg11[%add3A_1484] : memref<1536xi32, #tpu.memory_space<vmem>>[vector<16xi32>], vector<16xi32>,
        %broadcast_in_dim3A_1486 = arith.constant true
        %broadcast_in_dim3A_1487 = vector.broadcast %broadcast_in_dim3A_1486 : i1 to vector<16xi1>
        %unique3A_1488, %unique3A_1489 = tpu.scan_count mask(%broadcast_in_dim3A_1487 : vector<16xi1>) value(%gather3A_1485 : vector<16xi32>) : vector<16xi1>, vector<16xi32>
        %gather3A_1490 = tpu.vector_load_idx %arg16[%gather3A_1485] : memref<336xi32, #tpu.memory_space<vmem>>[vector<16xi32>], vector<16xi32>,
        %add3A_1491 = arith.addi %gather3A_1490, %unique3A_1489 : vector<16xi32>
        tpu.vector_store_idx %arg16[%gather3A_1485], %add3A_1491 masked %unique3A_1488 : memref<336xi32, #tpu.memory_space<vmem>>[vector<16xi32>], vector<16xi32>, vector<16xi1>
        %while3A_1492 = arith.constant 0 : i32
        scf.yield %while3A_1492 : i32
      }
      %while3A_1302 = arith.constant 1 : i32
      %while3A_1303 = scf.for %while3A_1425 = %while3A_1299 to %while3A_1295 step %while3A_1302 iter_args(%while3A_1426 = %while3A_1301) -> (i32)  : i32 {
        %mul3A_1427 = arith.constant 2 : i32
        %mul3A_1428 = arith.muli %mul3A_1427, %while3A_1425 : i32
        %add3A_1429 = arith.constant 1 : i32
        %add3A_1430 = arith.addi %mul3A_1428, %add3A_1429 : i32
        %mul3A_1431 = arith.constant 16 : i32
        %mul3A_1432 = arith.muli %add3A_1430, %mul3A_1431 : i32
        %dma_start3A_1433 = tpu.memref_slice %arg12[%mul3A_1432] : memref<1536xi32, #tpu.memory_space<vmem>> -> memref<16xi32, #tpu.memory_space<vmem>>
        %dma_start3A_1434 = arith.constant 0 : i32
        %dma_start3A_1435 = arith.constant 0 : i32
        %dma_start3A_1436 = tpu.memref_slice %arg2[%dma_start3A_1434, %dma_start3A_1435] : memref<10064x256xf32, #tpu.memory_space<hbm>> -> memref<10064x256xf32, #tpu.memory_space<hbm>>
        tpu.enqueue_indirect_dma source(%dma_start3A_1436 : memref<10064x256xf32, #tpu.memory_space<hbm>>) target(%arg15 : memref<16x256xf32, #tpu.memory_space<vmem>>) offsets(%dma_start3A_1433 : memref<16xi32, #tpu.memory_space<vmem>>) semaphore(%arg20 : memref<!tpu.dma_semaphore, #tpu.memory_space<semaphore_mem>>)
        %mul3A_1437 = arith.constant 2 : i32
        %mul3A_1438 = arith.muli %mul3A_1437, %while3A_1425 : i32
        %mul3A_1439 = arith.constant 16 : i32
        %mul3A_1440 = arith.muli %mul3A_1438, %mul3A_1439 : i32
        %dma_wait3A_1441 = tpu.memref_slice %arg12[%mul3A_1440] : memref<1536xi32, #tpu.memory_space<vmem>> -> memref<16xi32, #tpu.memory_space<vmem>>
        %dma_wait3A_1442 = arith.constant 0 : i32
        %dma_wait3A_1443 = arith.constant 0 : i32
        %dma_wait3A_1444 = tpu.memref_slice %arg2[%dma_wait3A_1442, %dma_wait3A_1443] : memref<10064x256xf32, #tpu.memory_space<hbm>> -> memref<10064x256xf32, #tpu.memory_space<hbm>>
        tpu.wait_indirect_dma semaphore(%arg20 : memref<!tpu.dma_semaphore, #tpu.memory_space<semaphore_mem>>) src(%dma_wait3A_1444 : memref<10064x256xf32, #tpu.memory_space<hbm>>) dst(%arg14 : memref<16x256xf32, #tpu.memory_space<vmem>>)
        %mul3A_1445 = arith.constant 2 : i32
        %mul3A_1446 = arith.muli %mul3A_1445, %while3A_1425 : i32
        %mul3A_1447 = arith.constant 16 : i32
        %mul3A_1448 = arith.muli %mul3A_1446, %mul3A_1447 : i32
        %add3A_1449 = vector.broadcast %mul3A_1448 : i32 to vector<16xi32>
        %add3A_1450 = arith.addi %add3A_1449, %iota3A : vector<16xi32>
        %gather3A_1451 = tpu.vector_load_idx %arg11[%add3A_1450] : memref<1536xi32, #tpu.memory_space<vmem>>[vector<16xi32>], vector<16xi32>,
        %broadcast_in_dim3A_1452 = arith.constant true
        %broadcast_in_dim3A_1453 = vector.broadcast %broadcast_in_dim3A_1452 : i1 to vector<16xi1>
        %unique3A, %unique3A_1454 = tpu.scan_count mask(%broadcast_in_dim3A_1453 : vector<16xi1>) value(%gather3A_1451 : vector<16xi32>) : vector<16xi1>, vector<16xi32>
        %gather3A_1455 = tpu.vector_load_idx %arg16[%gather3A_1451] : memref<336xi32, #tpu.memory_space<vmem>>[vector<16xi32>], vector<16xi32>,
        %add3A_1456 = arith.addi %gather3A_1455, %unique3A_1454 : vector<16xi32>
        tpu.vector_store_idx %arg16[%gather3A_1451], %add3A_1456 masked %unique3A : memref<336xi32, #tpu.memory_space<vmem>>[vector<16xi32>], vector<16xi32>, vector<16xi1>
        %mul3A_1457 = arith.constant 2 : i32
        %mul3A_1458 = arith.muli %mul3A_1457, %while3A_1425 : i32
        %add3A_1459 = arith.constant 2 : i32
        %add3A_1460 = arith.addi %mul3A_1458, %add3A_1459 : i32
        %mul3A_1461 = arith.constant 16 : i32
        %mul3A_1462 = arith.muli %add3A_1460, %mul3A_1461 : i32
        %dma_start3A_1463 = tpu.memref_slice %arg12[%mul3A_1462] : memref<1536xi32, #tpu.memory_space<vmem>> -> memref<16xi32, #tpu.memory_space<vmem>>
        %dma_start3A_1464 = arith.constant 0 : i32
        %dma_start3A_1465 = arith.constant 0 : i32
        %dma_start3A_1466 = tpu.memref_slice %arg2[%dma_start3A_1464, %dma_start3A_1465] : memref<10064x256xf32, #tpu.memory_space<hbm>> -> memref<10064x256xf32, #tpu.memory_space<hbm>>
        tpu.enqueue_indirect_dma source(%dma_start3A_1466 : memref<10064x256xf32, #tpu.memory_space<hbm>>) target(%arg14 : memref<16x256xf32, #tpu.memory_space<vmem>>) offsets(%dma_start3A_1463 : memref<16xi32, #tpu.memory_space<vmem>>) semaphore(%arg20 : memref<!tpu.dma_semaphore, #tpu.memory_space<semaphore_mem>>)
        %mul3A_1467 = arith.constant 2 : i32
        %mul3A_1468 = arith.muli %mul3A_1467, %while3A_1425 : i32
        %add3A_1469 = arith.constant 1 : i32
        %add3A_1470 = arith.addi %mul3A_1468, %add3A_1469 : i32
        %mul3A_1471 = arith.constant 16 : i32
        %mul3A_1472 = arith.muli %add3A_1470, %mul3A_1471 : i32
        %dma_wait3A_1473 = tpu.memref_slice %arg12[%mul3A_1472] : memref<1536xi32, #tpu.memory_space<vmem>> -> memref<16xi32, #tpu.memory_space<vmem>>
        %dma_wait3A_1474 = arith.constant 0 : i32
        %dma_wait3A_1475 = arith.constant 0 : i32
        %dma_wait3A_1476 = tpu.memref_slice %arg2[%dma_wait3A_1474, %dma_wait3A_1475] : memref<10064x256xf32, #tpu.memory_space<hbm>> -> memref<10064x256xf32, #tpu.memory_space<hbm>>
        tpu.wait_indirect_dma semaphore(%arg20 : memref<!tpu.dma_semaphore, #tpu.memory_space<semaphore_mem>>) src(%dma_wait3A_1476 : memref<10064x256xf32, #tpu.memory_space<hbm>>) dst(%arg15 : memref<16x256xf32, #tpu.memory_space<vmem>>)
        %mul3A_1477 = arith.constant 2 : i32
        %mul3A_1478 = arith.muli %mul3A_1477, %while3A_1425 : i32
        %add3A_1479 = arith.constant 1 : i32
        %add3A_1480 = arith.addi %mul3A_1478, %add3A_1479 : i32
        %mul3A_1481 = arith.constant 16 : i32
        %mul3A_1482 = arith.muli %add3A_1480, %mul3A_1481 : i32
        %add3A_1483 = vector.broadcast %mul3A_1482 : i32 to vector<16xi32>
        %add3A_1484 = arith.addi %add3A_1483, %iota3A : vector<16xi32>
        %gather3A_1485 = tpu.vector_load_idx %arg11[%add3A_1484] : memref<1536xi32, #tpu.memory_space<vmem>>[vector<16xi32>], vector<16xi32>,
        %broadcast_in_dim3A_1486 = arith.constant true
        %broadcast_in_dim3A_1487 = vector.broadcast %broadcast_in_dim3A_1486 : i1 to vector<16xi1>
        %unique3A_1488, %unique3A_1489 = tpu.scan_count mask(%broadcast_in_dim3A_1487 : vector<16xi1>) value(%gather3A_1485 : vector<16xi32>) : vector<16xi1>, vector<16xi32>
        %gather3A_1490 = tpu.vector_load_idx %arg16[%gather3A_1485] : memref<336xi32, #tpu.memory_space<vmem>>[vector<16xi32>], vector<16xi32>,
        %add3A_1491 = arith.addi %gather3A_1490, %unique3A_1489 : vector<16xi32>
        tpu.vector_store_idx %arg16[%gather3A_1485], %add3A_1491 masked %unique3A_1488 : memref<336xi32, #tpu.memory_space<vmem>>[vector<16xi32>], vector<16xi32>, vector<16xi1>
        %while3A_1492 = arith.constant 0 : i32
        scf.yield %while3A_1492 : i32
      }
      %and3A_1304 = arith.constant -2 : i32
      %and3A_1305 = arith.andi %shift_right_arithmetic3A_1284, %and3A_1304 : i32
      %mul3A_1306 = arith.constant 16 : i32
      %mul3A_1307 = arith.muli %and3A_1305, %mul3A_1306 : i32
      %dma_wait3A_1308 = tpu.memref_slice %arg12[%mul3A_1307] : memref<1536xi32, #tpu.memory_space<vmem>> -> memref<16xi32, #tpu.memory_space<vmem>>
      %dma_wait3A_1309 = arith.constant 0 : i32
      %dma_wait3A_1310 = arith.constant 0 : i32
      %dma_wait3A_1311 = tpu.memref_slice %arg2[%dma_wait3A_1309, %dma_wait3A_1310] : memref<10064x256xf32, #tpu.memory_space<hbm>> -> memref<10064x256xf32, #tpu.memory_space<hbm>>
      tpu.wait_indirect_dma semaphore(%arg20 : memref<!tpu.dma_semaphore, #tpu.memory_space<semaphore_mem>>) src(%dma_wait3A_1311 : memref<10064x256xf32, #tpu.memory_space<hbm>>) dst(%arg14 : memref<16x256xf32, #tpu.memory_space<vmem>>)
      %and3A_1312 = arith.constant 1 : i32
      %and3A_1313 = arith.andi %shift_right_arithmetic3A_1284, %and3A_1312 : i32
      %eq3A_1314 = arith.constant 1 : i32
      %eq3A_1315 = arith.cmpi eq, %and3A_1313, %eq3A_1314 : i32
      %convert_element_type3A_1316 = arith.extui %eq3A_1315 : i1 to i32
      %cond3A_1317 = arith.constant 0 : i32
      %cond3A_1318 = arith.cmpi ne, %convert_element_type3A_1316, %cond3A_1317 : i32
      scf.if %cond3A_1318 {
        %and3A_1425 = arith.constant -2 : i32
        %and3A_1426 = arith.andi %shift_right_arithmetic3A_1284, %and3A_1425 : i32
        %mul3A_1427 = arith.constant 16 : i32
        %mul3A_1428 = arith.muli %and3A_1426, %mul3A_1427 : i32
        %add3A_1429 = vector.broadcast %mul3A_1428 : i32 to vector<16xi32>
        %add3A_1430 = arith.addi %add3A_1429, %iota3A : vector<16xi32>
        %gather3A_1431 = tpu.vector_load_idx %arg11[%add3A_1430] : memref<1536xi32, #tpu.memory_space<vmem>>[vector<16xi32>], vector<16xi32>,
        %broadcast_in_dim3A_1432 = arith.constant true
        %broadcast_in_dim3A_1433 = vector.broadcast %broadcast_in_dim3A_1432 : i1 to vector<16xi1>
        %unique3A, %unique3A_1434 = tpu.scan_count mask(%broadcast_in_dim3A_1433 : vector<16xi1>) value(%gather3A_1431 : vector<16xi32>) : vector<16xi1>, vector<16xi32>
        %gather3A_1435 = tpu.vector_load_idx %arg16[%gather3A_1431] : memref<336xi32, #tpu.memory_space<vmem>>[vector<16xi32>], vector<16xi32>,
        %add3A_1436 = arith.addi %gather3A_1435, %unique3A_1434 : vector<16xi32>
        tpu.vector_store_idx %arg16[%gather3A_1431], %add3A_1436 masked %unique3A : memref<336xi32, #tpu.memory_space<vmem>>[vector<16xi32>], vector<16xi32>, vector<16xi1>
      } else {
      }
      %shift_left3A_1319 = arith.constant 4 : i32
      %shift_left3A_1320 = arith.shli %shift_right_arithmetic3A_1284, %shift_left3A_1319 : i32
      %add3A_1321 = vector.broadcast %shift_left3A_1320 : i32 to vector<16xi32>
      %add3A_1322 = arith.addi %add3A_1321, %iota3A : vector<16xi32>
      %gather3A_1323 = tpu.vector_load_idx %arg11[%add3A_1322] : memref<1536xi32, #tpu.memory_space<vmem>>[vector<16xi32>], vector<16xi32>,
      %gather3A_1324 = tpu.vector_load_idx %arg12[%add3A_1322] : memref<1536xi32, #tpu.memory_space<vmem>>[vector<16xi32>], vector<16xi32>,
      %and3A_1325 = arith.constant 15 : i32
      %and3A_1326 = vector.broadcast %and3A_1325 : i32 to vector<16xi32>
      %and3A_1327 = arith.andi %scan3A_1273, %and3A_1326 : vector<16xi32>
      %lt3A_1328 = arith.cmpi slt, %iota3A, %and3A_1327 : vector<16xi32>
      %add3A_1329 = arith.constant 320 : i32
      %add3A_1330 = vector.broadcast %add3A_1329 : i32 to vector<16xi32>
      %add3A_1331 = arith.addi %add3A_1330, %iota3A : vector<16xi32>
      %select_n3A_1332 = arith.select %lt3A_1328, %gather3A_1323, %add3A_1331 : vector<16xi1>, vector<16xi32>
      tpu.vector_store_idx %arg11[%iota3A], %select_n3A_1332 : memref<1536xi32, #tpu.memory_space<vmem>>[vector<16xi32>], vector<16xi32>,
      %add3A_1333 = arith.constant 10000 : i32
      %add3A_1334 = vector.broadcast %add3A_1333 : i32 to vector<16xi32>
      %add3A_1335 = arith.addi %add3A_1334, %iota3A : vector<16xi32>
      %select_n3A_1336 = arith.select %lt3A_1328, %gather3A_1324, %add3A_1335 : vector<16xi1>, vector<16xi32>
      tpu.vector_store_idx %arg12[%iota3A], %select_n3A_1336 : memref<1536xi32, #tpu.memory_space<vmem>>[vector<16xi32>], vector<16xi32>,
      %mul3A_1337 = arith.constant 2 : i32
      %mul3A_1338 = arith.muli %mul3A_1337, %scan3A_1249 : i32
      %add3A_1339 = arith.constant 2 : i32
      %add3A_1340 = arith.addi %mul3A_1338, %add3A_1339 : i32
      %mul3A_1341 = arith.constant 1280 : i32
      %mul3A_1342 = arith.muli %add3A_1340, %mul3A_1341 : i32
      %dma_start3A_1343 = tpu.memref_slice %arg3[%mul3A_1342] : memref<160000xi32, #tpu.memory_space<hbm>> -> memref<1280xi32, #tpu.memory_space<hbm>>
      %dma_start3A_1344 = tpu.memref_slice %arg3[%mul3A_1342] : memref<160000xi32, #tpu.memory_space<hbm>> -> memref<1280xi32, #tpu.memory_space<hbm>>
      tpu.enqueue_dma source(%dma_start3A_1344 : memref<1280xi32, #tpu.memory_space<hbm>>) target(%arg7 : memref<1280xi32, #tpu.memory_space<vmem>>) target_semaphore(%arg18 : memref<!tpu.dma_semaphore, #tpu.memory_space<semaphore_mem>>)
      %dma_start3A_1345 = tpu.memref_slice %arg4[%mul3A_1342] : memref<160000xi32, #tpu.memory_space<hbm>> -> memref<1280xi32, #tpu.memory_space<hbm>>
      %dma_start3A_1346 = tpu.memref_slice %arg4[%mul3A_1342] : memref<160000xi32, #tpu.memory_space<hbm>> -> memref<1280xi32, #tpu.memory_space<hbm>>
      tpu.enqueue_dma source(%dma_start3A_1346 : memref<1280xi32, #tpu.memory_space<hbm>>) target(%arg8 : memref<1280xi32, #tpu.memory_space<vmem>>) target_semaphore(%arg18 : memref<!tpu.dma_semaphore, #tpu.memory_space<semaphore_mem>>)
      %mul3A_1347 = arith.constant 2 : i32
      %mul3A_1348 = arith.muli %mul3A_1347, %scan3A_1249 : i32
      %add3A_1349 = arith.constant 1 : i32
      %add3A_1350 = arith.addi %mul3A_1348, %add3A_1349 : i32
      %mul3A_1351 = arith.constant 1280 : i32
      %mul3A_1352 = arith.muli %add3A_1350, %mul3A_1351 : i32
      %dma_wait3A_1353 = tpu.memref_slice %arg3[%mul3A_1352] : memref<160000xi32, #tpu.memory_space<hbm>> -> memref<1280xi32, #tpu.memory_space<hbm>>
      %dma_wait3A_1354 = tpu.memref_slice %arg3[%mul3A_1352] : memref<160000xi32, #tpu.memory_space<hbm>> -> memref<1280xi32, #tpu.memory_space<hbm>>
      tpu.wait_dma2 semaphore(%arg19 : memref<!tpu.dma_semaphore, #tpu.memory_space<semaphore_mem>>) src(%dma_wait3A_1354 : memref<1280xi32, #tpu.memory_space<hbm>>) dst(%arg9 : memref<1280xi32, #tpu.memory_space<vmem>>)
      %dma_wait3A_1355 = tpu.memref_slice %arg4[%mul3A_1352] : memref<160000xi32, #tpu.memory_space<hbm>> -> memref<1280xi32, #tpu.memory_space<hbm>>
      %dma_wait3A_1356 = tpu.memref_slice %arg4[%mul3A_1352] : memref<160000xi32, #tpu.memory_space<hbm>> -> memref<1280xi32, #tpu.memory_space<hbm>>
      tpu.wait_dma2 semaphore(%arg19 : memref<!tpu.dma_semaphore, #tpu.memory_space<semaphore_mem>>) src(%dma_wait3A_1356 : memref<1280xi32, #tpu.memory_space<hbm>>) dst(%arg10 : memref<1280xi32, #tpu.memory_space<vmem>>)
      %scan3A_1357 = arith.constant 0 : i32
      %scan3A_1358 = arith.constant 20 : i32
      %scan3A_1359 = arith.addi %scan3A_1357, %scan3A_1358 : i32
      %scan3A_1360 = arith.constant 1 : i32
      %scan3A_1361 = scf.for %scan3A_1425 = %scan3A_1357 to %scan3A_1359 step %scan3A_1360 iter_args(%scan3A_1426 = %and3A_1327) -> (vector<16xi32>)  : i32 {
        %mul3A_1427 = arith.constant 4 : i32
        %mul3A_1428 = arith.muli %scan3A_1425, %mul3A_1427 : i32
        %add3A_1429 = arith.constant 0 : i32
        %add3A_1430 = arith.addi %mul3A_1428, %add3A_1429 : i32
        %mul3A_1431 = arith.constant 16 : i32
        %mul3A_1432 = arith.muli %add3A_1430, %mul3A_1431 : i32
        %add3A_1433 = vector.broadcast %mul3A_1432 : i32 to vector<16xi32>
        %add3A_1434 = arith.addi %add3A_1433, %iota3A : vector<16xi32>
        %gather3A_1435 = tpu.vector_load_idx %arg9[%add3A_1434] : memref<1280xi32, #tpu.memory_space<vmem>>[vector<16xi32>], vector<16xi32>,
        %gather3A_1436 = tpu.vector_load_idx %arg10[%add3A_1434] : memref<1280xi32, #tpu.memory_space<vmem>>[vector<16xi32>], vector<16xi32>,
        %sub3A = vector.broadcast %mul3A_2 : i32 to vector<16xi32>
        %sub3A_1437 = arith.subi %gather3A_1435, %sub3A : vector<16xi32>
        %ge3A = arith.constant 0 : i32
        %ge3A_1438 = vector.broadcast %ge3A : i32 to vector<16xi32>
        %ge3A_1439 = arith.cmpi sge, %sub3A_1437, %ge3A_1438 : vector<16xi32>
        %lt3A_1440 = arith.constant 320 : i32
        %lt3A_1441 = vector.broadcast %lt3A_1440 : i32 to vector<16xi32>
        %lt3A_1442 = arith.cmpi slt, %sub3A_1437, %lt3A_1441 : vector<16xi32>
        %and3A_1443 = arith.andi %ge3A_1439, %lt3A_1442 : vector<16xi1>
        %jit3A = arith.constant 1 : i32
        %jit3A_1444 = arith.constant 0 : i32
        %broadcast_in_dim3A_1445 = vector.broadcast %jit3A : i32 to vector<16xi32>
        %broadcast_in_dim3A_1446 = vector.broadcast %jit3A_1444 : i32 to vector<16xi32>
        %select_n3A_1447 = arith.select %and3A_1443, %broadcast_in_dim3A_1445, %broadcast_in_dim3A_1446 : vector<16xi1>, vector<16xi32>
        %broadcast_in_dim3A_1448 = arith.constant true
        %broadcast_in_dim3A_1449 = vector.broadcast %broadcast_in_dim3A_1448 : i1 to vector<16xi1>
        %masked_cumsum3A = tpu.scan <sum>, %select_n3A_1447 masked %broadcast_in_dim3A_1449 : vector<16xi32>, vector<16xi1> -> vector<16xi32>
        %all_reduce_population_count3A = tpu.all_reduce %and3A_1443 {dim = 0 : i64, kind = #tpu.reduction_kind<sum>} : vector<16xi1> -> vector<16xi32>
        %mul3A_1450 = arith.constant 4 : i32
        %mul3A_1451 = arith.muli %scan3A_1425, %mul3A_1450 : i32
        %add3A_1452 = arith.constant 1 : i32
        %add3A_1453 = arith.addi %mul3A_1451, %add3A_1452 : i32
        %mul3A_1454 = arith.constant 16 : i32
        %mul3A_1455 = arith.muli %add3A_1453, %mul3A_1454 : i32
        %add3A_1456 = vector.broadcast %mul3A_1455 : i32 to vector<16xi32>
        %add3A_1457 = arith.addi %add3A_1456, %iota3A : vector<16xi32>
        %gather3A_1458 = tpu.vector_load_idx %arg9[%add3A_1457] : memref<1280xi32, #tpu.memory_space<vmem>>[vector<16xi32>], vector<16xi32>,
        %gather3A_1459 = tpu.vector_load_idx %arg10[%add3A_1457] : memref<1280xi32, #tpu.memory_space<vmem>>[vector<16xi32>], vector<16xi32>,
        %sub3A_1460 = vector.broadcast %mul3A_2 : i32 to vector<16xi32>
        %sub3A_1461 = arith.subi %gather3A_1458, %sub3A_1460 : vector<16xi32>
        %ge3A_1462 = arith.constant 0 : i32
        %ge3A_1463 = vector.broadcast %ge3A_1462 : i32 to vector<16xi32>
        %ge3A_1464 = arith.cmpi sge, %sub3A_1461, %ge3A_1463 : vector<16xi32>
        %lt3A_1465 = arith.constant 320 : i32
        %lt3A_1466 = vector.broadcast %lt3A_1465 : i32 to vector<16xi32>
        %lt3A_1467 = arith.cmpi slt, %sub3A_1461, %lt3A_1466 : vector<16xi32>
        %and3A_1468 = arith.andi %ge3A_1464, %lt3A_1467 : vector<16xi1>
        %jit3A_1469 = arith.constant 1 : i32
        %jit3A_1470 = arith.constant 0 : i32
        %broadcast_in_dim3A_1471 = vector.broadcast %jit3A_1469 : i32 to vector<16xi32>
        %broadcast_in_dim3A_1472 = vector.broadcast %jit3A_1470 : i32 to vector<16xi32>
        %select_n3A_1473 = arith.select %and3A_1468, %broadcast_in_dim3A_1471, %broadcast_in_dim3A_1472 : vector<16xi1>, vector<16xi32>
        %broadcast_in_dim3A_1474 = arith.constant true
        %broadcast_in_dim3A_1475 = vector.broadcast %broadcast_in_dim3A_1474 : i1 to vector<16xi1>
        %masked_cumsum3A_1476 = tpu.scan <sum>, %select_n3A_1473 masked %broadcast_in_dim3A_1475 : vector<16xi32>, vector<16xi1> -> vector<16xi32>
        %all_reduce_population_count3A_1477 = tpu.all_reduce %and3A_1468 {dim = 0 : i64, kind = #tpu.reduction_kind<sum>} : vector<16xi1> -> vector<16xi32>
        %mul3A_1478 = arith.constant 4 : i32
        %mul3A_1479 = arith.muli %scan3A_1425, %mul3A_1478 : i32
        %add3A_1480 = arith.constant 2 : i32
        %add3A_1481 = arith.addi %mul3A_1479, %add3A_1480 : i32
        %mul3A_1482 = arith.constant 16 : i32
        %mul3A_1483 = arith.muli %add3A_1481, %mul3A_1482 : i32
        %add3A_1484 = vector.broadcast %mul3A_1483 : i32 to vector<16xi32>
        %add3A_1485 = arith.addi %add3A_1484, %iota3A : vector<16xi32>
        %gather3A_1486 = tpu.vector_load_idx %arg9[%add3A_1485] : memref<1280xi32, #tpu.memory_space<vmem>>[vector<16xi32>], vector<16xi32>,
        %gather3A_1487 = tpu.vector_load_idx %arg10[%add3A_1485] : memref<1280xi32, #tpu.memory_space<vmem>>[vector<16xi32>], vector<16xi32>,
        %sub3A_1488 = vector.broadcast %mul3A_2 : i32 to vector<16xi32>
        %sub3A_1489 = arith.subi %gather3A_1486, %sub3A_1488 : vector<16xi32>
        %ge3A_1490 = arith.constant 0 : i32
        %ge3A_1491 = vector.broadcast %ge3A_1490 : i32 to vector<16xi32>
        %ge3A_1492 = arith.cmpi sge, %sub3A_1489, %ge3A_1491 : vector<16xi32>
        %lt3A_1493 = arith.constant 320 : i32
        %lt3A_1494 = vector.broadcast %lt3A_1493 : i32 to vector<16xi32>
        %lt3A_1495 = arith.cmpi slt, %sub3A_1489, %lt3A_1494 : vector<16xi32>
        %and3A_1496 = arith.andi %ge3A_1492, %lt3A_1495 : vector<16xi1>
        %jit3A_1497 = arith.constant 1 : i32
        %jit3A_1498 = arith.constant 0 : i32
        %broadcast_in_dim3A_1499 = vector.broadcast %jit3A_1497 : i32 to vector<16xi32>
        %broadcast_in_dim3A_1500 = vector.broadcast %jit3A_1498 : i32 to vector<16xi32>
        %select_n3A_1501 = arith.select %and3A_1496, %broadcast_in_dim3A_1499, %broadcast_in_dim3A_1500 : vector<16xi1>, vector<16xi32>
        %broadcast_in_dim3A_1502 = arith.constant true
        %broadcast_in_dim3A_1503 = vector.broadcast %broadcast_in_dim3A_1502 : i1 to vector<16xi1>
        %masked_cumsum3A_1504 = tpu.scan <sum>, %select_n3A_1501 masked %broadcast_in_dim3A_1503 : vector<16xi32>, vector<16xi1> -> vector<16xi32>
        %all_reduce_population_count3A_1505 = tpu.all_reduce %and3A_1496 {dim = 0 : i64, kind = #tpu.reduction_kind<sum>} : vector<16xi1> -> vector<16xi32>
        %mul3A_1506 = arith.constant 4 : i32
        %mul3A_1507 = arith.muli %scan3A_1425, %mul3A_1506 : i32
        %add3A_1508 = arith.constant 3 : i32
        %add3A_1509 = arith.addi %mul3A_1507, %add3A_1508 : i32
        %mul3A_1510 = arith.constant 16 : i32
        %mul3A_1511 = arith.muli %add3A_1509, %mul3A_1510 : i32
        %add3A_1512 = vector.broadcast %mul3A_1511 : i32 to vector<16xi32>
        %add3A_1513 = arith.addi %add3A_1512, %iota3A : vector<16xi32>
        %gather3A_1514 = tpu.vector_load_idx %arg9[%add3A_1513] : memref<1280xi32, #tpu.memory_space<vmem>>[vector<16xi32>], vector<16xi32>,
        %gather3A_1515 = tpu.vector_load_idx %arg10[%add3A_1513] : memref<1280xi32, #tpu.memory_space<vmem>>[vector<16xi32>], vector<16xi32>,
        %sub3A_1516 = vector.broadcast %mul3A_2 : i32 to vector<16xi32>
        %sub3A_1517 = arith.subi %gather3A_1514, %sub3A_1516 : vector<16xi32>
        %ge3A_1518 = arith.constant 0 : i32
        %ge3A_1519 = vector.broadcast %ge3A_1518 : i32 to vector<16xi32>
        %ge3A_1520 = arith.cmpi sge, %sub3A_1517, %ge3A_1519 : vector<16xi32>
        %lt3A_1521 = arith.constant 320 : i32
        %lt3A_1522 = vector.broadcast %lt3A_1521 : i32 to vector<16xi32>
        %lt3A_1523 = arith.cmpi slt, %sub3A_1517, %lt3A_1522 : vector<16xi32>
        %and3A_1524 = arith.andi %ge3A_1520, %lt3A_1523 : vector<16xi1>
        %jit3A_1525 = arith.constant 1 : i32
        %jit3A_1526 = arith.constant 0 : i32
        %broadcast_in_dim3A_1527 = vector.broadcast %jit3A_1525 : i32 to vector<16xi32>
        %broadcast_in_dim3A_1528 = vector.broadcast %jit3A_1526 : i32 to vector<16xi32>
        %select_n3A_1529 = arith.select %and3A_1524, %broadcast_in_dim3A_1527, %broadcast_in_dim3A_1528 : vector<16xi1>, vector<16xi32>
        %broadcast_in_dim3A_1530 = arith.constant true
        %broadcast_in_dim3A_1531 = vector.broadcast %broadcast_in_dim3A_1530 : i1 to vector<16xi1>
        %masked_cumsum3A_1532 = tpu.scan <sum>, %select_n3A_1529 masked %broadcast_in_dim3A_1531 : vector<16xi32>, vector<16xi1> -> vector<16xi32>
        %all_reduce_population_count3A_1533 = tpu.all_reduce %and3A_1524 {dim = 0 : i64, kind = #tpu.reduction_kind<sum>} : vector<16xi1> -> vector<16xi32>
        %add3A_1534 = arith.addi %scan3A_1426, %masked_cumsum3A : vector<16xi32>
        %sub3A_1535 = arith.constant 1 : i32
        %sub3A_1536 = vector.broadcast %sub3A_1535 : i32 to vector<16xi32>
        %sub3A_1537 = arith.subi %add3A_1534, %sub3A_1536 : vector<16xi32>
        tpu.vector_store_idx %arg11[%sub3A_1537], %sub3A_1437 masked %and3A_1443 : memref<1536xi32, #tpu.memory_space<vmem>>[vector<16xi32>], vector<16xi32>, vector<16xi1>
        tpu.vector_store_idx %arg12[%sub3A_1537], %gather3A_1436 masked %and3A_1443 : memref<1536xi32, #tpu.memory_space<vmem>>[vector<16xi32>], vector<16xi32>, vector<16xi1>
        %add3A_1538 = arith.addi %scan3A_1426, %all_reduce_population_count3A : vector<16xi32>
        %add3A_1539 = arith.addi %add3A_1538, %masked_cumsum3A_1476 : vector<16xi32>
        %sub3A_1540 = arith.constant 1 : i32
        %sub3A_1541 = vector.broadcast %sub3A_1540 : i32 to vector<16xi32>
        %sub3A_1542 = arith.subi %add3A_1539, %sub3A_1541 : vector<16xi32>
        tpu.vector_store_idx %arg11[%sub3A_1542], %sub3A_1461 masked %and3A_1468 : memref<1536xi32, #tpu.memory_space<vmem>>[vector<16xi32>], vector<16xi32>, vector<16xi1>
        tpu.vector_store_idx %arg12[%sub3A_1542], %gather3A_1459 masked %and3A_1468 : memref<1536xi32, #tpu.memory_space<vmem>>[vector<16xi32>], vector<16xi32>, vector<16xi1>
        %add3A_1543 = arith.addi %add3A_1538, %all_reduce_population_count3A_1477 : vector<16xi32>
        %add3A_1544 = arith.addi %add3A_1543, %masked_cumsum3A_1504 : vector<16xi32>
        %sub3A_1545 = arith.constant 1 : i32
        %sub3A_1546 = vector.broadcast %sub3A_1545 : i32 to vector<16xi32>
        %sub3A_1547 = arith.subi %add3A_1544, %sub3A_1546 : vector<16xi32>
        tpu.vector_store_idx %arg11[%sub3A_1547], %sub3A_1489 masked %and3A_1496 : memref<1536xi32, #tpu.memory_space<vmem>>[vector<16xi32>], vector<16xi32>, vector<16xi1>
        tpu.vector_store_idx %arg12[%sub3A_1547], %gather3A_1487 masked %and3A_1496 : memref<1536xi32, #tpu.memory_space<vmem>>[vector<16xi32>], vector<16xi32>, vector<16xi1>
        %add3A_1548 = arith.addi %add3A_1543, %all_reduce_population_count3A_1505 : vector<16xi32>
        %add3A_1549 = arith.addi %add3A_1548, %masked_cumsum3A_1532 : vector<16xi32>
        %sub3A_1550 = arith.constant 1 : i32
        %sub3A_1551 = vector.broadcast %sub3A_1550 : i32 to vector<16xi32>
        %sub3A_1552 = arith.subi %add3A_1549, %sub3A_1551 : vector<16xi32>
        tpu.vector_store_idx %arg11[%sub3A_1552], %sub3A_1517 masked %and3A_1524 : memref<1536xi32, #tpu.memory_space<vmem>>[vector<16xi32>], vector<16xi32>, vector<16xi1>
        tpu.vector_store_idx %arg12[%sub3A_1552], %gather3A_1515 masked %and3A_1524 : memref<1536xi32, #tpu.memory_space<vmem>>[vector<16xi32>], vector<16xi32>, vector<16xi1>
        %add3A_1553 = arith.addi %add3A_1548, %all_reduce_population_count3A_1533 : vector<16xi32>
        scf.yield %add3A_1553 : vector<16xi32>
      }
      %scan3A_1362 = arith.constant 20 : i32
      %reduce_max3A_1363 = arith.constant true
      %reduce_max3A_1364 = vector.broadcast %reduce_max3A_1363 : i1 to vector<16xi1>
      %reduce_max3A_1365 = arith.constant -2147483648 : i32
      %reduce_max3A_1366 = vector.broadcast %reduce_max3A_1365 : i32 to vector<16xi32>
      %reduce_max3A_1367 = arith.xori %scan3A_1361, %reduce_max3A_1366 : vector<16xi32>
      %reduce_max3A_1368 = tpu.scan <max>, %reduce_max3A_1367 masked %reduce_max3A_1364 : vector<16xi32>, vector<16xi1> -> vector<16xi32>
      %reduce_max3A_1369 = arith.xori %reduce_max3A_1368, %reduce_max3A_1366 : vector<16xi32>
      %reduce_max3A_1370 = vector.extract %reduce_max3A_1369[15] : i32 from vector<16xi32>
      %shift_right_arithmetic3A_1371 = arith.constant 4 : i32
      %shift_right_arithmetic3A_1372 = arith.shrsi %reduce_max3A_1370, %shift_right_arithmetic3A_1371 : i32
      %dma_start3A_1373 = arith.constant 0 : i32
      %dma_start3A_1374 = tpu.memref_slice %arg12[%dma_start3A_1373] : memref<1536xi32, #tpu.memory_space<vmem>> -> memref<16xi32, #tpu.memory_space<vmem>>
      %dma_start3A_1375 = arith.constant 0 : i32
      %dma_start3A_1376 = arith.constant 0 : i32
      %dma_start3A_1377 = tpu.memref_slice %arg2[%dma_start3A_1375, %dma_start3A_1376] : memref<10064x256xf32, #tpu.memory_space<hbm>> -> memref<10064x256xf32, #tpu.memory_space<hbm>>
      tpu.enqueue_indirect_dma source(%dma_start3A_1377 : memref<10064x256xf32, #tpu.memory_space<hbm>>) target(%arg14 : memref<16x256xf32, #tpu.memory_space<vmem>>) offsets(%dma_start3A_1374 : memref<16xi32, #tpu.memory_space<vmem>>) semaphore(%arg20 : memref<!tpu.dma_semaphore, #tpu.memory_space<semaphore_mem>>)
      %shift_right_arithmetic3A_1378 = arith.constant 1 : i32
      %shift_right_arithmetic3A_1379 = arith.shrsi %shift_right_arithmetic3A_1372, %shift_right_arithmetic3A_1378 : i32
      %while3A_1380 = arith.constant 0 : i32
      %while3A_1381 = arith.constant 0 : i32
      %while3A_1382 = arith.subi %shift_right_arithmetic3A_1379, %while3A_1380 : i32
      %while3A_1383 = arith.addi %while3A_1380, %while3A_1382 : i32
      %while3A_1384 = arith.constant 1 : i32
      %while3A_1385 = arith.divsi %while3A_1382, %while3A_1384 : i32
      %while3A_1386 = arith.muli %while3A_1385, %while3A_1384 : i32
      %while3A_1387 = arith.addi %while3A_1380, %while3A_1386 : i32
      %while3A_1388 = arith.constant 1 : i32
      %while3A_1389 = scf.for %while3A_1425 = %while3A_1380 to %while3A_1387 step %while3A_1388 iter_args(%while3A_1426 = %while3A_1381) -> (i32)  : i32 {
        %mul3A_1427 = arith.constant 2 : i32
        %mul3A_1428 = arith.muli %mul3A_1427, %while3A_1425 : i32
        %add3A_1429 = arith.constant 1 : i32
        %add3A_1430 = arith.addi %mul3A_1428, %add3A_1429 : i32
        %mul3A_1431 = arith.constant 16 : i32
        %mul3A_1432 = arith.muli %add3A_1430, %mul3A_1431 : i32
        %dma_start3A_1433 = tpu.memref_slice %arg12[%mul3A_1432] : memref<1536xi32, #tpu.memory_space<vmem>> -> memref<16xi32, #tpu.memory_space<vmem>>
        %dma_start3A_1434 = arith.constant 0 : i32
        %dma_start3A_1435 = arith.constant 0 : i32
        %dma_start3A_1436 = tpu.memref_slice %arg2[%dma_start3A_1434, %dma_start3A_1435] : memref<10064x256xf32, #tpu.memory_space<hbm>> -> memref<10064x256xf32, #tpu.memory_space<hbm>>
        tpu.enqueue_indirect_dma source(%dma_start3A_1436 : memref<10064x256xf32, #tpu.memory_space<hbm>>) target(%arg15 : memref<16x256xf32, #tpu.memory_space<vmem>>) offsets(%dma_start3A_1433 : memref<16xi32, #tpu.memory_space<vmem>>) semaphore(%arg20 : memref<!tpu.dma_semaphore, #tpu.memory_space<semaphore_mem>>)
        %mul3A_1437 = arith.constant 2 : i32
        %mul3A_1438 = arith.muli %mul3A_1437, %while3A_1425 : i32
        %mul3A_1439 = arith.constant 16 : i32
        %mul3A_1440 = arith.muli %mul3A_1438, %mul3A_1439 : i32
        %dma_wait3A_1441 = tpu.memref_slice %arg12[%mul3A_1440] : memref<1536xi32, #tpu.memory_space<vmem>> -> memref<16xi32, #tpu.memory_space<vmem>>
        %dma_wait3A_1442 = arith.constant 0 : i32
        %dma_wait3A_1443 = arith.constant 0 : i32
        %dma_wait3A_1444 = tpu.memref_slice %arg2[%dma_wait3A_1442, %dma_wait3A_1443] : memref<10064x256xf32, #tpu.memory_space<hbm>> -> memref<10064x256xf32, #tpu.memory_space<hbm>>
        tpu.wait_indirect_dma semaphore(%arg20 : memref<!tpu.dma_semaphore, #tpu.memory_space<semaphore_mem>>) src(%dma_wait3A_1444 : memref<10064x256xf32, #tpu.memory_space<hbm>>) dst(%arg14 : memref<16x256xf32, #tpu.memory_space<vmem>>)
        %mul3A_1445 = arith.constant 2 : i32
        %mul3A_1446 = arith.muli %mul3A_1445, %while3A_1425 : i32
        %mul3A_1447 = arith.constant 16 : i32
        %mul3A_1448 = arith.muli %mul3A_1446, %mul3A_1447 : i32
        %add3A_1449 = vector.broadcast %mul3A_1448 : i32 to vector<16xi32>
        %add3A_1450 = arith.addi %add3A_1449, %iota3A : vector<16xi32>
        %gather3A_1451 = tpu.vector_load_idx %arg11[%add3A_1450] : memref<1536xi32, #tpu.memory_space<vmem>>[vector<16xi32>], vector<16xi32>,
        %broadcast_in_dim3A_1452 = arith.constant true
        %broadcast_in_dim3A_1453 = vector.broadcast %broadcast_in_dim3A_1452 : i1 to vector<16xi1>
        %unique3A, %unique3A_1454 = tpu.scan_count mask(%broadcast_in_dim3A_1453 : vector<16xi1>) value(%gather3A_1451 : vector<16xi32>) : vector<16xi1>, vector<16xi32>
        %gather3A_1455 = tpu.vector_load_idx %arg16[%gather3A_1451] : memref<336xi32, #tpu.memory_space<vmem>>[vector<16xi32>], vector<16xi32>,
        %add3A_1456 = arith.addi %gather3A_1455, %unique3A_1454 : vector<16xi32>
        tpu.vector_store_idx %arg16[%gather3A_1451], %add3A_1456 masked %unique3A : memref<336xi32, #tpu.memory_space<vmem>>[vector<16xi32>], vector<16xi32>, vector<16xi1>
        %mul3A_1457 = arith.constant 2 : i32
        %mul3A_1458 = arith.muli %mul3A_1457, %while3A_1425 : i32
        %add3A_1459 = arith.constant 2 : i32
        %add3A_1460 = arith.addi %mul3A_1458, %add3A_1459 : i32
        %mul3A_1461 = arith.constant 16 : i32
        %mul3A_1462 = arith.muli %add3A_1460, %mul3A_1461 : i32
        %dma_start3A_1463 = tpu.memref_slice %arg12[%mul3A_1462] : memref<1536xi32, #tpu.memory_space<vmem>> -> memref<16xi32, #tpu.memory_space<vmem>>
        %dma_start3A_1464 = arith.constant 0 : i32
        %dma_start3A_1465 = arith.constant 0 : i32
        %dma_start3A_1466 = tpu.memref_slice %arg2[%dma_start3A_1464, %dma_start3A_1465] : memref<10064x256xf32, #tpu.memory_space<hbm>> -> memref<10064x256xf32, #tpu.memory_space<hbm>>
        tpu.enqueue_indirect_dma source(%dma_start3A_1466 : memref<10064x256xf32, #tpu.memory_space<hbm>>) target(%arg14 : memref<16x256xf32, #tpu.memory_space<vmem>>) offsets(%dma_start3A_1463 : memref<16xi32, #tpu.memory_space<vmem>>) semaphore(%arg20 : memref<!tpu.dma_semaphore, #tpu.memory_space<semaphore_mem>>)
        %mul3A_1467 = arith.constant 2 : i32
        %mul3A_1468 = arith.muli %mul3A_1467, %while3A_1425 : i32
        %add3A_1469 = arith.constant 1 : i32
        %add3A_1470 = arith.addi %mul3A_1468, %add3A_1469 : i32
        %mul3A_1471 = arith.constant 16 : i32
        %mul3A_1472 = arith.muli %add3A_1470, %mul3A_1471 : i32
        %dma_wait3A_1473 = tpu.memref_slice %arg12[%mul3A_1472] : memref<1536xi32, #tpu.memory_space<vmem>> -> memref<16xi32, #tpu.memory_space<vmem>>
        %dma_wait3A_1474 = arith.constant 0 : i32
        %dma_wait3A_1475 = arith.constant 0 : i32
        %dma_wait3A_1476 = tpu.memref_slice %arg2[%dma_wait3A_1474, %dma_wait3A_1475] : memref<10064x256xf32, #tpu.memory_space<hbm>> -> memref<10064x256xf32, #tpu.memory_space<hbm>>
        tpu.wait_indirect_dma semaphore(%arg20 : memref<!tpu.dma_semaphore, #tpu.memory_space<semaphore_mem>>) src(%dma_wait3A_1476 : memref<10064x256xf32, #tpu.memory_space<hbm>>) dst(%arg15 : memref<16x256xf32, #tpu.memory_space<vmem>>)
        %mul3A_1477 = arith.constant 2 : i32
        %mul3A_1478 = arith.muli %mul3A_1477, %while3A_1425 : i32
        %add3A_1479 = arith.constant 1 : i32
        %add3A_1480 = arith.addi %mul3A_1478, %add3A_1479 : i32
        %mul3A_1481 = arith.constant 16 : i32
        %mul3A_1482 = arith.muli %add3A_1480, %mul3A_1481 : i32
        %add3A_1483 = vector.broadcast %mul3A_1482 : i32 to vector<16xi32>
        %add3A_1484 = arith.addi %add3A_1483, %iota3A : vector<16xi32>
        %gather3A_1485 = tpu.vector_load_idx %arg11[%add3A_1484] : memref<1536xi32, #tpu.memory_space<vmem>>[vector<16xi32>], vector<16xi32>,
        %broadcast_in_dim3A_1486 = arith.constant true
        %broadcast_in_dim3A_1487 = vector.broadcast %broadcast_in_dim3A_1486 : i1 to vector<16xi1>
        %unique3A_1488, %unique3A_1489 = tpu.scan_count mask(%broadcast_in_dim3A_1487 : vector<16xi1>) value(%gather3A_1485 : vector<16xi32>) : vector<16xi1>, vector<16xi32>
        %gather3A_1490 = tpu.vector_load_idx %arg16[%gather3A_1485] : memref<336xi32, #tpu.memory_space<vmem>>[vector<16xi32>], vector<16xi32>,
        %add3A_1491 = arith.addi %gather3A_1490, %unique3A_1489 : vector<16xi32>
        tpu.vector_store_idx %arg16[%gather3A_1485], %add3A_1491 masked %unique3A_1488 : memref<336xi32, #tpu.memory_space<vmem>>[vector<16xi32>], vector<16xi32>, vector<16xi1>
        %while3A_1492 = arith.constant 0 : i32
        scf.yield %while3A_1492 : i32
      }
      %while3A_1390 = arith.constant 1 : i32
      %while3A_1391 = scf.for %while3A_1425 = %while3A_1387 to %while3A_1383 step %while3A_1390 iter_args(%while3A_1426 = %while3A_1389) -> (i32)  : i32 {
        %mul3A_1427 = arith.constant 2 : i32
        %mul3A_1428 = arith.muli %mul3A_1427, %while3A_1425 : i32
        %add3A_1429 = arith.constant 1 : i32
        %add3A_1430 = arith.addi %mul3A_1428, %add3A_1429 : i32
        %mul3A_1431 = arith.constant 16 : i32
        %mul3A_1432 = arith.muli %add3A_1430, %mul3A_1431 : i32
        %dma_start3A_1433 = tpu.memref_slice %arg12[%mul3A_1432] : memref<1536xi32, #tpu.memory_space<vmem>> -> memref<16xi32, #tpu.memory_space<vmem>>
        %dma_start3A_1434 = arith.constant 0 : i32
        %dma_start3A_1435 = arith.constant 0 : i32
        %dma_start3A_1436 = tpu.memref_slice %arg2[%dma_start3A_1434, %dma_start3A_1435] : memref<10064x256xf32, #tpu.memory_space<hbm>> -> memref<10064x256xf32, #tpu.memory_space<hbm>>
        tpu.enqueue_indirect_dma source(%dma_start3A_1436 : memref<10064x256xf32, #tpu.memory_space<hbm>>) target(%arg15 : memref<16x256xf32, #tpu.memory_space<vmem>>) offsets(%dma_start3A_1433 : memref<16xi32, #tpu.memory_space<vmem>>) semaphore(%arg20 : memref<!tpu.dma_semaphore, #tpu.memory_space<semaphore_mem>>)
        %mul3A_1437 = arith.constant 2 : i32
        %mul3A_1438 = arith.muli %mul3A_1437, %while3A_1425 : i32
        %mul3A_1439 = arith.constant 16 : i32
        %mul3A_1440 = arith.muli %mul3A_1438, %mul3A_1439 : i32
        %dma_wait3A_1441 = tpu.memref_slice %arg12[%mul3A_1440] : memref<1536xi32, #tpu.memory_space<vmem>> -> memref<16xi32, #tpu.memory_space<vmem>>
        %dma_wait3A_1442 = arith.constant 0 : i32
        %dma_wait3A_1443 = arith.constant 0 : i32
        %dma_wait3A_1444 = tpu.memref_slice %arg2[%dma_wait3A_1442, %dma_wait3A_1443] : memref<10064x256xf32, #tpu.memory_space<hbm>> -> memref<10064x256xf32, #tpu.memory_space<hbm>>
        tpu.wait_indirect_dma semaphore(%arg20 : memref<!tpu.dma_semaphore, #tpu.memory_space<semaphore_mem>>) src(%dma_wait3A_1444 : memref<10064x256xf32, #tpu.memory_space<hbm>>) dst(%arg14 : memref<16x256xf32, #tpu.memory_space<vmem>>)
        %mul3A_1445 = arith.constant 2 : i32
        %mul3A_1446 = arith.muli %mul3A_1445, %while3A_1425 : i32
        %mul3A_1447 = arith.constant 16 : i32
        %mul3A_1448 = arith.muli %mul3A_1446, %mul3A_1447 : i32
        %add3A_1449 = vector.broadcast %mul3A_1448 : i32 to vector<16xi32>
        %add3A_1450 = arith.addi %add3A_1449, %iota3A : vector<16xi32>
        %gather3A_1451 = tpu.vector_load_idx %arg11[%add3A_1450] : memref<1536xi32, #tpu.memory_space<vmem>>[vector<16xi32>], vector<16xi32>,
        %broadcast_in_dim3A_1452 = arith.constant true
        %broadcast_in_dim3A_1453 = vector.broadcast %broadcast_in_dim3A_1452 : i1 to vector<16xi1>
        %unique3A, %unique3A_1454 = tpu.scan_count mask(%broadcast_in_dim3A_1453 : vector<16xi1>) value(%gather3A_1451 : vector<16xi32>) : vector<16xi1>, vector<16xi32>
        %gather3A_1455 = tpu.vector_load_idx %arg16[%gather3A_1451] : memref<336xi32, #tpu.memory_space<vmem>>[vector<16xi32>], vector<16xi32>,
        %add3A_1456 = arith.addi %gather3A_1455, %unique3A_1454 : vector<16xi32>
        tpu.vector_store_idx %arg16[%gather3A_1451], %add3A_1456 masked %unique3A : memref<336xi32, #tpu.memory_space<vmem>>[vector<16xi32>], vector<16xi32>, vector<16xi1>
        %mul3A_1457 = arith.constant 2 : i32
        %mul3A_1458 = arith.muli %mul3A_1457, %while3A_1425 : i32
        %add3A_1459 = arith.constant 2 : i32
        %add3A_1460 = arith.addi %mul3A_1458, %add3A_1459 : i32
        %mul3A_1461 = arith.constant 16 : i32
        %mul3A_1462 = arith.muli %add3A_1460, %mul3A_1461 : i32
        %dma_start3A_1463 = tpu.memref_slice %arg12[%mul3A_1462] : memref<1536xi32, #tpu.memory_space<vmem>> -> memref<16xi32, #tpu.memory_space<vmem>>
        %dma_start3A_1464 = arith.constant 0 : i32
        %dma_start3A_1465 = arith.constant 0 : i32
        %dma_start3A_1466 = tpu.memref_slice %arg2[%dma_start3A_1464, %dma_start3A_1465] : memref<10064x256xf32, #tpu.memory_space<hbm>> -> memref<10064x256xf32, #tpu.memory_space<hbm>>
        tpu.enqueue_indirect_dma source(%dma_start3A_1466 : memref<10064x256xf32, #tpu.memory_space<hbm>>) target(%arg14 : memref<16x256xf32, #tpu.memory_space<vmem>>) offsets(%dma_start3A_1463 : memref<16xi32, #tpu.memory_space<vmem>>) semaphore(%arg20 : memref<!tpu.dma_semaphore, #tpu.memory_space<semaphore_mem>>)
        %mul3A_1467 = arith.constant 2 : i32
        %mul3A_1468 = arith.muli %mul3A_1467, %while3A_1425 : i32
        %add3A_1469 = arith.constant 1 : i32
        %add3A_1470 = arith.addi %mul3A_1468, %add3A_1469 : i32
        %mul3A_1471 = arith.constant 16 : i32
        %mul3A_1472 = arith.muli %add3A_1470, %mul3A_1471 : i32
        %dma_wait3A_1473 = tpu.memref_slice %arg12[%mul3A_1472] : memref<1536xi32, #tpu.memory_space<vmem>> -> memref<16xi32, #tpu.memory_space<vmem>>
        %dma_wait3A_1474 = arith.constant 0 : i32
        %dma_wait3A_1475 = arith.constant 0 : i32
        %dma_wait3A_1476 = tpu.memref_slice %arg2[%dma_wait3A_1474, %dma_wait3A_1475] : memref<10064x256xf32, #tpu.memory_space<hbm>> -> memref<10064x256xf32, #tpu.memory_space<hbm>>
        tpu.wait_indirect_dma semaphore(%arg20 : memref<!tpu.dma_semaphore, #tpu.memory_space<semaphore_mem>>) src(%dma_wait3A_1476 : memref<10064x256xf32, #tpu.memory_space<hbm>>) dst(%arg15 : memref<16x256xf32, #tpu.memory_space<vmem>>)
        %mul3A_1477 = arith.constant 2 : i32
        %mul3A_1478 = arith.muli %mul3A_1477, %while3A_1425 : i32
        %add3A_1479 = arith.constant 1 : i32
        %add3A_1480 = arith.addi %mul3A_1478, %add3A_1479 : i32
        %mul3A_1481 = arith.constant 16 : i32
        %mul3A_1482 = arith.muli %add3A_1480, %mul3A_1481 : i32
        %add3A_1483 = vector.broadcast %mul3A_1482 : i32 to vector<16xi32>
        %add3A_1484 = arith.addi %add3A_1483, %iota3A : vector<16xi32>
        %gather3A_1485 = tpu.vector_load_idx %arg11[%add3A_1484] : memref<1536xi32, #tpu.memory_space<vmem>>[vector<16xi32>], vector<16xi32>,
        %broadcast_in_dim3A_1486 = arith.constant true
        %broadcast_in_dim3A_1487 = vector.broadcast %broadcast_in_dim3A_1486 : i1 to vector<16xi1>
        %unique3A_1488, %unique3A_1489 = tpu.scan_count mask(%broadcast_in_dim3A_1487 : vector<16xi1>) value(%gather3A_1485 : vector<16xi32>) : vector<16xi1>, vector<16xi32>
        %gather3A_1490 = tpu.vector_load_idx %arg16[%gather3A_1485] : memref<336xi32, #tpu.memory_space<vmem>>[vector<16xi32>], vector<16xi32>,
        %add3A_1491 = arith.addi %gather3A_1490, %unique3A_1489 : vector<16xi32>
        tpu.vector_store_idx %arg16[%gather3A_1485], %add3A_1491 masked %unique3A_1488 : memref<336xi32, #tpu.memory_space<vmem>>[vector<16xi32>], vector<16xi32>, vector<16xi1>
        %while3A_1492 = arith.constant 0 : i32
        scf.yield %while3A_1492 : i32
      }
      %and3A_1392 = arith.constant -2 : i32
      %and3A_1393 = arith.andi %shift_right_arithmetic3A_1372, %and3A_1392 : i32
      %mul3A_1394 = arith.constant 16 : i32
      %mul3A_1395 = arith.muli %and3A_1393, %mul3A_1394 : i32
      %dma_wait3A_1396 = tpu.memref_slice %arg12[%mul3A_1395] : memref<1536xi32, #tpu.memory_space<vmem>> -> memref<16xi32, #tpu.memory_space<vmem>>
      %dma_wait3A_1397 = arith.constant 0 : i32
      %dma_wait3A_1398 = arith.constant 0 : i32
      %dma_wait3A_1399 = tpu.memref_slice %arg2[%dma_wait3A_1397, %dma_wait3A_1398] : memref<10064x256xf32, #tpu.memory_space<hbm>> -> memref<10064x256xf32, #tpu.memory_space<hbm>>
      tpu.wait_indirect_dma semaphore(%arg20 : memref<!tpu.dma_semaphore, #tpu.memory_space<semaphore_mem>>) src(%dma_wait3A_1399 : memref<10064x256xf32, #tpu.memory_space<hbm>>) dst(%arg14 : memref<16x256xf32, #tpu.memory_space<vmem>>)
      %and3A_1400 = arith.constant 1 : i32
      %and3A_1401 = arith.andi %shift_right_arithmetic3A_1372, %and3A_1400 : i32
      %eq3A_1402 = arith.constant 1 : i32
      %eq3A_1403 = arith.cmpi eq, %and3A_1401, %eq3A_1402 : i32
      %convert_element_type3A_1404 = arith.extui %eq3A_1403 : i1 to i32
      %cond3A_1405 = arith.constant 0 : i32
      %cond3A_1406 = arith.cmpi ne, %convert_element_type3A_1404, %cond3A_1405 : i32
      scf.if %cond3A_1406 {
        %and3A_1425 = arith.constant -2 : i32
        %and3A_1426 = arith.andi %shift_right_arithmetic3A_1372, %and3A_1425 : i32
        %mul3A_1427 = arith.constant 16 : i32
        %mul3A_1428 = arith.muli %and3A_1426, %mul3A_1427 : i32
        %add3A_1429 = vector.broadcast %mul3A_1428 : i32 to vector<16xi32>
        %add3A_1430 = arith.addi %add3A_1429, %iota3A : vector<16xi32>
        %gather3A_1431 = tpu.vector_load_idx %arg11[%add3A_1430] : memref<1536xi32, #tpu.memory_space<vmem>>[vector<16xi32>], vector<16xi32>,
        %broadcast_in_dim3A_1432 = arith.constant true
        %broadcast_in_dim3A_1433 = vector.broadcast %broadcast_in_dim3A_1432 : i1 to vector<16xi1>
        %unique3A, %unique3A_1434 = tpu.scan_count mask(%broadcast_in_dim3A_1433 : vector<16xi1>) value(%gather3A_1431 : vector<16xi32>) : vector<16xi1>, vector<16xi32>
        %gather3A_1435 = tpu.vector_load_idx %arg16[%gather3A_1431] : memref<336xi32, #tpu.memory_space<vmem>>[vector<16xi32>], vector<16xi32>,
        %add3A_1436 = arith.addi %gather3A_1435, %unique3A_1434 : vector<16xi32>
        tpu.vector_store_idx %arg16[%gather3A_1431], %add3A_1436 masked %unique3A : memref<336xi32, #tpu.memory_space<vmem>>[vector<16xi32>], vector<16xi32>, vector<16xi1>
      } else {
      }
      %shift_left3A_1407 = arith.constant 4 : i32
      %shift_left3A_1408 = arith.shli %shift_right_arithmetic3A_1372, %shift_left3A_1407 : i32
      %add3A_1409 = vector.broadcast %shift_left3A_1408 : i32 to vector<16xi32>
      %add3A_1410 = arith.addi %add3A_1409, %iota3A : vector<16xi32>
      %gather3A_1411 = tpu.vector_load_idx %arg11[%add3A_1410] : memref<1536xi32, #tpu.memory_space<vmem>>[vector<16xi32>], vector<16xi32>,
      %gather3A_1412 = tpu.vector_load_idx %arg12[%add3A_1410] : memref<1536xi32, #tpu.memory_space<vmem>>[vector<16xi32>], vector<16xi32>,
      %and3A_1413 = arith.constant 15 : i32
      %and3A_1414 = vector.broadcast %and3A_1413 : i32 to vector<16xi32>
      %and3A_1415 = arith.andi %scan3A_1361, %and3A_1414 : vector<16xi32>
      %lt3A_1416 = arith.cmpi slt, %iota3A, %and3A_1415 : vector<16xi32>
      %add3A_1417 = arith.constant 320 : i32
      %add3A_1418 = vector.broadcast %add3A_1417 : i32 to vector<16xi32>
      %add3A_1419 = arith.addi %add3A_1418, %iota3A : vector<16xi32>
      %select_n3A_1420 = arith.select %lt3A_1416, %gather3A_1411, %add3A_1419 : vector<16xi1>, vector<16xi32>
      tpu.vector_store_idx %arg11[%iota3A], %select_n3A_1420 : memref<1536xi32, #tpu.memory_space<vmem>>[vector<16xi32>], vector<16xi32>,
      %add3A_1421 = arith.constant 10000 : i32
      %add3A_1422 = vector.broadcast %add3A_1421 : i32 to vector<16xi32>
      %add3A_1423 = arith.addi %add3A_1422, %iota3A : vector<16xi32>
      %select_n3A_1424 = arith.select %lt3A_1416, %gather3A_1412, %add3A_1423 : vector<16xi1>, vector<16xi32>
      tpu.vector_store_idx %arg12[%iota3A], %select_n3A_1424 : memref<1536xi32, #tpu.memory_space<vmem>>[vector<16xi32>], vector<16xi32>,
      scf.yield %and3A_1415 : vector<16xi32>
    }
    %scan3A_1025 = arith.constant 62 : i32
    %dma_wait3A = arith.constant 158720 : i32
    %dma_wait3A_1026 = tpu.memref_slice %arg3[%dma_wait3A] : memref<160000xi32, #tpu.memory_space<hbm>> -> memref<1280xi32, #tpu.memory_space<hbm>>
    %dma_wait3A_1027 = arith.constant 158720 : i32
    %dma_wait3A_1028 = tpu.memref_slice %arg3[%dma_wait3A_1027] : memref<160000xi32, #tpu.memory_space<hbm>> -> memref<1280xi32, #tpu.memory_space<hbm>>
    tpu.wait_dma2 semaphore(%arg18 : memref<!tpu.dma_semaphore, #tpu.memory_space<semaphore_mem>>) src(%dma_wait3A_1028 : memref<1280xi32, #tpu.memory_space<hbm>>) dst(%arg7 : memref<1280xi32, #tpu.memory_space<vmem>>)
    %dma_wait3A_1029 = arith.constant 158720 : i32
    %dma_wait3A_1030 = tpu.memref_slice %arg4[%dma_wait3A_1029] : memref<160000xi32, #tpu.memory_space<hbm>> -> memref<1280xi32, #tpu.memory_space<hbm>>
    %dma_wait3A_1031 = arith.constant 158720 : i32
    %dma_wait3A_1032 = tpu.memref_slice %arg4[%dma_wait3A_1031] : memref<160000xi32, #tpu.memory_space<hbm>> -> memref<1280xi32, #tpu.memory_space<hbm>>
    tpu.wait_dma2 semaphore(%arg18 : memref<!tpu.dma_semaphore, #tpu.memory_space<semaphore_mem>>) src(%dma_wait3A_1032 : memref<1280xi32, #tpu.memory_space<hbm>>) dst(%arg8 : memref<1280xi32, #tpu.memory_space<vmem>>)
    %scan3A_1033 = arith.constant 0 : i32
    %scan3A_1034 = arith.constant 20 : i32
    %scan3A_1035 = arith.addi %scan3A_1033, %scan3A_1034 : i32
    %scan3A_1036 = arith.constant 1 : i32
    %scan3A_1037 = scf.for %scan3A_1249 = %scan3A_1033 to %scan3A_1035 step %scan3A_1036 iter_args(%scan3A_1250 = %scan3A_1024) -> (vector<16xi32>)  : i32 {
      %mul3A_1251 = arith.constant 4 : i32
      %mul3A_1252 = arith.muli %scan3A_1249, %mul3A_1251 : i32
      %add3A_1253 = arith.constant 0 : i32
      %add3A_1254 = arith.addi %mul3A_1252, %add3A_1253 : i32
      %mul3A_1255 = arith.constant 16 : i32
      %mul3A_1256 = arith.muli %add3A_1254, %mul3A_1255 : i32
      %add3A_1257 = vector.broadcast %mul3A_1256 : i32 to vector<16xi32>
      %add3A_1258 = arith.addi %add3A_1257, %iota3A : vector<16xi32>
      %gather3A_1259 = tpu.vector_load_idx %arg7[%add3A_1258] : memref<1280xi32, #tpu.memory_space<vmem>>[vector<16xi32>], vector<16xi32>,
      %gather3A_1260 = tpu.vector_load_idx %arg8[%add3A_1258] : memref<1280xi32, #tpu.memory_space<vmem>>[vector<16xi32>], vector<16xi32>,
      %sub3A = vector.broadcast %mul3A_2 : i32 to vector<16xi32>
      %sub3A_1261 = arith.subi %gather3A_1259, %sub3A : vector<16xi32>
      %ge3A = arith.constant 0 : i32
      %ge3A_1262 = vector.broadcast %ge3A : i32 to vector<16xi32>
      %ge3A_1263 = arith.cmpi sge, %sub3A_1261, %ge3A_1262 : vector<16xi32>
      %lt3A_1264 = arith.constant 320 : i32
      %lt3A_1265 = vector.broadcast %lt3A_1264 : i32 to vector<16xi32>
      %lt3A_1266 = arith.cmpi slt, %sub3A_1261, %lt3A_1265 : vector<16xi32>
      %and3A_1267 = arith.andi %ge3A_1263, %lt3A_1266 : vector<16xi1>
      %jit3A = arith.constant 1 : i32
      %jit3A_1268 = arith.constant 0 : i32
      %broadcast_in_dim3A_1269 = vector.broadcast %jit3A : i32 to vector<16xi32>
      %broadcast_in_dim3A_1270 = vector.broadcast %jit3A_1268 : i32 to vector<16xi32>
      %select_n3A_1271 = arith.select %and3A_1267, %broadcast_in_dim3A_1269, %broadcast_in_dim3A_1270 : vector<16xi1>, vector<16xi32>
      %broadcast_in_dim3A_1272 = arith.constant true
      %broadcast_in_dim3A_1273 = vector.broadcast %broadcast_in_dim3A_1272 : i1 to vector<16xi1>
      %masked_cumsum3A = tpu.scan <sum>, %select_n3A_1271 masked %broadcast_in_dim3A_1273 : vector<16xi32>, vector<16xi1> -> vector<16xi32>
      %all_reduce_population_count3A = tpu.all_reduce %and3A_1267 {dim = 0 : i64, kind = #tpu.reduction_kind<sum>} : vector<16xi1> -> vector<16xi32>
      %mul3A_1274 = arith.constant 4 : i32
      %mul3A_1275 = arith.muli %scan3A_1249, %mul3A_1274 : i32
      %add3A_1276 = arith.constant 1 : i32
      %add3A_1277 = arith.addi %mul3A_1275, %add3A_1276 : i32
      %mul3A_1278 = arith.constant 16 : i32
      %mul3A_1279 = arith.muli %add3A_1277, %mul3A_1278 : i32
      %add3A_1280 = vector.broadcast %mul3A_1279 : i32 to vector<16xi32>
      %add3A_1281 = arith.addi %add3A_1280, %iota3A : vector<16xi32>
      %gather3A_1282 = tpu.vector_load_idx %arg7[%add3A_1281] : memref<1280xi32, #tpu.memory_space<vmem>>[vector<16xi32>], vector<16xi32>,
      %gather3A_1283 = tpu.vector_load_idx %arg8[%add3A_1281] : memref<1280xi32, #tpu.memory_space<vmem>>[vector<16xi32>], vector<16xi32>,
      %sub3A_1284 = vector.broadcast %mul3A_2 : i32 to vector<16xi32>
      %sub3A_1285 = arith.subi %gather3A_1282, %sub3A_1284 : vector<16xi32>
      %ge3A_1286 = arith.constant 0 : i32
      %ge3A_1287 = vector.broadcast %ge3A_1286 : i32 to vector<16xi32>
      %ge3A_1288 = arith.cmpi sge, %sub3A_1285, %ge3A_1287 : vector<16xi32>
      %lt3A_1289 = arith.constant 320 : i32
      %lt3A_1290 = vector.broadcast %lt3A_1289 : i32 to vector<16xi32>
      %lt3A_1291 = arith.cmpi slt, %sub3A_1285, %lt3A_1290 : vector<16xi32>
      %and3A_1292 = arith.andi %ge3A_1288, %lt3A_1291 : vector<16xi1>
      %jit3A_1293 = arith.constant 1 : i32
      %jit3A_1294 = arith.constant 0 : i32
      %broadcast_in_dim3A_1295 = vector.broadcast %jit3A_1293 : i32 to vector<16xi32>
      %broadcast_in_dim3A_1296 = vector.broadcast %jit3A_1294 : i32 to vector<16xi32>
      %select_n3A_1297 = arith.select %and3A_1292, %broadcast_in_dim3A_1295, %broadcast_in_dim3A_1296 : vector<16xi1>, vector<16xi32>
      %broadcast_in_dim3A_1298 = arith.constant true
      %broadcast_in_dim3A_1299 = vector.broadcast %broadcast_in_dim3A_1298 : i1 to vector<16xi1>
      %masked_cumsum3A_1300 = tpu.scan <sum>, %select_n3A_1297 masked %broadcast_in_dim3A_1299 : vector<16xi32>, vector<16xi1> -> vector<16xi32>
      %all_reduce_population_count3A_1301 = tpu.all_reduce %and3A_1292 {dim = 0 : i64, kind = #tpu.reduction_kind<sum>} : vector<16xi1> -> vector<16xi32>
      %mul3A_1302 = arith.constant 4 : i32
      %mul3A_1303 = arith.muli %scan3A_1249, %mul3A_1302 : i32
      %add3A_1304 = arith.constant 2 : i32
      %add3A_1305 = arith.addi %mul3A_1303, %add3A_1304 : i32
      %mul3A_1306 = arith.constant 16 : i32
      %mul3A_1307 = arith.muli %add3A_1305, %mul3A_1306 : i32
      %add3A_1308 = vector.broadcast %mul3A_1307 : i32 to vector<16xi32>
      %add3A_1309 = arith.addi %add3A_1308, %iota3A : vector<16xi32>
      %gather3A_1310 = tpu.vector_load_idx %arg7[%add3A_1309] : memref<1280xi32, #tpu.memory_space<vmem>>[vector<16xi32>], vector<16xi32>,
      %gather3A_1311 = tpu.vector_load_idx %arg8[%add3A_1309] : memref<1280xi32, #tpu.memory_space<vmem>>[vector<16xi32>], vector<16xi32>,
      %sub3A_1312 = vector.broadcast %mul3A_2 : i32 to vector<16xi32>
      %sub3A_1313 = arith.subi %gather3A_1310, %sub3A_1312 : vector<16xi32>
      %ge3A_1314 = arith.constant 0 : i32
      %ge3A_1315 = vector.broadcast %ge3A_1314 : i32 to vector<16xi32>
      %ge3A_1316 = arith.cmpi sge, %sub3A_1313, %ge3A_1315 : vector<16xi32>
      %lt3A_1317 = arith.constant 320 : i32
      %lt3A_1318 = vector.broadcast %lt3A_1317 : i32 to vector<16xi32>
      %lt3A_1319 = arith.cmpi slt, %sub3A_1313, %lt3A_1318 : vector<16xi32>
      %and3A_1320 = arith.andi %ge3A_1316, %lt3A_1319 : vector<16xi1>
      %jit3A_1321 = arith.constant 1 : i32
      %jit3A_1322 = arith.constant 0 : i32
      %broadcast_in_dim3A_1323 = vector.broadcast %jit3A_1321 : i32 to vector<16xi32>
      %broadcast_in_dim3A_1324 = vector.broadcast %jit3A_1322 : i32 to vector<16xi32>
      %select_n3A_1325 = arith.select %and3A_1320, %broadcast_in_dim3A_1323, %broadcast_in_dim3A_1324 : vector<16xi1>, vector<16xi32>
      %broadcast_in_dim3A_1326 = arith.constant true
      %broadcast_in_dim3A_1327 = vector.broadcast %broadcast_in_dim3A_1326 : i1 to vector<16xi1>
      %masked_cumsum3A_1328 = tpu.scan <sum>, %select_n3A_1325 masked %broadcast_in_dim3A_1327 : vector<16xi32>, vector<16xi1> -> vector<16xi32>
      %all_reduce_population_count3A_1329 = tpu.all_reduce %and3A_1320 {dim = 0 : i64, kind = #tpu.reduction_kind<sum>} : vector<16xi1> -> vector<16xi32>
      %mul3A_1330 = arith.constant 4 : i32
      %mul3A_1331 = arith.muli %scan3A_1249, %mul3A_1330 : i32
      %add3A_1332 = arith.constant 3 : i32
      %add3A_1333 = arith.addi %mul3A_1331, %add3A_1332 : i32
      %mul3A_1334 = arith.constant 16 : i32
      %mul3A_1335 = arith.muli %add3A_1333, %mul3A_1334 : i32
      %add3A_1336 = vector.broadcast %mul3A_1335 : i32 to vector<16xi32>
      %add3A_1337 = arith.addi %add3A_1336, %iota3A : vector<16xi32>
      %gather3A_1338 = tpu.vector_load_idx %arg7[%add3A_1337] : memref<1280xi32, #tpu.memory_space<vmem>>[vector<16xi32>], vector<16xi32>,
      %gather3A_1339 = tpu.vector_load_idx %arg8[%add3A_1337] : memref<1280xi32, #tpu.memory_space<vmem>>[vector<16xi32>], vector<16xi32>,
      %sub3A_1340 = vector.broadcast %mul3A_2 : i32 to vector<16xi32>
      %sub3A_1341 = arith.subi %gather3A_1338, %sub3A_1340 : vector<16xi32>
      %ge3A_1342 = arith.constant 0 : i32
      %ge3A_1343 = vector.broadcast %ge3A_1342 : i32 to vector<16xi32>
      %ge3A_1344 = arith.cmpi sge, %sub3A_1341, %ge3A_1343 : vector<16xi32>
      %lt3A_1345 = arith.constant 320 : i32
      %lt3A_1346 = vector.broadcast %lt3A_1345 : i32 to vector<16xi32>
      %lt3A_1347 = arith.cmpi slt, %sub3A_1341, %lt3A_1346 : vector<16xi32>
      %and3A_1348 = arith.andi %ge3A_1344, %lt3A_1347 : vector<16xi1>
      %jit3A_1349 = arith.constant 1 : i32
      %jit3A_1350 = arith.constant 0 : i32
      %broadcast_in_dim3A_1351 = vector.broadcast %jit3A_1349 : i32 to vector<16xi32>
      %broadcast_in_dim3A_1352 = vector.broadcast %jit3A_1350 : i32 to vector<16xi32>
      %select_n3A_1353 = arith.select %and3A_1348, %broadcast_in_dim3A_1351, %broadcast_in_dim3A_1352 : vector<16xi1>, vector<16xi32>
      %broadcast_in_dim3A_1354 = arith.constant true
      %broadcast_in_dim3A_1355 = vector.broadcast %broadcast_in_dim3A_1354 : i1 to vector<16xi1>
      %masked_cumsum3A_1356 = tpu.scan <sum>, %select_n3A_1353 masked %broadcast_in_dim3A_1355 : vector<16xi32>, vector<16xi1> -> vector<16xi32>
      %all_reduce_population_count3A_1357 = tpu.all_reduce %and3A_1348 {dim = 0 : i64, kind = #tpu.reduction_kind<sum>} : vector<16xi1> -> vector<16xi32>
      %add3A_1358 = arith.addi %scan3A_1250, %masked_cumsum3A : vector<16xi32>
      %sub3A_1359 = arith.constant 1 : i32
      %sub3A_1360 = vector.broadcast %sub3A_1359 : i32 to vector<16xi32>
      %sub3A_1361 = arith.subi %add3A_1358, %sub3A_1360 : vector<16xi32>
      tpu.vector_store_idx %arg11[%sub3A_1361], %sub3A_1261 masked %and3A_1267 : memref<1536xi32, #tpu.memory_space<vmem>>[vector<16xi32>], vector<16xi32>, vector<16xi1>
      tpu.vector_store_idx %arg12[%sub3A_1361], %gather3A_1260 masked %and3A_1267 : memref<1536xi32, #tpu.memory_space<vmem>>[vector<16xi32>], vector<16xi32>, vector<16xi1>
      %add3A_1362 = arith.addi %scan3A_1250, %all_reduce_population_count3A : vector<16xi32>
      %add3A_1363 = arith.addi %add3A_1362, %masked_cumsum3A_1300 : vector<16xi32>
      %sub3A_1364 = arith.constant 1 : i32
      %sub3A_1365 = vector.broadcast %sub3A_1364 : i32 to vector<16xi32>
      %sub3A_1366 = arith.subi %add3A_1363, %sub3A_1365 : vector<16xi32>
      tpu.vector_store_idx %arg11[%sub3A_1366], %sub3A_1285 masked %and3A_1292 : memref<1536xi32, #tpu.memory_space<vmem>>[vector<16xi32>], vector<16xi32>, vector<16xi1>
      tpu.vector_store_idx %arg12[%sub3A_1366], %gather3A_1283 masked %and3A_1292 : memref<1536xi32, #tpu.memory_space<vmem>>[vector<16xi32>], vector<16xi32>, vector<16xi1>
      %add3A_1367 = arith.addi %add3A_1362, %all_reduce_population_count3A_1301 : vector<16xi32>
      %add3A_1368 = arith.addi %add3A_1367, %masked_cumsum3A_1328 : vector<16xi32>
      %sub3A_1369 = arith.constant 1 : i32
      %sub3A_1370 = vector.broadcast %sub3A_1369 : i32 to vector<16xi32>
      %sub3A_1371 = arith.subi %add3A_1368, %sub3A_1370 : vector<16xi32>
      tpu.vector_store_idx %arg11[%sub3A_1371], %sub3A_1313 masked %and3A_1320 : memref<1536xi32, #tpu.memory_space<vmem>>[vector<16xi32>], vector<16xi32>, vector<16xi1>
      tpu.vector_store_idx %arg12[%sub3A_1371], %gather3A_1311 masked %and3A_1320 : memref<1536xi32, #tpu.memory_space<vmem>>[vector<16xi32>], vector<16xi32>, vector<16xi1>
      %add3A_1372 = arith.addi %add3A_1367, %all_reduce_population_count3A_1329 : vector<16xi32>
      %add3A_1373 = arith.addi %add3A_1372, %masked_cumsum3A_1356 : vector<16xi32>
      %sub3A_1374 = arith.constant 1 : i32
      %sub3A_1375 = vector.broadcast %sub3A_1374 : i32 to vector<16xi32>
      %sub3A_1376 = arith.subi %add3A_1373, %sub3A_1375 : vector<16xi32>
      tpu.vector_store_idx %arg11[%sub3A_1376], %sub3A_1341 masked %and3A_1348 : memref<1536xi32, #tpu.memory_space<vmem>>[vector<16xi32>], vector<16xi32>, vector<16xi1>
      tpu.vector_store_idx %arg12[%sub3A_1376], %gather3A_1339 masked %and3A_1348 : memref<1536xi32, #tpu.memory_space<vmem>>[vector<16xi32>], vector<16xi32>, vector<16xi1>
      %add3A_1377 = arith.addi %add3A_1372, %all_reduce_population_count3A_1357 : vector<16xi32>
      scf.yield %add3A_1377 : vector<16xi32>
    }
    %scan3A_1038 = arith.constant 20 : i32
    %reduce_max3A = arith.constant true
    %reduce_max3A_1039 = vector.broadcast %reduce_max3A : i1 to vector<16xi1>
    %reduce_max3A_1040 = arith.constant -2147483648 : i32
    %reduce_max3A_1041 = vector.broadcast %reduce_max3A_1040 : i32 to vector<16xi32>
    %reduce_max3A_1042 = arith.xori %scan3A_1037, %reduce_max3A_1041 : vector<16xi32>
    %reduce_max3A_1043 = tpu.scan <max>, %reduce_max3A_1042 masked %reduce_max3A_1039 : vector<16xi32>, vector<16xi1> -> vector<16xi32>
    %reduce_max3A_1044 = arith.xori %reduce_max3A_1043, %reduce_max3A_1041 : vector<16xi32>
    %reduce_max3A_1045 = vector.extract %reduce_max3A_1044[15] : i32 from vector<16xi32>
    %shift_right_arithmetic3A = arith.constant 4 : i32
    %shift_right_arithmetic3A_1046 = arith.shrsi %reduce_max3A_1045, %shift_right_arithmetic3A : i32
    %dma_start3A_1047 = arith.constant 0 : i32
    %dma_start3A_1048 = tpu.memref_slice %arg12[%dma_start3A_1047] : memref<1536xi32, #tpu.memory_space<vmem>> -> memref<16xi32, #tpu.memory_space<vmem>>
    %dma_start3A_1049 = arith.constant 0 : i32
    %dma_start3A_1050 = arith.constant 0 : i32
    %dma_start3A_1051 = tpu.memref_slice %arg2[%dma_start3A_1049, %dma_start3A_1050] : memref<10064x256xf32, #tpu.memory_space<hbm>> -> memref<10064x256xf32, #tpu.memory_space<hbm>>
    tpu.enqueue_indirect_dma source(%dma_start3A_1051 : memref<10064x256xf32, #tpu.memory_space<hbm>>) target(%arg14 : memref<16x256xf32, #tpu.memory_space<vmem>>) offsets(%dma_start3A_1048 : memref<16xi32, #tpu.memory_space<vmem>>) semaphore(%arg20 : memref<!tpu.dma_semaphore, #tpu.memory_space<semaphore_mem>>)
    %shift_right_arithmetic3A_1052 = arith.constant 1 : i32
    %shift_right_arithmetic3A_1053 = arith.shrsi %shift_right_arithmetic3A_1046, %shift_right_arithmetic3A_1052 : i32
    %while3A = arith.constant 0 : i32
    %while3A_1054 = arith.constant 0 : i32
    %while3A_1055 = arith.subi %shift_right_arithmetic3A_1053, %while3A : i32
    %while3A_1056 = arith.addi %while3A, %while3A_1055 : i32
    %while3A_1057 = arith.constant 1 : i32
    %while3A_1058 = arith.divsi %while3A_1055, %while3A_1057 : i32
    %while3A_1059 = arith.muli %while3A_1058, %while3A_1057 : i32
    %while3A_1060 = arith.addi %while3A, %while3A_1059 : i32
    %while3A_1061 = arith.constant 1 : i32
    %while3A_1062 = scf.for %while3A_1249 = %while3A to %while3A_1060 step %while3A_1061 iter_args(%while3A_1250 = %while3A_1054) -> (i32)  : i32 {
      %mul3A_1251 = arith.constant 2 : i32
      %mul3A_1252 = arith.muli %mul3A_1251, %while3A_1249 : i32
      %add3A_1253 = arith.constant 1 : i32
      %add3A_1254 = arith.addi %mul3A_1252, %add3A_1253 : i32
      %mul3A_1255 = arith.constant 16 : i32
      %mul3A_1256 = arith.muli %add3A_1254, %mul3A_1255 : i32
      %dma_start3A_1257 = tpu.memref_slice %arg12[%mul3A_1256] : memref<1536xi32, #tpu.memory_space<vmem>> -> memref<16xi32, #tpu.memory_space<vmem>>
      %dma_start3A_1258 = arith.constant 0 : i32
      %dma_start3A_1259 = arith.constant 0 : i32
      %dma_start3A_1260 = tpu.memref_slice %arg2[%dma_start3A_1258, %dma_start3A_1259] : memref<10064x256xf32, #tpu.memory_space<hbm>> -> memref<10064x256xf32, #tpu.memory_space<hbm>>
      tpu.enqueue_indirect_dma source(%dma_start3A_1260 : memref<10064x256xf32, #tpu.memory_space<hbm>>) target(%arg15 : memref<16x256xf32, #tpu.memory_space<vmem>>) offsets(%dma_start3A_1257 : memref<16xi32, #tpu.memory_space<vmem>>) semaphore(%arg20 : memref<!tpu.dma_semaphore, #tpu.memory_space<semaphore_mem>>)
      %mul3A_1261 = arith.constant 2 : i32
      %mul3A_1262 = arith.muli %mul3A_1261, %while3A_1249 : i32
      %mul3A_1263 = arith.constant 16 : i32
      %mul3A_1264 = arith.muli %mul3A_1262, %mul3A_1263 : i32
      %dma_wait3A_1265 = tpu.memref_slice %arg12[%mul3A_1264] : memref<1536xi32, #tpu.memory_space<vmem>> -> memref<16xi32, #tpu.memory_space<vmem>>
      %dma_wait3A_1266 = arith.constant 0 : i32
      %dma_wait3A_1267 = arith.constant 0 : i32
      %dma_wait3A_1268 = tpu.memref_slice %arg2[%dma_wait3A_1266, %dma_wait3A_1267] : memref<10064x256xf32, #tpu.memory_space<hbm>> -> memref<10064x256xf32, #tpu.memory_space<hbm>>
      tpu.wait_indirect_dma semaphore(%arg20 : memref<!tpu.dma_semaphore, #tpu.memory_space<semaphore_mem>>) src(%dma_wait3A_1268 : memref<10064x256xf32, #tpu.memory_space<hbm>>) dst(%arg14 : memref<16x256xf32, #tpu.memory_space<vmem>>)
      %mul3A_1269 = arith.constant 2 : i32
      %mul3A_1270 = arith.muli %mul3A_1269, %while3A_1249 : i32
      %mul3A_1271 = arith.constant 16 : i32
      %mul3A_1272 = arith.muli %mul3A_1270, %mul3A_1271 : i32
      %add3A_1273 = vector.broadcast %mul3A_1272 : i32 to vector<16xi32>
      %add3A_1274 = arith.addi %add3A_1273, %iota3A : vector<16xi32>
      %gather3A_1275 = tpu.vector_load_idx %arg11[%add3A_1274] : memref<1536xi32, #tpu.memory_space<vmem>>[vector<16xi32>], vector<16xi32>,
      %broadcast_in_dim3A_1276 = arith.constant true
      %broadcast_in_dim3A_1277 = vector.broadcast %broadcast_in_dim3A_1276 : i1 to vector<16xi1>
      %unique3A, %unique3A_1278 = tpu.scan_count mask(%broadcast_in_dim3A_1277 : vector<16xi1>) value(%gather3A_1275 : vector<16xi32>) : vector<16xi1>, vector<16xi32>
      %gather3A_1279 = tpu.vector_load_idx %arg16[%gather3A_1275] : memref<336xi32, #tpu.memory_space<vmem>>[vector<16xi32>], vector<16xi32>,
      %add3A_1280 = arith.addi %gather3A_1279, %unique3A_1278 : vector<16xi32>
      tpu.vector_store_idx %arg16[%gather3A_1275], %add3A_1280 masked %unique3A : memref<336xi32, #tpu.memory_space<vmem>>[vector<16xi32>], vector<16xi32>, vector<16xi1>
      %mul3A_1281 = arith.constant 2 : i32
      %mul3A_1282 = arith.muli %mul3A_1281, %while3A_1249 : i32
      %add3A_1283 = arith.constant 2 : i32
      %add3A_1284 = arith.addi %mul3A_1282, %add3A_1283 : i32
      %mul3A_1285 = arith.constant 16 : i32
      %mul3A_1286 = arith.muli %add3A_1284, %mul3A_1285 : i32
      %dma_start3A_1287 = tpu.memref_slice %arg12[%mul3A_1286] : memref<1536xi32, #tpu.memory_space<vmem>> -> memref<16xi32, #tpu.memory_space<vmem>>
      %dma_start3A_1288 = arith.constant 0 : i32
      %dma_start3A_1289 = arith.constant 0 : i32
      %dma_start3A_1290 = tpu.memref_slice %arg2[%dma_start3A_1288, %dma_start3A_1289] : memref<10064x256xf32, #tpu.memory_space<hbm>> -> memref<10064x256xf32, #tpu.memory_space<hbm>>
      tpu.enqueue_indirect_dma source(%dma_start3A_1290 : memref<10064x256xf32, #tpu.memory_space<hbm>>) target(%arg14 : memref<16x256xf32, #tpu.memory_space<vmem>>) offsets(%dma_start3A_1287 : memref<16xi32, #tpu.memory_space<vmem>>) semaphore(%arg20 : memref<!tpu.dma_semaphore, #tpu.memory_space<semaphore_mem>>)
      %mul3A_1291 = arith.constant 2 : i32
      %mul3A_1292 = arith.muli %mul3A_1291, %while3A_1249 : i32
      %add3A_1293 = arith.constant 1 : i32
      %add3A_1294 = arith.addi %mul3A_1292, %add3A_1293 : i32
      %mul3A_1295 = arith.constant 16 : i32
      %mul3A_1296 = arith.muli %add3A_1294, %mul3A_1295 : i32
      %dma_wait3A_1297 = tpu.memref_slice %arg12[%mul3A_1296] : memref<1536xi32, #tpu.memory_space<vmem>> -> memref<16xi32, #tpu.memory_space<vmem>>
      %dma_wait3A_1298 = arith.constant 0 : i32
      %dma_wait3A_1299 = arith.constant 0 : i32
      %dma_wait3A_1300 = tpu.memref_slice %arg2[%dma_wait3A_1298, %dma_wait3A_1299] : memref<10064x256xf32, #tpu.memory_space<hbm>> -> memref<10064x256xf32, #tpu.memory_space<hbm>>
      tpu.wait_indirect_dma semaphore(%arg20 : memref<!tpu.dma_semaphore, #tpu.memory_space<semaphore_mem>>) src(%dma_wait3A_1300 : memref<10064x256xf32, #tpu.memory_space<hbm>>) dst(%arg15 : memref<16x256xf32, #tpu.memory_space<vmem>>)
      %mul3A_1301 = arith.constant 2 : i32
      %mul3A_1302 = arith.muli %mul3A_1301, %while3A_1249 : i32
      %add3A_1303 = arith.constant 1 : i32
      %add3A_1304 = arith.addi %mul3A_1302, %add3A_1303 : i32
      %mul3A_1305 = arith.constant 16 : i32
      %mul3A_1306 = arith.muli %add3A_1304, %mul3A_1305 : i32
      %add3A_1307 = vector.broadcast %mul3A_1306 : i32 to vector<16xi32>
      %add3A_1308 = arith.addi %add3A_1307, %iota3A : vector<16xi32>
      %gather3A_1309 = tpu.vector_load_idx %arg11[%add3A_1308] : memref<1536xi32, #tpu.memory_space<vmem>>[vector<16xi32>], vector<16xi32>,
      %broadcast_in_dim3A_1310 = arith.constant true
      %broadcast_in_dim3A_1311 = vector.broadcast %broadcast_in_dim3A_1310 : i1 to vector<16xi1>
      %unique3A_1312, %unique3A_1313 = tpu.scan_count mask(%broadcast_in_dim3A_1311 : vector<16xi1>) value(%gather3A_1309 : vector<16xi32>) : vector<16xi1>, vector<16xi32>
      %gather3A_1314 = tpu.vector_load_idx %arg16[%gather3A_1309] : memref<336xi32, #tpu.memory_space<vmem>>[vector<16xi32>], vector<16xi32>,
      %add3A_1315 = arith.addi %gather3A_1314, %unique3A_1313 : vector<16xi32>
      tpu.vector_store_idx %arg16[%gather3A_1309], %add3A_1315 masked %unique3A_1312 : memref<336xi32, #tpu.memory_space<vmem>>[vector<16xi32>], vector<16xi32>, vector<16xi1>
      %while3A_1316 = arith.constant 0 : i32
      scf.yield %while3A_1316 : i32
    }
    %while3A_1063 = arith.constant 1 : i32
    %while3A_1064 = scf.for %while3A_1249 = %while3A_1060 to %while3A_1056 step %while3A_1063 iter_args(%while3A_1250 = %while3A_1062) -> (i32)  : i32 {
      %mul3A_1251 = arith.constant 2 : i32
      %mul3A_1252 = arith.muli %mul3A_1251, %while3A_1249 : i32
      %add3A_1253 = arith.constant 1 : i32
      %add3A_1254 = arith.addi %mul3A_1252, %add3A_1253 : i32
      %mul3A_1255 = arith.constant 16 : i32
      %mul3A_1256 = arith.muli %add3A_1254, %mul3A_1255 : i32
      %dma_start3A_1257 = tpu.memref_slice %arg12[%mul3A_1256] : memref<1536xi32, #tpu.memory_space<vmem>> -> memref<16xi32, #tpu.memory_space<vmem>>
      %dma_start3A_1258 = arith.constant 0 : i32
      %dma_start3A_1259 = arith.constant 0 : i32
      %dma_start3A_1260 = tpu.memref_slice %arg2[%dma_start3A_1258, %dma_start3A_1259] : memref<10064x256xf32, #tpu.memory_space<hbm>> -> memref<10064x256xf32, #tpu.memory_space<hbm>>
      tpu.enqueue_indirect_dma source(%dma_start3A_1260 : memref<10064x256xf32, #tpu.memory_space<hbm>>) target(%arg15 : memref<16x256xf32, #tpu.memory_space<vmem>>) offsets(%dma_start3A_1257 : memref<16xi32, #tpu.memory_space<vmem>>) semaphore(%arg20 : memref<!tpu.dma_semaphore, #tpu.memory_space<semaphore_mem>>)
      %mul3A_1261 = arith.constant 2 : i32
      %mul3A_1262 = arith.muli %mul3A_1261, %while3A_1249 : i32
      %mul3A_1263 = arith.constant 16 : i32
      %mul3A_1264 = arith.muli %mul3A_1262, %mul3A_1263 : i32
      %dma_wait3A_1265 = tpu.memref_slice %arg12[%mul3A_1264] : memref<1536xi32, #tpu.memory_space<vmem>> -> memref<16xi32, #tpu.memory_space<vmem>>
      %dma_wait3A_1266 = arith.constant 0 : i32
      %dma_wait3A_1267 = arith.constant 0 : i32
      %dma_wait3A_1268 = tpu.memref_slice %arg2[%dma_wait3A_1266, %dma_wait3A_1267] : memref<10064x256xf32, #tpu.memory_space<hbm>> -> memref<10064x256xf32, #tpu.memory_space<hbm>>
      tpu.wait_indirect_dma semaphore(%arg20 : memref<!tpu.dma_semaphore, #tpu.memory_space<semaphore_mem>>) src(%dma_wait3A_1268 : memref<10064x256xf32, #tpu.memory_space<hbm>>) dst(%arg14 : memref<16x256xf32, #tpu.memory_space<vmem>>)
      %mul3A_1269 = arith.constant 2 : i32
      %mul3A_1270 = arith.muli %mul3A_1269, %while3A_1249 : i32
      %mul3A_1271 = arith.constant 16 : i32
      %mul3A_1272 = arith.muli %mul3A_1270, %mul3A_1271 : i32
      %add3A_1273 = vector.broadcast %mul3A_1272 : i32 to vector<16xi32>
      %add3A_1274 = arith.addi %add3A_1273, %iota3A : vector<16xi32>
      %gather3A_1275 = tpu.vector_load_idx %arg11[%add3A_1274] : memref<1536xi32, #tpu.memory_space<vmem>>[vector<16xi32>], vector<16xi32>,
      %broadcast_in_dim3A_1276 = arith.constant true
      %broadcast_in_dim3A_1277 = vector.broadcast %broadcast_in_dim3A_1276 : i1 to vector<16xi1>
      %unique3A, %unique3A_1278 = tpu.scan_count mask(%broadcast_in_dim3A_1277 : vector<16xi1>) value(%gather3A_1275 : vector<16xi32>) : vector<16xi1>, vector<16xi32>
      %gather3A_1279 = tpu.vector_load_idx %arg16[%gather3A_1275] : memref<336xi32, #tpu.memory_space<vmem>>[vector<16xi32>], vector<16xi32>,
      %add3A_1280 = arith.addi %gather3A_1279, %unique3A_1278 : vector<16xi32>
      tpu.vector_store_idx %arg16[%gather3A_1275], %add3A_1280 masked %unique3A : memref<336xi32, #tpu.memory_space<vmem>>[vector<16xi32>], vector<16xi32>, vector<16xi1>
      %mul3A_1281 = arith.constant 2 : i32
      %mul3A_1282 = arith.muli %mul3A_1281, %while3A_1249 : i32
      %add3A_1283 = arith.constant 2 : i32
      %add3A_1284 = arith.addi %mul3A_1282, %add3A_1283 : i32
      %mul3A_1285 = arith.constant 16 : i32
      %mul3A_1286 = arith.muli %add3A_1284, %mul3A_1285 : i32
      %dma_start3A_1287 = tpu.memref_slice %arg12[%mul3A_1286] : memref<1536xi32, #tpu.memory_space<vmem>> -> memref<16xi32, #tpu.memory_space<vmem>>
      %dma_start3A_1288 = arith.constant 0 : i32
      %dma_start3A_1289 = arith.constant 0 : i32
      %dma_start3A_1290 = tpu.memref_slice %arg2[%dma_start3A_1288, %dma_start3A_1289] : memref<10064x256xf32, #tpu.memory_space<hbm>> -> memref<10064x256xf32, #tpu.memory_space<hbm>>
      tpu.enqueue_indirect_dma source(%dma_start3A_1290 : memref<10064x256xf32, #tpu.memory_space<hbm>>) target(%arg14 : memref<16x256xf32, #tpu.memory_space<vmem>>) offsets(%dma_start3A_1287 : memref<16xi32, #tpu.memory_space<vmem>>) semaphore(%arg20 : memref<!tpu.dma_semaphore, #tpu.memory_space<semaphore_mem>>)
      %mul3A_1291 = arith.constant 2 : i32
      %mul3A_1292 = arith.muli %mul3A_1291, %while3A_1249 : i32
      %add3A_1293 = arith.constant 1 : i32
      %add3A_1294 = arith.addi %mul3A_1292, %add3A_1293 : i32
      %mul3A_1295 = arith.constant 16 : i32
      %mul3A_1296 = arith.muli %add3A_1294, %mul3A_1295 : i32
      %dma_wait3A_1297 = tpu.memref_slice %arg12[%mul3A_1296] : memref<1536xi32, #tpu.memory_space<vmem>> -> memref<16xi32, #tpu.memory_space<vmem>>
      %dma_wait3A_1298 = arith.constant 0 : i32
      %dma_wait3A_1299 = arith.constant 0 : i32
      %dma_wait3A_1300 = tpu.memref_slice %arg2[%dma_wait3A_1298, %dma_wait3A_1299] : memref<10064x256xf32, #tpu.memory_space<hbm>> -> memref<10064x256xf32, #tpu.memory_space<hbm>>
      tpu.wait_indirect_dma semaphore(%arg20 : memref<!tpu.dma_semaphore, #tpu.memory_space<semaphore_mem>>) src(%dma_wait3A_1300 : memref<10064x256xf32, #tpu.memory_space<hbm>>) dst(%arg15 : memref<16x256xf32, #tpu.memory_space<vmem>>)
      %mul3A_1301 = arith.constant 2 : i32
      %mul3A_1302 = arith.muli %mul3A_1301, %while3A_1249 : i32
      %add3A_1303 = arith.constant 1 : i32
      %add3A_1304 = arith.addi %mul3A_1302, %add3A_1303 : i32
      %mul3A_1305 = arith.constant 16 : i32
      %mul3A_1306 = arith.muli %add3A_1304, %mul3A_1305 : i32
      %add3A_1307 = vector.broadcast %mul3A_1306 : i32 to vector<16xi32>
      %add3A_1308 = arith.addi %add3A_1307, %iota3A : vector<16xi32>
      %gather3A_1309 = tpu.vector_load_idx %arg11[%add3A_1308] : memref<1536xi32, #tpu.memory_space<vmem>>[vector<16xi32>], vector<16xi32>,
      %broadcast_in_dim3A_1310 = arith.constant true
      %broadcast_in_dim3A_1311 = vector.broadcast %broadcast_in_dim3A_1310 : i1 to vector<16xi1>
      %unique3A_1312, %unique3A_1313 = tpu.scan_count mask(%broadcast_in_dim3A_1311 : vector<16xi1>) value(%gather3A_1309 : vector<16xi32>) : vector<16xi1>, vector<16xi32>
      %gather3A_1314 = tpu.vector_load_idx %arg16[%gather3A_1309] : memref<336xi32, #tpu.memory_space<vmem>>[vector<16xi32>], vector<16xi32>,
      %add3A_1315 = arith.addi %gather3A_1314, %unique3A_1313 : vector<16xi32>
      tpu.vector_store_idx %arg16[%gather3A_1309], %add3A_1315 masked %unique3A_1312 : memref<336xi32, #tpu.memory_space<vmem>>[vector<16xi32>], vector<16xi32>, vector<16xi1>
      %while3A_1316 = arith.constant 0 : i32
      scf.yield %while3A_1316 : i32
    }
    %and3A = arith.constant -2 : i32
    %and3A_1065 = arith.andi %shift_right_arithmetic3A_1046, %and3A : i32
    %mul3A_1066 = arith.constant 16 : i32
    %mul3A_1067 = arith.muli %and3A_1065, %mul3A_1066 : i32
    %dma_wait3A_1068 = tpu.memref_slice %arg12[%mul3A_1067] : memref<1536xi32, #tpu.memory_space<vmem>> -> memref<16xi32, #tpu.memory_space<vmem>>
    %dma_wait3A_1069 = arith.constant 0 : i32
    %dma_wait3A_1070 = arith.constant 0 : i32
    %dma_wait3A_1071 = tpu.memref_slice %arg2[%dma_wait3A_1069, %dma_wait3A_1070] : memref<10064x256xf32, #tpu.memory_space<hbm>> -> memref<10064x256xf32, #tpu.memory_space<hbm>>
    tpu.wait_indirect_dma semaphore(%arg20 : memref<!tpu.dma_semaphore, #tpu.memory_space<semaphore_mem>>) src(%dma_wait3A_1071 : memref<10064x256xf32, #tpu.memory_space<hbm>>) dst(%arg14 : memref<16x256xf32, #tpu.memory_space<vmem>>)
    %and3A_1072 = arith.constant 1 : i32
    %and3A_1073 = arith.andi %shift_right_arithmetic3A_1046, %and3A_1072 : i32
    %eq3A = arith.constant 1 : i32
    %eq3A_1074 = arith.cmpi eq, %and3A_1073, %eq3A : i32
    %convert_element_type3A = arith.extui %eq3A_1074 : i1 to i32
    %cond3A = arith.constant 0 : i32
    %cond3A_1075 = arith.cmpi ne, %convert_element_type3A, %cond3A : i32
    scf.if %cond3A_1075 {
      %and3A_1249 = arith.constant -2 : i32
      %and3A_1250 = arith.andi %shift_right_arithmetic3A_1046, %and3A_1249 : i32
      %mul3A_1251 = arith.constant 16 : i32
      %mul3A_1252 = arith.muli %and3A_1250, %mul3A_1251 : i32
      %add3A_1253 = vector.broadcast %mul3A_1252 : i32 to vector<16xi32>
      %add3A_1254 = arith.addi %add3A_1253, %iota3A : vector<16xi32>
      %gather3A_1255 = tpu.vector_load_idx %arg11[%add3A_1254] : memref<1536xi32, #tpu.memory_space<vmem>>[vector<16xi32>], vector<16xi32>,
      %broadcast_in_dim3A_1256 = arith.constant true
      %broadcast_in_dim3A_1257 = vector.broadcast %broadcast_in_dim3A_1256 : i1 to vector<16xi1>
      %unique3A, %unique3A_1258 = tpu.scan_count mask(%broadcast_in_dim3A_1257 : vector<16xi1>) value(%gather3A_1255 : vector<16xi32>) : vector<16xi1>, vector<16xi32>
      %gather3A_1259 = tpu.vector_load_idx %arg16[%gather3A_1255] : memref<336xi32, #tpu.memory_space<vmem>>[vector<16xi32>], vector<16xi32>,
      %add3A_1260 = arith.addi %gather3A_1259, %unique3A_1258 : vector<16xi32>
      tpu.vector_store_idx %arg16[%gather3A_1255], %add3A_1260 masked %unique3A : memref<336xi32, #tpu.memory_space<vmem>>[vector<16xi32>], vector<16xi32>, vector<16xi1>
    } else {
    }
    %shift_left3A = arith.constant 4 : i32
    %shift_left3A_1076 = arith.shli %shift_right_arithmetic3A_1046, %shift_left3A : i32
    %add3A_1077 = vector.broadcast %shift_left3A_1076 : i32 to vector<16xi32>
    %add3A_1078 = arith.addi %add3A_1077, %iota3A : vector<16xi32>
    %gather3A = tpu.vector_load_idx %arg11[%add3A_1078] : memref<1536xi32, #tpu.memory_space<vmem>>[vector<16xi32>], vector<16xi32>,
    %gather3A_1079 = tpu.vector_load_idx %arg12[%add3A_1078] : memref<1536xi32, #tpu.memory_space<vmem>>[vector<16xi32>], vector<16xi32>,
    %and3A_1080 = arith.constant 15 : i32
    %and3A_1081 = vector.broadcast %and3A_1080 : i32 to vector<16xi32>
    %and3A_1082 = arith.andi %scan3A_1037, %and3A_1081 : vector<16xi32>
    %lt3A = arith.cmpi slt, %iota3A, %and3A_1082 : vector<16xi32>
    %add3A_1083 = arith.constant 320 : i32
    %add3A_1084 = vector.broadcast %add3A_1083 : i32 to vector<16xi32>
    %add3A_1085 = arith.addi %add3A_1084, %iota3A : vector<16xi32>
    %select_n3A = arith.select %lt3A, %gather3A, %add3A_1085 : vector<16xi1>, vector<16xi32>
    tpu.vector_store_idx %arg11[%iota3A], %select_n3A : memref<1536xi32, #tpu.memory_space<vmem>>[vector<16xi32>], vector<16xi32>,
    %add3A_1086 = arith.constant 10000 : i32
    %add3A_1087 = vector.broadcast %add3A_1086 : i32 to vector<16xi32>
    %add3A_1088 = arith.addi %add3A_1087, %iota3A : vector<16xi32>
    %select_n3A_1089 = arith.select %lt3A, %gather3A_1079, %add3A_1088 : vector<16xi1>, vector<16xi32>
    tpu.vector_store_idx %arg12[%iota3A], %select_n3A_1089 : memref<1536xi32, #tpu.memory_space<vmem>>[vector<16xi32>], vector<16xi32>,
    %add3A_1090 = arith.constant 15 : i32
    %add3A_1091 = vector.broadcast %add3A_1090 : i32 to vector<16xi32>
    %add3A_1092 = arith.addi %and3A_1082, %add3A_1091 : vector<16xi32>
    %and3A_1093 = arith.constant -16 : i32
    %and3A_1094 = vector.broadcast %and3A_1093 : i32 to vector<16xi32>
    %and3A_1095 = arith.andi %add3A_1092, %and3A_1094 : vector<16xi32>
    %add3A_1096 = arith.addi %and3A_1082, %iota3A : vector<16xi32>
    %lt3A_1097 = arith.cmpi slt, %add3A_1096, %and3A_1095 : vector<16xi32>
    %add3A_1098 = arith.constant 320 : i32
    %add3A_1099 = vector.broadcast %add3A_1098 : i32 to vector<16xi32>
    %add3A_1100 = arith.addi %add3A_1099, %iota3A : vector<16xi32>
    tpu.vector_store_idx %arg11[%add3A_1096], %add3A_1100 masked %lt3A_1097 : memref<1536xi32, #tpu.memory_space<vmem>>[vector<16xi32>], vector<16xi32>, vector<16xi1>
    %add3A_1101 = arith.constant 10000 : i32
    %add3A_1102 = vector.broadcast %add3A_1101 : i32 to vector<16xi32>
    %add3A_1103 = arith.addi %add3A_1102, %iota3A : vector<16xi32>
    tpu.vector_store_idx %arg12[%add3A_1096], %add3A_1103 masked %lt3A_1097 : memref<1536xi32, #tpu.memory_space<vmem>>[vector<16xi32>], vector<16xi32>, vector<16xi1>
    %reduce_max3A_1104 = arith.constant true
    %reduce_max3A_1105 = vector.broadcast %reduce_max3A_1104 : i1 to vector<16xi1>
    %reduce_max3A_1106 = arith.constant -2147483648 : i32
    %reduce_max3A_1107 = vector.broadcast %reduce_max3A_1106 : i32 to vector<16xi32>
    %reduce_max3A_1108 = arith.xori %and3A_1095, %reduce_max3A_1107 : vector<16xi32>
    %reduce_max3A_1109 = tpu.scan <max>, %reduce_max3A_1108 masked %reduce_max3A_1105 : vector<16xi32>, vector<16xi1> -> vector<16xi32>
    %reduce_max3A_1110 = arith.xori %reduce_max3A_1109, %reduce_max3A_1107 : vector<16xi32>
    %reduce_max3A_1111 = vector.extract %reduce_max3A_1110[15] : i32 from vector<16xi32>
    %shift_right_arithmetic3A_1112 = arith.constant 4 : i32
    %shift_right_arithmetic3A_1113 = arith.shrsi %reduce_max3A_1111, %shift_right_arithmetic3A_1112 : i32
    %dma_start3A_1114 = arith.constant 0 : i32
    %dma_start3A_1115 = tpu.memref_slice %arg12[%dma_start3A_1114] : memref<1536xi32, #tpu.memory_space<vmem>> -> memref<16xi32, #tpu.memory_space<vmem>>
    %dma_start3A_1116 = arith.constant 0 : i32
    %dma_start3A_1117 = arith.constant 0 : i32
    %dma_start3A_1118 = tpu.memref_slice %arg2[%dma_start3A_1116, %dma_start3A_1117] : memref<10064x256xf32, #tpu.memory_space<hbm>> -> memref<10064x256xf32, #tpu.memory_space<hbm>>
    tpu.enqueue_indirect_dma source(%dma_start3A_1118 : memref<10064x256xf32, #tpu.memory_space<hbm>>) target(%arg14 : memref<16x256xf32, #tpu.memory_space<vmem>>) offsets(%dma_start3A_1115 : memref<16xi32, #tpu.memory_space<vmem>>) semaphore(%arg20 : memref<!tpu.dma_semaphore, #tpu.memory_space<semaphore_mem>>)
    %shift_right_arithmetic3A_1119 = arith.constant 1 : i32
    %shift_right_arithmetic3A_1120 = arith.shrsi %shift_right_arithmetic3A_1113, %shift_right_arithmetic3A_1119 : i32
    %while3A_1121 = arith.constant 0 : i32
    %while3A_1122 = arith.constant 0 : i32
    %while3A_1123 = arith.subi %shift_right_arithmetic3A_1120, %while3A_1121 : i32
    %while3A_1124 = arith.addi %while3A_1121, %while3A_1123 : i32
    %while3A_1125 = arith.constant 1 : i32
    %while3A_1126 = arith.divsi %while3A_1123, %while3A_1125 : i32
    %while3A_1127 = arith.muli %while3A_1126, %while3A_1125 : i32
    %while3A_1128 = arith.addi %while3A_1121, %while3A_1127 : i32
    %while3A_1129 = arith.constant 1 : i32
    %while3A_1130 = scf.for %while3A_1249 = %while3A_1121 to %while3A_1128 step %while3A_1129 iter_args(%while3A_1250 = %while3A_1122) -> (i32)  : i32 {
      %mul3A_1251 = arith.constant 2 : i32
      %mul3A_1252 = arith.muli %mul3A_1251, %while3A_1249 : i32
      %add3A_1253 = arith.constant 1 : i32
      %add3A_1254 = arith.addi %mul3A_1252, %add3A_1253 : i32
      %mul3A_1255 = arith.constant 16 : i32
      %mul3A_1256 = arith.muli %add3A_1254, %mul3A_1255 : i32
      %dma_start3A_1257 = tpu.memref_slice %arg12[%mul3A_1256] : memref<1536xi32, #tpu.memory_space<vmem>> -> memref<16xi32, #tpu.memory_space<vmem>>
      %dma_start3A_1258 = arith.constant 0 : i32
      %dma_start3A_1259 = arith.constant 0 : i32
      %dma_start3A_1260 = tpu.memref_slice %arg2[%dma_start3A_1258, %dma_start3A_1259] : memref<10064x256xf32, #tpu.memory_space<hbm>> -> memref<10064x256xf32, #tpu.memory_space<hbm>>
      tpu.enqueue_indirect_dma source(%dma_start3A_1260 : memref<10064x256xf32, #tpu.memory_space<hbm>>) target(%arg15 : memref<16x256xf32, #tpu.memory_space<vmem>>) offsets(%dma_start3A_1257 : memref<16xi32, #tpu.memory_space<vmem>>) semaphore(%arg20 : memref<!tpu.dma_semaphore, #tpu.memory_space<semaphore_mem>>)
      %mul3A_1261 = arith.constant 2 : i32
      %mul3A_1262 = arith.muli %mul3A_1261, %while3A_1249 : i32
      %mul3A_1263 = arith.constant 16 : i32
      %mul3A_1264 = arith.muli %mul3A_1262, %mul3A_1263 : i32
      %dma_wait3A_1265 = tpu.memref_slice %arg12[%mul3A_1264] : memref<1536xi32, #tpu.memory_space<vmem>> -> memref<16xi32, #tpu.memory_space<vmem>>
      %dma_wait3A_1266 = arith.constant 0 : i32
      %dma_wait3A_1267 = arith.constant 0 : i32
      %dma_wait3A_1268 = tpu.memref_slice %arg2[%dma_wait3A_1266, %dma_wait3A_1267] : memref<10064x256xf32, #tpu.memory_space<hbm>> -> memref<10064x256xf32, #tpu.memory_space<hbm>>
      tpu.wait_indirect_dma semaphore(%arg20 : memref<!tpu.dma_semaphore, #tpu.memory_space<semaphore_mem>>) src(%dma_wait3A_1268 : memref<10064x256xf32, #tpu.memory_space<hbm>>) dst(%arg14 : memref<16x256xf32, #tpu.memory_space<vmem>>)
      %mul3A_1269 = arith.constant 2 : i32
      %mul3A_1270 = arith.muli %mul3A_1269, %while3A_1249 : i32
      %mul3A_1271 = arith.constant 16 : i32
      %mul3A_1272 = arith.muli %mul3A_1270, %mul3A_1271 : i32
      %add3A_1273 = vector.broadcast %mul3A_1272 : i32 to vector<16xi32>
      %add3A_1274 = arith.addi %add3A_1273, %iota3A : vector<16xi32>
      %gather3A_1275 = tpu.vector_load_idx %arg11[%add3A_1274] : memref<1536xi32, #tpu.memory_space<vmem>>[vector<16xi32>], vector<16xi32>,
      %broadcast_in_dim3A_1276 = arith.constant true
      %broadcast_in_dim3A_1277 = vector.broadcast %broadcast_in_dim3A_1276 : i1 to vector<16xi1>
      %unique3A, %unique3A_1278 = tpu.scan_count mask(%broadcast_in_dim3A_1277 : vector<16xi1>) value(%gather3A_1275 : vector<16xi32>) : vector<16xi1>, vector<16xi32>
      %gather3A_1279 = tpu.vector_load_idx %arg16[%gather3A_1275] : memref<336xi32, #tpu.memory_space<vmem>>[vector<16xi32>], vector<16xi32>,
      %add3A_1280 = arith.addi %gather3A_1279, %unique3A_1278 : vector<16xi32>
      tpu.vector_store_idx %arg16[%gather3A_1275], %add3A_1280 masked %unique3A : memref<336xi32, #tpu.memory_space<vmem>>[vector<16xi32>], vector<16xi32>, vector<16xi1>
      %mul3A_1281 = arith.constant 2 : i32
      %mul3A_1282 = arith.muli %mul3A_1281, %while3A_1249 : i32
      %add3A_1283 = arith.constant 2 : i32
      %add3A_1284 = arith.addi %mul3A_1282, %add3A_1283 : i32
      %mul3A_1285 = arith.constant 16 : i32
      %mul3A_1286 = arith.muli %add3A_1284, %mul3A_1285 : i32
      %dma_start3A_1287 = tpu.memref_slice %arg12[%mul3A_1286] : memref<1536xi32, #tpu.memory_space<vmem>> -> memref<16xi32, #tpu.memory_space<vmem>>
      %dma_start3A_1288 = arith.constant 0 : i32
      %dma_start3A_1289 = arith.constant 0 : i32
      %dma_start3A_1290 = tpu.memref_slice %arg2[%dma_start3A_1288, %dma_start3A_1289] : memref<10064x256xf32, #tpu.memory_space<hbm>> -> memref<10064x256xf32, #tpu.memory_space<hbm>>
      tpu.enqueue_indirect_dma source(%dma_start3A_1290 : memref<10064x256xf32, #tpu.memory_space<hbm>>) target(%arg14 : memref<16x256xf32, #tpu.memory_space<vmem>>) offsets(%dma_start3A_1287 : memref<16xi32, #tpu.memory_space<vmem>>) semaphore(%arg20 : memref<!tpu.dma_semaphore, #tpu.memory_space<semaphore_mem>>)
      %mul3A_1291 = arith.constant 2 : i32
      %mul3A_1292 = arith.muli %mul3A_1291, %while3A_1249 : i32
      %add3A_1293 = arith.constant 1 : i32
      %add3A_1294 = arith.addi %mul3A_1292, %add3A_1293 : i32
      %mul3A_1295 = arith.constant 16 : i32
      %mul3A_1296 = arith.muli %add3A_1294, %mul3A_1295 : i32
      %dma_wait3A_1297 = tpu.memref_slice %arg12[%mul3A_1296] : memref<1536xi32, #tpu.memory_space<vmem>> -> memref<16xi32, #tpu.memory_space<vmem>>
      %dma_wait3A_1298 = arith.constant 0 : i32
      %dma_wait3A_1299 = arith.constant 0 : i32
      %dma_wait3A_1300 = tpu.memref_slice %arg2[%dma_wait3A_1298, %dma_wait3A_1299] : memref<10064x256xf32, #tpu.memory_space<hbm>> -> memref<10064x256xf32, #tpu.memory_space<hbm>>
      tpu.wait_indirect_dma semaphore(%arg20 : memref<!tpu.dma_semaphore, #tpu.memory_space<semaphore_mem>>) src(%dma_wait3A_1300 : memref<10064x256xf32, #tpu.memory_space<hbm>>) dst(%arg15 : memref<16x256xf32, #tpu.memory_space<vmem>>)
      %mul3A_1301 = arith.constant 2 : i32
      %mul3A_1302 = arith.muli %mul3A_1301, %while3A_1249 : i32
      %add3A_1303 = arith.constant 1 : i32
      %add3A_1304 = arith.addi %mul3A_1302, %add3A_1303 : i32
      %mul3A_1305 = arith.constant 16 : i32
      %mul3A_1306 = arith.muli %add3A_1304, %mul3A_1305 : i32
      %add3A_1307 = vector.broadcast %mul3A_1306 : i32 to vector<16xi32>
      %add3A_1308 = arith.addi %add3A_1307, %iota3A : vector<16xi32>
      %gather3A_1309 = tpu.vector_load_idx %arg11[%add3A_1308] : memref<1536xi32, #tpu.memory_space<vmem>>[vector<16xi32>], vector<16xi32>,
      %broadcast_in_dim3A_1310 = arith.constant true
      %broadcast_in_dim3A_1311 = vector.broadcast %broadcast_in_dim3A_1310 : i1 to vector<16xi1>
      %unique3A_1312, %unique3A_1313 = tpu.scan_count mask(%broadcast_in_dim3A_1311 : vector<16xi1>) value(%gather3A_1309 : vector<16xi32>) : vector<16xi1>, vector<16xi32>
      %gather3A_1314 = tpu.vector_load_idx %arg16[%gather3A_1309] : memref<336xi32, #tpu.memory_space<vmem>>[vector<16xi32>], vector<16xi32>,
      %add3A_1315 = arith.addi %gather3A_1314, %unique3A_1313 : vector<16xi32>
      tpu.vector_store_idx %arg16[%gather3A_1309], %add3A_1315 masked %unique3A_1312 : memref<336xi32, #tpu.memory_space<vmem>>[vector<16xi32>], vector<16xi32>, vector<16xi1>
      %while3A_1316 = arith.constant 0 : i32
      scf.yield %while3A_1316 : i32
    }
    %while3A_1131 = arith.constant 1 : i32
    %while3A_1132 = scf.for %while3A_1249 = %while3A_1128 to %while3A_1124 step %while3A_1131 iter_args(%while3A_1250 = %while3A_1130) -> (i32)  : i32 {
      %mul3A_1251 = arith.constant 2 : i32
      %mul3A_1252 = arith.muli %mul3A_1251, %while3A_1249 : i32
      %add3A_1253 = arith.constant 1 : i32
      %add3A_1254 = arith.addi %mul3A_1252, %add3A_1253 : i32
      %mul3A_1255 = arith.constant 16 : i32
      %mul3A_1256 = arith.muli %add3A_1254, %mul3A_1255 : i32
      %dma_start3A_1257 = tpu.memref_slice %arg12[%mul3A_1256] : memref<1536xi32, #tpu.memory_space<vmem>> -> memref<16xi32, #tpu.memory_space<vmem>>
      %dma_start3A_1258 = arith.constant 0 : i32
      %dma_start3A_1259 = arith.constant 0 : i32
      %dma_start3A_1260 = tpu.memref_slice %arg2[%dma_start3A_1258, %dma_start3A_1259] : memref<10064x256xf32, #tpu.memory_space<hbm>> -> memref<10064x256xf32, #tpu.memory_space<hbm>>
      tpu.enqueue_indirect_dma source(%dma_start3A_1260 : memref<10064x256xf32, #tpu.memory_space<hbm>>) target(%arg15 : memref<16x256xf32, #tpu.memory_space<vmem>>) offsets(%dma_start3A_1257 : memref<16xi32, #tpu.memory_space<vmem>>) semaphore(%arg20 : memref<!tpu.dma_semaphore, #tpu.memory_space<semaphore_mem>>)
      %mul3A_1261 = arith.constant 2 : i32
      %mul3A_1262 = arith.muli %mul3A_1261, %while3A_1249 : i32
      %mul3A_1263 = arith.constant 16 : i32
      %mul3A_1264 = arith.muli %mul3A_1262, %mul3A_1263 : i32
      %dma_wait3A_1265 = tpu.memref_slice %arg12[%mul3A_1264] : memref<1536xi32, #tpu.memory_space<vmem>> -> memref<16xi32, #tpu.memory_space<vmem>>
      %dma_wait3A_1266 = arith.constant 0 : i32
      %dma_wait3A_1267 = arith.constant 0 : i32
      %dma_wait3A_1268 = tpu.memref_slice %arg2[%dma_wait3A_1266, %dma_wait3A_1267] : memref<10064x256xf32, #tpu.memory_space<hbm>> -> memref<10064x256xf32, #tpu.memory_space<hbm>>
      tpu.wait_indirect_dma semaphore(%arg20 : memref<!tpu.dma_semaphore, #tpu.memory_space<semaphore_mem>>) src(%dma_wait3A_1268 : memref<10064x256xf32, #tpu.memory_space<hbm>>) dst(%arg14 : memref<16x256xf32, #tpu.memory_space<vmem>>)
      %mul3A_1269 = arith.constant 2 : i32
      %mul3A_1270 = arith.muli %mul3A_1269, %while3A_1249 : i32
      %mul3A_1271 = arith.constant 16 : i32
      %mul3A_1272 = arith.muli %mul3A_1270, %mul3A_1271 : i32
      %add3A_1273 = vector.broadcast %mul3A_1272 : i32 to vector<16xi32>
      %add3A_1274 = arith.addi %add3A_1273, %iota3A : vector<16xi32>
      %gather3A_1275 = tpu.vector_load_idx %arg11[%add3A_1274] : memref<1536xi32, #tpu.memory_space<vmem>>[vector<16xi32>], vector<16xi32>,
      %broadcast_in_dim3A_1276 = arith.constant true
      %broadcast_in_dim3A_1277 = vector.broadcast %broadcast_in_dim3A_1276 : i1 to vector<16xi1>
      %unique3A, %unique3A_1278 = tpu.scan_count mask(%broadcast_in_dim3A_1277 : vector<16xi1>) value(%gather3A_1275 : vector<16xi32>) : vector<16xi1>, vector<16xi32>
      %gather3A_1279 = tpu.vector_load_idx %arg16[%gather3A_1275] : memref<336xi32, #tpu.memory_space<vmem>>[vector<16xi32>], vector<16xi32>,
      %add3A_1280 = arith.addi %gather3A_1279, %unique3A_1278 : vector<16xi32>
      tpu.vector_store_idx %arg16[%gather3A_1275], %add3A_1280 masked %unique3A : memref<336xi32, #tpu.memory_space<vmem>>[vector<16xi32>], vector<16xi32>, vector<16xi1>
      %mul3A_1281 = arith.constant 2 : i32
      %mul3A_1282 = arith.muli %mul3A_1281, %while3A_1249 : i32
      %add3A_1283 = arith.constant 2 : i32
      %add3A_1284 = arith.addi %mul3A_1282, %add3A_1283 : i32
      %mul3A_1285 = arith.constant 16 : i32
      %mul3A_1286 = arith.muli %add3A_1284, %mul3A_1285 : i32
      %dma_start3A_1287 = tpu.memref_slice %arg12[%mul3A_1286] : memref<1536xi32, #tpu.memory_space<vmem>> -> memref<16xi32, #tpu.memory_space<vmem>>
      %dma_start3A_1288 = arith.constant 0 : i32
      %dma_start3A_1289 = arith.constant 0 : i32
      %dma_start3A_1290 = tpu.memref_slice %arg2[%dma_start3A_1288, %dma_start3A_1289] : memref<10064x256xf32, #tpu.memory_space<hbm>> -> memref<10064x256xf32, #tpu.memory_space<hbm>>
      tpu.enqueue_indirect_dma source(%dma_start3A_1290 : memref<10064x256xf32, #tpu.memory_space<hbm>>) target(%arg14 : memref<16x256xf32, #tpu.memory_space<vmem>>) offsets(%dma_start3A_1287 : memref<16xi32, #tpu.memory_space<vmem>>) semaphore(%arg20 : memref<!tpu.dma_semaphore, #tpu.memory_space<semaphore_mem>>)
      %mul3A_1291 = arith.constant 2 : i32
      %mul3A_1292 = arith.muli %mul3A_1291, %while3A_1249 : i32
      %add3A_1293 = arith.constant 1 : i32
      %add3A_1294 = arith.addi %mul3A_1292, %add3A_1293 : i32
      %mul3A_1295 = arith.constant 16 : i32
      %mul3A_1296 = arith.muli %add3A_1294, %mul3A_1295 : i32
      %dma_wait3A_1297 = tpu.memref_slice %arg12[%mul3A_1296] : memref<1536xi32, #tpu.memory_space<vmem>> -> memref<16xi32, #tpu.memory_space<vmem>>
      %dma_wait3A_1298 = arith.constant 0 : i32
      %dma_wait3A_1299 = arith.constant 0 : i32
      %dma_wait3A_1300 = tpu.memref_slice %arg2[%dma_wait3A_1298, %dma_wait3A_1299] : memref<10064x256xf32, #tpu.memory_space<hbm>> -> memref<10064x256xf32, #tpu.memory_space<hbm>>
      tpu.wait_indirect_dma semaphore(%arg20 : memref<!tpu.dma_semaphore, #tpu.memory_space<semaphore_mem>>) src(%dma_wait3A_1300 : memref<10064x256xf32, #tpu.memory_space<hbm>>) dst(%arg15 : memref<16x256xf32, #tpu.memory_space<vmem>>)
      %mul3A_1301 = arith.constant 2 : i32
      %mul3A_1302 = arith.muli %mul3A_1301, %while3A_1249 : i32
      %add3A_1303 = arith.constant 1 : i32
      %add3A_1304 = arith.addi %mul3A_1302, %add3A_1303 : i32
      %mul3A_1305 = arith.constant 16 : i32
      %mul3A_1306 = arith.muli %add3A_1304, %mul3A_1305 : i32
      %add3A_1307 = vector.broadcast %mul3A_1306 : i32 to vector<16xi32>
      %add3A_1308 = arith.addi %add3A_1307, %iota3A : vector<16xi32>
      %gather3A_1309 = tpu.vector_load_idx %arg11[%add3A_1308] : memref<1536xi32, #tpu.memory_space<vmem>>[vector<16xi32>], vector<16xi32>,
      %broadcast_in_dim3A_1310 = arith.constant true
      %broadcast_in_dim3A_1311 = vector.broadcast %broadcast_in_dim3A_1310 : i1 to vector<16xi1>
      %unique3A_1312, %unique3A_1313 = tpu.scan_count mask(%broadcast_in_dim3A_1311 : vector<16xi1>) value(%gather3A_1309 : vector<16xi32>) : vector<16xi1>, vector<16xi32>
      %gather3A_1314 = tpu.vector_load_idx %arg16[%gather3A_1309] : memref<336xi32, #tpu.memory_space<vmem>>[vector<16xi32>], vector<16xi32>,
      %add3A_1315 = arith.addi %gather3A_1314, %unique3A_1313 : vector<16xi32>
      tpu.vector_store_idx %arg16[%gather3A_1309], %add3A_1315 masked %unique3A_1312 : memref<336xi32, #tpu.memory_space<vmem>>[vector<16xi32>], vector<16xi32>, vector<16xi1>
      %while3A_1316 = arith.constant 0 : i32
      scf.yield %while3A_1316 : i32
    }
    %and3A_1133 = arith.constant -2 : i32
    %and3A_1134 = arith.andi %shift_right_arithmetic3A_1113, %and3A_1133 : i32
    %mul3A_1135 = arith.constant 16 : i32
    %mul3A_1136 = arith.muli %and3A_1134, %mul3A_1135 : i32
    %dma_wait3A_1137 = tpu.memref_slice %arg12[%mul3A_1136] : memref<1536xi32, #tpu.memory_space<vmem>> -> memref<16xi32, #tpu.memory_space<vmem>>
    %dma_wait3A_1138 = arith.constant 0 : i32
    %dma_wait3A_1139 = arith.constant 0 : i32
    %dma_wait3A_1140 = tpu.memref_slice %arg2[%dma_wait3A_1138, %dma_wait3A_1139] : memref<10064x256xf32, #tpu.memory_space<hbm>> -> memref<10064x256xf32, #tpu.memory_space<hbm>>
    tpu.wait_indirect_dma semaphore(%arg20 : memref<!tpu.dma_semaphore, #tpu.memory_space<semaphore_mem>>) src(%dma_wait3A_1140 : memref<10064x256xf32, #tpu.memory_space<hbm>>) dst(%arg14 : memref<16x256xf32, #tpu.memory_space<vmem>>)
    %and3A_1141 = arith.constant 1 : i32
    %and3A_1142 = arith.andi %shift_right_arithmetic3A_1113, %and3A_1141 : i32
    %eq3A_1143 = arith.constant 1 : i32
    %eq3A_1144 = arith.cmpi eq, %and3A_1142, %eq3A_1143 : i32
    %convert_element_type3A_1145 = arith.extui %eq3A_1144 : i1 to i32
    %cond3A_1146 = arith.constant 0 : i32
    %cond3A_1147 = arith.cmpi ne, %convert_element_type3A_1145, %cond3A_1146 : i32
    scf.if %cond3A_1147 {
      %and3A_1249 = arith.constant -2 : i32
      %and3A_1250 = arith.andi %shift_right_arithmetic3A_1113, %and3A_1249 : i32
      %mul3A_1251 = arith.constant 16 : i32
      %mul3A_1252 = arith.muli %and3A_1250, %mul3A_1251 : i32
      %add3A_1253 = vector.broadcast %mul3A_1252 : i32 to vector<16xi32>
      %add3A_1254 = arith.addi %add3A_1253, %iota3A : vector<16xi32>
      %gather3A_1255 = tpu.vector_load_idx %arg11[%add3A_1254] : memref<1536xi32, #tpu.memory_space<vmem>>[vector<16xi32>], vector<16xi32>,
      %broadcast_in_dim3A_1256 = arith.constant true
      %broadcast_in_dim3A_1257 = vector.broadcast %broadcast_in_dim3A_1256 : i1 to vector<16xi1>
      %unique3A, %unique3A_1258 = tpu.scan_count mask(%broadcast_in_dim3A_1257 : vector<16xi1>) value(%gather3A_1255 : vector<16xi32>) : vector<16xi1>, vector<16xi32>
      %gather3A_1259 = tpu.vector_load_idx %arg16[%gather3A_1255] : memref<336xi32, #tpu.memory_space<vmem>>[vector<16xi32>], vector<16xi32>,
      %add3A_1260 = arith.addi %gather3A_1259, %unique3A_1258 : vector<16xi32>
      tpu.vector_store_idx %arg16[%gather3A_1255], %add3A_1260 masked %unique3A : memref<336xi32, #tpu.memory_space<vmem>>[vector<16xi32>], vector<16xi32>, vector<16xi1>
    } else {
    }
    %get3A = arith.constant 0 : index
    %get3A_1148 = tpu.vector_load %arg16[%get3A] {strides = array<i32>} : memref<336xi32, #tpu.memory_space<vmem>>, vector<16xi32>,
    %convert_element_type3A_1149 = arith.sitofp %get3A_1148 : vector<16xi32> to vector<16xf32>
    %swap3A_1150 = arith.constant 0 : index
    %swap3A_1151 = tpu.vector_load %arg17[%swap3A_1150] {strides = array<i32>} : memref<320xf32, #tpu.memory_space<vmem>>, vector<16xf32>,
    tpu.vector_store %arg17[%swap3A_1150], %convert_element_type3A_1149 {strides = array<i32>} : memref<320xf32, #tpu.memory_space<vmem>>, vector<16xf32>,
    %get3A_1152 = arith.constant 16 : index
    %get3A_1153 = tpu.vector_load %arg16[%get3A_1152] {strides = array<i32>} : memref<336xi32, #tpu.memory_space<vmem>>, vector<16xi32>,
    %convert_element_type3A_1154 = arith.sitofp %get3A_1153 : vector<16xi32> to vector<16xf32>
    %swap3A_1155 = arith.constant 16 : index
    %swap3A_1156 = tpu.vector_load %arg17[%swap3A_1155] {strides = array<i32>} : memref<320xf32, #tpu.memory_space<vmem>>, vector<16xf32>,
    tpu.vector_store %arg17[%swap3A_1155], %convert_element_type3A_1154 {strides = array<i32>} : memref<320xf32, #tpu.memory_space<vmem>>, vector<16xf32>,
    %get3A_1157 = arith.constant 32 : index
    %get3A_1158 = tpu.vector_load %arg16[%get3A_1157] {strides = array<i32>} : memref<336xi32, #tpu.memory_space<vmem>>, vector<16xi32>,
    %convert_element_type3A_1159 = arith.sitofp %get3A_1158 : vector<16xi32> to vector<16xf32>
    %swap3A_1160 = arith.constant 32 : index
    %swap3A_1161 = tpu.vector_load %arg17[%swap3A_1160] {strides = array<i32>} : memref<320xf32, #tpu.memory_space<vmem>>, vector<16xf32>,
    tpu.vector_store %arg17[%swap3A_1160], %convert_element_type3A_1159 {strides = array<i32>} : memref<320xf32, #tpu.memory_space<vmem>>, vector<16xf32>,
    %get3A_1162 = arith.constant 48 : index
    %get3A_1163 = tpu.vector_load %arg16[%get3A_1162] {strides = array<i32>} : memref<336xi32, #tpu.memory_space<vmem>>, vector<16xi32>,
    %convert_element_type3A_1164 = arith.sitofp %get3A_1163 : vector<16xi32> to vector<16xf32>
    %swap3A_1165 = arith.constant 48 : index
    %swap3A_1166 = tpu.vector_load %arg17[%swap3A_1165] {strides = array<i32>} : memref<320xf32, #tpu.memory_space<vmem>>, vector<16xf32>,
    tpu.vector_store %arg17[%swap3A_1165], %convert_element_type3A_1164 {strides = array<i32>} : memref<320xf32, #tpu.memory_space<vmem>>, vector<16xf32>,
    %get3A_1167 = arith.constant 64 : index
    %get3A_1168 = tpu.vector_load %arg16[%get3A_1167] {strides = array<i32>} : memref<336xi32, #tpu.memory_space<vmem>>, vector<16xi32>,
    %convert_element_type3A_1169 = arith.sitofp %get3A_1168 : vector<16xi32> to vector<16xf32>
    %swap3A_1170 = arith.constant 64 : index
    %swap3A_1171 = tpu.vector_load %arg17[%swap3A_1170] {strides = array<i32>} : memref<320xf32, #tpu.memory_space<vmem>>, vector<16xf32>,
    tpu.vector_store %arg17[%swap3A_1170], %convert_element_type3A_1169 {strides = array<i32>} : memref<320xf32, #tpu.memory_space<vmem>>, vector<16xf32>,
    %get3A_1172 = arith.constant 80 : index
    %get3A_1173 = tpu.vector_load %arg16[%get3A_1172] {strides = array<i32>} : memref<336xi32, #tpu.memory_space<vmem>>, vector<16xi32>,
    %convert_element_type3A_1174 = arith.sitofp %get3A_1173 : vector<16xi32> to vector<16xf32>
    %swap3A_1175 = arith.constant 80 : index
    %swap3A_1176 = tpu.vector_load %arg17[%swap3A_1175] {strides = array<i32>} : memref<320xf32, #tpu.memory_space<vmem>>, vector<16xf32>,
    tpu.vector_store %arg17[%swap3A_1175], %convert_element_type3A_1174 {strides = array<i32>} : memref<320xf32, #tpu.memory_space<vmem>>, vector<16xf32>,
    %get3A_1177 = arith.constant 96 : index
    %get3A_1178 = tpu.vector_load %arg16[%get3A_1177] {strides = array<i32>} : memref<336xi32, #tpu.memory_space<vmem>>, vector<16xi32>,
    %convert_element_type3A_1179 = arith.sitofp %get3A_1178 : vector<16xi32> to vector<16xf32>
    %swap3A_1180 = arith.constant 96 : index
    %swap3A_1181 = tpu.vector_load %arg17[%swap3A_1180] {strides = array<i32>} : memref<320xf32, #tpu.memory_space<vmem>>, vector<16xf32>,
    tpu.vector_store %arg17[%swap3A_1180], %convert_element_type3A_1179 {strides = array<i32>} : memref<320xf32, #tpu.memory_space<vmem>>, vector<16xf32>,
    %get3A_1182 = arith.constant 112 : index
    %get3A_1183 = tpu.vector_load %arg16[%get3A_1182] {strides = array<i32>} : memref<336xi32, #tpu.memory_space<vmem>>, vector<16xi32>,
    %convert_element_type3A_1184 = arith.sitofp %get3A_1183 : vector<16xi32> to vector<16xf32>
    %swap3A_1185 = arith.constant 112 : index
    %swap3A_1186 = tpu.vector_load %arg17[%swap3A_1185] {strides = array<i32>} : memref<320xf32, #tpu.memory_space<vmem>>, vector<16xf32>,
    tpu.vector_store %arg17[%swap3A_1185], %convert_element_type3A_1184 {strides = array<i32>} : memref<320xf32, #tpu.memory_space<vmem>>, vector<16xf32>,
    %get3A_1187 = arith.constant 128 : index
    %get3A_1188 = tpu.vector_load %arg16[%get3A_1187] {strides = array<i32>} : memref<336xi32, #tpu.memory_space<vmem>>, vector<16xi32>,
    %convert_element_type3A_1189 = arith.sitofp %get3A_1188 : vector<16xi32> to vector<16xf32>
    %swap3A_1190 = arith.constant 128 : index
    %swap3A_1191 = tpu.vector_load %arg17[%swap3A_1190] {strides = array<i32>} : memref<320xf32, #tpu.memory_space<vmem>>, vector<16xf32>,
    tpu.vector_store %arg17[%swap3A_1190], %convert_element_type3A_1189 {strides = array<i32>} : memref<320xf32, #tpu.memory_space<vmem>>, vector<16xf32>,
    %get3A_1192 = arith.constant 144 : index
    %get3A_1193 = tpu.vector_load %arg16[%get3A_1192] {strides = array<i32>} : memref<336xi32, #tpu.memory_space<vmem>>, vector<16xi32>,
    %convert_element_type3A_1194 = arith.sitofp %get3A_1193 : vector<16xi32> to vector<16xf32>
    %swap3A_1195 = arith.constant 144 : index
    %swap3A_1196 = tpu.vector_load %arg17[%swap3A_1195] {strides = array<i32>} : memref<320xf32, #tpu.memory_space<vmem>>, vector<16xf32>,
    tpu.vector_store %arg17[%swap3A_1195], %convert_element_type3A_1194 {strides = array<i32>} : memref<320xf32, #tpu.memory_space<vmem>>, vector<16xf32>,
    %get3A_1197 = arith.constant 160 : index
    %get3A_1198 = tpu.vector_load %arg16[%get3A_1197] {strides = array<i32>} : memref<336xi32, #tpu.memory_space<vmem>>, vector<16xi32>,
    %convert_element_type3A_1199 = arith.sitofp %get3A_1198 : vector<16xi32> to vector<16xf32>
    %swap3A_1200 = arith.constant 160 : index
    %swap3A_1201 = tpu.vector_load %arg17[%swap3A_1200] {strides = array<i32>} : memref<320xf32, #tpu.memory_space<vmem>>, vector<16xf32>,
    tpu.vector_store %arg17[%swap3A_1200], %convert_element_type3A_1199 {strides = array<i32>} : memref<320xf32, #tpu.memory_space<vmem>>, vector<16xf32>,
    %get3A_1202 = arith.constant 176 : index
    %get3A_1203 = tpu.vector_load %arg16[%get3A_1202] {strides = array<i32>} : memref<336xi32, #tpu.memory_space<vmem>>, vector<16xi32>,
    %convert_element_type3A_1204 = arith.sitofp %get3A_1203 : vector<16xi32> to vector<16xf32>
    %swap3A_1205 = arith.constant 176 : index
    %swap3A_1206 = tpu.vector_load %arg17[%swap3A_1205] {strides = array<i32>} : memref<320xf32, #tpu.memory_space<vmem>>, vector<16xf32>,
    tpu.vector_store %arg17[%swap3A_1205], %convert_element_type3A_1204 {strides = array<i32>} : memref<320xf32, #tpu.memory_space<vmem>>, vector<16xf32>,
    %get3A_1207 = arith.constant 192 : index
    %get3A_1208 = tpu.vector_load %arg16[%get3A_1207] {strides = array<i32>} : memref<336xi32, #tpu.memory_space<vmem>>, vector<16xi32>,
    %convert_element_type3A_1209 = arith.sitofp %get3A_1208 : vector<16xi32> to vector<16xf32>
    %swap3A_1210 = arith.constant 192 : index
    %swap3A_1211 = tpu.vector_load %arg17[%swap3A_1210] {strides = array<i32>} : memref<320xf32, #tpu.memory_space<vmem>>, vector<16xf32>,
    tpu.vector_store %arg17[%swap3A_1210], %convert_element_type3A_1209 {strides = array<i32>} : memref<320xf32, #tpu.memory_space<vmem>>, vector<16xf32>,
    %get3A_1212 = arith.constant 208 : index
    %get3A_1213 = tpu.vector_load %arg16[%get3A_1212] {strides = array<i32>} : memref<336xi32, #tpu.memory_space<vmem>>, vector<16xi32>,
    %convert_element_type3A_1214 = arith.sitofp %get3A_1213 : vector<16xi32> to vector<16xf32>
    %swap3A_1215 = arith.constant 208 : index
    %swap3A_1216 = tpu.vector_load %arg17[%swap3A_1215] {strides = array<i32>} : memref<320xf32, #tpu.memory_space<vmem>>, vector<16xf32>,
    tpu.vector_store %arg17[%swap3A_1215], %convert_element_type3A_1214 {strides = array<i32>} : memref<320xf32, #tpu.memory_space<vmem>>, vector<16xf32>,
    %get3A_1217 = arith.constant 224 : index
    %get3A_1218 = tpu.vector_load %arg16[%get3A_1217] {strides = array<i32>} : memref<336xi32, #tpu.memory_space<vmem>>, vector<16xi32>,
    %convert_element_type3A_1219 = arith.sitofp %get3A_1218 : vector<16xi32> to vector<16xf32>
    %swap3A_1220 = arith.constant 224 : index
    %swap3A_1221 = tpu.vector_load %arg17[%swap3A_1220] {strides = array<i32>} : memref<320xf32, #tpu.memory_space<vmem>>, vector<16xf32>,
    tpu.vector_store %arg17[%swap3A_1220], %convert_element_type3A_1219 {strides = array<i32>} : memref<320xf32, #tpu.memory_space<vmem>>, vector<16xf32>,
    %get3A_1222 = arith.constant 240 : index
    %get3A_1223 = tpu.vector_load %arg16[%get3A_1222] {strides = array<i32>} : memref<336xi32, #tpu.memory_space<vmem>>, vector<16xi32>,
    %convert_element_type3A_1224 = arith.sitofp %get3A_1223 : vector<16xi32> to vector<16xf32>
    %swap3A_1225 = arith.constant 240 : index
    %swap3A_1226 = tpu.vector_load %arg17[%swap3A_1225] {strides = array<i32>} : memref<320xf32, #tpu.memory_space<vmem>>, vector<16xf32>,
    tpu.vector_store %arg17[%swap3A_1225], %convert_element_type3A_1224 {strides = array<i32>} : memref<320xf32, #tpu.memory_space<vmem>>, vector<16xf32>,
    %get3A_1227 = arith.constant 256 : index
    %get3A_1228 = tpu.vector_load %arg16[%get3A_1227] {strides = array<i32>} : memref<336xi32, #tpu.memory_space<vmem>>, vector<16xi32>,
    %convert_element_type3A_1229 = arith.sitofp %get3A_1228 : vector<16xi32> to vector<16xf32>
    %swap3A_1230 = arith.constant 256 : index
    %swap3A_1231 = tpu.vector_load %arg17[%swap3A_1230] {strides = array<i32>} : memref<320xf32, #tpu.memory_space<vmem>>, vector<16xf32>,
    tpu.vector_store %arg17[%swap3A_1230], %convert_element_type3A_1229 {strides = array<i32>} : memref<320xf32, #tpu.memory_space<vmem>>, vector<16xf32>,
    %get3A_1232 = arith.constant 272 : index
    %get3A_1233 = tpu.vector_load %arg16[%get3A_1232] {strides = array<i32>} : memref<336xi32, #tpu.memory_space<vmem>>, vector<16xi32>,
    %convert_element_type3A_1234 = arith.sitofp %get3A_1233 : vector<16xi32> to vector<16xf32>
    %swap3A_1235 = arith.constant 272 : index
    %swap3A_1236 = tpu.vector_load %arg17[%swap3A_1235] {strides = array<i32>} : memref<320xf32, #tpu.memory_space<vmem>>, vector<16xf32>,
    tpu.vector_store %arg17[%swap3A_1235], %convert_element_type3A_1234 {strides = array<i32>} : memref<320xf32, #tpu.memory_space<vmem>>, vector<16xf32>,
    %get3A_1237 = arith.constant 288 : index
    %get3A_1238 = tpu.vector_load %arg16[%get3A_1237] {strides = array<i32>} : memref<336xi32, #tpu.memory_space<vmem>>, vector<16xi32>,
    %convert_element_type3A_1239 = arith.sitofp %get3A_1238 : vector<16xi32> to vector<16xf32>
    %swap3A_1240 = arith.constant 288 : index
    %swap3A_1241 = tpu.vector_load %arg17[%swap3A_1240] {strides = array<i32>} : memref<320xf32, #tpu.memory_space<vmem>>, vector<16xf32>,
    tpu.vector_store %arg17[%swap3A_1240], %convert_element_type3A_1239 {strides = array<i32>} : memref<320xf32, #tpu.memory_space<vmem>>, vector<16xf32>,
    %get3A_1242 = arith.constant 304 : index
    %get3A_1243 = tpu.vector_load %arg16[%get3A_1242] {strides = array<i32>} : memref<336xi32, #tpu.memory_space<vmem>>, vector<16xi32>,
    %convert_element_type3A_1244 = arith.sitofp %get3A_1243 : vector<16xi32> to vector<16xf32>
    %swap3A_1245 = arith.constant 304 : index
    %swap3A_1246 = tpu.vector_load %arg17[%swap3A_1245] {strides = array<i32>} : memref<320xf32, #tpu.memory_space<vmem>>, vector<16xf32>,
    tpu.vector_store %arg17[%swap3A_1245], %convert_element_type3A_1244 {strides = array<i32>} : memref<320xf32, #tpu.memory_space<vmem>>, vector<16xf32>,
    %mul3A_1247 = arith.constant 256 : i32
    %mul3A_1248 = arith.muli %mul3A_2, %mul3A_1247 : i32
    "tpu.region"() ({
      %run_scoped3A = tpu.sem_alloc : memref<!tpu.dma_semaphore, #tpu.memory_space<semaphore_mem>>
      %dma_start3A_1249 = arith.constant 0 : i32
      %dma_start3A_1250 = tpu.memref_slice %arg13[%dma_start3A_1249] : memref<86016xf32, #tpu.memory_space<vmem>> -> memref<81920xf32, #tpu.memory_space<vmem>>
      %dma_start3A_1251 = tpu.memref_slice %arg5[%mul3A_1248] : memref<2621440xf32, #tpu.memory_space<hbm>> -> memref<81920xf32, #tpu.memory_space<hbm>>
      %dma_start3A_1252 = tpu.memref_slice %arg5[%mul3A_1248] : memref<2621440xf32, #tpu.memory_space<hbm>> -> memref<81920xf32, #tpu.memory_space<hbm>>
      %dma_start3A_1253 = arith.constant 0 : i32
      %dma_start3A_1254 = tpu.memref_slice %arg13[%dma_start3A_1253] : memref<86016xf32, #tpu.memory_space<vmem>> -> memref<81920xf32, #tpu.memory_space<vmem>>
      tpu.enqueue_dma source(%dma_start3A_1254 : memref<81920xf32, #tpu.memory_space<vmem>>) target(%dma_start3A_1252 : memref<81920xf32, #tpu.memory_space<hbm>>) target_semaphore(%run_scoped3A : memref<!tpu.dma_semaphore, #tpu.memory_space<semaphore_mem>>)
      %dma_wait3A_1255 = arith.constant 0 : i32
      %dma_wait3A_1256 = tpu.memref_slice %arg13[%dma_wait3A_1255] : memref<86016xf32, #tpu.memory_space<vmem>> -> memref<81920xf32, #tpu.memory_space<vmem>>
      %dma_wait3A_1257 = tpu.memref_slice %arg5[%mul3A_1248] : memref<2621440xf32, #tpu.memory_space<hbm>> -> memref<81920xf32, #tpu.memory_space<hbm>>
      %dma_wait3A_1258 = tpu.memref_slice %arg5[%mul3A_1248] : memref<2621440xf32, #tpu.memory_space<hbm>> -> memref<81920xf32, #tpu.memory_space<hbm>>
      %dma_wait3A_1259 = arith.constant 0 : i32
      %dma_wait3A_1260 = tpu.memref_slice %arg13[%dma_wait3A_1259] : memref<86016xf32, #tpu.memory_space<vmem>> -> memref<81920xf32, #tpu.memory_space<vmem>>
      tpu.wait_dma2 semaphore(%run_scoped3A : memref<!tpu.dma_semaphore, #tpu.memory_space<semaphore_mem>>) src(%dma_wait3A_1260 : memref<81920xf32, #tpu.memory_space<vmem>>) dst(%dma_wait3A_1258 : memref<81920xf32, #tpu.memory_space<hbm>>)
      tpu.yield
    }) : () -> ()
    "tpu.region"() ({
      %run_scoped3A = tpu.sem_alloc : memref<!tpu.dma_semaphore, #tpu.memory_space<semaphore_mem>>
      %dma_start3A_1249 = tpu.memref_slice %arg6[%mul3A_2] : memref<10240xf32, #tpu.memory_space<hbm>> -> memref<320xf32, #tpu.memory_space<hbm>>
      %dma_start3A_1250 = tpu.memref_slice %arg6[%mul3A_2] : memref<10240xf32, #tpu.memory_space<hbm>> -> memref<320xf32, #tpu.memory_space<hbm>>
      tpu.enqueue_dma source(%arg17 : memref<320xf32, #tpu.memory_space<vmem>>) target(%dma_start3A_1250 : memref<320xf32, #tpu.memory_space<hbm>>) target_semaphore(%run_scoped3A : memref<!tpu.dma_semaphore, #tpu.memory_space<semaphore_mem>>)
      %dma_wait3A_1251 = tpu.memref_slice %arg6[%mul3A_2] : memref<10240xf32, #tpu.memory_space<hbm>> -> memref<320xf32, #tpu.memory_space<hbm>>
      %dma_wait3A_1252 = tpu.memref_slice %arg6[%mul3A_2] : memref<10240xf32, #tpu.memory_space<hbm>> -> memref<320xf32, #tpu.memory_space<hbm>>
      tpu.wait_dma2 semaphore(%run_scoped3A : memref<!tpu.dma_semaphore, #tpu.memory_space<semaphore_mem>>) src(%arg17 : memref<320xf32, #tpu.memory_space<vmem>>) dst(%dma_wait3A_1252 : memref<320xf32, #tpu.memory_space<hbm>>)
      tpu.yield
    }) : () -> ()
    return
  }
}

module attributes {stable_mosaic.version = 14 : i64} {
  func.func @_tc_body(%arg0: i32, %arg1: memref<1000x256xf32, #tpu.memory_space<vmem>>, %arg2: memref<1000x256xf32, #tpu.memory_space<vmem>>, %arg3: memref<1000x1xf32, #tpu.memory_space<vmem>>, %arg4: memref<256x256xf32, #tpu.memory_space<vmem>>, %arg5: memref<1x256xf32, #tpu.memory_space<vmem>>, %arg6: memref<256x256xf32, #tpu.memory_space<vmem>>, %arg7: memref<1x256xf32, #tpu.memory_space<vmem>>, %arg8: memref<512x256xf32, #tpu.memory_space<vmem>>, %arg9: memref<1x256xf32, #tpu.memory_space<vmem>>, %arg10: memref<1000x256xf32, #tpu.memory_space<vmem>>) attributes {dimension_semantics = [#tpu.dimension_semantics<arbitrary>], iteration_bounds = array<i64: 10>, scalar_prefetch = 0 : i64, scratch_operands = 0 : i64, tpu.core_type = #tpu.core_type<tc>, window_params = [{transform_indices = @transform_0, window_bounds = array<i64: 1000, 256>}, {transform_indices = @transform_1, window_bounds = array<i64: 1000, 256>}, {transform_indices = @transform_2, window_bounds = array<i64: 1000, 1>}, {pipeline_mode = #tpu.pipeline_mode<synchronous>, transform_indices = @transform_3, window_bounds = array<i64: 256, 256>}, {pipeline_mode = #tpu.pipeline_mode<synchronous>, transform_indices = @transform_4, window_bounds = array<i64: 1, 256>}, {pipeline_mode = #tpu.pipeline_mode<synchronous>, transform_indices = @transform_5, window_bounds = array<i64: 256, 256>}, {pipeline_mode = #tpu.pipeline_mode<synchronous>, transform_indices = @transform_6, window_bounds = array<i64: 1, 256>}, {pipeline_mode = #tpu.pipeline_mode<synchronous>, transform_indices = @transform_7, window_bounds = array<i64: 512, 256>}, {pipeline_mode = #tpu.pipeline_mode<synchronous>, transform_indices = @transform_8, window_bounds = array<i64: 1, 256>}, {transform_indices = @transform_9, window_bounds = array<i64: 1000, 256>}]} {
    %get3A = arith.constant 0 : index
    %get3A_0 = arith.constant 0 : index
    %get3A_1 = vector.load %arg1[%get3A, %get3A_0] : memref<1000x256xf32, #tpu.memory_space<vmem>>, vector<1000x256xf32>
    %get3A_2 = arith.constant 0 : index
    %get3A_3 = arith.constant 0 : index
    %get3A_4 = vector.load %arg4[%get3A_2, %get3A_3] : memref<256x256xf32, #tpu.memory_space<vmem>>, vector<256x256xf32>
    %dot_general3A = arith.constant dense<0.000000e+00> : vector<1000x256xf32>
    %dot_general3A_5 = tpu.matmul %get3A_1, %get3A_4, %dot_general3A {dimension_numbers = #tpu.dot_dimension_numbers<[1], [0], [0], [1], [0, 0, 1, 1], [], []>, transpose_lhs_hint = false} : vector<1000x256xf32>, vector<256x256xf32>, vector<1000x256xf32> -> vector<1000x256xf32>
    %get3A_6 = arith.constant 0 : index
    %get3A_7 = arith.constant 0 : index
    %get3A_8 = vector.load %arg5[%get3A_6, %get3A_7] : memref<1x256xf32, #tpu.memory_space<vmem>>, vector<1x256xf32>
    %add3A = vector.broadcast %get3A_8 : vector<1x256xf32> to vector<1000x256xf32>
    %add3A_9 = arith.addf %dot_general3A_5, %add3A : vector<1000x256xf32>
    %get3A_10 = arith.constant 0 : index
    %get3A_11 = arith.constant 0 : index
    %get3A_12 = vector.load %arg3[%get3A_10, %get3A_11] : memref<1000x1xf32, #tpu.memory_space<vmem>>, vector<1000x1xf32>
    %get3A_13 = arith.constant 0 : index
    %get3A_14 = arith.constant 0 : index
    %get3A_15 = vector.load %arg2[%get3A_13, %get3A_14] : memref<1000x256xf32, #tpu.memory_space<vmem>>, vector<1000x256xf32>
    %max3A = arith.constant 1.000000e+00 : f32
    %max3A_16 = vector.broadcast %max3A : f32 to vector<1000x1xf32>
    %max3A_17 = arith.maximumf %get3A_12, %max3A_16 : vector<1000x1xf32>
    %div3A = vector.broadcast %max3A_17 : vector<1000x1xf32> to vector<1000x256xf32>
    %div3A_18 = arith.divf %get3A_15, %div3A : vector<1000x256xf32>
    %get3A_19 = arith.constant 0 : index
    %get3A_20 = arith.constant 0 : index
    %get3A_21 = vector.load %arg6[%get3A_19, %get3A_20] : memref<256x256xf32, #tpu.memory_space<vmem>>, vector<256x256xf32>
    %dot_general3A_22 = arith.constant dense<0.000000e+00> : vector<1000x256xf32>
    %dot_general3A_23 = tpu.matmul %div3A_18, %get3A_21, %dot_general3A_22 {dimension_numbers = #tpu.dot_dimension_numbers<[1], [0], [0], [1], [0, 0, 1, 1], [], []>, transpose_lhs_hint = false} : vector<1000x256xf32>, vector<256x256xf32>, vector<1000x256xf32> -> vector<1000x256xf32>
    %get3A_24 = arith.constant 0 : index
    %get3A_25 = arith.constant 0 : index
    %get3A_26 = vector.load %arg7[%get3A_24, %get3A_25] : memref<1x256xf32, #tpu.memory_space<vmem>>, vector<1x256xf32>
    %add3A_27 = vector.broadcast %get3A_26 : vector<1x256xf32> to vector<1000x256xf32>
    %add3A_28 = arith.addf %dot_general3A_23, %add3A_27 : vector<1000x256xf32>
    %gt3A = arith.constant 0.000000e+00 : f32
    %gt3A_29 = vector.broadcast %gt3A : f32 to vector<1000x1xf32>
    %gt3A_30 = arith.cmpf ogt, %get3A_12, %gt3A_29 : vector<1000x1xf32>
    %jit3A = arith.constant 0.000000e+00 : f32
    %broadcast_in_dim3A = vector.shape_cast %gt3A_30 : vector<1000x1xi1> to vector<1000x1xi1>
    %broadcast_in_dim3A_31 = vector.broadcast %broadcast_in_dim3A : vector<1000x1xi1> to vector<1000x256xi1>
    %broadcast_in_dim3A_32 = vector.broadcast %jit3A : f32 to vector<1000x256xf32>
    %select_n3A = arith.select %broadcast_in_dim3A_31, %add3A_28, %broadcast_in_dim3A_32 : vector<1000x256xi1>, vector<1000x256xf32>
    %get3A_33 = arith.constant 0 : index
    %get3A_34 = arith.constant 0 : index
    %get3A_35 = vector.load %arg8[%get3A_33, %get3A_34] : memref<512x256xf32, #tpu.memory_space<vmem>>, vector<256x256xf32>
    %dot_general3A_36 = arith.constant dense<0.000000e+00> : vector<1000x256xf32>
    %dot_general3A_37 = tpu.matmul %add3A_9, %get3A_35, %dot_general3A_36 {dimension_numbers = #tpu.dot_dimension_numbers<[1], [0], [0], [1], [0, 0, 1, 1], [], []>, transpose_lhs_hint = false} : vector<1000x256xf32>, vector<256x256xf32>, vector<1000x256xf32> -> vector<1000x256xf32>
    %get3A_38 = arith.constant 256 : index
    %get3A_39 = arith.constant 0 : index
    %get3A_40 = vector.load %arg8[%get3A_38, %get3A_39] : memref<512x256xf32, #tpu.memory_space<vmem>>, vector<256x256xf32>
    %dot_general3A_41 = arith.constant dense<0.000000e+00> : vector<1000x256xf32>
    %dot_general3A_42 = tpu.matmul %select_n3A, %get3A_40, %dot_general3A_41 {dimension_numbers = #tpu.dot_dimension_numbers<[1], [0], [0], [1], [0, 0, 1, 1], [], []>, transpose_lhs_hint = false} : vector<1000x256xf32>, vector<256x256xf32>, vector<1000x256xf32> -> vector<1000x256xf32>
    %add3A_43 = arith.addf %dot_general3A_37, %dot_general3A_42 : vector<1000x256xf32>
    %get3A_44 = arith.constant 0 : index
    %get3A_45 = arith.constant 0 : index
    %get3A_46 = vector.load %arg9[%get3A_44, %get3A_45] : memref<1x256xf32, #tpu.memory_space<vmem>>, vector<1x256xf32>
    %add3A_47 = vector.broadcast %get3A_46 : vector<1x256xf32> to vector<1000x256xf32>
    %add3A_48 = arith.addf %add3A_43, %add3A_47 : vector<1000x256xf32>
    %max3A_49 = arith.constant 0.000000e+00 : f32
    %max3A_50 = vector.broadcast %max3A_49 : f32 to vector<1000x256xf32>
    %max3A_51 = arith.maximumf %add3A_48, %max3A_50 : vector<1000x256xf32>
    %swap3A = arith.constant 0 : index
    %swap3A_52 = arith.constant 0 : index
    %swap3A_53 = vector.load %arg10[%swap3A, %swap3A_52] : memref<1000x256xf32, #tpu.memory_space<vmem>>, vector<1000x256xf32>
    tpu.vector_store %arg10[%swap3A, %swap3A_52], %max3A_51 {strides = array<i32>} : memref<1000x256xf32, #tpu.memory_space<vmem>>, vector<1000x256xf32>,
    return
  }
  func.func @transform_0(%arg0: i32) -> (i32, i32) {
    %c0_i32 = arith.constant 0 : i32
    %c0_i32_0 = arith.constant 0 : i32
    return %arg0, %c0_i32 : i32, i32
  }
  func.func @transform_1(%arg0: i32) -> (i32, i32) {
    %c0_i32 = arith.constant 0 : i32
    %c0_i32_0 = arith.constant 0 : i32
    return %arg0, %c0_i32 : i32, i32
  }
  func.func @transform_2(%arg0: i32) -> (i32, i32) {
    %c0_i32 = arith.constant 0 : i32
    %c0_i32_0 = arith.constant 0 : i32
    return %arg0, %c0_i32 : i32, i32
  }
  func.func @transform_3(%arg0: i32) -> (i32, i32) {
    %c0_i32 = arith.constant 0 : i32
    %c0_i32_0 = arith.constant 0 : i32
    %c0_i32_1 = arith.constant 0 : i32
    return %c0_i32, %c0_i32_0 : i32, i32
  }
  func.func @transform_4(%arg0: i32) -> (i32, i32) {
    %c0_i32 = arith.constant 0 : i32
    %c0_i32_0 = arith.constant 0 : i32
    %c0_i32_1 = arith.constant 0 : i32
    return %c0_i32, %c0_i32_0 : i32, i32
  }
  func.func @transform_5(%arg0: i32) -> (i32, i32) {
    %c0_i32 = arith.constant 0 : i32
    %c0_i32_0 = arith.constant 0 : i32
    %c0_i32_1 = arith.constant 0 : i32
    return %c0_i32, %c0_i32_0 : i32, i32
  }
  func.func @transform_6(%arg0: i32) -> (i32, i32) {
    %c0_i32 = arith.constant 0 : i32
    %c0_i32_0 = arith.constant 0 : i32
    %c0_i32_1 = arith.constant 0 : i32
    return %c0_i32, %c0_i32_0 : i32, i32
  }
  func.func @transform_7(%arg0: i32) -> (i32, i32) {
    %c0_i32 = arith.constant 0 : i32
    %c0_i32_0 = arith.constant 0 : i32
    %c0_i32_1 = arith.constant 0 : i32
    return %c0_i32, %c0_i32_0 : i32, i32
  }
  func.func @transform_8(%arg0: i32) -> (i32, i32) {
    %c0_i32 = arith.constant 0 : i32
    %c0_i32_0 = arith.constant 0 : i32
    %c0_i32_1 = arith.constant 0 : i32
    return %c0_i32, %c0_i32_0 : i32, i32
  }
  func.func @transform_9(%arg0: i32) -> (i32, i32) {
    %c0_i32 = arith.constant 0 : i32
    %c0_i32_0 = arith.constant 0 : i32
    return %arg0, %c0_i32 : i32, i32
  }
}

</mosaic_0001>

<sc_bundles>
// kernel: kernel.4.cloned.1.call-start
scs
__scs_entry_jumppad:
0x0: {  	(pc) =	sbr.rel $0x88, $3  }
0x1: {  	(tag) =	ssettag $0x0;
	lr =	simm.s32 $0x1  }
0x2: {  	[smem:$0x3F99] =	sst lr;
	_ =	strace $0xD0000000  }
0x3: {  	_ = 	snop  }
0x4: {  	_ = 	snop  }
0x5: {  	_ = 	snop  }
0x6: {  	_ = 	snop  }
0x7: {  	_ = 	snop  }
__scs_overlays_trampoline_lowered:
0x8: {  	[smem:$0x3FA8] =	sst s0  }
0x9: {  	[smem:$0x3FA9] =	sst s1  }
0xa: {  	[smem:$0x3FAA] =	sst s2  }
0xb: {  	[smem:$0x3FAB] =	sst s3  }
0xc: {  	[smem:$0x3FAC] =	sst s4  }
0xd: {  	[smem:$0x3FAD] =	sst s5  }
0xe: {  	[smem:$0x3FAE] =	sst s6  }
0xf: {  	[smem:$0x3FAF] =	sst s7  }
0x10: {  	[smem:$0x3FB0] =	sst s8  }
0x11: {  	[smem:$0x3FB1] =	sst s9;
	s0 =	simm.s32 @!p0 $0x0  }
0x12: {  	s1 =	sld [smem:$0x3F97];
	s0 =	simm.s32 @p0 $0x1  }
0x13: {  	[smem:$0x3FB2] =	sst s0;
	s0 =	simm.s32 @!p1 $0x0  }
0x14: {  	s2 =	sld [smem:$0x3F96];
	s0 =	simm.s32 @p1 $0x1  }
0x15: {  	[smem:$0x3FB3] =	sst s0;
	s0 =	simm.s32 @!p2 $0x0  }
0x16: {  	s3 =	sld [smem:$0x3FDB];
	s0 =	simm.s32 @p2 $0x1  }
0x17: {  	s4 =	simm.s32 $0x1BF5;
	[smem:$0x3FB5] =	sst s0  }
0x18: {  	s0 =	sld [smem:$0x3F98];
	_ =	swait.ge [sflag:s4], $0x0  }
0x19: {  	s7 =	sld [smem:$0x3F99]  }
0x1a: {  	s8 =	sadd.s32 $0xFFFFE003, lr  }
0x1b: {  	s9 =	sadd.s32 $0xFFFFFEF7, lr;
	s5 =	simm.s32 $0xFFFFFFFF;
	p2 =	slt.u32 s8, $0xFFFFF086  }
0x1c: {  	p1 =	slt.u32 s9, $0xF7A;
	s5 =	simm.s32 @!p2 $0x0  }
0x1d: {  	s5 =	simm.s32 @p1 $0x1;
	p0 =	seq.s32 s7, s2  }
0x1e: {  	s7 =	smul.u32 @!p0 $0xF7A, s2;
	p2 =	seq.s32 @!p0 s5, $0x0  }
0x1f: {  	s9 =	smul.u32 $0xF7A, s1;
	s8 =	simm.s32 @!p0 $0x1BF5;
	p2 =	por !p2, p0  }
0x20: {  	[sflag:s8] =	ssyncset.s32 @!p0 $0xFFFFF086;
	s6 =	sadd.s32 @!p0 s3, s7;
	s7 =	simm.s32 @!p0 $0x108  }
0x21: {  	s3 =	sadd.s32 s3, s9;
	s6 =	sadd.s32 @!p0 $0x88, s6;
	s7 =	simm.s32 @p2 $0x1082  }
0x22: {  	[simem:s7], [sflag:s8] =	dma.local @!p0 [hbm:s6], $0xF7A  }
0x23: {  	s9 =	sor.u32 $0xD0000000, s2;
	s6 =	simm.s32 $0x108;
	_ =	swait.ge @!p0 [sflag:s8], $0x0  }
0x24: {  	s3 =	sadd.s32 $0x88, s3;
	s6 =	simm.s32 @!p1 $0x1082;
	[sflag:s4] =	ssyncset.s32 $0xFFFFF086  }
0x25: {  	[simem:s6], [sflag:s4] =	dma.local [hbm:s3], $0xF7A  }
0x26: {  	[smem:$0x3F99] =	sst s1;
	(tag) =	ssettag s2;
	_ =	strace s9  }
0x27: {  	s1 =	sld [smem:$0x3FA9]  }
0x28: {  	s2 =	sld [smem:$0x3FAA]  }
0x29: {  	s4 =	sld [smem:$0x3FAC]  }
0x2a: {  	p0 =	seq.s32 s5, $0x0;
	s5 =	sld [smem:$0x3FAD]  }
0x2b: {  	s6 =	sld [smem:$0x3FAE]  }
0x2c: {  	s7 =	sld [smem:$0x3FAF]  }
0x2d: {  	s3 =	simm.s32 $0x108;
	s8 =	sld [smem:$0x3FB0]  }
0x2e: {  	s3 =	simm.s32 @!p0 $0x1082;
	s9 =	sld [smem:$0x3FB1]  }
0x2f: {  	lr =	sadd.s32 s0, s3;
	s0 =	sld [smem:$0x3FA8]  }
0x30: {  	s3 =	sld [smem:$0x3FAB]  }
0x31: {  	[smem:$0x3FB4] =	sst s10  }
0x32: {  	s10 =	sld [smem:$0x3FB2];
	_ =	sdelay $0x3  }
0x33: {  	p0 =	seq.s32 s10, $0x1;
	s10 =	sld [smem:$0x3FB4];
	_ =	sdelay $0x3  }
0x34: {  	[smem:$0x3FB4] =	sst s10  }
0x35: {  	s10 =	sld [smem:$0x3FB3];
	_ =	sdelay $0x3  }
0x36: {  	p1 =	seq.s32 s10, $0x1;
	s10 =	sld [smem:$0x3FB4];
	_ =	sdelay $0x3  }
0x37: {  	[smem:$0x3FB4] =	sst s10  }
0x38: {  	s10 =	sld [smem:$0x3FB5]  }
0x39: {  	_ = 	snop;
	(pc) =	sbr.ind lr, $3  }
0x3a: {  	_ = 	snop  }
0x3b: {  	_ = 	snop  }
0x3c: {  	p2 =	seq.s32 s10, $0x1;
	s10 =	sld [smem:$0x3FB4]  }
0x3d: {  	_ =	shalt  }
0x3e: {  	_ =	shalt  }
0x3f: {  	_ =	shalt  }
0x40: {  	_ =	shalt  }
0x41: {  	_ =	shalt  }
0x42: {  	_ =	shalt  }
0x43: {  	_ =	shalt  }
0x44: {  	_ =	shalt  }
0x45: {  	_ =	shalt  }
0x46: {  	_ =	shalt  }
0x47: {  	_ =	shalt  }
0x48: {  	_ =	shalt  }
0x49: {  	_ =	shalt  }
0x4a: {  	_ =	shalt  }
0x4b: {  	_ =	shalt  }
0x4c: {  	_ =	shalt  }
0x4d: {  	_ =	shalt  }
0x4e: {  	_ =	shalt  }
0x4f: {  	_ =	shalt  }
0x50: {  	_ =	shalt  }
0x51: {  	_ =	shalt  }
0x52: {  	_ =	shalt  }
0x53: {  	_ =	shalt  }
0x54: {  	_ =	shalt  }
0x55: {  	_ =	shalt  }
0x56: {  	_ =	shalt  }
0x57: {  	_ =	shalt  }
0x58: {  	_ =	shalt  }
0x59: {  	_ =	shalt  }
0x5a: {  	_ =	shalt  }
0x5b: {  	_ =	shalt  }
0x5c: {  	_ =	shalt  }
0x5d: {  	_ =	shalt  }
0x5e: {  	_ =	shalt  }
0x5f: {  	_ =	shalt  }
0x60: {  	_ =	shalt  }
0x61: {  	_ =	shalt  }
0x62: {  	_ =	shalt  }
0x63: {  	_ =	shalt  }
0x64: {  	_ =	shalt  }
0x65: {  	_ =	shalt  }
0x66: {  	_ =	shalt  }
0x67: {  	_ =	shalt  }
0x68: {  	_ =	shalt  }
0x69: {  	_ =	shalt  }
0x6a: {  	_ =	shalt  }
0x6b: {  	_ =	shalt  }
0x6c: {  	_ =	shalt  }
0x6d: {  	_ =	shalt  }
0x6e: {  	_ =	shalt  }
0x6f: {  	_ =	shalt  }
0x70: {  	_ =	shalt  }
0x71: {  	_ =	shalt  }
0x72: {  	_ =	shalt  }
0x73: {  	_ =	shalt  }
0x74: {  	_ =	shalt  }
0x75: {  	_ =	shalt  }
0x76: {  	_ =	shalt  }
0x77: {  	_ =	shalt  }
0x78: {  	_ =	shalt  }
0x79: {  	_ =	shalt  }
0x7a: {  	_ =	shalt  }
0x7b: {  	_ =	shalt  }
0x7c: {  	_ =	shalt  }
0x7d: {  	_ =	shalt  }
0x7e: {  	_ =	shalt  }
0x7f: {  	_ =	shalt  }
0x80: {  	_ =	shalt  }
0x81: {  	_ =	shalt  }
0x82: {  	_ =	shalt  }
0x83: {  	_ =	shalt  }
0x84: {  	_ =	shalt  }
0x85: {  	_ =	shalt  }
0x86: {  	_ =	shalt  }
0x87: {  	_ =	shalt  }
.Lfunc_end0:
.L_simem_size_0:
called_computation_lowered:
.L_overlay_start_0:
0x88: {  	s2 =	sld [smem:$0x3FD9]  }
0x89: {  	s3 =	sld [smem:$0x3FFE];
	_ =	sdelay $0x1  }
0x8a: {  	s1 =	srdreg.scid  }
0x8b: {  	s0 =	sand.u32 $0x1, s1  }
0x8c: {  	s17 =	sshll.u32 s0, $0xA;
	s2 =	sadd.s32 s3, s2  }
0x8d: {  	s2 =	sadd.s32 s2, s17  }
0x8e: {  	[smem:$0x3FC0] =	sst s2  }
0x8f: {  	_ = 	snop  }
0x90: {  	s2 =	sld [smem:$0x3FD0];
	(tm) =	ssettm $0x1  }
0x91: {  	s18 =	sld [smem:$0x3FFB];
	_ =	sdelay $0x3  }
0x92: {  	_ =	strace s18  }
0x93: {  	s3 =	sld [smem:$0x3FFC];
	_ =	sdelay $0x3  }
0x94: {  	_ =	strace s3  }
0x95: {  	s3 =	sld [smem:$0x3FFD];
	_ =	sdelay $0x3  }
0x96: {  	_ =	strace s3  }
0x97: {  	_ =	strace $0x8FFFFFFF  }
0x98: {  	s19 =	sld [smem:$0x3FDB];
	_ =	sdelay $0x1  }
0x99: {  	s4 =	simm.s32 $_scs_section_size  }
0x9a: {  	s5 =	simm.s32 $_size__tile_overlayer_lowered;
	s6 =	simm.s32 $_tile_overlayer_lowered  }
0x9b: {  	s22 =	simm.s32 $0x1BFF;
	s21 =	sshll.u32 s6, $0x1;
	s3 =	sadd.s32 s4, s19  }
0x9c: {  	s7 =	simm.s32 $0x0;
	s20 =	sshll.u32 s5, $0x1;
	s5 =	sadd.s32 s21, s3  }
0x9d: {  	[timem:s7], [sflag:s22] =	dma.local [hbm:s5], s20  }
0x9e: {  	_ =	swait.ge [sflag:s22], s20  }
0x9f: {  	s4 =	ssub.s32 $0x0, s20;
	[sflag:s22] =	ssyncset.done $0x0  }
0xa0: {  	[sflag:s22] =	ssyncadd.s32 s4;
	_ =	sdelay $0x1  }
0xa1: {  	s23 =	simm.s32 $0x1B8B  }
0xa2: {  	_ =	swait.ge [sflag:s23], $0x1  }
0xa3: {  	[sflag:s23] =	ssyncset.done $0x0  }
0xa4: {  	s25 =	simm.s32 $0x1B8E;
	s24 =	sld [smem:$0x3FFE];
	[sflag:s23] =	ssyncadd.s32 $0xFFFFFFFF  }
0xa5: {  	s26 =	simm.s32 $execute0_lowered;
	[smem:$0x3FD2] =	sst s25  }
0xa6: {  	s5 =	sshll.u32 s26, $0x1;
	_ =	strace $0x80000046;
	[dreg:$0x1] =	wrdreg $0xFFFFFFFF  }
0xa7: {  	s28 =	simm.s32 $_size_execute0_lowered;
	s3 =	sadd.s32 s3, s5;
	[dreg:$0x0] =	wrdreg $0x0  }
0xa8: {  	s5 =	sshll.u32 s28, $0x1;
	[dreg:$0x2] =	wrdreg s3  }
0xa9: {  	[dreg:$0x3] =	wrdreg s5  }
0xaa: {  	[dreg:$0x4] =	wrdreg $0xC0  }
0xab: {  	_ =	task [dreg:s7], $0x5FFFF  }
0xac: {  	[dreg:$0x1] =	wrdreg $0xFFFFFFFF  }
0xad: {  	[dreg:$0x0] =	wrdreg $0x60  }
0xae: {  	[dreg:$0x2] =	wrdreg s24  }
0xaf: {  	[dreg:$0x3] =	wrdreg s2  }
0xb0: {  	[dreg:$0x4] =	wrdreg $0x9  }
0xb1: {  	_ =	task.clear_ibuf [dreg:s7], $0x5FFFF;
	_ =	strace $0x90000046  }
0xb2: {  	s29 =	simm.s32 $0x9;
	_ =	strace $0x80000048  }
0xb3: {  	_ =	swait.ge [sflag:s29], $0x1  }
0xb4: {  	[sflag:s29] =	ssyncadd.s32 $0xFFFFFFFF  }
0xb5: {  	_ =	strace $0x90000048  }
0xb6: {  	_ =	sfence  }
0xb7: {  	s30 =	sld [smem:$0x0];
	_ =	sdelay $0x2  }
0xb8: {  	s31 =	sshll.u32 s1, $0xD;
	s1 =	sshrl.u32 s1, $0x2  }
0xb9: {  	s3 =	sand.u32 $0x4000, s31;
	s1 =	sadd.s32 s1, s30  }
0xba: {  	s0 =	sor.u32 s3, s0;
	s1 =	sshll.u32 s1, $0x11  }
0xbb: {  	s0 =	sor.u32 s1, s0  }
0xbc: {  	s0 =	sadd.s32 $0x8F2B, s0  }
0xbd: {  	[sflag:s0] =	ssyncadd.remote.s32 $0x1  }
0xbe: {  	_ =	sfence.sel $0xFFFF  }
0xbf: {  	[dreg:$0x0] =	wrdreg $0xFFFFFFFF;
	(pc) =	sbr.abs _section_cstart, $3  }
0xc0: {  	[dreg:$0x1] =	wrdreg $0xFFFFFFFF  }
0xc1: {  	_ =	task.clear_ibuf [dreg:s7], $0x2FFFF;
	_ =	strace $0x9FFFFFFF  }
0xc2: {  	(tm) =	ssettm $0x7FFFFFFF  }
0xc3: {  	_ =	shalt  }
tec
execute0_lowered:
.L_overlay_start_1:
0x0: {  	(tag) =	ssettag $0x1  }
0x1: {  	s0 =	srdreg.scid;
	s1 =	rddreg [dreg:$0x0]  }
0x2: {  	s2 =	rddreg [dreg:$0x1];
	s5 =	stileid.u32  }
0x3: {  	s3 =	simm.s32 $0x0;
	s9 =	simm.s32 $0x2000;
	s10 =	simm.s32 $0x500  }
0x4: {  	s11 =	simm.s32 $0xA00;
	s12 =	simm.s32 $0xF00;
	s13 =	simm.s32 $0x1  }
0x5: {  	s15 =	simm.s32 $0x1A00;
	s16 =	simm.s32 $0x17000;
	s17 =	simm.s32 $0x17800  }
0x6: {  	s18 =	simm.s32 $0x18000;
	s19 =	simm.s32 $0x18800;
	s0 =	sand.u32 $0x1, s0  }
0x7: {  	s20 =	simm.s32 $0x3;
	s21 =	simm.s32 $0x19000;
	s4 =	sshll.u32 s0, $0x4  }
0x8: {  	s22 =	simm.s32 $0x2;
	s23 =	simm.s32 $0x4;
	s5 =	sor.u32 s5, s4  }
0x9: {  	s25 =	simm.s32 $0x0;
	[smem:$0x7FF] =	sst s3;
	s14 =	smul.u32 $0x140, s5  }
.Ltmp0:
0xa: {  	_ =	strace $0x80000047;
	s0 =	ssub.s32 $0x2, s0;
	(pc) =	sbr.rel .LBB2_1-.Ltmp0, $4  }
0xb: {  	v1 =	vlaneseq.u32;
	v2 =	vimm.s32 $0x0;
	s4 =	sadd.s32 $0x6A00, s1;
	s31 =	sshrl.u32 s0, $0x1;
	s6 =	smul.u32 $0x2800, s5  }
0xc: {  	v5 =	vimm.f32 $0.0e+00;
	vm0 =	vmmov $0xffff;
	v3 =	vor.u32 $0x140, v1;
	s5 =	sadd.s32 $0x1A00, s1;
	s0 =	ssub.s32 s0, s31;
	s7 =	sshrl.u32 s14, $0x3  }
0xd: {  	v4 =	vor.u32 $0x2710, v1;
	v7 =	vshrl.u32 v1, $0x3;
	v6 =	vand.u32 $0x7, v1;
	s8 =	smax.u32 s0, $0x1;
	s6 =	sadd.s32 s6, s1;
	s1 =	sadd.s32 s7, s1  }
0xe: {  	v8 =	vor.u32 $0x8, v1;
	v7 =	vmul.u32 $0x8, v7;
	v0 =	vmov s14;
	s14 =	simm.s32 $0x1400;
	s6 =	sadd.s32 $0x55400, s6;
	s7 =	sadd.s32 $0xA5400, s1  }
.LBB2_19:
0xf: {  	s0 =	sand.u32 $0x10, s26  }
0x10: {  	p0 =	seq.s32 s0, $0x0  }
0x11: {  	s0 =	sshll.u32 @!p0 s28, $0x4  }
0x12: {  	v9 =	vlaneseq.u32 @!p0;
	s0 =	sand.u32 @!p0 $0xFFFFFFE0, s0  }
0x13: {  	v9 =	vor.u32 @!p0 s0, v9;
	_ =	sdelay $0x1  }
0x14: {  	_ =	swait.ge [sflag:s20], $0x1000  }
0x15: {  	[sflag:s20] =	ssyncset.done $0x0  }
0x16: {  	[sflag:s20] =	ssyncadd.s32 $0xFFFFF000;
	s0 =	simm.s32 @!p0 $0x1400  }
0x17: {  	v9 =	vld.idx.msk @!p0 [tilespmem:v9+s0+$0x0], $0xffff;
	_ =	sdelay $0x4  }
0x18: {  	(xrf1) =	vunique.msk.u32 @!p0 $0xffff, v9;
	_ =	sdelay $0xc  }
0x19: {  	s0 =	simm.s32 @!p0 $0x19000  }
0x1a: {  	v11 =	vld.idx.msk @!p0 [tilespmem:v9+s0+$0x0], $0xffff;
	_, v10, vm1 =	vpop @!p0 (xrf1);
	_ =	sdelay $0x4  }
0x1b: {  	v10 =	vadd.s32 @!p0 v11, v10  }
0x1c: {  	[tilespmem:v9+s0+$0x0] =	vst.idx.msk @!p0 vm1, v10  }
0x1d: {  	v9 =	vld [tilespmem:$0x19000]  }
0x1e: {  	v10 =	vld [tilespmem:$0x19010]  }
0x1f: {  	v11 =	vld [tilespmem:$0x19020]  }
0x20: {  	v12 =	vld [tilespmem:$0x19030]  }
0x21: {  	v13 =	vld [tilespmem:$0x19040]  }
0x22: {  	v14 =	vld [tilespmem:$0x19050];
	v9 =	vcvt.s32.f32 v9  }
0x23: {  	v15 =	vld [tilespmem:$0x19060];
	v10 =	vcvt.s32.f32 v10  }
0x24: {  	[tilespmem:$0x19180] =	vst v9;
	v9 =	vcvt.s32.f32 v11;
	v11 =	vld [tilespmem:$0x19070]  }
0x25: {  	v54 =	vld [tilespmem:$0x19080];
	[tilespmem:$0x19190] =	vst v10;
	v10 =	vcvt.s32.f32 v12  }
0x26: {  	v55 =	vld [tilespmem:$0x19090];
	[tilespmem:$0x191A0] =	vst v9;
	v9 =	vcvt.s32.f32 v13  }
0x27: {  	v56 =	vld [tilespmem:$0x190A0];
	[tilespmem:$0x191B0] =	vst v10;
	v10 =	vcvt.s32.f32 v14  }
0x28: {  	v57 =	vld [tilespmem:$0x190B0];
	[tilespmem:$0x191C0] =	vst v9;
	v9 =	vcvt.s32.f32 v15  }
0x29: {  	[tilespmem:$0x191D0] =	vst v10;
	v10 =	vcvt.s32.f32 v11;
	v11 =	vld [tilespmem:$0x190C0]  }
0x2a: {  	v58 =	vld [tilespmem:$0x190D0];
	[tilespmem:$0x191E0] =	vst v9;
	v9 =	vcvt.s32.f32 v54  }
0x2b: {  	v59 =	vld [tilespmem:$0x190E0];
	[tilespmem:$0x191F0] =	vst v10;
	v10 =	vcvt.s32.f32 v55  }
0x2c: {  	v60 =	vld [tilespmem:$0x190F0];
	[tilespmem:$0x19200] =	vst v9;
	v9 =	vcvt.s32.f32 v56  }
0x2d: {  	v61 =	vld [tilespmem:$0x19100];
	[tilespmem:$0x19210] =	vst v10;
	v10 =	vcvt.s32.f32 v57  }
0x2e: {  	[tilespmem:$0x19220] =	vst v9;
	v9 =	vcvt.s32.f32 v11;
	v11 =	vld [tilespmem:$0x19110]  }
0x2f: {  	v62 =	vld [tilespmem:$0x19120];
	[tilespmem:$0x19230] =	vst v10;
	v10 =	vcvt.s32.f32 v58  }
0x30: {  	v63 =	vld [tilespmem:$0x19130];
	[tilespmem:$0x19240] =	vst v9;
	v9 =	vcvt.s32.f32 v59  }
0x31: {  	[tilespmem:$0x19250] =	vst v10;
	v10 =	vcvt.s32.f32 v60  }
0x32: {  	[tilespmem:$0x19260] =	vst v9;
	v9 =	vcvt.s32.f32 v61  }
0x33: {  	[tilespmem:$0x19270] =	vst v10;
	v10 =	vcvt.s32.f32 v11  }
0x34: {  	[tilespmem:$0x19280] =	vst v9;
	v9 =	vcvt.s32.f32 v62  }
0x35: {  	[tilespmem:$0x19290] =	vst v10;
	v10 =	vcvt.s32.f32 v63  }
0x36: {  	[tilespmem:$0x192A0] =	vst v9  }
0x37: {  	[tilespmem:$0x192B0] =	vst v10  }
0x38: {  	[hbm4b:s6+s3] =	stream.linear.scatter [tilespmem:s9], [sflag:$0x4], $0x14000, $0x38;
	[tilespmem:$0x19300] =	vst v63  }
0x39: {  	s25 =	sadd.s32 $0x1, s25;
	_ =	swait.ge [sflag:s23], $0x14000  }
0x3a: {  	p0 =	sne.s32 s25, s8;
	[sflag:s23] =	ssyncset.done $0x0  }
.Ltmp1:
0x3b: {  	s31 =	simm.s32 $0x19180;
	[sflag:s23] =	ssyncadd.s32 $0xFFFEC000;
	(pc) =	sbr.rel @!p0 .LBB2_20-.Ltmp1, $4  }
0x3c: {  	[hbm4b:s7+s3] =	stream.linear.scatter [tilespmem:s31], [sflag:$0x4], $0x140, $0x38;
	[tilespmem:$0x19300] =	vst v63  }
0x3d: {  	_ =	swait.ge [sflag:s23], $0x140  }
0x3e: {  	[sflag:s23] =	ssyncset.done $0x0  }
0x3f: {  	[sflag:s23] =	ssyncadd.s32 $0xFFFFFEC0  }
.LBB2_1:
0x40: {  	[tilespmem:$0x19000] =	vst v2  }
0x41: {  	[tilespmem:$0x19010] =	vst v2  }
0x42: {  	[tilespmem:$0x19020] =	vst v2  }
0x43: {  	[tilespmem:$0x19030] =	vst v2  }
0x44: {  	[tilespmem:$0x19040] =	vst v2  }
0x45: {  	[tilespmem:$0x19050] =	vst v2  }
0x46: {  	[tilespmem:$0x19060] =	vst v2  }
0x47: {  	[tilespmem:$0x19070] =	vst v2  }
0x48: {  	[tilespmem:$0x19080] =	vst v2  }
0x49: {  	[tilespmem:$0x19090] =	vst v2  }
0x4a: {  	[tilespmem:$0x190A0] =	vst v2  }
0x4b: {  	[tilespmem:$0x190B0] =	vst v2  }
0x4c: {  	[tilespmem:$0x190C0] =	vst v2  }
0x4d: {  	[tilespmem:$0x190D0] =	vst v2  }
0x4e: {  	[tilespmem:$0x190E0] =	vst v2  }
0x4f: {  	[tilespmem:$0x190F0] =	vst v2  }
0x50: {  	[tilespmem:$0x19100] =	vst v2  }
0x51: {  	[tilespmem:$0x19110] =	vst v2  }
0x52: {  	[tilespmem:$0x19120] =	vst v2  }
0x53: {  	[tilespmem:$0x19130] =	vst v2  }
0x54: {  	[tilespmem:$0x19140] =	vst v2  }
0x55: {  	[tilespmem:$0x1400] =	vst v3  }
0x56: {  	[tilespmem:$0x1A00] =	vst v4  }
0x57: {  	[tilespmem:$0x1410] =	vst v3  }
0x58: {  	[tilespmem:$0x1A10] =	vst v4  }
0x59: {  	[tilespmem:$0x1420] =	vst v3  }
0x5a: {  	[tilespmem:$0x1A20] =	vst v4  }
0x5b: {  	[tilespmem:$0x1430] =	vst v3  }
0x5c: {  	[tilespmem:$0x1A30] =	vst v4  }
0x5d: {  	[tilespmem:$0x1440] =	vst v3  }
0x5e: {  	[tilespmem:$0x1A40] =	vst v4  }
0x5f: {  	[tilespmem:$0x1450] =	vst v3  }
0x60: {  	[tilespmem:$0x1A50] =	vst v4  }
0x61: {  	[tilespmem:$0x1460] =	vst v3  }
0x62: {  	[tilespmem:$0x1A60] =	vst v4  }
0x63: {  	[tilespmem:$0x1470] =	vst v3  }
0x64: {  	[tilespmem:$0x1A70] =	vst v4  }
0x65: {  	[tilespmem:$0x1480] =	vst v3  }
0x66: {  	[tilespmem:$0x1A80] =	vst v4  }
0x67: {  	[tilespmem:$0x1490] =	vst v3  }
0x68: {  	[tilespmem:$0x1A90] =	vst v4  }
0x69: {  	[tilespmem:$0x14A0] =	vst v3  }
0x6a: {  	[tilespmem:$0x1AA0] =	vst v4  }
0x6b: {  	[tilespmem:$0x14B0] =	vst v3  }
0x6c: {  	[tilespmem:$0x1AB0] =	vst v4  }
0x6d: {  	[tilespmem:$0x14C0] =	vst v3  }
0x6e: {  	[tilespmem:$0x1AC0] =	vst v4  }
0x6f: {  	[tilespmem:$0x14D0] =	vst v3  }
0x70: {  	[tilespmem:$0x1AD0] =	vst v4  }
0x71: {  	[tilespmem:$0x14E0] =	vst v3  }
0x72: {  	[tilespmem:$0x1AE0] =	vst v4  }
0x73: {  	[tilespmem:$0x14F0] =	vst v3  }
0x74: {  	[tilespmem:$0x1AF0] =	vst v4  }
0x75: {  	[tilespmem:$0x1500] =	vst v3  }
0x76: {  	[tilespmem:$0x1B00] =	vst v4  }
0x77: {  	[tilespmem:$0x1510] =	vst v3  }
0x78: {  	[tilespmem:$0x1B10] =	vst v4  }
0x79: {  	[tilespmem:$0x1520] =	vst v3  }
0x7a: {  	[tilespmem:$0x1B20] =	vst v4  }
0x7b: {  	[tilespmem:$0x1530] =	vst v3  }
0x7c: {  	[tilespmem:$0x1B30] =	vst v4  }
0x7d: {  	[tilespmem:$0x1540] =	vst v3  }
0x7e: {  	[tilespmem:$0x1B40] =	vst v4  }
0x7f: {  	[tilespmem:$0x1550] =	vst v3  }
0x80: {  	[tilespmem:$0x1B50] =	vst v4  }
0x81: {  	[tilespmem:$0x1560] =	vst v3  }
0x82: {  	[tilespmem:$0x1B60] =	vst v4  }
0x83: {  	[tilespmem:$0x1570] =	vst v3  }
0x84: {  	[tilespmem:$0x1B70] =	vst v4  }
0x85: {  	[tilespmem:$0x1580] =	vst v3  }
0x86: {  	[tilespmem:$0x1B80] =	vst v4  }
0x87: {  	[tilespmem:$0x1590] =	vst v3  }
0x88: {  	[tilespmem:$0x1B90] =	vst v4  }
0x89: {  	[tilespmem:$0x15A0] =	vst v3  }
0x8a: {  	[tilespmem:$0x1BA0] =	vst v4  }
0x8b: {  	[tilespmem:$0x15B0] =	vst v3  }
0x8c: {  	[tilespmem:$0x1BB0] =	vst v4  }
0x8d: {  	[tilespmem:$0x15C0] =	vst v3  }
0x8e: {  	[tilespmem:$0x1BC0] =	vst v4  }
0x8f: {  	[tilespmem:$0x15D0] =	vst v3  }
0x90: {  	[tilespmem:$0x1BD0] =	vst v4  }
0x91: {  	[tilespmem:$0x15E0] =	vst v3  }
0x92: {  	[tilespmem:$0x1BE0] =	vst v4  }
0x93: {  	[tilespmem:$0x15F0] =	vst v3  }
0x94: {  	[tilespmem:$0x1BF0] =	vst v4  }
0x95: {  	[tilespmem:$0x1600] =	vst v3  }
0x96: {  	[tilespmem:$0x1C00] =	vst v4  }
0x97: {  	[tilespmem:$0x1610] =	vst v3  }
0x98: {  	[tilespmem:$0x1C10] =	vst v4  }
0x99: {  	[tilespmem:$0x1620] =	vst v3  }
0x9a: {  	[tilespmem:$0x1C20] =	vst v4  }
0x9b: {  	[tilespmem:$0x1630] =	vst v3  }
0x9c: {  	[tilespmem:$0x1C30] =	vst v4  }
0x9d: {  	[tilespmem:$0x1640] =	vst v3  }
0x9e: {  	[tilespmem:$0x1C40] =	vst v4  }
0x9f: {  	[tilespmem:$0x1650] =	vst v3  }
0xa0: {  	[tilespmem:$0x1C50] =	vst v4  }
0xa1: {  	[tilespmem:$0x1660] =	vst v3  }
0xa2: {  	[tilespmem:$0x1C60] =	vst v4  }
0xa3: {  	[tilespmem:$0x1670] =	vst v3  }
0xa4: {  	[tilespmem:$0x1C70] =	vst v4  }
0xa5: {  	[tilespmem:$0x1680] =	vst v3  }
0xa6: {  	[tilespmem:$0x1C80] =	vst v4  }
0xa7: {  	[tilespmem:$0x1690] =	vst v3  }
0xa8: {  	[tilespmem:$0x1C90] =	vst v4  }
0xa9: {  	[tilespmem:$0x16A0] =	vst v3  }
0xaa: {  	[tilespmem:$0x1CA0] =	vst v4  }
0xab: {  	[tilespmem:$0x16B0] =	vst v3  }
0xac: {  	[tilespmem:$0x1CB0] =	vst v4  }
0xad: {  	[tilespmem:$0x16C0] =	vst v3  }
0xae: {  	[tilespmem:$0x1CC0] =	vst v4  }
0xaf: {  	[tilespmem:$0x16D0] =	vst v3  }
0xb0: {  	[tilespmem:$0x1CD0] =	vst v4  }
0xb1: {  	[tilespmem:$0x16E0] =	vst v3  }
0xb2: {  	[tilespmem:$0x1CE0] =	vst v4  }
0xb3: {  	[tilespmem:$0x16F0] =	vst v3  }
0xb4: {  	[tilespmem:$0x1CF0] =	vst v4  }
0xb5: {  	[tilespmem:$0x1700] =	vst v3  }
0xb6: {  	[tilespmem:$0x1D00] =	vst v4  }
0xb7: {  	[tilespmem:$0x1710] =	vst v3  }
0xb8: {  	[tilespmem:$0x1D10] =	vst v4  }
0xb9: {  	[tilespmem:$0x1720] =	vst v3  }
0xba: {  	[tilespmem:$0x1D20] =	vst v4  }
0xbb: {  	[tilespmem:$0x1730] =	vst v3  }
0xbc: {  	[tilespmem:$0x1D30] =	vst v4  }
0xbd: {  	[tilespmem:$0x1740] =	vst v3  }
0xbe: {  	[tilespmem:$0x1D40] =	vst v4  }
0xbf: {  	[tilespmem:$0x1750] =	vst v3  }
0xc0: {  	[tilespmem:$0x1D50] =	vst v4  }
0xc1: {  	[tilespmem:$0x1760] =	vst v3  }
0xc2: {  	[tilespmem:$0x1D60] =	vst v4  }
0xc3: {  	[tilespmem:$0x1770] =	vst v3  }
0xc4: {  	[tilespmem:$0x1D70] =	vst v4  }
0xc5: {  	[tilespmem:$0x1780] =	vst v3  }
0xc6: {  	[tilespmem:$0x1D80] =	vst v4  }
0xc7: {  	[tilespmem:$0x1790] =	vst v3  }
0xc8: {  	[tilespmem:$0x1D90] =	vst v4  }
0xc9: {  	[tilespmem:$0x17A0] =	vst v3  }
0xca: {  	[tilespmem:$0x1DA0] =	vst v4  }
0xcb: {  	[tilespmem:$0x17B0] =	vst v3  }
0xcc: {  	[tilespmem:$0x1DB0] =	vst v4  }
0xcd: {  	[tilespmem:$0x17C0] =	vst v3  }
0xce: {  	[tilespmem:$0x1DC0] =	vst v4  }
0xcf: {  	[tilespmem:$0x17D0] =	vst v3  }
0xd0: {  	[tilespmem:$0x1DD0] =	vst v4  }
0xd1: {  	[tilespmem:$0x17E0] =	vst v3  }
0xd2: {  	[tilespmem:$0x1DE0] =	vst v4  }
0xd3: {  	[tilespmem:$0x17F0] =	vst v3  }
0xd4: {  	[tilespmem:$0x1DF0] =	vst v4  }
0xd5: {  	[tilespmem:$0x1800] =	vst v3  }
0xd6: {  	[tilespmem:$0x1E00] =	vst v4  }
0xd7: {  	[tilespmem:$0x1810] =	vst v3  }
0xd8: {  	[tilespmem:$0x1E10] =	vst v4  }
0xd9: {  	[tilespmem:$0x1820] =	vst v3  }
0xda: {  	[tilespmem:$0x1E20] =	vst v4  }
0xdb: {  	[tilespmem:$0x1830] =	vst v3  }
0xdc: {  	[tilespmem:$0x1E30] =	vst v4  }
0xdd: {  	[tilespmem:$0x1840] =	vst v3  }
0xde: {  	[tilespmem:$0x1E40] =	vst v4  }
0xdf: {  	[tilespmem:$0x1850] =	vst v3  }
0xe0: {  	[tilespmem:$0x1E50] =	vst v4  }
0xe1: {  	[tilespmem:$0x1860] =	vst v3  }
0xe2: {  	[tilespmem:$0x1E60] =	vst v4  }
0xe3: {  	[tilespmem:$0x1870] =	vst v3  }
0xe4: {  	[tilespmem:$0x1E70] =	vst v4  }
0xe5: {  	[tilespmem:$0x1880] =	vst v3  }
0xe6: {  	[tilespmem:$0x1E80] =	vst v4  }
0xe7: {  	[tilespmem:$0x1890] =	vst v3  }
0xe8: {  	[tilespmem:$0x1E90] =	vst v4  }
0xe9: {  	[tilespmem:$0x18A0] =	vst v3  }
0xea: {  	[tilespmem:$0x1EA0] =	vst v4  }
0xeb: {  	[tilespmem:$0x18B0] =	vst v3  }
0xec: {  	[tilespmem:$0x1EB0] =	vst v4  }
0xed: {  	[tilespmem:$0x18C0] =	vst v3  }
0xee: {  	[tilespmem:$0x1EC0] =	vst v4  }
0xef: {  	[tilespmem:$0x18D0] =	vst v3  }
0xf0: {  	[tilespmem:$0x1ED0] =	vst v4  }
0xf1: {  	[tilespmem:$0x18E0] =	vst v3  }
0xf2: {  	[tilespmem:$0x1EE0] =	vst v4  }
0xf3: {  	[tilespmem:$0x18F0] =	vst v3  }
0xf4: {  	[tilespmem:$0x1EF0] =	vst v4  }
0xf5: {  	[tilespmem:$0x1900] =	vst v3  }
0xf6: {  	[tilespmem:$0x1F00] =	vst v4  }
0xf7: {  	[tilespmem:$0x1910] =	vst v3  }
0xf8: {  	[tilespmem:$0x1F10] =	vst v4  }
0xf9: {  	[tilespmem:$0x1920] =	vst v3  }
0xfa: {  	[tilespmem:$0x1F20] =	vst v4  }
0xfb: {  	[tilespmem:$0x1930] =	vst v3  }
0xfc: {  	[tilespmem:$0x1F30] =	vst v4  }
0xfd: {  	[tilespmem:$0x1940] =	vst v3  }
0xfe: {  	[tilespmem:$0x1F40] =	vst v4  }
0xff: {  	[tilespmem:$0x1950] =	vst v3  }
0x100: {  	[tilespmem:$0x1F50] =	vst v4  }
0x101: {  	[tilespmem:$0x1960] =	vst v3  }
0x102: {  	[tilespmem:$0x1F60] =	vst v4  }
0x103: {  	[tilespmem:$0x1970] =	vst v3  }
0x104: {  	[tilespmem:$0x1F70] =	vst v4  }
0x105: {  	[tilespmem:$0x1980] =	vst v3  }
0x106: {  	[tilespmem:$0x1F80] =	vst v4  }
0x107: {  	[tilespmem:$0x1990] =	vst v3  }
0x108: {  	[tilespmem:$0x1F90] =	vst v4  }
0x109: {  	[tilespmem:$0x19A0] =	vst v3  }
0x10a: {  	[tilespmem:$0x1FA0] =	vst v4  }
0x10b: {  	[tilespmem:$0x19B0] =	vst v3  }
0x10c: {  	[tilespmem:$0x1FB0] =	vst v4  }
0x10d: {  	[tilespmem:$0x19C0] =	vst v3  }
0x10e: {  	[tilespmem:$0x1FC0] =	vst v4  }
0x10f: {  	[tilespmem:$0x19D0] =	vst v3  }
0x110: {  	[tilespmem:$0x1FD0] =	vst v4  }
0x111: {  	[tilespmem:$0x19E0] =	vst v3  }
0x112: {  	[tilespmem:$0x1FE0] =	vst v4  }
0x113: {  	[tilespmem:$0x19F0] =	vst v3  }
0x114: {  	[tilespmem:$0x1FF0] =	vst v4;
	s0 =	simm.s32 $0x10;
	v9 =	vor.u32 s3, v1  }
.LBB2_2:
0x115: {  	p0 =	sne.s32 s0, $0x14FF0  }
.Ltmp2:
0x116: {  	_ = 	snop;
	(pc) =	sbr.rel @p0 .LBB2_2-.Ltmp2, $3  }
0x117: {  	_ =	sdelay $0x1  }
0x118: {  	[tilespmem:v9+s9+$0x0] =	vst.idx.msk $0xffff, v5;
	s1 =	smov.u32 s0;
	s0 =	sadd.s32 $0x10, s0  }
0x119: {  	v9 =	vor.u32 s1, v1  }
0x11a: {  	_ =	sdelay $0x2  }
.Ltmp3:
0x11b: {  	_ = 	snop;
	(pc) =	sbr.rel .LBB2_4-.Ltmp3, $4  }
0x11c: {  	[tilespmem:v9+s9+$0x0] =	vst.idx.msk $0xffff, v5;
	s26 =	simm.s32 $0x0  }
0x11d: {  	[tilespmem:s26], [sflag:$0x1] =	stream.linear.gather [hbm4b:s5+s26], $0x500, $0x38;
	[tilespmem:$0x19300] =	vst v63  }
0x11e: {  	_ = 	snop  }
0x11f: {  	v9 =	vimm.s32 $0x0;
	[tilespmem:s10], [sflag:$0x1] =	stream.linear.gather [hbm4b:s2+s26], $0x500, $0x38;
	[tilespmem:$0x19300] =	vst v63  }
.LBB2_12:
0x120: {  	s0 =	sand.u32 $0x10, s28  }
0x121: {  	p0 =	seq.s32 s0, $0x0;
	s0 =	sshll.u32 s29, $0x4  }
0x122: {  	s1 =	sand.u32 @!p0 $0xFFFFFFE0, s0;
	v10 =	vlaneseq.u32 @!p0  }
0x123: {  	v10 =	vor.u32 @!p0 s1, v10;
	_ =	sdelay $0x1  }
0x124: {  	_ =	swait.ge [sflag:s20], $0x1000  }
0x125: {  	[sflag:s20] =	ssyncset.done $0x0  }
0x126: {  	[sflag:s20] =	ssyncadd.s32 $0xFFFFF000;
	s1 =	simm.s32 @!p0 $0x1400  }
0x127: {  	v10 =	vld.idx.msk @!p0 [tilespmem:v10+s1+$0x0], $0xffff;
	_ =	sdelay $0x4  }
0x128: {  	(xrf1) =	vunique.msk.u32 @!p0 $0xffff, v10;
	_ =	sdelay $0xc  }
0x129: {  	s1 =	simm.s32 @!p0 $0x19000  }
0x12a: {  	v12 =	vld.idx.msk @!p0 [tilespmem:v10+s1+$0x0], $0xffff;
	_, v11, vm1 =	vpop @!p0 (xrf1);
	_ =	sdelay $0x1  }
0x12b: {  	v13 =	vor.u32 s0, v1;
	_ =	sdelay $0x2  }
0x12c: {  	v11 =	vadd.s32 @!p0 v12, v11  }
0x12d: {  	[tilespmem:v10+s1+$0x0] =	vst.idx.msk @!p0 vm1, v11  }
0x12e: {  	v10 =	vld.idx.msk [tilespmem:v13+s14+$0x0], $0xffff  }
0x12f: {  	s26 =	sadd.s32 $0x1, s26;
	v11 =	vld.idx.msk [tilespmem:v13+s15+$0x0], $0xffff  }
0x130: {  	p0 =	sne.s32 s26, $0x3E  }
.Ltmp4:
0x131: {  	v9 =	vand.u32 $0xF, v9;
	(pc) =	sbr.rel @!p0 .LBB2_13-.Ltmp4, $4  }
0x132: {  	vm1 =	vgt.u32 v9, v1  }
0x133: {  	v10 =	vsel vm1, v10, v3  }
0x134: {  	[tilespmem:v1+s14+$0x0] =	vst.idx.msk $0xffff, v10;
	v10 =	vsel vm1, v11, v4  }
0x135: {  	[tilespmem:v1+s15+$0x0] =	vst.idx.msk $0xffff, v10  }
.LBB2_4:
0x136: {  	s0 =	smul.u32 $0xA00, s26;
	_ =	sdelay $0x1  }
0x137: {  	s28 =	sshrl.u32 s0, $0x3  }
0x138: {  	s0 =	sadd.s32 $0xA0, s28  }
0x139: {  	s1 =	sadd.s32 s5, s0  }
0x13a: {  	[tilespmem:s11], [sflag:$0x2] =	stream.linear.gather [hbm4b:s1+s3], $0x500, $0x38;
	[tilespmem:$0x19300] =	vst v63  }
0x13b: {  	s0 =	sadd.s32 s2, s0  }
0x13c: {  	[tilespmem:s12], [sflag:$0x2] =	stream.linear.gather [hbm4b:s0+s3], $0x500, $0x38;
	[tilespmem:$0x19300] =	vst v63  }
0x13d: {  	s1 =	simm.s32 $0x0;
	_ =	swait.ge [sflag:s13], $0x500  }
0x13e: {  	v10 =	vor.u32 s1, v1;
	[sflag:s13] =	ssyncset.done $0x0  }
0x13f: {  	[sflag:s13] =	ssyncadd.s32 $0xFFFFFB00  }
0x140: {  	_ =	swait.ge [sflag:s13], $0x500  }
0x141: {  	s24 =	simm.s32 $0x10;
	[sflag:s13] =	ssyncset.done $0x0  }
0x142: {  	v11 =	vor.u32 s24, v1;
	[sflag:s13] =	ssyncadd.s32 $0xFFFFFB00  }
0x143: {  	s31 =	simm.s32 $0x20;
	v12 =	vld.idx.msk [tilespmem:v10+s3+$0x0], $0xffff  }
0x144: {  	v13 =	vor.u32 s31, v1;
	s1 =	simm.s32 $0x30  }
0x145: {  	v14 =	vor.u32 s1, v1;
	_ =	sdelay $0x1  }
0x146: {  	v15 =	vld.idx.msk [tilespmem:v11+s3+$0x0], $0xffff  }
0x147: {  	v17 =	vsub.s32 v12, v0  }
0x148: {  	v16 =	vld.idx.msk [tilespmem:v13+s3+$0x0], $0xffff;
	vm3 =	vlt.u32 v17, $0x140  }
0x149: {  	v12 =	vld.idx.msk [tilespmem:v14+s3+$0x0], $0xffff;
	v18 =	vsel vm3, $0x1, v2  }
0x14a: {  	(xrf0) =	vadd.scan.msk.s32 $0xffff, v18  }
0x14b: {  	v15 =	vsub.s32 v15, v0  }
0x14c: {  	vm4 =	vlt.u32 v15, $0x140  }
0x14d: {  	v16 =	vsub.s32 v16, v0;
	v57 =	vsel vm4, $0x1, v2  }
0x14e: {  	vm2 =	vlt.u32 v16, $0x140;
	(xrf0) =	vadd.scan.msk.s32 $0xffff, v57;
	v19 =	vsub.s32 v12, v0  }
0x14f: {  	v58 =	vsel vm2, $0x1, v2;
	vm1 =	vlt.u32 v19, $0x140  }
0x150: {  	(xrf0) =	vadd.scan.msk.s32 $0xffff, v58;
	v12 =	vsel vm1, $0x1, v2;
	v20, _, _ =	vpop (xrf0)  }
0x151: {  	(xrf0) =	vadd.scan.msk.s32 $0xffff, v12;
	v12 =	vadd.s32 v20, v9  }
0x152: {  	v59 =	vmpcnt.ones.xlane vm3;
	_ =	sdelay $0x1  }
0x153: {  	v60 =	vmpcnt.ones.xlane vm4;
	v9 =	vadd.s32 v9, v59;
	v21 =	vadd.s32 $0xFFFFFFFF, v12;
	v12, _, _ =	vpop (xrf0)  }
0x154: {  	v10 =	vld.idx.msk [tilespmem:v10+s10+$0x0], $0xffff;
	v12 =	vadd.s32 v12, v9  }
0x155: {  	v11 =	vld.idx.msk [tilespmem:v11+s10+$0x0], $0xffff;
	v61 =	vmpcnt.ones.xlane vm2;
	v9 =	vadd.s32 v9, v60;
	v62, _, _ =	vpop (xrf0);
	v22 =	vadd.s32 $0xFFFFFFFF, v12  }
0x156: {  	v12 =	vld.idx.msk [tilespmem:v14+s10+$0x0], $0xffff;
	v14 =	vadd.s32 v62, v9  }
0x157: {  	v63 =	vld.idx.msk [tilespmem:v13+s10+$0x0], $0xffff;
	v9 =	vadd.s32 v9, v61;
	v13, _, _ =	vpop (xrf0);
	v14 =	vadd.s32 $0xFFFFFFFF, v14  }
0x158: {  	[tilespmem:v21+s14+$0x0] =	vst.idx.msk vm3, v17;
	v13 =	vadd.s32 v13, v9  }
0x159: {  	[tilespmem:v21+s15+$0x0] =	vst.idx.msk vm3, v10;
	v13 =	vadd.s32 $0xFFFFFFFF, v13  }
0x15a: {  	s24 =	simm.s32 $0x40;
	[tilespmem:v22+s14+$0x0] =	vst.idx.msk vm4, v15  }
0x15b: {  	v10 =	vmpcnt.ones.xlane vm1;
	[tilespmem:v22+s15+$0x0] =	vst.idx.msk vm4, v11;
	v11 =	vor.u32 s24, v1  }
0x15c: {  	s31 =	simm.s32 $0x50;
	[tilespmem:v14+s14+$0x0] =	vst.idx.msk vm2, v16  }
0x15d: {  	v9 =	vadd.s32 v9, v10;
	v10 =	vor.u32 s31, v1;
	[tilespmem:v14+s15+$0x0] =	vst.idx.msk vm2, v63  }
0x15e: {  	s29 =	simm.s32 $0x70;
	s30 =	simm.s32 $0xB0;
	s0 =	simm.s32 $0x60;
	[tilespmem:v13+s14+$0x0] =	vst.idx.msk vm1, v19  }
.LBB2_5:
0x15f: {  	p0 =	sne.s32 s30, $0x4F0;
	v14 =	vor.u32 s0, v1;
	[tilespmem:v13+s15+$0x0] =	vst.idx.msk vm1, v12;
	s0 =	smov.u32 s30;
	s30 =	sadd.s32 $0x40, s30  }
0x160: {  	v12 =	vld.idx.msk [tilespmem:v11+s3+$0x0], $0xffff  }
0x161: {  	v13 =	vor.u32 s29, v1;
	s29 =	smov.u32 s0  }
0x162: {  	v15 =	vld.idx.msk [tilespmem:v10+s3+$0x0], $0xffff;
	_ =	sdelay $0x1  }
0x163: {  	v16 =	vld.idx.msk [tilespmem:v14+s3+$0x0], $0xffff;
	_ =	sdelay $0x1  }
0x164: {  	v17 =	vsub.s32 v12, v0;
	v12 =	vld.idx.msk [tilespmem:v13+s3+$0x0], $0xffff  }
0x165: {  	vm3 =	vlt.u32 v17, $0x140  }
0x166: {  	v18 =	vsel vm3, $0x1, v2;
	v19 =	vmpcnt.ones.xlane vm3;
	v15 =	vsub.s32 v15, v0  }
0x167: {  	vm2 =	vlt.u32 v15, $0x140;
	(xrf0) =	vadd.scan.msk.s32 $0xffff, v18  }
0x168: {  	v18 =	vsel vm2, $0x1, v2;
	v20 =	vmpcnt.ones.xlane vm2;
	v16 =	vsub.s32 v16, v0  }
0x169: {  	vm4 =	vlt.u32 v16, $0x140;
	(xrf0) =	vadd.scan.msk.s32 $0xffff, v18  }
0x16a: {  	v18 =	vsel vm4, $0x1, v2;
	v21 =	vsub.s32 v12, v0  }
0x16b: {  	vm1 =	vlt.u32 v21, $0x140;
	(xrf0) =	vadd.scan.msk.s32 $0xffff, v18  }
0x16c: {  	v12 =	vsel vm1, $0x1, v2  }
0x16d: {  	v18, _, _ =	vpop (xrf0);
	(xrf0) =	vadd.scan.msk.s32 $0xffff, v12  }
0x16e: {  	v22 =	vadd.s32 v18, v9  }
0x16f: {  	v9 =	vadd.s32 v9, v19;
	v11 =	vld.idx.msk [tilespmem:v11+s10+$0x0], $0xffff;
	v18 =	vadd.s32 $0xFFFFFFFF, v22;
	v12, _, _ =	vpop (xrf0)  }
0x170: {  	v12 =	vadd.s32 v12, v9  }
0x171: {  	v23 =	vmpcnt.ones.xlane vm4;
	v9 =	vadd.s32 v9, v20;
	v10 =	vld.idx.msk [tilespmem:v10+s10+$0x0], $0xffff;
	v22 =	vadd.s32 $0xFFFFFFFF, v12;
	v20, _, _ =	vpop (xrf0)  }
0x172: {  	v12 =	vld.idx.msk [tilespmem:v13+s10+$0x0], $0xffff;
	v13 =	vmpcnt.ones.xlane vm1;
	v20 =	vadd.s32 v20, v9  }
0x173: {  	v9 =	vadd.s32 v9, v23;
	v14 =	vld.idx.msk [tilespmem:v14+s10+$0x0], $0xffff;
	v20 =	vadd.s32 $0xFFFFFFFF, v20;
	v19, _, _ =	vpop (xrf0)  }
0x174: {  	[tilespmem:v18+s14+$0x0] =	vst.idx.msk vm3, v17;
	v17 =	vadd.s32 v19, v9;
	v9 =	vadd.s32 v9, v13  }
0x175: {  	[tilespmem:v18+s15+$0x0] =	vst.idx.msk vm3, v11;
	v13 =	vadd.s32 $0xFFFFFFFF, v17  }
.Ltmp5:
0x176: {  	s0 =	sadd.s32 $0xFFFFFFD0, s29;
	[tilespmem:v22+s14+$0x0] =	vst.idx.msk vm2, v15;
	(pc) =	sbr.rel @p0 .LBB2_5-.Ltmp5, $4  }
0x177: {  	v11 =	vor.u32 s0, v1;
	[tilespmem:v22+s15+$0x0] =	vst.idx.msk vm2, v10  }
0x178: {  	s0 =	sadd.s32 $0xFFFFFFE0, s29;
	[tilespmem:v20+s14+$0x0] =	vst.idx.msk vm4, v16  }
0x179: {  	v10 =	vor.u32 s0, v1;
	[tilespmem:v20+s15+$0x0] =	vst.idx.msk vm4, v14  }
0x17a: {  	s0 =	sadd.s32 $0xFFFFFFF0, s29;
	[tilespmem:v13+s14+$0x0] =	vst.idx.msk vm1, v21  }
0x17b: {  	_ =	sdelay $0x4  }
0x17c: {  	[tilespmem:v13+s15+$0x0] =	vst.idx.msk vm1, v12  }
0x17d: {  	v12 =	vld.idx.msk [tilespmem:v11+s3+$0x0], $0xffff;
	_ =	sdelay $0x1  }
0x17e: {  	v14 =	vor.u32 s0, v1;
	v15 =	vld.idx.msk [tilespmem:v10+s3+$0x0], $0xffff  }
0x17f: {  	v55 =	vor.u32 s29, v1;
	_ =	sdelay $0x1  }
0x180: {  	v12 =	vsub.s32 v12, v0  }
0x181: {  	vm1 =	vlt.u32 v12, $0x140  }
0x182: {  	v16 =	vld.idx.msk [tilespmem:v14+s3+$0x0], $0xffff;
	v15 =	vsub.s32 v15, v0;
	v18 =	vsel vm1, $0x1, v2  }
0x183: {  	v17 =	vld.idx.msk [tilespmem:v55+s3+$0x0], $0xffff;
	vm2 =	vlt.u32 v15, $0x140;
	(xrf0) =	vadd.scan.msk.s32 $0xffff, v18  }
0x184: {  	v56 =	vsel vm2, $0x1, v2  }
0x185: {  	(xrf0) =	vadd.scan.msk.s32 $0xffff, v56;
	_ =	sdelay $0x2  }
0x186: {  	v58 =	vmpcnt.ones.xlane vm1;
	v16 =	vsub.s32 v16, v0;
	v17 =	vsub.s32 v17, v0  }
0x187: {  	v20 =	vmpcnt.ones.xlane vm2;
	vm3 =	vlt.u32 v16, $0x140;
	vm4 =	vlt.u32 v17, $0x140;
	v21, _, _ =	vpop (xrf0)  }
0x188: {  	v60 =	vmpcnt.ones.xlane vm3;
	v59 =	vadd.s32 v21, v9;
	v9 =	vadd.s32 v9, v58  }
0x189: {  	v57 =	vsel vm3, $0x1, v2;
	v22 =	vmpcnt.ones.xlane vm4;
	v61, _, _ =	vpop (xrf0);
	v20 =	vadd.s32 v9, v20  }
0x18a: {  	v19 =	vsel vm4, $0x1, v2;
	(xrf0) =	vadd.scan.msk.s32 $0xffff, v57;
	v9 =	vadd.s32 v61, v9;
	v18 =	vadd.s32 v20, v60  }
0x18b: {  	(xrf0) =	vadd.scan.msk.s32 $0xffff, v19;
	v19 =	vadd.s32 $0xFFFFFFFF, v59;
	v21 =	vadd.s32 $0xFFFFFFFF, v9;
	v9 =	vadd.s32 v18, v22  }
0x18c: {  	v11 =	vld.idx.msk [tilespmem:v11+s10+$0x0], $0xffff;
	v22 =	vxor.u32 $0x80000000, v9  }
0x18d: {  	(xrf0) =	vmax.scan.msk.u32 $0xffff, v22  }
0x18e: {  	v10 =	vld.idx.msk [tilespmem:v10+s10+$0x0], $0xffff  }
0x18f: {  	v13 =	vld.idx.msk [tilespmem:v55+s10+$0x0], $0xffff  }
0x190: {  	v14 =	vld.idx.msk [tilespmem:v14+s10+$0x0], $0xffff;
	v23, _, _ =	vpop (xrf0);
	[tilespmem:v19+s14+$0x0] =	vst.idx.msk vm1, v12  }
0x191: {  	v20 =	vadd.s32 v23, v20;
	[tilespmem:v19+s15+$0x0] =	vst.idx.msk vm1, v11  }
0x192: {  	v20 =	vadd.s32 $0xFFFFFFFF, v20;
	v62, _, _ =	vpop (xrf0);
	[tilespmem:v21+s14+$0x0] =	vst.idx.msk vm2, v15  }
0x193: {  	v63 =	vadd.s32 v62, v18;
	[tilespmem:v21+s15+$0x0] =	vst.idx.msk vm2, v10;
	v10, _, _ =	vpop (xrf0)  }
0x194: {  	v11 =	vadd.s32 $0xFFFFFFFF, v63;
	(v2sf) =	vpush v10, $0xF;
	_ =	sdelay $0x2  }
0x195: {  	[tilespmem:v20+s14+$0x0] =	vst.idx.msk vm3, v16  }
0x196: {  	[tilespmem:v20+s15+$0x0] =	vst.idx.msk vm3, v14  }
0x197: {  	[tilespmem:v11+s14+$0x0] =	vst.idx.msk vm4, v17  }
0x198: {  	[tilespmem:v11+s15+$0x0] =	vst.idx.msk vm4, v13  }
0x199: {  	v10 =	vld [tilespmem:$0x1A00];
	_ =	sdelay $0x4  }
0x19a: {  	v11 =	vshll.u32 v10, $0x1  }
0x19b: {  	v10 =	vand.u32 $0x7, v10;
	v11 =	vand.u32 $0xFFFFFFF0, v11  }
0x19c: {  	v10 =	vor.u32 v10, v11  }
0x19d: {  	v11 =	vperm.xlane v10, v6;
	s29 =	spop (v2sf)  }
0x19e: {  	s24 =	sshra.s32 s29, $0x4  }
0x19f: {  	v10 =	vperm.xlane v10, v8;
	v11 =	vadd.s32 v7, v11;
	s30 =	sxor.u32 $0xF8000000, s24  }
0x1a0: {  	s0 =	sshra.s32 s30, $0x1  }
0x1a1: {  	v10 =	vadd.s32 v7, v10;
	p0 =	slt.s32 s0, $0x1  }
.Ltmp6:
0x1a2: {  	_ = 	snop;
	(pc) =	sbr.rel @p0 .LBB2_8-.Ltmp6, $4  }
0x1a3: {  	s31 =	simm.s32 $0x0  }
0x1a4: {  	[tilespmem:s16], [sflag:$0x3] =	stream.indirect_vreg.gather [hbm4b:s4+s31], $0x80, v11, vm0, $0xb8;
	[tilespmem:$0x19300] =	vst v63  }
0x1a5: {  	s1 =	simm.s32 $0x1A20  }
0x1a6: {  	[tilespmem:s17], [sflag:$0x3] =	stream.indirect_vreg.gather [hbm4b:s4+s31], $0x80, v10, vm0, $0xb8;
	[tilespmem:$0x19300] =	vst v63  }
.LBB2_7:
0x1a7: {  	v10 =	vld [tilespmem:s1+$0xFFFFFFF0];
	_ =	sdelay $0x4  }
0x1a8: {  	v11 =	vshll.u32 v10, $0x1  }
0x1a9: {  	v10 =	vand.u32 $0x7, v10;
	v11 =	vand.u32 $0xFFFFFFF0, v11  }
0x1aa: {  	v10 =	vor.u32 v10, v11  }
0x1ab: {  	v11 =	vperm.xlane v10, v6;
	_ =	sdelay $0x1  }
0x1ac: {  	v10 =	vperm.xlane v10, v8;
	v11 =	vadd.s32 v7, v11;
	_ =	sdelay $0x1  }
0x1ad: {  	v10 =	vadd.s32 v7, v10;
	_ =	sdelay $0x2  }
0x1ae: {  	[tilespmem:s18], [sflag:$0x3] =	stream.indirect_vreg.gather [hbm4b:s4+s3], $0x80, v11, vm0, $0xb8;
	[tilespmem:$0x19300] =	vst v63  }
0x1af: {  	v11 =	vor.u32 s31, v1  }
0x1b0: {  	[tilespmem:s19], [sflag:$0x3] =	stream.indirect_vreg.gather [hbm4b:s4+s3], $0x80, v10, vm0, $0xb8;
	[tilespmem:$0x19300] =	vst v63  }
0x1b1: {  	_ =	swait.ge [sflag:s20], $0x1000  }
0x1b2: {  	[sflag:s20] =	ssyncset.done $0x0  }
0x1b3: {  	[sflag:s20] =	ssyncadd.s32 $0xFFFFF000  }
0x1b4: {  	v10 =	vld.idx.msk [tilespmem:v11+s14+$0x0], $0xffff;
	_ =	sdelay $0x4  }
0x1b5: {  	(xrf1) =	vunique.msk.u32 $0xffff, v10;
	_ =	sdelay $0xd  }
0x1b6: {  	v12 =	vld.idx.msk [tilespmem:v10+s21+$0x0], $0xffff;
	_, v11, vm1 =	vpop (xrf1);
	_ =	sdelay $0x4  }
0x1b7: {  	v11 =	vadd.s32 v12, v11  }
0x1b8: {  	[tilespmem:v10+s21+$0x0] =	vst.idx.msk vm1, v11  }
0x1b9: {  	v10 =	vld [tilespmem:s1+$0x0];
	_ =	sdelay $0x4  }
0x1ba: {  	v11 =	vshll.u32 v10, $0x1  }
0x1bb: {  	v10 =	vand.u32 $0x7, v10;
	v11 =	vand.u32 $0xFFFFFFF0, v11  }
0x1bc: {  	v10 =	vor.u32 v10, v11  }
0x1bd: {  	v11 =	vperm.xlane v10, v6;
	_ =	sdelay $0x1  }
0x1be: {  	v10 =	vperm.xlane v10, v8;
	v11 =	vadd.s32 v7, v11;
	_ =	sdelay $0x1  }
0x1bf: {  	v10 =	vadd.s32 v7, v10;
	_ =	sdelay $0x1  }
0x1c0: {  	s24 =	sadd.s32 $0x10, s31  }
0x1c1: {  	[tilespmem:s16], [sflag:$0x3] =	stream.indirect_vreg.gather [hbm4b:s4+s3], $0x80, v11, vm0, $0xb8;
	[tilespmem:$0x19300] =	vst v63  }
0x1c2: {  	v11 =	vor.u32 s24, v1  }
0x1c3: {  	[tilespmem:s17], [sflag:$0x3] =	stream.indirect_vreg.gather [hbm4b:s4+s3], $0x80, v10, vm0, $0xb8;
	[tilespmem:$0x19300] =	vst v63  }
0x1c4: {  	_ =	swait.ge [sflag:s20], $0x1000  }
0x1c5: {  	[sflag:s20] =	ssyncset.done $0x0  }
0x1c6: {  	[sflag:s20] =	ssyncadd.s32 $0xFFFFF000  }
0x1c7: {  	v10 =	vld.idx.msk [tilespmem:v11+s14+$0x0], $0xffff;
	_ =	sdelay $0x4  }
0x1c8: {  	(xrf1) =	vunique.msk.u32 $0xffff, v10;
	_ =	sdelay $0xd  }
0x1c9: {  	v63 =	vld.idx.msk [tilespmem:v10+s21+$0x0], $0xffff;
	_, v11, vm1 =	vpop (xrf1)  }
0x1ca: {  	p0 =	sne.s32 s0, $0x1  }
.Ltmp7:
0x1cb: {  	_ = 	snop;
	(pc) =	sbr.rel @p0 .LBB2_7-.Ltmp7, $3  }
0x1cc: {  	_ =	sdelay $0x1  }
0x1cd: {  	v11 =	vadd.s32 v63, v11  }
0x1ce: {  	s0 =	sadd.s32 $0xFFFFFFFF, s0;
	s31 =	sadd.s32 $0x20, s31;
	s1 =	sadd.s32 $0x20, s1;
	[tilespmem:v10+s21+$0x0] =	vst.idx.msk vm1, v11  }
.LBB2_8:
0x1cf: {  	s0 =	sand.u32 $0x10, s29  }
0x1d0: {  	p0 =	seq.s32 s0, $0x0;
	s0 =	sshll.u32 s30, $0x4  }
0x1d1: {  	s1 =	sand.u32 @!p0 $0xFFFFFFE0, s0;
	v10 =	vlaneseq.u32 @!p0  }
0x1d2: {  	v10 =	vor.u32 @!p0 s1, v10;
	_ =	sdelay $0x1  }
0x1d3: {  	_ =	swait.ge [sflag:s20], $0x1000  }
0x1d4: {  	[sflag:s20] =	ssyncset.done $0x0  }
0x1d5: {  	[sflag:s20] =	ssyncadd.s32 $0xFFFFF000;
	s1 =	simm.s32 @!p0 $0x1400  }
0x1d6: {  	v10 =	vld.idx.msk @!p0 [tilespmem:v10+s1+$0x0], $0xffff;
	_ =	sdelay $0x4  }
0x1d7: {  	(xrf1) =	vunique.msk.u32 @!p0 $0xffff, v10;
	_ =	sdelay $0xc  }
0x1d8: {  	s1 =	simm.s32 @!p0 $0x19000  }
0x1d9: {  	v12 =	vld.idx.msk @!p0 [tilespmem:v10+s1+$0x0], $0xffff;
	_, v11, vm1 =	vpop @!p0 (xrf1);
	_ =	sdelay $0x1  }
0x1da: {  	v13 =	vor.u32 s0, v1;
	_ =	sdelay $0x2  }
0x1db: {  	v11 =	vadd.s32 @!p0 v12, v11  }
0x1dc: {  	[tilespmem:v10+s1+$0x0] =	vst.idx.msk @!p0 vm1, v11  }
0x1dd: {  	v10 =	vld.idx.msk [tilespmem:v13+s14+$0x0], $0xffff  }
0x1de: {  	v11 =	vld.idx.msk [tilespmem:v13+s15+$0x0], $0xffff;
	_ =	sdelay $0x1  }
0x1df: {  	v9 =	vand.u32 $0xF, v9  }
0x1e0: {  	vm1 =	vgt.u32 v9, v1  }
0x1e1: {  	v10 =	vsel vm1, v10, v3  }
0x1e2: {  	s31 =	sadd.s32 $0x140, s28;
	[tilespmem:v1+s14+$0x0] =	vst.idx.msk $0xffff, v10;
	v10 =	vsel vm1, v11, v4  }
0x1e3: {  	s24 =	sadd.s32 s5, s31;
	[tilespmem:v1+s15+$0x0] =	vst.idx.msk $0xffff, v10  }
0x1e4: {  	[tilespmem:s3], [sflag:$0x1] =	stream.linear.gather [hbm4b:s24+s3], $0x500, $0x38;
	[tilespmem:$0x19300] =	vst v63  }
0x1e5: {  	s0 =	sadd.s32 s2, s31  }
0x1e6: {  	[tilespmem:s10], [sflag:$0x1] =	stream.linear.gather [hbm4b:s0+s3], $0x500, $0x38;
	[tilespmem:$0x19300] =	vst v63  }
0x1e7: {  	s30 =	simm.s32 $0x0;
	_ =	swait.ge [sflag:s22], $0x500  }
0x1e8: {  	v10 =	vor.u32 s30, v1;
	[sflag:s22] =	ssyncset.done $0x0  }
0x1e9: {  	[sflag:s22] =	ssyncadd.s32 $0xFFFFFB00  }
0x1ea: {  	_ =	swait.ge [sflag:s22], $0x500  }
0x1eb: {  	s31 =	simm.s32 $0x10;
	[sflag:s22] =	ssyncset.done $0x0  }
0x1ec: {  	v11 =	vor.u32 s31, v1;
	[sflag:s22] =	ssyncadd.s32 $0xFFFFFB00  }
0x1ed: {  	s1 =	simm.s32 $0x20;
	v12 =	vld.idx.msk [tilespmem:v10+s11+$0x0], $0xffff  }
0x1ee: {  	v13 =	vor.u32 s1, v1;
	s24 =	simm.s32 $0x30  }
0x1ef: {  	v14 =	vor.u32 s24, v1;
	_ =	sdelay $0x1  }
0x1f0: {  	v15 =	vld.idx.msk [tilespmem:v11+s11+$0x0], $0xffff  }
0x1f1: {  	v17 =	vsub.s32 v12, v0  }
0x1f2: {  	v16 =	vld.idx.msk [tilespmem:v13+s11+$0x0], $0xffff;
	vm3 =	vlt.u32 v17, $0x140  }
0x1f3: {  	v12 =	vld.idx.msk [tilespmem:v14+s11+$0x0], $0xffff;
	v18 =	vsel vm3, $0x1, v2  }
0x1f4: {  	(xrf0) =	vadd.scan.msk.s32 $0xffff, v18  }
0x1f5: {  	v15 =	vsub.s32 v15, v0  }
0x1f6: {  	vm4 =	vlt.u32 v15, $0x140  }
0x1f7: {  	v16 =	vsub.s32 v16, v0;
	v57 =	vsel vm4, $0x1, v2  }
0x1f8: {  	vm2 =	vlt.u32 v16, $0x140;
	(xrf0) =	vadd.scan.msk.s32 $0xffff, v57;
	v19 =	vsub.s32 v12, v0  }
0x1f9: {  	v58 =	vsel vm2, $0x1, v2;
	vm1 =	vlt.u32 v19, $0x140  }
0x1fa: {  	(xrf0) =	vadd.scan.msk.s32 $0xffff, v58;
	v12 =	vsel vm1, $0x1, v2;
	v20, _, _ =	vpop (xrf0)  }
0x1fb: {  	(xrf0) =	vadd.scan.msk.s32 $0xffff, v12;
	v12 =	vadd.s32 v20, v9  }
0x1fc: {  	v59 =	vmpcnt.ones.xlane vm3;
	_ =	sdelay $0x1  }
0x1fd: {  	v60 =	vmpcnt.ones.xlane vm4;
	v9 =	vadd.s32 v9, v59;
	v21 =	vadd.s32 $0xFFFFFFFF, v12;
	v12, _, _ =	vpop (xrf0)  }
0x1fe: {  	v10 =	vld.idx.msk [tilespmem:v10+s12+$0x0], $0xffff;
	v12 =	vadd.s32 v12, v9  }
0x1ff: {  	v11 =	vld.idx.msk [tilespmem:v11+s12+$0x0], $0xffff;
	v61 =	vmpcnt.ones.xlane vm2;
	v9 =	vadd.s32 v9, v60;
	v62, _, _ =	vpop (xrf0);
	v22 =	vadd.s32 $0xFFFFFFFF, v12  }
0x200: {  	v12 =	vld.idx.msk [tilespmem:v14+s12+$0x0], $0xffff;
	v14 =	vadd.s32 v62, v9  }
0x201: {  	v63 =	vld.idx.msk [tilespmem:v13+s12+$0x0], $0xffff;
	v9 =	vadd.s32 v9, v61;
	v13, _, _ =	vpop (xrf0);
	v14 =	vadd.s32 $0xFFFFFFFF, v14  }
0x202: {  	[tilespmem:v21+s14+$0x0] =	vst.idx.msk vm3, v17;
	v13 =	vadd.s32 v13, v9  }
0x203: {  	[tilespmem:v21+s15+$0x0] =	vst.idx.msk vm3, v10;
	v13 =	vadd.s32 $0xFFFFFFFF, v13  }
0x204: {  	s30 =	simm.s32 $0x40;
	[tilespmem:v22+s14+$0x0] =	vst.idx.msk vm4, v15  }
0x205: {  	v10 =	vmpcnt.ones.xlane vm1;
	[tilespmem:v22+s15+$0x0] =	vst.idx.msk vm4, v11;
	v11 =	vor.u32 s30, v1  }
0x206: {  	s31 =	simm.s32 $0x50;
	[tilespmem:v14+s14+$0x0] =	vst.idx.msk vm2, v16  }
0x207: {  	v9 =	vadd.s32 v9, v10;
	v10 =	vor.u32 s31, v1;
	[tilespmem:v14+s15+$0x0] =	vst.idx.msk vm2, v63  }
0x208: {  	s28 =	simm.s32 $0x70;
	s29 =	simm.s32 $0xB0;
	s0 =	simm.s32 $0x60;
	[tilespmem:v13+s14+$0x0] =	vst.idx.msk vm1, v19  }
.LBB2_9:
0x209: {  	p0 =	sne.s32 s29, $0x4F0;
	v14 =	vor.u32 s0, v1;
	[tilespmem:v13+s15+$0x0] =	vst.idx.msk vm1, v12;
	s0 =	smov.u32 s29;
	s29 =	sadd.s32 $0x40, s29  }
0x20a: {  	v12 =	vld.idx.msk [tilespmem:v11+s11+$0x0], $0xffff  }
0x20b: {  	v13 =	vor.u32 s28, v1;
	s28 =	smov.u32 s0  }
0x20c: {  	v15 =	vld.idx.msk [tilespmem:v10+s11+$0x0], $0xffff;
	_ =	sdelay $0x1  }
0x20d: {  	v16 =	vld.idx.msk [tilespmem:v14+s11+$0x0], $0xffff;
	_ =	sdelay $0x1  }
0x20e: {  	v17 =	vsub.s32 v12, v0;
	v12 =	vld.idx.msk [tilespmem:v13+s11+$0x0], $0xffff  }
0x20f: {  	vm3 =	vlt.u32 v17, $0x140  }
0x210: {  	v18 =	vsel vm3, $0x1, v2;
	v19 =	vmpcnt.ones.xlane vm3;
	v15 =	vsub.s32 v15, v0  }
0x211: {  	vm2 =	vlt.u32 v15, $0x140;
	(xrf0) =	vadd.scan.msk.s32 $0xffff, v18  }
0x212: {  	v18 =	vsel vm2, $0x1, v2;
	v20 =	vmpcnt.ones.xlane vm2;
	v16 =	vsub.s32 v16, v0  }
0x213: {  	vm4 =	vlt.u32 v16, $0x140;
	(xrf0) =	vadd.scan.msk.s32 $0xffff, v18  }
0x214: {  	v18 =	vsel vm4, $0x1, v2;
	v21 =	vsub.s32 v12, v0  }
0x215: {  	vm1 =	vlt.u32 v21, $0x140;
	(xrf0) =	vadd.scan.msk.s32 $0xffff, v18  }
0x216: {  	v12 =	vsel vm1, $0x1, v2  }
0x217: {  	v18, _, _ =	vpop (xrf0);
	(xrf0) =	vadd.scan.msk.s32 $0xffff, v12  }
0x218: {  	v22 =	vadd.s32 v18, v9  }
0x219: {  	v9 =	vadd.s32 v9, v19;
	v11 =	vld.idx.msk [tilespmem:v11+s12+$0x0], $0xffff;
	v18 =	vadd.s32 $0xFFFFFFFF, v22;
	v12, _, _ =	vpop (xrf0)  }
0x21a: {  	v12 =	vadd.s32 v12, v9  }
0x21b: {  	v23 =	vmpcnt.ones.xlane vm4;
	v9 =	vadd.s32 v9, v20;
	v10 =	vld.idx.msk [tilespmem:v10+s12+$0x0], $0xffff;
	v22 =	vadd.s32 $0xFFFFFFFF, v12;
	v20, _, _ =	vpop (xrf0)  }
0x21c: {  	v12 =	vld.idx.msk [tilespmem:v13+s12+$0x0], $0xffff;
	v13 =	vmpcnt.ones.xlane vm1;
	v20 =	vadd.s32 v20, v9  }
0x21d: {  	v9 =	vadd.s32 v9, v23;
	v14 =	vld.idx.msk [tilespmem:v14+s12+$0x0], $0xffff;
	v20 =	vadd.s32 $0xFFFFFFFF, v20;
	v19, _, _ =	vpop (xrf0)  }
0x21e: {  	[tilespmem:v18+s14+$0x0] =	vst.idx.msk vm3, v17;
	v17 =	vadd.s32 v19, v9;
	v9 =	vadd.s32 v9, v13  }
0x21f: {  	[tilespmem:v18+s15+$0x0] =	vst.idx.msk vm3, v11;
	v13 =	vadd.s32 $0xFFFFFFFF, v17  }
.Ltmp8:
0x220: {  	s0 =	sadd.s32 $0xFFFFFFD0, s28;
	[tilespmem:v22+s14+$0x0] =	vst.idx.msk vm2, v15;
	(pc) =	sbr.rel @p0 .LBB2_9-.Ltmp8, $4  }
0x221: {  	v11 =	vor.u32 s0, v1;
	[tilespmem:v22+s15+$0x0] =	vst.idx.msk vm2, v10  }
0x222: {  	s0 =	sadd.s32 $0xFFFFFFE0, s28;
	[tilespmem:v20+s14+$0x0] =	vst.idx.msk vm4, v16  }
0x223: {  	v10 =	vor.u32 s0, v1;
	[tilespmem:v20+s15+$0x0] =	vst.idx.msk vm4, v14  }
0x224: {  	s0 =	sadd.s32 $0xFFFFFFF0, s28;
	[tilespmem:v13+s14+$0x0] =	vst.idx.msk vm1, v21  }
0x225: {  	_ =	sdelay $0x4  }
0x226: {  	[tilespmem:v13+s15+$0x0] =	vst.idx.msk vm1, v12  }
0x227: {  	v12 =	vld.idx.msk [tilespmem:v11+s11+$0x0], $0xffff;
	_ =	sdelay $0x1  }
0x228: {  	v14 =	vor.u32 s0, v1;
	v15 =	vld.idx.msk [tilespmem:v10+s11+$0x0], $0xffff  }
0x229: {  	v55 =	vor.u32 s28, v1;
	_ =	sdelay $0x1  }
0x22a: {  	v12 =	vsub.s32 v12, v0  }
0x22b: {  	vm1 =	vlt.u32 v12, $0x140  }
0x22c: {  	v16 =	vld.idx.msk [tilespmem:v14+s11+$0x0], $0xffff;
	v15 =	vsub.s32 v15, v0;
	v18 =	vsel vm1, $0x1, v2  }
0x22d: {  	v17 =	vld.idx.msk [tilespmem:v55+s11+$0x0], $0xffff;
	vm2 =	vlt.u32 v15, $0x140;
	(xrf0) =	vadd.scan.msk.s32 $0xffff, v18  }
0x22e: {  	v56 =	vsel vm2, $0x1, v2  }
0x22f: {  	(xrf0) =	vadd.scan.msk.s32 $0xffff, v56;
	_ =	sdelay $0x2  }
0x230: {  	v58 =	vmpcnt.ones.xlane vm1;
	v16 =	vsub.s32 v16, v0;
	v17 =	vsub.s32 v17, v0  }
0x231: {  	v20 =	vmpcnt.ones.xlane vm2;
	vm3 =	vlt.u32 v16, $0x140;
	vm4 =	vlt.u32 v17, $0x140;
	v21, _, _ =	vpop (xrf0)  }
0x232: {  	v60 =	vmpcnt.ones.xlane vm3;
	v59 =	vadd.s32 v21, v9;
	v9 =	vadd.s32 v9, v58  }
0x233: {  	v57 =	vsel vm3, $0x1, v2;
	v22 =	vmpcnt.ones.xlane vm4;
	v61, _, _ =	vpop (xrf0);
	v20 =	vadd.s32 v9, v20  }
0x234: {  	v19 =	vsel vm4, $0x1, v2;
	(xrf0) =	vadd.scan.msk.s32 $0xffff, v57;
	v9 =	vadd.s32 v61, v9;
	v18 =	vadd.s32 v20, v60  }
0x235: {  	(xrf0) =	vadd.scan.msk.s32 $0xffff, v19;
	v19 =	vadd.s32 $0xFFFFFFFF, v59;
	v21 =	vadd.s32 $0xFFFFFFFF, v9;
	v9 =	vadd.s32 v18, v22  }
0x236: {  	v11 =	vld.idx.msk [tilespmem:v11+s12+$0x0], $0xffff;
	v22 =	vxor.u32 $0x80000000, v9  }
0x237: {  	(xrf0) =	vmax.scan.msk.u32 $0xffff, v22  }
0x238: {  	v10 =	vld.idx.msk [tilespmem:v10+s12+$0x0], $0xffff  }
0x239: {  	v13 =	vld.idx.msk [tilespmem:v55+s12+$0x0], $0xffff  }
0x23a: {  	v14 =	vld.idx.msk [tilespmem:v14+s12+$0x0], $0xffff;
	v23, _, _ =	vpop (xrf0);
	[tilespmem:v19+s14+$0x0] =	vst.idx.msk vm1, v12  }
0x23b: {  	v20 =	vadd.s32 v23, v20;
	[tilespmem:v19+s15+$0x0] =	vst.idx.msk vm1, v11  }
0x23c: {  	v20 =	vadd.s32 $0xFFFFFFFF, v20;
	v62, _, _ =	vpop (xrf0);
	[tilespmem:v21+s14+$0x0] =	vst.idx.msk vm2, v15  }
0x23d: {  	v63 =	vadd.s32 v62, v18;
	[tilespmem:v21+s15+$0x0] =	vst.idx.msk vm2, v10;
	v10, _, _ =	vpop (xrf0)  }
0x23e: {  	v11 =	vadd.s32 $0xFFFFFFFF, v63;
	(v2sf) =	vpush v10, $0xF;
	_ =	sdelay $0x2  }
0x23f: {  	[tilespmem:v20+s14+$0x0] =	vst.idx.msk vm3, v16  }
0x240: {  	[tilespmem:v20+s15+$0x0] =	vst.idx.msk vm3, v14  }
0x241: {  	[tilespmem:v11+s14+$0x0] =	vst.idx.msk vm4, v17  }
0x242: {  	[tilespmem:v11+s15+$0x0] =	vst.idx.msk vm4, v13  }
0x243: {  	v10 =	vld [tilespmem:$0x1A00];
	_ =	sdelay $0x4  }
0x244: {  	v11 =	vshll.u32 v10, $0x1  }
0x245: {  	v10 =	vand.u32 $0x7, v10;
	v11 =	vand.u32 $0xFFFFFFF0, v11  }
0x246: {  	v10 =	vor.u32 v10, v11  }
0x247: {  	v11 =	vperm.xlane v10, v6;
	s28 =	spop (v2sf)  }
0x248: {  	s31 =	sshra.s32 s28, $0x4  }
0x249: {  	v10 =	vperm.xlane v10, v8;
	v11 =	vadd.s32 v7, v11;
	s29 =	sxor.u32 $0xF8000000, s31  }
0x24a: {  	s0 =	sshra.s32 s29, $0x1  }
0x24b: {  	v10 =	vadd.s32 v7, v10;
	p0 =	slt.s32 s0, $0x1  }
.Ltmp9:
0x24c: {  	_ = 	snop;
	(pc) =	sbr.rel @p0 .LBB2_12-.Ltmp9, $4  }
0x24d: {  	s30 =	simm.s32 $0x0  }
0x24e: {  	[tilespmem:s16], [sflag:$0x3] =	stream.indirect_vreg.gather [hbm4b:s4+s30], $0x80, v11, vm0, $0xb8;
	[tilespmem:$0x19300] =	vst v63  }
0x24f: {  	s1 =	simm.s32 $0x1A20  }
0x250: {  	[tilespmem:s17], [sflag:$0x3] =	stream.indirect_vreg.gather [hbm4b:s4+s30], $0x80, v10, vm0, $0xb8;
	[tilespmem:$0x19300] =	vst v63  }
.LBB2_11:
0x251: {  	v10 =	vld [tilespmem:s1+$0xFFFFFFF0];
	_ =	sdelay $0x4  }
0x252: {  	v11 =	vshll.u32 v10, $0x1  }
0x253: {  	v10 =	vand.u32 $0x7, v10;
	v11 =	vand.u32 $0xFFFFFFF0, v11  }
0x254: {  	v10 =	vor.u32 v10, v11  }
0x255: {  	v11 =	vperm.xlane v10, v6;
	_ =	sdelay $0x1  }
0x256: {  	v10 =	vperm.xlane v10, v8;
	v11 =	vadd.s32 v7, v11;
	_ =	sdelay $0x1  }
0x257: {  	v10 =	vadd.s32 v7, v10;
	_ =	sdelay $0x2  }
0x258: {  	[tilespmem:s18], [sflag:$0x3] =	stream.indirect_vreg.gather [hbm4b:s4+s3], $0x80, v11, vm0, $0xb8;
	[tilespmem:$0x19300] =	vst v63  }
0x259: {  	v11 =	vor.u32 s30, v1  }
0x25a: {  	[tilespmem:s19], [sflag:$0x3] =	stream.indirect_vreg.gather [hbm4b:s4+s3], $0x80, v10, vm0, $0xb8;
	[tilespmem:$0x19300] =	vst v63  }
0x25b: {  	_ =	swait.ge [sflag:s20], $0x1000  }
0x25c: {  	[sflag:s20] =	ssyncset.done $0x0  }
0x25d: {  	[sflag:s20] =	ssyncadd.s32 $0xFFFFF000  }
0x25e: {  	v10 =	vld.idx.msk [tilespmem:v11+s14+$0x0], $0xffff;
	_ =	sdelay $0x4  }
0x25f: {  	(xrf1) =	vunique.msk.u32 $0xffff, v10;
	_ =	sdelay $0xd  }
0x260: {  	v12 =	vld.idx.msk [tilespmem:v10+s21+$0x0], $0xffff;
	_, v11, vm1 =	vpop (xrf1);
	_ =	sdelay $0x4  }
0x261: {  	v11 =	vadd.s32 v12, v11  }
0x262: {  	[tilespmem:v10+s21+$0x0] =	vst.idx.msk vm1, v11  }
0x263: {  	v10 =	vld [tilespmem:s1+$0x0];
	_ =	sdelay $0x4  }
0x264: {  	v11 =	vshll.u32 v10, $0x1  }
0x265: {  	v10 =	vand.u32 $0x7, v10;
	v11 =	vand.u32 $0xFFFFFFF0, v11  }
0x266: {  	v10 =	vor.u32 v10, v11  }
0x267: {  	v11 =	vperm.xlane v10, v6;
	_ =	sdelay $0x1  }
0x268: {  	v10 =	vperm.xlane v10, v8;
	v11 =	vadd.s32 v7, v11;
	_ =	sdelay $0x1  }
0x269: {  	v10 =	vadd.s32 v7, v10;
	_ =	sdelay $0x1  }
0x26a: {  	s24 =	sadd.s32 $0x10, s30  }
0x26b: {  	[tilespmem:s16], [sflag:$0x3] =	stream.indirect_vreg.gather [hbm4b:s4+s3], $0x80, v11, vm0, $0xb8;
	[tilespmem:$0x19300] =	vst v63  }
0x26c: {  	v11 =	vor.u32 s24, v1  }
0x26d: {  	[tilespmem:s17], [sflag:$0x3] =	stream.indirect_vreg.gather [hbm4b:s4+s3], $0x80, v10, vm0, $0xb8;
	[tilespmem:$0x19300] =	vst v63  }
0x26e: {  	_ =	swait.ge [sflag:s20], $0x1000  }
0x26f: {  	[sflag:s20] =	ssyncset.done $0x0  }
0x270: {  	[sflag:s20] =	ssyncadd.s32 $0xFFFFF000  }
0x271: {  	v10 =	vld.idx.msk [tilespmem:v11+s14+$0x0], $0xffff;
	_ =	sdelay $0x4  }
0x272: {  	(xrf1) =	vunique.msk.u32 $0xffff, v10;
	_ =	sdelay $0xd  }
0x273: {  	v63 =	vld.idx.msk [tilespmem:v10+s21+$0x0], $0xffff;
	_, v11, vm1 =	vpop (xrf1)  }
0x274: {  	p0 =	sne.s32 s0, $0x1  }
.Ltmp10:
0x275: {  	_ = 	snop;
	(pc) =	sbr.rel @p0 .LBB2_11-.Ltmp10, $3  }
0x276: {  	_ =	sdelay $0x1  }
0x277: {  	v11 =	vadd.s32 v63, v11  }
0x278: {  	s0 =	sadd.s32 $0xFFFFFFFF, s0;
	s30 =	sadd.s32 $0x20, s30;
	s1 =	sadd.s32 $0x20, s1;
	[tilespmem:v10+s21+$0x0] =	vst.idx.msk vm1, v11  }
.Ltmp11:
0x279: {  	_ = 	snop;
	(pc) =	sbr.rel .LBB2_12-.Ltmp11, $1  }
0x27a: {  	_ =	sdelay $0x3  }
.LBB2_13:
0x27b: {  	_ =	swait.ge [sflag:s13], $0x500;
	s0 =	simm.s32 $0x0  }
0x27c: {  	[sflag:s13] =	ssyncset.done $0x0;
	v10 =	vor.u32 s0, v1  }
0x27d: {  	[sflag:s13] =	ssyncadd.s32 $0xFFFFFB00  }
0x27e: {  	_ =	swait.ge [sflag:s13], $0x500  }
0x27f: {  	s26 =	simm.s32 $0x10;
	[sflag:s13] =	ssyncset.done $0x0  }
0x280: {  	v11 =	vor.u32 s26, v1;
	[sflag:s13] =	ssyncadd.s32 $0xFFFFFB00  }
0x281: {  	s29 =	simm.s32 $0x20;
	v12 =	vld.idx.msk [tilespmem:v10+s3+$0x0], $0xffff  }
0x282: {  	s30 =	simm.s32 $0x30;
	v13 =	vor.u32 s29, v1  }
0x283: {  	v14 =	vor.u32 s30, v1;
	_ =	sdelay $0x1  }
0x284: {  	v15 =	vld.idx.msk [tilespmem:v11+s3+$0x0], $0xffff  }
0x285: {  	v17 =	vsub.s32 v12, v0  }
0x286: {  	v16 =	vld.idx.msk [tilespmem:v13+s3+$0x0], $0xffff;
	vm3 =	vlt.u32 v17, $0x140  }
0x287: {  	v12 =	vld.idx.msk [tilespmem:v14+s3+$0x0], $0xffff;
	v18 =	vsel vm3, $0x1, v2  }
0x288: {  	(xrf0) =	vadd.scan.msk.s32 $0xffff, v18  }
0x289: {  	v15 =	vsub.s32 v15, v0  }
0x28a: {  	vm4 =	vlt.u32 v15, $0x140  }
0x28b: {  	v16 =	vsub.s32 v16, v0;
	v57 =	vsel vm4, $0x1, v2  }
0x28c: {  	vm2 =	vlt.u32 v16, $0x140;
	(xrf0) =	vadd.scan.msk.s32 $0xffff, v57;
	v19 =	vsub.s32 v12, v0  }
0x28d: {  	v58 =	vsel vm2, $0x1, v2;
	vm1 =	vlt.u32 v19, $0x140  }
0x28e: {  	(xrf0) =	vadd.scan.msk.s32 $0xffff, v58;
	v12 =	vsel vm1, $0x1, v2;
	v20, _, _ =	vpop (xrf0)  }
0x28f: {  	(xrf0) =	vadd.scan.msk.s32 $0xffff, v12;
	v12 =	vadd.s32 v20, v9  }
0x290: {  	v59 =	vmpcnt.ones.xlane vm3;
	_ =	sdelay $0x1  }
0x291: {  	v60 =	vmpcnt.ones.xlane vm4;
	v9 =	vadd.s32 v9, v59;
	v21 =	vadd.s32 $0xFFFFFFFF, v12;
	v12, _, _ =	vpop (xrf0)  }
0x292: {  	v10 =	vld.idx.msk [tilespmem:v10+s10+$0x0], $0xffff;
	v12 =	vadd.s32 v12, v9  }
0x293: {  	v11 =	vld.idx.msk [tilespmem:v11+s10+$0x0], $0xffff;
	v61 =	vmpcnt.ones.xlane vm2;
	v9 =	vadd.s32 v9, v60;
	v62, _, _ =	vpop (xrf0);
	v22 =	vadd.s32 $0xFFFFFFFF, v12  }
0x294: {  	v12 =	vld.idx.msk [tilespmem:v14+s10+$0x0], $0xffff;
	v14 =	vadd.s32 v62, v9  }
0x295: {  	v63 =	vld.idx.msk [tilespmem:v13+s10+$0x0], $0xffff;
	v9 =	vadd.s32 v9, v61;
	v13, _, _ =	vpop (xrf0);
	v14 =	vadd.s32 $0xFFFFFFFF, v14  }
0x296: {  	[tilespmem:v21+s14+$0x0] =	vst.idx.msk vm3, v17;
	v13 =	vadd.s32 v13, v9  }
0x297: {  	[tilespmem:v21+s15+$0x0] =	vst.idx.msk vm3, v10;
	v13 =	vadd.s32 $0xFFFFFFFF, v13  }
0x298: {  	s31 =	simm.s32 $0x40;
	[tilespmem:v22+s14+$0x0] =	vst.idx.msk vm4, v15  }
0x299: {  	v10 =	vmpcnt.ones.xlane vm1;
	[tilespmem:v22+s15+$0x0] =	vst.idx.msk vm4, v11;
	v11 =	vor.u32 s31, v1  }
0x29a: {  	s1 =	simm.s32 $0x50;
	[tilespmem:v14+s14+$0x0] =	vst.idx.msk vm2, v16  }
0x29b: {  	v9 =	vadd.s32 v9, v10;
	v10 =	vor.u32 s1, v1;
	[tilespmem:v14+s15+$0x0] =	vst.idx.msk vm2, v63  }
0x29c: {  	s28 =	simm.s32 $0xB0;
	s26 =	simm.s32 $0x70;
	s0 =	simm.s32 $0x60;
	[tilespmem:v13+s14+$0x0] =	vst.idx.msk vm1, v19  }
.LBB2_14:
0x29d: {  	p0 =	sne.s32 s28, $0x4F0;
	v14 =	vor.u32 s0, v1;
	[tilespmem:v13+s15+$0x0] =	vst.idx.msk vm1, v12;
	s0 =	smov.u32 s28;
	s28 =	sadd.s32 $0x40, s28  }
0x29e: {  	v12 =	vld.idx.msk [tilespmem:v11+s3+$0x0], $0xffff  }
0x29f: {  	v13 =	vor.u32 s26, v1;
	s26 =	smov.u32 s0  }
0x2a0: {  	v15 =	vld.idx.msk [tilespmem:v10+s3+$0x0], $0xffff;
	_ =	sdelay $0x1  }
0x2a1: {  	v16 =	vld.idx.msk [tilespmem:v14+s3+$0x0], $0xffff;
	_ =	sdelay $0x1  }
0x2a2: {  	v17 =	vsub.s32 v12, v0;
	v12 =	vld.idx.msk [tilespmem:v13+s3+$0x0], $0xffff  }
0x2a3: {  	vm3 =	vlt.u32 v17, $0x140  }
0x2a4: {  	v18 =	vsel vm3, $0x1, v2;
	v19 =	vmpcnt.ones.xlane vm3;
	v15 =	vsub.s32 v15, v0  }
0x2a5: {  	vm2 =	vlt.u32 v15, $0x140;
	(xrf0) =	vadd.scan.msk.s32 $0xffff, v18  }
0x2a6: {  	v18 =	vsel vm2, $0x1, v2;
	v20 =	vmpcnt.ones.xlane vm2;
	v16 =	vsub.s32 v16, v0  }
0x2a7: {  	vm4 =	vlt.u32 v16, $0x140;
	(xrf0) =	vadd.scan.msk.s32 $0xffff, v18  }
0x2a8: {  	v18 =	vsel vm4, $0x1, v2;
	v21 =	vsub.s32 v12, v0  }
0x2a9: {  	vm1 =	vlt.u32 v21, $0x140;
	(xrf0) =	vadd.scan.msk.s32 $0xffff, v18  }
0x2aa: {  	v12 =	vsel vm1, $0x1, v2  }
0x2ab: {  	v18, _, _ =	vpop (xrf0);
	(xrf0) =	vadd.scan.msk.s32 $0xffff, v12  }
0x2ac: {  	v22 =	vadd.s32 v18, v9  }
0x2ad: {  	v9 =	vadd.s32 v9, v19;
	v11 =	vld.idx.msk [tilespmem:v11+s10+$0x0], $0xffff;
	v18 =	vadd.s32 $0xFFFFFFFF, v22;
	v12, _, _ =	vpop (xrf0)  }
0x2ae: {  	v12 =	vadd.s32 v12, v9  }
0x2af: {  	v23 =	vmpcnt.ones.xlane vm4;
	v9 =	vadd.s32 v9, v20;
	v10 =	vld.idx.msk [tilespmem:v10+s10+$0x0], $0xffff;
	v22 =	vadd.s32 $0xFFFFFFFF, v12;
	v20, _, _ =	vpop (xrf0)  }
0x2b0: {  	v12 =	vld.idx.msk [tilespmem:v13+s10+$0x0], $0xffff;
	v13 =	vmpcnt.ones.xlane vm1;
	v20 =	vadd.s32 v20, v9  }
0x2b1: {  	v9 =	vadd.s32 v9, v23;
	v14 =	vld.idx.msk [tilespmem:v14+s10+$0x0], $0xffff;
	v20 =	vadd.s32 $0xFFFFFFFF, v20;
	v19, _, _ =	vpop (xrf0)  }
0x2b2: {  	[tilespmem:v18+s14+$0x0] =	vst.idx.msk vm3, v17;
	v17 =	vadd.s32 v19, v9;
	v9 =	vadd.s32 v9, v13  }
0x2b3: {  	[tilespmem:v18+s15+$0x0] =	vst.idx.msk vm3, v11;
	v13 =	vadd.s32 $0xFFFFFFFF, v17  }
.Ltmp12:
0x2b4: {  	s0 =	sadd.s32 $0xFFFFFFD0, s26;
	[tilespmem:v22+s14+$0x0] =	vst.idx.msk vm2, v15;
	(pc) =	sbr.rel @p0 .LBB2_14-.Ltmp12, $4  }
0x2b5: {  	v11 =	vor.u32 s0, v1;
	[tilespmem:v22+s15+$0x0] =	vst.idx.msk vm2, v10  }
0x2b6: {  	s0 =	sadd.s32 $0xFFFFFFE0, s26;
	[tilespmem:v20+s14+$0x0] =	vst.idx.msk vm4, v16  }
0x2b7: {  	v10 =	vor.u32 s0, v1;
	[tilespmem:v20+s15+$0x0] =	vst.idx.msk vm4, v14  }
0x2b8: {  	s0 =	sadd.s32 $0xFFFFFFF0, s26;
	[tilespmem:v13+s14+$0x0] =	vst.idx.msk vm1, v21  }
0x2b9: {  	_ =	sdelay $0x4  }
0x2ba: {  	[tilespmem:v13+s15+$0x0] =	vst.idx.msk vm1, v12  }
0x2bb: {  	v12 =	vld.idx.msk [tilespmem:v11+s3+$0x0], $0xffff;
	_ =	sdelay $0x1  }
0x2bc: {  	v14 =	vor.u32 s0, v1;
	v15 =	vld.idx.msk [tilespmem:v10+s3+$0x0], $0xffff  }
0x2bd: {  	v55 =	vor.u32 s26, v1;
	_ =	sdelay $0x1  }
0x2be: {  	v12 =	vsub.s32 v12, v0  }
0x2bf: {  	vm1 =	vlt.u32 v12, $0x140  }
0x2c0: {  	v16 =	vld.idx.msk [tilespmem:v14+s3+$0x0], $0xffff;
	v15 =	vsub.s32 v15, v0;
	v18 =	vsel vm1, $0x1, v2  }
0x2c1: {  	v17 =	vld.idx.msk [tilespmem:v55+s3+$0x0], $0xffff;
	vm2 =	vlt.u32 v15, $0x140;
	(xrf0) =	vadd.scan.msk.s32 $0xffff, v18  }
0x2c2: {  	v56 =	vsel vm2, $0x1, v2  }
0x2c3: {  	(xrf0) =	vadd.scan.msk.s32 $0xffff, v56;
	_ =	sdelay $0x2  }
0x2c4: {  	v58 =	vmpcnt.ones.xlane vm1;
	v16 =	vsub.s32 v16, v0;
	v17 =	vsub.s32 v17, v0  }
0x2c5: {  	v20 =	vmpcnt.ones.xlane vm2;
	vm3 =	vlt.u32 v16, $0x140;
	vm4 =	vlt.u32 v17, $0x140;
	v21, _, _ =	vpop (xrf0)  }
0x2c6: {  	v60 =	vmpcnt.ones.xlane vm3;
	v59 =	vadd.s32 v21, v9;
	v9 =	vadd.s32 v9, v58  }
0x2c7: {  	v57 =	vsel vm3, $0x1, v2;
	v22 =	vmpcnt.ones.xlane vm4;
	v61, _, _ =	vpop (xrf0);
	v20 =	vadd.s32 v9, v20  }
0x2c8: {  	v19 =	vsel vm4, $0x1, v2;
	(xrf0) =	vadd.scan.msk.s32 $0xffff, v57;
	v9 =	vadd.s32 v61, v9;
	v18 =	vadd.s32 v20, v60  }
0x2c9: {  	(xrf0) =	vadd.scan.msk.s32 $0xffff, v19;
	v19 =	vadd.s32 $0xFFFFFFFF, v59;
	v21 =	vadd.s32 $0xFFFFFFFF, v9;
	v9 =	vadd.s32 v18, v22  }
0x2ca: {  	v11 =	vld.idx.msk [tilespmem:v11+s10+$0x0], $0xffff;
	v22 =	vxor.u32 $0x80000000, v9  }
0x2cb: {  	(xrf0) =	vmax.scan.msk.u32 $0xffff, v22  }
0x2cc: {  	v10 =	vld.idx.msk [tilespmem:v10+s10+$0x0], $0xffff  }
0x2cd: {  	v13 =	vld.idx.msk [tilespmem:v55+s10+$0x0], $0xffff  }
0x2ce: {  	v14 =	vld.idx.msk [tilespmem:v14+s10+$0x0], $0xffff;
	v23, _, _ =	vpop (xrf0);
	[tilespmem:v19+s14+$0x0] =	vst.idx.msk vm1, v12  }
0x2cf: {  	v20 =	vadd.s32 v23, v20;
	[tilespmem:v19+s15+$0x0] =	vst.idx.msk vm1, v11  }
0x2d0: {  	v20 =	vadd.s32 $0xFFFFFFFF, v20;
	v62, _, _ =	vpop (xrf0);
	[tilespmem:v21+s14+$0x0] =	vst.idx.msk vm2, v15  }
0x2d1: {  	v63 =	vadd.s32 v62, v18;
	[tilespmem:v21+s15+$0x0] =	vst.idx.msk vm2, v10;
	v10, _, _ =	vpop (xrf0)  }
0x2d2: {  	v11 =	vadd.s32 $0xFFFFFFFF, v63;
	(v2sf) =	vpush v10, $0xF;
	_ =	sdelay $0x2  }
0x2d3: {  	[tilespmem:v20+s14+$0x0] =	vst.idx.msk vm3, v16  }
0x2d4: {  	[tilespmem:v20+s15+$0x0] =	vst.idx.msk vm3, v14  }
0x2d5: {  	[tilespmem:v11+s14+$0x0] =	vst.idx.msk vm4, v17  }
0x2d6: {  	[tilespmem:v11+s15+$0x0] =	vst.idx.msk vm4, v13  }
0x2d7: {  	v10 =	vld [tilespmem:$0x1A00];
	_ =	sdelay $0x4  }
0x2d8: {  	v11 =	vshll.u32 v10, $0x1  }
0x2d9: {  	v10 =	vand.u32 $0x7, v10;
	v11 =	vand.u32 $0xFFFFFFF0, v11  }
0x2da: {  	v10 =	vor.u32 v10, v11  }
0x2db: {  	v11 =	vperm.xlane v10, v6;
	s26 =	spop (v2sf)  }
0x2dc: {  	s31 =	sshra.s32 s26, $0x4  }
0x2dd: {  	v10 =	vperm.xlane v10, v8;
	v11 =	vadd.s32 v7, v11;
	s28 =	sxor.u32 $0xF8000000, s31  }
0x2de: {  	s0 =	sshra.s32 s28, $0x1  }
0x2df: {  	v10 =	vadd.s32 v7, v10;
	p0 =	slt.s32 s0, $0x1  }
.Ltmp13:
0x2e0: {  	_ = 	snop;
	(pc) =	sbr.rel @p0 .LBB2_17-.Ltmp13, $4  }
0x2e1: {  	s29 =	simm.s32 $0x0  }
0x2e2: {  	[tilespmem:s16], [sflag:$0x3] =	stream.indirect_vreg.gather [hbm4b:s4+s29], $0x80, v11, vm0, $0xb8;
	[tilespmem:$0x19300] =	vst v63  }
0x2e3: {  	s1 =	simm.s32 $0x1A20  }
0x2e4: {  	[tilespmem:s17], [sflag:$0x3] =	stream.indirect_vreg.gather [hbm4b:s4+s29], $0x80, v10, vm0, $0xb8;
	[tilespmem:$0x19300] =	vst v63  }
.LBB2_16:
0x2e5: {  	v10 =	vld [tilespmem:s1+$0xFFFFFFF0];
	_ =	sdelay $0x4  }
0x2e6: {  	v11 =	vshll.u32 v10, $0x1  }
0x2e7: {  	v10 =	vand.u32 $0x7, v10;
	v11 =	vand.u32 $0xFFFFFFF0, v11  }
0x2e8: {  	v10 =	vor.u32 v10, v11  }
0x2e9: {  	v11 =	vperm.xlane v10, v6;
	_ =	sdelay $0x1  }
0x2ea: {  	v10 =	vperm.xlane v10, v8;
	v11 =	vadd.s32 v7, v11;
	_ =	sdelay $0x1  }
0x2eb: {  	v10 =	vadd.s32 v7, v10;
	_ =	sdelay $0x2  }
0x2ec: {  	[tilespmem:s18], [sflag:$0x3] =	stream.indirect_vreg.gather [hbm4b:s4+s3], $0x80, v11, vm0, $0xb8;
	[tilespmem:$0x19300] =	vst v63  }
0x2ed: {  	v11 =	vor.u32 s29, v1  }
0x2ee: {  	[tilespmem:s19], [sflag:$0x3] =	stream.indirect_vreg.gather [hbm4b:s4+s3], $0x80, v10, vm0, $0xb8;
	[tilespmem:$0x19300] =	vst v63  }
0x2ef: {  	_ =	swait.ge [sflag:s20], $0x1000  }
0x2f0: {  	[sflag:s20] =	ssyncset.done $0x0  }
0x2f1: {  	[sflag:s20] =	ssyncadd.s32 $0xFFFFF000  }
0x2f2: {  	v10 =	vld.idx.msk [tilespmem:v11+s14+$0x0], $0xffff;
	_ =	sdelay $0x4  }
0x2f3: {  	(xrf1) =	vunique.msk.u32 $0xffff, v10;
	_ =	sdelay $0xd  }
0x2f4: {  	v12 =	vld.idx.msk [tilespmem:v10+s21+$0x0], $0xffff;
	_, v11, vm1 =	vpop (xrf1);
	_ =	sdelay $0x4  }
0x2f5: {  	v11 =	vadd.s32 v12, v11  }
0x2f6: {  	[tilespmem:v10+s21+$0x0] =	vst.idx.msk vm1, v11  }
0x2f7: {  	v10 =	vld [tilespmem:s1+$0x0];
	_ =	sdelay $0x4  }
0x2f8: {  	v11 =	vshll.u32 v10, $0x1  }
0x2f9: {  	v10 =	vand.u32 $0x7, v10;
	v11 =	vand.u32 $0xFFFFFFF0, v11  }
0x2fa: {  	v10 =	vor.u32 v10, v11  }
0x2fb: {  	v11 =	vperm.xlane v10, v6;
	_ =	sdelay $0x1  }
0x2fc: {  	v10 =	vperm.xlane v10, v8;
	v11 =	vadd.s32 v7, v11;
	_ =	sdelay $0x1  }
0x2fd: {  	v10 =	vadd.s32 v7, v10;
	_ =	sdelay $0x1  }
0x2fe: {  	s24 =	sadd.s32 $0x10, s29  }
0x2ff: {  	[tilespmem:s16], [sflag:$0x3] =	stream.indirect_vreg.gather [hbm4b:s4+s3], $0x80, v11, vm0, $0xb8;
	[tilespmem:$0x19300] =	vst v63  }
0x300: {  	v11 =	vor.u32 s24, v1  }
0x301: {  	[tilespmem:s17], [sflag:$0x3] =	stream.indirect_vreg.gather [hbm4b:s4+s3], $0x80, v10, vm0, $0xb8;
	[tilespmem:$0x19300] =	vst v63  }
0x302: {  	_ =	swait.ge [sflag:s20], $0x1000  }
0x303: {  	[sflag:s20] =	ssyncset.done $0x0  }
0x304: {  	[sflag:s20] =	ssyncadd.s32 $0xFFFFF000  }
0x305: {  	v10 =	vld.idx.msk [tilespmem:v11+s14+$0x0], $0xffff;
	_ =	sdelay $0x4  }
0x306: {  	(xrf1) =	vunique.msk.u32 $0xffff, v10;
	_ =	sdelay $0xd  }
0x307: {  	v63 =	vld.idx.msk [tilespmem:v10+s21+$0x0], $0xffff;
	_, v11, vm1 =	vpop (xrf1)  }
0x308: {  	p0 =	sne.s32 s0, $0x1  }
.Ltmp14:
0x309: {  	_ = 	snop;
	(pc) =	sbr.rel @p0 .LBB2_16-.Ltmp14, $3  }
0x30a: {  	_ =	sdelay $0x1  }
0x30b: {  	v11 =	vadd.s32 v63, v11  }
0x30c: {  	s0 =	sadd.s32 $0xFFFFFFFF, s0;
	s29 =	sadd.s32 $0x20, s29;
	s1 =	sadd.s32 $0x20, s1;
	[tilespmem:v10+s21+$0x0] =	vst.idx.msk vm1, v11  }
.LBB2_17:
0x30d: {  	s0 =	sand.u32 $0x10, s26  }
0x30e: {  	p0 =	seq.s32 s0, $0x0;
	s0 =	sshll.u32 s28, $0x4  }
0x30f: {  	s1 =	sand.u32 @!p0 $0xFFFFFFE0, s0;
	v10 =	vlaneseq.u32 @!p0  }
0x310: {  	v10 =	vor.u32 @!p0 s1, v10;
	_ =	sdelay $0x1  }
0x311: {  	_ =	swait.ge [sflag:s20], $0x1000  }
0x312: {  	[sflag:s20] =	ssyncset.done $0x0  }
0x313: {  	[sflag:s20] =	ssyncadd.s32 $0xFFFFF000;
	s1 =	simm.s32 @!p0 $0x1400  }
0x314: {  	v10 =	vld.idx.msk @!p0 [tilespmem:v10+s1+$0x0], $0xffff;
	_ =	sdelay $0x4  }
0x315: {  	(xrf1) =	vunique.msk.u32 @!p0 $0xffff, v10;
	_ =	sdelay $0xc  }
0x316: {  	s1 =	simm.s32 @!p0 $0x19000  }
0x317: {  	v12 =	vld.idx.msk @!p0 [tilespmem:v10+s1+$0x0], $0xffff;
	_, v11, vm1 =	vpop @!p0 (xrf1);
	_ =	sdelay $0x1  }
0x318: {  	v13 =	vor.u32 s0, v1;
	_ =	sdelay $0x2  }
0x319: {  	v9 =	vand.u32 $0xF, v9;
	v11 =	vadd.s32 @!p0 v12, v11  }
0x31a: {  	v62 =	vadd.s32 $0xF, v9;
	[tilespmem:v10+s1+$0x0] =	vst.idx.msk @!p0 vm1, v11  }
0x31b: {  	v10 =	vand.u32 $0x10, v62;
	v11 =	vld.idx.msk [tilespmem:v13+s14+$0x0], $0xffff  }
0x31c: {  	v12 =	vor.u32 $0x80000000, v10  }
0x31d: {  	(xrf0) =	vmax.scan.msk.u32 $0xffff, v12;
	_ =	sdelay $0x1  }
0x31e: {  	vm2 =	vgt.u32 v9, v1  }
0x31f: {  	v63 =	vadd.s32 v1, v9;
	v9 =	vsel vm2, v11, v3;
	_ =	sdelay $0x1  }
0x320: {  	v13 =	vld.idx.msk [tilespmem:v13+s15+$0x0], $0xffff  }
0x321: {  	vm1 =	vlt.u32 v63, v10;
	[tilespmem:v1+s14+$0x0] =	vst.idx.msk $0xffff, v9;
	v9, _, _ =	vpop (xrf0)  }
0x322: {  	(v2sf) =	vpush v9, $0xF;
	_ =	sdelay $0x2  }
0x323: {  	v10 =	vsel vm2, v13, v4  }
0x324: {  	[tilespmem:v1+s15+$0x0] =	vst.idx.msk $0xffff, v10  }
0x325: {  	[tilespmem:v63+s14+$0x0] =	vst.idx.msk vm1, v3  }
0x326: {  	[tilespmem:v63+s15+$0x0] =	vst.idx.msk vm1, v4  }
0x327: {  	v9 =	vld [tilespmem:$0x1A00];
	_ =	sdelay $0x4  }
0x328: {  	v10 =	vshll.u32 v9, $0x1  }
0x329: {  	v9 =	vand.u32 $0x7, v9;
	v10 =	vand.u32 $0xFFFFFFF0, v10  }
0x32a: {  	v9 =	vor.u32 v9, v10  }
0x32b: {  	v10 =	vperm.xlane v9, v6;
	s26 =	spop (v2sf)  }
0x32c: {  	s31 =	sshra.s32 s26, $0x4  }
0x32d: {  	v9 =	vperm.xlane v9, v8;
	v10 =	vadd.s32 v7, v10;
	s28 =	sxor.u32 $0xF8000000, s31  }
0x32e: {  	s0 =	sshra.s32 s28, $0x1  }
0x32f: {  	v9 =	vadd.s32 v7, v9;
	p0 =	slt.s32 s0, $0x1  }
.Ltmp15:
0x330: {  	_ = 	snop;
	(pc) =	sbr.rel @p0 .LBB2_19-.Ltmp15, $4  }
0x331: {  	s29 =	simm.s32 $0x0  }
0x332: {  	[tilespmem:s16], [sflag:$0x3] =	stream.indirect_vreg.gather [hbm4b:s4+s29], $0x80, v10, vm0, $0xb8;
	[tilespmem:$0x19300] =	vst v63  }
0x333: {  	s1 =	simm.s32 $0x1A20  }
0x334: {  	[tilespmem:s17], [sflag:$0x3] =	stream.indirect_vreg.gather [hbm4b:s4+s29], $0x80, v9, vm0, $0xb8;
	[tilespmem:$0x19300] =	vst v63  }
.LBB2_18:
0x335: {  	v9 =	vld [tilespmem:s1+$0xFFFFFFF0];
	_ =	sdelay $0x4  }
0x336: {  	v10 =	vshll.u32 v9, $0x1  }
0x337: {  	v9 =	vand.u32 $0x7, v9;
	v10 =	vand.u32 $0xFFFFFFF0, v10  }
0x338: {  	v9 =	vor.u32 v9, v10  }
0x339: {  	v10 =	vperm.xlane v9, v6;
	_ =	sdelay $0x1  }
0x33a: {  	v9 =	vperm.xlane v9, v8;
	v10 =	vadd.s32 v7, v10;
	_ =	sdelay $0x1  }
0x33b: {  	v9 =	vadd.s32 v7, v9;
	_ =	sdelay $0x2  }
0x33c: {  	[tilespmem:s18], [sflag:$0x3] =	stream.indirect_vreg.gather [hbm4b:s4+s3], $0x80, v10, vm0, $0xb8;
	[tilespmem:$0x19300] =	vst v63  }
0x33d: {  	v10 =	vor.u32 s29, v1  }
0x33e: {  	[tilespmem:s19], [sflag:$0x3] =	stream.indirect_vreg.gather [hbm4b:s4+s3], $0x80, v9, vm0, $0xb8;
	[tilespmem:$0x19300] =	vst v63  }
0x33f: {  	_ =	swait.ge [sflag:s20], $0x1000  }
0x340: {  	[sflag:s20] =	ssyncset.done $0x0  }
0x341: {  	[sflag:s20] =	ssyncadd.s32 $0xFFFFF000  }
0x342: {  	v9 =	vld.idx.msk [tilespmem:v10+s14+$0x0], $0xffff;
	_ =	sdelay $0x4  }
0x343: {  	(xrf1) =	vunique.msk.u32 $0xffff, v9;
	_ =	sdelay $0xd  }
0x344: {  	v11 =	vld.idx.msk [tilespmem:v9+s21+$0x0], $0xffff;
	_, v10, vm1 =	vpop (xrf1);
	_ =	sdelay $0x4  }
0x345: {  	v10 =	vadd.s32 v11, v10  }
0x346: {  	[tilespmem:v9+s21+$0x0] =	vst.idx.msk vm1, v10  }
0x347: {  	v9 =	vld [tilespmem:s1+$0x0];
	_ =	sdelay $0x4  }
0x348: {  	v10 =	vshll.u32 v9, $0x1  }
0x349: {  	v9 =	vand.u32 $0x7, v9;
	v10 =	vand.u32 $0xFFFFFFF0, v10  }
0x34a: {  	v9 =	vor.u32 v9, v10  }
0x34b: {  	v10 =	vperm.xlane v9, v6;
	_ =	sdelay $0x1  }
0x34c: {  	v9 =	vperm.xlane v9, v8;
	v10 =	vadd.s32 v7, v10;
	_ =	sdelay $0x1  }
0x34d: {  	v9 =	vadd.s32 v7, v9;
	_ =	sdelay $0x1  }
0x34e: {  	s24 =	sadd.s32 $0x10, s29  }
0x34f: {  	[tilespmem:s16], [sflag:$0x3] =	stream.indirect_vreg.gather [hbm4b:s4+s3], $0x80, v10, vm0, $0xb8;
	[tilespmem:$0x19300] =	vst v63  }
0x350: {  	v10 =	vor.u32 s24, v1  }
0x351: {  	[tilespmem:s17], [sflag:$0x3] =	stream.indirect_vreg.gather [hbm4b:s4+s3], $0x80, v9, vm0, $0xb8;
	[tilespmem:$0x19300] =	vst v63  }
0x352: {  	_ =	swait.ge [sflag:s20], $0x1000  }
0x353: {  	[sflag:s20] =	ssyncset.done $0x0  }
0x354: {  	[sflag:s20] =	ssyncadd.s32 $0xFFFFF000  }
0x355: {  	v9 =	vld.idx.msk [tilespmem:v10+s14+$0x0], $0xffff;
	_ =	sdelay $0x4  }
0x356: {  	(xrf1) =	vunique.msk.u32 $0xffff, v9;
	_ =	sdelay $0xd  }
0x357: {  	v11 =	vld.idx.msk [tilespmem:v9+s21+$0x0], $0xffff;
	_, v10, vm1 =	vpop (xrf1)  }
0x358: {  	p0 =	sne.s32 s0, $0x1  }
.Ltmp16:
0x359: {  	_ = 	snop;
	(pc) =	sbr.rel @p0 .LBB2_18-.Ltmp16, $3  }
0x35a: {  	_ =	sdelay $0x1  }
0x35b: {  	v10 =	vadd.s32 v11, v10  }
0x35c: {  	s0 =	sadd.s32 $0xFFFFFFFF, s0;
	s29 =	sadd.s32 $0x20, s29;
	s1 =	sadd.s32 $0x20, s1;
	[tilespmem:v9+s21+$0x0] =	vst.idx.msk vm1, v10  }
.Ltmp17:
0x35d: {  	_ = 	snop;
	(pc) =	sbr.rel .LBB2_19-.Ltmp17, $1  }
0x35e: {  	_ =	sdelay $0x3  }
.LBB2_20:
0x35f: {  	_ =	sfence.sel $0x180000  }
0x360: {  	[bflag:$0x0] =	sbarrier.arrive $0xFFFF  }
0x361: {  	_ =	strace $0x90000047  }
0x362: {  	s0 =	stileid.u32;
	[bflag:$0x2] =	sbarrier.arrive $0xFFFF  }
0x363: {  	p0 =	sne.s32 s0, $0x0;
	s0 =	rddreg [dreg:$0x2]  }
0x364: {  	s0 =	sadd.s32 @!p0 $0x100000, s0  }
0x365: {  	[sflag:s0] =	ssyncadd.tile.s32 @!p0 $0x1;
	_ =	shalt  }
.Lfunc_end2:
_tile_overlayer_lowered:
.L_overlay_start_2:
0x366: {  	(tag) =	ssettag $0x2  }
0x367: {  	s0 =	rddreg [dreg:$0x0];
	s2 =	stileid.u32  }
0x368: {  	s1 =	rddreg [dreg:$0x1];
	p0 =	sne.s32 s2, $0x0  }
0x369: {  	s3 =	rddreg [dreg:$0x2];
	[bflag:$0x3] =	sbarrier.arrive $0xFFFF;
	s2 =	simm.s32 @!p0 $0x1C04  }
0x36a: {  	[timem:s3], [sflag:s2] =	dma.local @!p0 [hbm:s0], s1  }
0x36b: {  	s0 =	simm.s32 @!p0 $0x4  }
0x36c: {  	_ =	swait.ge @!p0 [sflag:s0], s1  }
0x36d: {  	s1 =	ssub.s32 @!p0 $0x0, s1;
	[sflag:s0] =	ssyncset.done @!p0 $0x0  }
0x36e: {  	[sflag:s0] =	ssyncadd.s32 @!p0 s1  }
0x36f: {  	[bflag:$0x3] =	sbarrier.arrive $0xFFFF  }
0x370: {  	_ =	shalt  }

</sc_bundles>
